<compile_context>
chip_gen: v7x
topology: tpu7x:2x2x1
jax: 0.10.2.dev20260603
libtpu: 0.0.44.dev20260713+nightly
codegen_flags: <defaults>
</compile_context>

<pallas_src>
import functools

import jax
import jax.numpy as jnp
from jax import lax
from jax.experimental import pallas as pl
from jax.experimental.pallas import tpu as pltpu
from jax.experimental.pallas import tpu_sc as plsc

N = 10000
E = 320000
D = 128

NC = 2
NS = 16
NW = NC * NS
L = 16

N_PAD = 10240
SLAB = N_PAD // NS
K = 128
CPW = 80
EW = CPW * K
E_PAD = EW * NW
DUMMY = N

_MESH = plsc.VectorSubcoreMesh(core_axis_name="c", subcore_axis_name="s")


def _deg_body(dst_hbm, out_hbm, dacc, idx_d, ones_v, zrow, semd):
    cid = lax.axis_index("c")
    sid = lax.axis_index("s")
    wid = sid * NC + cid

    def _zfill(i, carry):
        zrow[pl.ds(i * L, L)] = jnp.zeros((L,), jnp.float32)
        return carry

    lax.fori_loop(0, SLAB // L, _zfill, 0)
    for j in range(K // L):
        ones_v[pl.ds(j * L, L)] = jnp.ones((L,), jnp.float32)

    pltpu.sync_copy(zrow, dacc.at[pl.ds(sid * SLAB, SLAB)])
    pltpu.sync_copy(dst_hbm.at[wid], idx_d)
    plsc.subcore_barrier()

    def _group(g, carry):
        for j in range(8):
            pltpu.async_copy(ones_v, dacc.at[idx_d.at[g * 8 + j]], semd,
                             add=True)
        for j in range(8):
            pltpu.make_async_copy(ones_v, dacc.at[idx_d.at[g * 8 + j]],
                                  semd).wait()
        return carry

    lax.fori_loop(0, CPW // 8, _group, 0)
    plsc.subcore_barrier()
    pltpu.sync_copy(dacc.at[pl.ds(sid * SLAB, SLAB)],
                    out_hbm.at[cid, pl.ds(sid * SLAB, SLAB)])


_deg = pl.kernel(
    _deg_body,
    out_type=jax.ShapeDtypeStruct((NC, N_PAD), jnp.float32),
    mesh=_MESH,
    scratch_types=[
        pltpu.VMEM_SHARED((N_PAD,), jnp.float32),
        pltpu.VMEM((CPW, K), jnp.int32),
        pltpu.VMEM((K,), jnp.float32),
        pltpu.VMEM((SLAB,), jnp.float32),
        pltpu.SemaphoreType.DMA,
    ],
)


SB = 8
NSB = CPW // SB


def _agg_body(g_hbm, src_hbm, dst_hbm, out_hbm,
              acc, idx_s, idx_d, rows, zbuf, sem0, sem1, semi0, semi1, semz):
    cid = lax.axis_index("c")
    sid = lax.axis_index("s")
    wid = sid * NC + cid

    sems = (sem0, sem1)
    semi = (semi0, semi1)

    def _start_idx(sb, b):
        pltpu.async_copy(src_hbm.at[wid, pl.ds(sb * SB, SB)], idx_s.at[b],
                         semi[b])
        pltpu.async_copy(dst_hbm.at[wid, pl.ds(sb * SB, SB)], idx_d.at[b],
                         semi[b])

    def _wait_idx(sb, b):
        pltpu.make_async_copy(src_hbm.at[wid, pl.ds(sb * SB, SB)],
                              idx_s.at[b], semi[b]).wait()
        pltpu.make_async_copy(dst_hbm.at[wid, pl.ds(sb * SB, SB)],
                              idx_d.at[b], semi[b]).wait()

    _start_idx(0, 0)

    def _zfill(i, carry):
        for j in range(D // L):
            zbuf[i, pl.ds(j * L, L)] = jnp.zeros((L,), jnp.float32)
        return carry

    lax.fori_loop(0, 64, _zfill, 0)

    def _zslab(c, carry):
        pltpu.async_copy(zbuf, acc.at[pl.ds(sid * SLAB + c * 64, 64)], semz)
        return carry

    lax.fori_loop(0, SLAB // 64, _zslab, 0)

    _wait_idx(0, 0)
    pltpu.async_copy(g_hbm.at[idx_s.at[0, 0]], rows.at[0], sem0)

    def _zdrain(c, carry):
        pltpu.make_async_copy(zbuf, acc.at[pl.ds(sid * SLAB + c * 64, 64)],
                              semz).wait()
        return carry

    lax.fori_loop(0, SLAB // 64, _zdrain, 0)
    plsc.subcore_barrier()

    def _pair(pair, carry):
        for p in range(2):
            sb = pair * 2 + p

            @pl.when(sb + 1 < NSB)
            def _prefetch():
                _start_idx(sb + 1, 1 - p)

            def _chunks(i, carry2):
                for b in range(2):
                    c = i * 2 + b
                    pltpu.async_copy(g_hbm.at[idx_s.at[p, c + 1]],
                                     rows.at[1 - b], sems[1 - b])
                    pltpu.make_async_copy(g_hbm.at[idx_s.at[p, c]],
                                          rows.at[b], sems[b]).wait()
                    pltpu.sync_copy(rows.at[b], acc.at[idx_d.at[p, c]],
                                    add=True)
                return carry2

            lax.fori_loop(0, SB // 2 - 1, _chunks, 0)

            pltpu.async_copy(g_hbm.at[idx_s.at[p, SB - 1]], rows.at[1],
                             sems[1])
            pltpu.make_async_copy(g_hbm.at[idx_s.at[p, SB - 2]], rows.at[0],
                                  sems[0]).wait()
            pltpu.sync_copy(rows.at[0], acc.at[idx_d.at[p, SB - 2]], add=True)

            @pl.when(sb + 1 < NSB)
            def _prime_next():
                _wait_idx(sb + 1, 1 - p)
                pltpu.async_copy(g_hbm.at[idx_s.at[1 - p, 0]], rows.at[0],
                                 sems[0])

            pltpu.make_async_copy(g_hbm.at[idx_s.at[p, SB - 1]], rows.at[1],
                                  sems[1]).wait()
            pltpu.sync_copy(rows.at[1], acc.at[idx_d.at[p, SB - 1]], add=True)
        return carry

    lax.fori_loop(0, NSB // 2, _pair, 0)
    plsc.subcore_barrier()
    pltpu.sync_copy(acc.at[pl.ds(sid * SLAB, SLAB)],
                    out_hbm.at[cid, pl.ds(sid * SLAB, SLAB)])


_agg = pl.kernel(
    _agg_body,
    out_type=jax.ShapeDtypeStruct((NC, N_PAD, D), jnp.float32),
    mesh=_MESH,
    scratch_types=[
        pltpu.VMEM_SHARED((N_PAD, D), jnp.float32),
        pltpu.VMEM((2, SB, K), jnp.int32),
        pltpu.VMEM((2, SB, K), jnp.int32),
        pltpu.VMEM((2, K, D), jnp.float32),
        pltpu.VMEM((64, D), jnp.float32),
        pltpu.SemaphoreType.DMA,
        pltpu.SemaphoreType.DMA,
        pltpu.SemaphoreType.DMA,
        pltpu.SemaphoreType.DMA,
        pltpu.SemaphoreType.DMA,
    ],
)


def _dis_col(deg_ref):
    dis80 = lax.rsqrt(deg_ref[0] + deg_ref[1] + 1.0)
    eye = (lax.broadcasted_iota(jnp.int32, (D, D), 0) ==
           lax.broadcasted_iota(jnp.int32, (D, D), 1)).astype(jnp.float32)
    dis3 = jnp.sum(dis80[:, None, :] * eye[None], axis=-1, keepdims=True)
    return jnp.reshape(dis3, (N_PAD, 1))


def _lin1_body(x_ref, w_ref, deg_ref, g_ref):
    dis = _dis_col(deg_ref)
    h = jnp.dot(x_ref[...], w_ref[...], preferred_element_type=jnp.float32)
    g_ref[pl.ds(0, N), :] = h * dis[:N]
    g_ref[pl.ds(N, N_PAD - N), :] = jnp.zeros((N_PAD - N, D), jnp.float32)


_lin1 = pl.pallas_call(
    _lin1_body,
    out_shape=jax.ShapeDtypeStruct((N_PAD, D), jnp.float32),
)


def _lin2_body(a_ref, g_ref, deg_ref, b_ref, w_ref, g2_ref):
    dis = _dis_col(deg_ref)
    s = a_ref[0] + a_ref[1] + g_ref[...]
    z = jnp.maximum(s * dis + b_ref[...], 0.0)
    g2_ref[...] = jnp.dot(z, w_ref[...],
                          preferred_element_type=jnp.float32) * dis


_lin2 = pl.pallas_call(
    _lin2_body,
    out_shape=jax.ShapeDtypeStruct((N_PAD, D), jnp.float32),
)


def _out_body(a_ref, g_ref, deg_ref, b_ref, o_ref):
    dis = _dis_col(deg_ref)
    s = (a_ref[0, pl.ds(0, N), :] + a_ref[1, pl.ds(0, N), :]
         + g_ref[pl.ds(0, N), :])
    o_ref[...] = s * dis[:N] + b_ref[...]


_out = pl.pallas_call(
    _out_body,
    out_shape=jax.ShapeDtypeStruct((N, D), jnp.float32),
)


def kernel(x, edge_index, W1, b1, W2, b2):
    pad = DUMMY + (jnp.arange(E_PAD - E, dtype=jnp.int32) % (N_PAD - N - 1))
    dst3 = jnp.concatenate([edge_index[1], pad]).reshape(NW, CPW, K)
    src3 = jnp.concatenate([edge_index[0], pad]).reshape(NW, CPW, K)

    degc = _deg(dst3).reshape(NC, N_PAD // D, D)
    g1 = _lin1(x, W1, degc)
    A1 = _agg(g1, src3, dst3)
    g2 = _lin2(A1, g1, degc, b1.reshape(1, D), W2)
    A2 = _agg(g2, src3, dst3)
    return _out(A2, g2, degc, b2.reshape(1, D))

# --- scband reference (transcript-rebuilt; emitter-appended) ---
"""Pipeline reference for scband-gcnencoder-22823456211322 (READ-ONLY COPY).

The authoritative reference and input builder live on the scoring server;
editing this copy changes nothing except your own understanding.
"""

import jax, jax.numpy as jnp
import numpy as np

N = 10000
E = 320000
D_IN = 128
D_HID = 128
D_OUT = 128


def setup_inputs(seed: int = 0) -> dict:
    key = jax.random.key(seed)
    k1, k2, k3, k4, k5, k6 = jax.random.split(key, 6)
    x = jax.random.normal(k1, (N, D_IN), dtype=jnp.float32)
    edge_index = jax.random.randint(k2, (2, E), 0, N, dtype=jnp.int32)
    W1 = jax.random.normal(k3, (D_IN, D_HID), dtype=jnp.float32) * (1.0 / np.sqrt(D_IN))
    b1 = jnp.zeros((D_HID,), dtype=jnp.float32)
    W2 = jax.random.normal(k4, (D_HID, D_OUT), dtype=jnp.float32) * (1.0 / np.sqrt(D_HID))
    b2 = jnp.zeros((D_OUT,), dtype=jnp.float32)
    return {"x": x, "edge_index": edge_index, "W1": W1, "b1": b1, "W2": W2, "b2": b2}


def _gcn_conv(x, edge_index, W, b):
    # GCNConv: x' = D^{-1/2} (A + I) D^{-1/2} (x W) + b, with self-loops added.
    self_loops = jnp.arange(N, dtype=edge_index.dtype)
    src = jnp.concatenate([edge_index[0], self_loops])
    dst = jnp.concatenate([edge_index[1], self_loops])
    deg = jax.ops.segment_sum(jnp.ones_like(dst, dtype=x.dtype), dst, num_segments=N)
    deg_inv_sqrt = jnp.where(deg > 0, jax.lax.rsqrt(jnp.maximum(deg, 1e-12)), 0.0)
    norm = deg_inv_sqrt[src] * deg_inv_sqrt[dst]
    h = x @ W
    msg = h[src] * norm[:, None]
    out = jax.ops.segment_sum(msg, dst, num_segments=N)
    return out + b


def reference(x, edge_index, W1, b1, W2, b2):
    h = jax.nn.relu(_gcn_conv(x, edge_index, W1, b1))
    return _gcn_conv(h, edge_index, W2, b2)

if __name__ == "__main__":
    import jax
    _d = setup_inputs()
    print(jax.jit(kernel)(*tuple(_d.values())))

</pallas_src>

<mosaic_0001>
#map = affine_map<(d0, d1) -> (0, 0, 0)>
#map1 = affine_map<(d0, d1) -> (0, 0)>
module attributes {stable_mosaic.version = 14 : i64} {
  func.func @_deg_body(%arg0: i32, %arg1: i32, %arg2: memref<32x80x128xi32, #tpu.memory_space<hbm>>, %arg3: memref<2x10240xf32, #tpu.memory_space<hbm>>, %arg4: memref<10240xf32, #tpu.memory_space<vmem_shared>>, %arg5: memref<80x128xi32, #tpu.memory_space<vmem>>, %arg6: memref<128xf32, #tpu.memory_space<vmem>>, %arg7: memref<640xf32, #tpu.memory_space<vmem>>, %arg8: memref<!tpu.dma_semaphore, #tpu.memory_space<semaphore_mem>>) attributes {dimension_semantics = [#tpu.dimension_semantics<core_parallel>, #tpu.dimension_semantics<subcore_parallel>], iteration_bounds = array<i64: 2, 16>, scalar_prefetch = 0 : i64, scratch_operands = 5 : i64, tpu.core_type = #tpu.core_type<sc_vector_subcore>, window_params = [{transform_indices = #map}, {transform_indices = #map1}]} {
    %mul3A = arith.constant 2 : i32
    %mul3A_0 = arith.muli %arg1, %mul3A : i32
    %add3A = arith.addi %mul3A_0, %arg0 : i32
    %scan3A = arith.constant 0 : i32
    %scan3A_1 = arith.constant 0 : i32
    %scan3A_2 = arith.constant 40 : i32
    %scan3A_3 = arith.addi %scan3A_1, %scan3A_2 : i32
    %scan3A_4 = arith.constant 1 : i32
    scf.for %scan3A_65 = %scan3A_1 to %scan3A_3 step %scan3A_4  : i32 {
      %broadcast_in_dim3A_66 = arith.constant 0.000000e+00 : f32
      %broadcast_in_dim3A_67 = vector.broadcast %broadcast_in_dim3A_66 : f32 to vector<16xf32>
      %mul3A_68 = arith.constant 16 : i32
      %mul3A_69 = arith.muli %scan3A_65, %mul3A_68 : i32
      %swap3A_70 = arith.index_cast %mul3A_69 : i32 to index
      %swap3A_71 = tpu.vector_load %arg7[%swap3A_70] {strides = array<i32>} : memref<640xf32, #tpu.memory_space<vmem>>, vector<16xf32>,
      %swap3A_72 = vector.shape_cast %swap3A_71 : vector<16xf32> to vector<16xf32>
      %swap3A_73 = vector.shape_cast %broadcast_in_dim3A_67 : vector<16xf32> to vector<16xf32>
      tpu.vector_store %arg7[%swap3A_70], %swap3A_73 {strides = array<i32>} : memref<640xf32, #tpu.memory_space<vmem>>, vector<16xf32>,
    }
    %scan3A_5 = arith.constant 40 : i32
    %broadcast_in_dim3A = arith.constant 1.000000e+00 : f32
    %broadcast_in_dim3A_6 = vector.broadcast %broadcast_in_dim3A : f32 to vector<16xf32>
    %swap3A = arith.constant 0 : index
    %swap3A_7 = tpu.vector_load %arg6[%swap3A] {strides = array<i32>} : memref<128xf32, #tpu.memory_space<vmem>>, vector<16xf32>,
    %swap3A_8 = vector.shape_cast %swap3A_7 : vector<16xf32> to vector<16xf32>
    %swap3A_9 = vector.shape_cast %broadcast_in_dim3A_6 : vector<16xf32> to vector<16xf32>
    tpu.vector_store %arg6[%swap3A], %swap3A_9 {strides = array<i32>} : memref<128xf32, #tpu.memory_space<vmem>>, vector<16xf32>,
    %broadcast_in_dim3A_10 = arith.constant 1.000000e+00 : f32
    %broadcast_in_dim3A_11 = vector.broadcast %broadcast_in_dim3A_10 : f32 to vector<16xf32>
    %swap3A_12 = arith.constant 16 : index
    %swap3A_13 = tpu.vector_load %arg6[%swap3A_12] {strides = array<i32>} : memref<128xf32, #tpu.memory_space<vmem>>, vector<16xf32>,
    %swap3A_14 = vector.shape_cast %swap3A_13 : vector<16xf32> to vector<16xf32>
    %swap3A_15 = vector.shape_cast %broadcast_in_dim3A_11 : vector<16xf32> to vector<16xf32>
    tpu.vector_store %arg6[%swap3A_12], %swap3A_15 {strides = array<i32>} : memref<128xf32, #tpu.memory_space<vmem>>, vector<16xf32>,
    %broadcast_in_dim3A_16 = arith.constant 1.000000e+00 : f32
    %broadcast_in_dim3A_17 = vector.broadcast %broadcast_in_dim3A_16 : f32 to vector<16xf32>
    %swap3A_18 = arith.constant 32 : index
    %swap3A_19 = tpu.vector_load %arg6[%swap3A_18] {strides = array<i32>} : memref<128xf32, #tpu.memory_space<vmem>>, vector<16xf32>,
    %swap3A_20 = vector.shape_cast %swap3A_19 : vector<16xf32> to vector<16xf32>
    %swap3A_21 = vector.shape_cast %broadcast_in_dim3A_17 : vector<16xf32> to vector<16xf32>
    tpu.vector_store %arg6[%swap3A_18], %swap3A_21 {strides = array<i32>} : memref<128xf32, #tpu.memory_space<vmem>>, vector<16xf32>,
    %broadcast_in_dim3A_22 = arith.constant 1.000000e+00 : f32
    %broadcast_in_dim3A_23 = vector.broadcast %broadcast_in_dim3A_22 : f32 to vector<16xf32>
    %swap3A_24 = arith.constant 48 : index
    %swap3A_25 = tpu.vector_load %arg6[%swap3A_24] {strides = array<i32>} : memref<128xf32, #tpu.memory_space<vmem>>, vector<16xf32>,
    %swap3A_26 = vector.shape_cast %swap3A_25 : vector<16xf32> to vector<16xf32>
    %swap3A_27 = vector.shape_cast %broadcast_in_dim3A_23 : vector<16xf32> to vector<16xf32>
    tpu.vector_store %arg6[%swap3A_24], %swap3A_27 {strides = array<i32>} : memref<128xf32, #tpu.memory_space<vmem>>, vector<16xf32>,
    %broadcast_in_dim3A_28 = arith.constant 1.000000e+00 : f32
    %broadcast_in_dim3A_29 = vector.broadcast %broadcast_in_dim3A_28 : f32 to vector<16xf32>
    %swap3A_30 = arith.constant 64 : index
    %swap3A_31 = tpu.vector_load %arg6[%swap3A_30] {strides = array<i32>} : memref<128xf32, #tpu.memory_space<vmem>>, vector<16xf32>,
    %swap3A_32 = vector.shape_cast %swap3A_31 : vector<16xf32> to vector<16xf32>
    %swap3A_33 = vector.shape_cast %broadcast_in_dim3A_29 : vector<16xf32> to vector<16xf32>
    tpu.vector_store %arg6[%swap3A_30], %swap3A_33 {strides = array<i32>} : memref<128xf32, #tpu.memory_space<vmem>>, vector<16xf32>,
    %broadcast_in_dim3A_34 = arith.constant 1.000000e+00 : f32
    %broadcast_in_dim3A_35 = vector.broadcast %broadcast_in_dim3A_34 : f32 to vector<16xf32>
    %swap3A_36 = arith.constant 80 : index
    %swap3A_37 = tpu.vector_load %arg6[%swap3A_36] {strides = array<i32>} : memref<128xf32, #tpu.memory_space<vmem>>, vector<16xf32>,
    %swap3A_38 = vector.shape_cast %swap3A_37 : vector<16xf32> to vector<16xf32>
    %swap3A_39 = vector.shape_cast %broadcast_in_dim3A_35 : vector<16xf32> to vector<16xf32>
    tpu.vector_store %arg6[%swap3A_36], %swap3A_39 {strides = array<i32>} : memref<128xf32, #tpu.memory_space<vmem>>, vector<16xf32>,
    %broadcast_in_dim3A_40 = arith.constant 1.000000e+00 : f32
    %broadcast_in_dim3A_41 = vector.broadcast %broadcast_in_dim3A_40 : f32 to vector<16xf32>
    %swap3A_42 = arith.constant 96 : index
    %swap3A_43 = tpu.vector_load %arg6[%swap3A_42] {strides = array<i32>} : memref<128xf32, #tpu.memory_space<vmem>>, vector<16xf32>,
    %swap3A_44 = vector.shape_cast %swap3A_43 : vector<16xf32> to vector<16xf32>
    %swap3A_45 = vector.shape_cast %broadcast_in_dim3A_41 : vector<16xf32> to vector<16xf32>
    tpu.vector_store %arg6[%swap3A_42], %swap3A_45 {strides = array<i32>} : memref<128xf32, #tpu.memory_space<vmem>>, vector<16xf32>,
    %broadcast_in_dim3A_46 = arith.constant 1.000000e+00 : f32
    %broadcast_in_dim3A_47 = vector.broadcast %broadcast_in_dim3A_46 : f32 to vector<16xf32>
    %swap3A_48 = arith.constant 112 : index
    %swap3A_49 = tpu.vector_load %arg6[%swap3A_48] {strides = array<i32>} : memref<128xf32, #tpu.memory_space<vmem>>, vector<16xf32>,
    %swap3A_50 = vector.shape_cast %swap3A_49 : vector<16xf32> to vector<16xf32>
    %swap3A_51 = vector.shape_cast %broadcast_in_dim3A_47 : vector<16xf32> to vector<16xf32>
    tpu.vector_store %arg6[%swap3A_48], %swap3A_51 {strides = array<i32>} : memref<128xf32, #tpu.memory_space<vmem>>, vector<16xf32>,
    %mul3A_52 = arith.constant 640 : i32
    %mul3A_53 = arith.muli %arg1, %mul3A_52 : i32
    "tpu.region"() ({
      %run_scoped3A = tpu.sem_alloc : memref<!tpu.dma_semaphore, #tpu.memory_space<semaphore_mem>>
      %dma_start3A = tpu.memref_slice %arg4[%mul3A_53] : memref<10240xf32, #tpu.memory_space<vmem_shared>> -> memref<640xf32, #tpu.memory_space<vmem_shared>>
      %dma_start3A_65 = tpu.memref_slice %arg4[%mul3A_53] : memref<10240xf32, #tpu.memory_space<vmem_shared>> -> memref<640xf32, #tpu.memory_space<vmem_shared>>
      tpu.enqueue_dma source(%arg7 : memref<640xf32, #tpu.memory_space<vmem>>) target(%dma_start3A_65 : memref<640xf32, #tpu.memory_space<vmem_shared>>) target_semaphore(%run_scoped3A : memref<!tpu.dma_semaphore, #tpu.memory_space<semaphore_mem>>)
      %dma_wait3A = tpu.memref_slice %arg4[%mul3A_53] : memref<10240xf32, #tpu.memory_space<vmem_shared>> -> memref<640xf32, #tpu.memory_space<vmem_shared>>
      %dma_wait3A_66 = tpu.memref_slice %arg4[%mul3A_53] : memref<10240xf32, #tpu.memory_space<vmem_shared>> -> memref<640xf32, #tpu.memory_space<vmem_shared>>
      tpu.wait_dma2 semaphore(%run_scoped3A : memref<!tpu.dma_semaphore, #tpu.memory_space<semaphore_mem>>) src(%arg7 : memref<640xf32, #tpu.memory_space<vmem>>) dst(%dma_wait3A_66 : memref<640xf32, #tpu.memory_space<vmem_shared>>)
      tpu.yield
    }) : () -> ()
    "tpu.region"() ({
      %run_scoped3A = tpu.sem_alloc : memref<!tpu.dma_semaphore, #tpu.memory_space<semaphore_mem>>
      %dma_start3A = arith.constant 0 : i32
      %dma_start3A_65 = arith.constant 0 : i32
      %dma_start3A_66 = tpu.memref_slice %arg2[%add3A, %dma_start3A, %dma_start3A_65] : memref<32x80x128xi32, #tpu.memory_space<hbm>> -> memref<1x80x128xi32, #tpu.memory_space<hbm>>
      %dma_start3A_67 = tpu.memref_squeeze %dma_start3A_66 : memref<1x80x128xi32, #tpu.memory_space<hbm>> -> memref<80x128xi32, #tpu.memory_space<hbm>>
      %dma_start3A_68 = arith.constant 0 : i32
      %dma_start3A_69 = arith.constant 0 : i32
      %dma_start3A_70 = tpu.memref_slice %arg2[%add3A, %dma_start3A_68, %dma_start3A_69] : memref<32x80x128xi32, #tpu.memory_space<hbm>> -> memref<1x80x128xi32, #tpu.memory_space<hbm>>
      %dma_start3A_71 = tpu.memref_squeeze %dma_start3A_70 : memref<1x80x128xi32, #tpu.memory_space<hbm>> -> memref<80x128xi32, #tpu.memory_space<hbm>>
      tpu.enqueue_dma source(%dma_start3A_71 : memref<80x128xi32, #tpu.memory_space<hbm>>) target(%arg5 : memref<80x128xi32, #tpu.memory_space<vmem>>) target_semaphore(%run_scoped3A : memref<!tpu.dma_semaphore, #tpu.memory_space<semaphore_mem>>)
      %dma_wait3A = arith.constant 0 : i32
      %dma_wait3A_72 = arith.constant 0 : i32
      %dma_wait3A_73 = tpu.memref_slice %arg2[%add3A, %dma_wait3A, %dma_wait3A_72] : memref<32x80x128xi32, #tpu.memory_space<hbm>> -> memref<1x80x128xi32, #tpu.memory_space<hbm>>
      %dma_wait3A_74 = tpu.memref_squeeze %dma_wait3A_73 : memref<1x80x128xi32, #tpu.memory_space<hbm>> -> memref<80x128xi32, #tpu.memory_space<hbm>>
      %dma_wait3A_75 = arith.constant 0 : i32
      %dma_wait3A_76 = arith.constant 0 : i32
      %dma_wait3A_77 = tpu.memref_slice %arg2[%add3A, %dma_wait3A_75, %dma_wait3A_76] : memref<32x80x128xi32, #tpu.memory_space<hbm>> -> memref<1x80x128xi32, #tpu.memory_space<hbm>>
      %dma_wait3A_78 = tpu.memref_squeeze %dma_wait3A_77 : memref<1x80x128xi32, #tpu.memory_space<hbm>> -> memref<80x128xi32, #tpu.memory_space<hbm>>
      tpu.wait_dma2 semaphore(%run_scoped3A : memref<!tpu.dma_semaphore, #tpu.memory_space<semaphore_mem>>) src(%dma_wait3A_78 : memref<80x128xi32, #tpu.memory_space<hbm>>) dst(%arg5 : memref<80x128xi32, #tpu.memory_space<vmem>>)
      tpu.yield
    }) : () -> ()
    %barrier3A = arith.constant 0 : index
    tpu.barrier barrier_id(%barrier3A)
    %scan3A_54 = arith.constant 0 : i32
    %scan3A_55 = arith.constant 0 : i32
    %scan3A_56 = arith.constant 10 : i32
    %scan3A_57 = arith.addi %scan3A_55, %scan3A_56 : i32
    %scan3A_58 = arith.constant 1 : i32
    scf.for %scan3A_65 = %scan3A_55 to %scan3A_57 step %scan3A_58  : i32 {
      %mul3A_66 = arith.constant 8 : i32
      %mul3A_67 = arith.muli %scan3A_65, %mul3A_66 : i32
      %add3A_68 = arith.constant 0 : i32
      %add3A_69 = arith.addi %mul3A_67, %add3A_68 : i32
      %dma_start3A = arith.constant 0 : i32
      %dma_start3A_70 = tpu.memref_slice %arg5[%add3A_69, %dma_start3A] : memref<80x128xi32, #tpu.memory_space<vmem>> -> memref<1x128xi32, #tpu.memory_space<vmem>>
      %dma_start3A_71 = tpu.memref_squeeze %dma_start3A_70 : memref<1x128xi32, #tpu.memory_space<vmem>> -> memref<128xi32, #tpu.memory_space<vmem>>
      %dma_start3A_72 = arith.constant 0 : i32
      %dma_start3A_73 = tpu.memref_slice %arg4[%dma_start3A_72] : memref<10240xf32, #tpu.memory_space<vmem_shared>> -> memref<10240xf32, #tpu.memory_space<vmem_shared>>
      tpu.enqueue_indirect_dma source(%arg6 : memref<128xf32, #tpu.memory_space<vmem>>) target(%dma_start3A_73 : memref<10240xf32, #tpu.memory_space<vmem_shared>>) offsets(%dma_start3A_71 : memref<128xi32, #tpu.memory_space<vmem>>) semaphore(%arg8 : memref<!tpu.dma_semaphore, #tpu.memory_space<semaphore_mem>>) {add = true}
      %mul3A_74 = arith.constant 8 : i32
      %mul3A_75 = arith.muli %scan3A_65, %mul3A_74 : i32
      %add3A_76 = arith.constant 1 : i32
      %add3A_77 = arith.addi %mul3A_75, %add3A_76 : i32
      %dma_start3A_78 = arith.constant 0 : i32
      %dma_start3A_79 = tpu.memref_slice %arg5[%add3A_77, %dma_start3A_78] : memref<80x128xi32, #tpu.memory_space<vmem>> -> memref<1x128xi32, #tpu.memory_space<vmem>>
      %dma_start3A_80 = tpu.memref_squeeze %dma_start3A_79 : memref<1x128xi32, #tpu.memory_space<vmem>> -> memref<128xi32, #tpu.memory_space<vmem>>
      %dma_start3A_81 = arith.constant 0 : i32
      %dma_start3A_82 = tpu.memref_slice %arg4[%dma_start3A_81] : memref<10240xf32, #tpu.memory_space<vmem_shared>> -> memref<10240xf32, #tpu.memory_space<vmem_shared>>
      tpu.enqueue_indirect_dma source(%arg6 : memref<128xf32, #tpu.memory_space<vmem>>) target(%dma_start3A_82 : memref<10240xf32, #tpu.memory_space<vmem_shared>>) offsets(%dma_start3A_80 : memref<128xi32, #tpu.memory_space<vmem>>) semaphore(%arg8 : memref<!tpu.dma_semaphore, #tpu.memory_space<semaphore_mem>>) {add = true}
      %mul3A_83 = arith.constant 8 : i32
      %mul3A_84 = arith.muli %scan3A_65, %mul3A_83 : i32
      %add3A_85 = arith.constant 2 : i32
      %add3A_86 = arith.addi %mul3A_84, %add3A_85 : i32
      %dma_start3A_87 = arith.constant 0 : i32
      %dma_start3A_88 = tpu.memref_slice %arg5[%add3A_86, %dma_start3A_87] : memref<80x128xi32, #tpu.memory_space<vmem>> -> memref<1x128xi32, #tpu.memory_space<vmem>>
      %dma_start3A_89 = tpu.memref_squeeze %dma_start3A_88 : memref<1x128xi32, #tpu.memory_space<vmem>> -> memref<128xi32, #tpu.memory_space<vmem>>
      %dma_start3A_90 = arith.constant 0 : i32
      %dma_start3A_91 = tpu.memref_slice %arg4[%dma_start3A_90] : memref<10240xf32, #tpu.memory_space<vmem_shared>> -> memref<10240xf32, #tpu.memory_space<vmem_shared>>
      tpu.enqueue_indirect_dma source(%arg6 : memref<128xf32, #tpu.memory_space<vmem>>) target(%dma_start3A_91 : memref<10240xf32, #tpu.memory_space<vmem_shared>>) offsets(%dma_start3A_89 : memref<128xi32, #tpu.memory_space<vmem>>) semaphore(%arg8 : memref<!tpu.dma_semaphore, #tpu.memory_space<semaphore_mem>>) {add = true}
      %mul3A_92 = arith.constant 8 : i32
      %mul3A_93 = arith.muli %scan3A_65, %mul3A_92 : i32
      %add3A_94 = arith.constant 3 : i32
      %add3A_95 = arith.addi %mul3A_93, %add3A_94 : i32
      %dma_start3A_96 = arith.constant 0 : i32
      %dma_start3A_97 = tpu.memref_slice %arg5[%add3A_95, %dma_start3A_96] : memref<80x128xi32, #tpu.memory_space<vmem>> -> memref<1x128xi32, #tpu.memory_space<vmem>>
      %dma_start3A_98 = tpu.memref_squeeze %dma_start3A_97 : memref<1x128xi32, #tpu.memory_space<vmem>> -> memref<128xi32, #tpu.memory_space<vmem>>
      %dma_start3A_99 = arith.constant 0 : i32
      %dma_start3A_100 = tpu.memref_slice %arg4[%dma_start3A_99] : memref<10240xf32, #tpu.memory_space<vmem_shared>> -> memref<10240xf32, #tpu.memory_space<vmem_shared>>
      tpu.enqueue_indirect_dma source(%arg6 : memref<128xf32, #tpu.memory_space<vmem>>) target(%dma_start3A_100 : memref<10240xf32, #tpu.memory_space<vmem_shared>>) offsets(%dma_start3A_98 : memref<128xi32, #tpu.memory_space<vmem>>) semaphore(%arg8 : memref<!tpu.dma_semaphore, #tpu.memory_space<semaphore_mem>>) {add = true}
      %mul3A_101 = arith.constant 8 : i32
      %mul3A_102 = arith.muli %scan3A_65, %mul3A_101 : i32
      %add3A_103 = arith.constant 4 : i32
      %add3A_104 = arith.addi %mul3A_102, %add3A_103 : i32
      %dma_start3A_105 = arith.constant 0 : i32
      %dma_start3A_106 = tpu.memref_slice %arg5[%add3A_104, %dma_start3A_105] : memref<80x128xi32, #tpu.memory_space<vmem>> -> memref<1x128xi32, #tpu.memory_space<vmem>>
      %dma_start3A_107 = tpu.memref_squeeze %dma_start3A_106 : memref<1x128xi32, #tpu.memory_space<vmem>> -> memref<128xi32, #tpu.memory_space<vmem>>
      %dma_start3A_108 = arith.constant 0 : i32
      %dma_start3A_109 = tpu.memref_slice %arg4[%dma_start3A_108] : memref<10240xf32, #tpu.memory_space<vmem_shared>> -> memref<10240xf32, #tpu.memory_space<vmem_shared>>
      tpu.enqueue_indirect_dma source(%arg6 : memref<128xf32, #tpu.memory_space<vmem>>) target(%dma_start3A_109 : memref<10240xf32, #tpu.memory_space<vmem_shared>>) offsets(%dma_start3A_107 : memref<128xi32, #tpu.memory_space<vmem>>) semaphore(%arg8 : memref<!tpu.dma_semaphore, #tpu.memory_space<semaphore_mem>>) {add = true}
      %mul3A_110 = arith.constant 8 : i32
      %mul3A_111 = arith.muli %scan3A_65, %mul3A_110 : i32
      %add3A_112 = arith.constant 5 : i32
      %add3A_113 = arith.addi %mul3A_111, %add3A_112 : i32
      %dma_start3A_114 = arith.constant 0 : i32
      %dma_start3A_115 = tpu.memref_slice %arg5[%add3A_113, %dma_start3A_114] : memref<80x128xi32, #tpu.memory_space<vmem>> -> memref<1x128xi32, #tpu.memory_space<vmem>>
      %dma_start3A_116 = tpu.memref_squeeze %dma_start3A_115 : memref<1x128xi32, #tpu.memory_space<vmem>> -> memref<128xi32, #tpu.memory_space<vmem>>
      %dma_start3A_117 = arith.constant 0 : i32
      %dma_start3A_118 = tpu.memref_slice %arg4[%dma_start3A_117] : memref<10240xf32, #tpu.memory_space<vmem_shared>> -> memref<10240xf32, #tpu.memory_space<vmem_shared>>
      tpu.enqueue_indirect_dma source(%arg6 : memref<128xf32, #tpu.memory_space<vmem>>) target(%dma_start3A_118 : memref<10240xf32, #tpu.memory_space<vmem_shared>>) offsets(%dma_start3A_116 : memref<128xi32, #tpu.memory_space<vmem>>) semaphore(%arg8 : memref<!tpu.dma_semaphore, #tpu.memory_space<semaphore_mem>>) {add = true}
      %mul3A_119 = arith.constant 8 : i32
      %mul3A_120 = arith.muli %scan3A_65, %mul3A_119 : i32
      %add3A_121 = arith.constant 6 : i32
      %add3A_122 = arith.addi %mul3A_120, %add3A_121 : i32
      %dma_start3A_123 = arith.constant 0 : i32
      %dma_start3A_124 = tpu.memref_slice %arg5[%add3A_122, %dma_start3A_123] : memref<80x128xi32, #tpu.memory_space<vmem>> -> memref<1x128xi32, #tpu.memory_space<vmem>>
      %dma_start3A_125 = tpu.memref_squeeze %dma_start3A_124 : memref<1x128xi32, #tpu.memory_space<vmem>> -> memref<128xi32, #tpu.memory_space<vmem>>
      %dma_start3A_126 = arith.constant 0 : i32
      %dma_start3A_127 = tpu.memref_slice %arg4[%dma_start3A_126] : memref<10240xf32, #tpu.memory_space<vmem_shared>> -> memref<10240xf32, #tpu.memory_space<vmem_shared>>
      tpu.enqueue_indirect_dma source(%arg6 : memref<128xf32, #tpu.memory_space<vmem>>) target(%dma_start3A_127 : memref<10240xf32, #tpu.memory_space<vmem_shared>>) offsets(%dma_start3A_125 : memref<128xi32, #tpu.memory_space<vmem>>) semaphore(%arg8 : memref<!tpu.dma_semaphore, #tpu.memory_space<semaphore_mem>>) {add = true}
      %mul3A_128 = arith.constant 8 : i32
      %mul3A_129 = arith.muli %scan3A_65, %mul3A_128 : i32
      %add3A_130 = arith.constant 7 : i32
      %add3A_131 = arith.addi %mul3A_129, %add3A_130 : i32
      %dma_start3A_132 = arith.constant 0 : i32
      %dma_start3A_133 = tpu.memref_slice %arg5[%add3A_131, %dma_start3A_132] : memref<80x128xi32, #tpu.memory_space<vmem>> -> memref<1x128xi32, #tpu.memory_space<vmem>>
      %dma_start3A_134 = tpu.memref_squeeze %dma_start3A_133 : memref<1x128xi32, #tpu.memory_space<vmem>> -> memref<128xi32, #tpu.memory_space<vmem>>
      %dma_start3A_135 = arith.constant 0 : i32
      %dma_start3A_136 = tpu.memref_slice %arg4[%dma_start3A_135] : memref<10240xf32, #tpu.memory_space<vmem_shared>> -> memref<10240xf32, #tpu.memory_space<vmem_shared>>
      tpu.enqueue_indirect_dma source(%arg6 : memref<128xf32, #tpu.memory_space<vmem>>) target(%dma_start3A_136 : memref<10240xf32, #tpu.memory_space<vmem_shared>>) offsets(%dma_start3A_134 : memref<128xi32, #tpu.memory_space<vmem>>) semaphore(%arg8 : memref<!tpu.dma_semaphore, #tpu.memory_space<semaphore_mem>>) {add = true}
      %mul3A_137 = arith.constant 8 : i32
      %mul3A_138 = arith.muli %scan3A_65, %mul3A_137 : i32
      %add3A_139 = arith.constant 0 : i32
      %add3A_140 = arith.addi %mul3A_138, %add3A_139 : i32
      %dma_wait3A = arith.constant 0 : i32
      %dma_wait3A_141 = tpu.memref_slice %arg5[%add3A_140, %dma_wait3A] : memref<80x128xi32, #tpu.memory_space<vmem>> -> memref<1x128xi32, #tpu.memory_space<vmem>>
      %dma_wait3A_142 = tpu.memref_squeeze %dma_wait3A_141 : memref<1x128xi32, #tpu.memory_space<vmem>> -> memref<128xi32, #tpu.memory_space<vmem>>
      %dma_wait3A_143 = arith.constant 0 : i32
      %dma_wait3A_144 = tpu.memref_slice %arg4[%dma_wait3A_143] : memref<10240xf32, #tpu.memory_space<vmem_shared>> -> memref<10240xf32, #tpu.memory_space<vmem_shared>>
      tpu.wait_indirect_dma semaphore(%arg8 : memref<!tpu.dma_semaphore, #tpu.memory_space<semaphore_mem>>) src(%arg6 : memref<128xf32, #tpu.memory_space<vmem>>) dst(%dma_wait3A_144 : memref<10240xf32, #tpu.memory_space<vmem_shared>>)
      %mul3A_145 = arith.constant 8 : i32
      %mul3A_146 = arith.muli %scan3A_65, %mul3A_145 : i32
      %add3A_147 = arith.constant 1 : i32
      %add3A_148 = arith.addi %mul3A_146, %add3A_147 : i32
      %dma_wait3A_149 = arith.constant 0 : i32
      %dma_wait3A_150 = tpu.memref_slice %arg5[%add3A_148, %dma_wait3A_149] : memref<80x128xi32, #tpu.memory_space<vmem>> -> memref<1x128xi32, #tpu.memory_space<vmem>>
      %dma_wait3A_151 = tpu.memref_squeeze %dma_wait3A_150 : memref<1x128xi32, #tpu.memory_space<vmem>> -> memref<128xi32, #tpu.memory_space<vmem>>
      %dma_wait3A_152 = arith.constant 0 : i32
      %dma_wait3A_153 = tpu.memref_slice %arg4[%dma_wait3A_152] : memref<10240xf32, #tpu.memory_space<vmem_shared>> -> memref<10240xf32, #tpu.memory_space<vmem_shared>>
      tpu.wait_indirect_dma semaphore(%arg8 : memref<!tpu.dma_semaphore, #tpu.memory_space<semaphore_mem>>) src(%arg6 : memref<128xf32, #tpu.memory_space<vmem>>) dst(%dma_wait3A_153 : memref<10240xf32, #tpu.memory_space<vmem_shared>>)
      %mul3A_154 = arith.constant 8 : i32
      %mul3A_155 = arith.muli %scan3A_65, %mul3A_154 : i32
      %add3A_156 = arith.constant 2 : i32
      %add3A_157 = arith.addi %mul3A_155, %add3A_156 : i32
      %dma_wait3A_158 = arith.constant 0 : i32
      %dma_wait3A_159 = tpu.memref_slice %arg5[%add3A_157, %dma_wait3A_158] : memref<80x128xi32, #tpu.memory_space<vmem>> -> memref<1x128xi32, #tpu.memory_space<vmem>>
      %dma_wait3A_160 = tpu.memref_squeeze %dma_wait3A_159 : memref<1x128xi32, #tpu.memory_space<vmem>> -> memref<128xi32, #tpu.memory_space<vmem>>
      %dma_wait3A_161 = arith.constant 0 : i32
      %dma_wait3A_162 = tpu.memref_slice %arg4[%dma_wait3A_161] : memref<10240xf32, #tpu.memory_space<vmem_shared>> -> memref<10240xf32, #tpu.memory_space<vmem_shared>>
      tpu.wait_indirect_dma semaphore(%arg8 : memref<!tpu.dma_semaphore, #tpu.memory_space<semaphore_mem>>) src(%arg6 : memref<128xf32, #tpu.memory_space<vmem>>) dst(%dma_wait3A_162 : memref<10240xf32, #tpu.memory_space<vmem_shared>>)
      %mul3A_163 = arith.constant 8 : i32
      %mul3A_164 = arith.muli %scan3A_65, %mul3A_163 : i32
      %add3A_165 = arith.constant 3 : i32
      %add3A_166 = arith.addi %mul3A_164, %add3A_165 : i32
      %dma_wait3A_167 = arith.constant 0 : i32
      %dma_wait3A_168 = tpu.memref_slice %arg5[%add3A_166, %dma_wait3A_167] : memref<80x128xi32, #tpu.memory_space<vmem>> -> memref<1x128xi32, #tpu.memory_space<vmem>>
      %dma_wait3A_169 = tpu.memref_squeeze %dma_wait3A_168 : memref<1x128xi32, #tpu.memory_space<vmem>> -> memref<128xi32, #tpu.memory_space<vmem>>
      %dma_wait3A_170 = arith.constant 0 : i32
      %dma_wait3A_171 = tpu.memref_slice %arg4[%dma_wait3A_170] : memref<10240xf32, #tpu.memory_space<vmem_shared>> -> memref<10240xf32, #tpu.memory_space<vmem_shared>>
      tpu.wait_indirect_dma semaphore(%arg8 : memref<!tpu.dma_semaphore, #tpu.memory_space<semaphore_mem>>) src(%arg6 : memref<128xf32, #tpu.memory_space<vmem>>) dst(%dma_wait3A_171 : memref<10240xf32, #tpu.memory_space<vmem_shared>>)
      %mul3A_172 = arith.constant 8 : i32
      %mul3A_173 = arith.muli %scan3A_65, %mul3A_172 : i32
      %add3A_174 = arith.constant 4 : i32
      %add3A_175 = arith.addi %mul3A_173, %add3A_174 : i32
      %dma_wait3A_176 = arith.constant 0 : i32
      %dma_wait3A_177 = tpu.memref_slice %arg5[%add3A_175, %dma_wait3A_176] : memref<80x128xi32, #tpu.memory_space<vmem>> -> memref<1x128xi32, #tpu.memory_space<vmem>>
      %dma_wait3A_178 = tpu.memref_squeeze %dma_wait3A_177 : memref<1x128xi32, #tpu.memory_space<vmem>> -> memref<128xi32, #tpu.memory_space<vmem>>
      %dma_wait3A_179 = arith.constant 0 : i32
      %dma_wait3A_180 = tpu.memref_slice %arg4[%dma_wait3A_179] : memref<10240xf32, #tpu.memory_space<vmem_shared>> -> memref<10240xf32, #tpu.memory_space<vmem_shared>>
      tpu.wait_indirect_dma semaphore(%arg8 : memref<!tpu.dma_semaphore, #tpu.memory_space<semaphore_mem>>) src(%arg6 : memref<128xf32, #tpu.memory_space<vmem>>) dst(%dma_wait3A_180 : memref<10240xf32, #tpu.memory_space<vmem_shared>>)
      %mul3A_181 = arith.constant 8 : i32
      %mul3A_182 = arith.muli %scan3A_65, %mul3A_181 : i32
      %add3A_183 = arith.constant 5 : i32
      %add3A_184 = arith.addi %mul3A_182, %add3A_183 : i32
      %dma_wait3A_185 = arith.constant 0 : i32
      %dma_wait3A_186 = tpu.memref_slice %arg5[%add3A_184, %dma_wait3A_185] : memref<80x128xi32, #tpu.memory_space<vmem>> -> memref<1x128xi32, #tpu.memory_space<vmem>>
      %dma_wait3A_187 = tpu.memref_squeeze %dma_wait3A_186 : memref<1x128xi32, #tpu.memory_space<vmem>> -> memref<128xi32, #tpu.memory_space<vmem>>
      %dma_wait3A_188 = arith.constant 0 : i32
      %dma_wait3A_189 = tpu.memref_slice %arg4[%dma_wait3A_188] : memref<10240xf32, #tpu.memory_space<vmem_shared>> -> memref<10240xf32, #tpu.memory_space<vmem_shared>>
      tpu.wait_indirect_dma semaphore(%arg8 : memref<!tpu.dma_semaphore, #tpu.memory_space<semaphore_mem>>) src(%arg6 : memref<128xf32, #tpu.memory_space<vmem>>) dst(%dma_wait3A_189 : memref<10240xf32, #tpu.memory_space<vmem_shared>>)
      %mul3A_190 = arith.constant 8 : i32
      %mul3A_191 = arith.muli %scan3A_65, %mul3A_190 : i32
      %add3A_192 = arith.constant 6 : i32
      %add3A_193 = arith.addi %mul3A_191, %add3A_192 : i32
      %dma_wait3A_194 = arith.constant 0 : i32
      %dma_wait3A_195 = tpu.memref_slice %arg5[%add3A_193, %dma_wait3A_194] : memref<80x128xi32, #tpu.memory_space<vmem>> -> memref<1x128xi32, #tpu.memory_space<vmem>>
      %dma_wait3A_196 = tpu.memref_squeeze %dma_wait3A_195 : memref<1x128xi32, #tpu.memory_space<vmem>> -> memref<128xi32, #tpu.memory_space<vmem>>
      %dma_wait3A_197 = arith.constant 0 : i32
      %dma_wait3A_198 = tpu.memref_slice %arg4[%dma_wait3A_197] : memref<10240xf32, #tpu.memory_space<vmem_shared>> -> memref<10240xf32, #tpu.memory_space<vmem_shared>>
      tpu.wait_indirect_dma semaphore(%arg8 : memref<!tpu.dma_semaphore, #tpu.memory_space<semaphore_mem>>) src(%arg6 : memref<128xf32, #tpu.memory_space<vmem>>) dst(%dma_wait3A_198 : memref<10240xf32, #tpu.memory_space<vmem_shared>>)
      %mul3A_199 = arith.constant 8 : i32
      %mul3A_200 = arith.muli %scan3A_65, %mul3A_199 : i32
      %add3A_201 = arith.constant 7 : i32
      %add3A_202 = arith.addi %mul3A_200, %add3A_201 : i32
      %dma_wait3A_203 = arith.constant 0 : i32
      %dma_wait3A_204 = tpu.memref_slice %arg5[%add3A_202, %dma_wait3A_203] : memref<80x128xi32, #tpu.memory_space<vmem>> -> memref<1x128xi32, #tpu.memory_space<vmem>>
      %dma_wait3A_205 = tpu.memref_squeeze %dma_wait3A_204 : memref<1x128xi32, #tpu.memory_space<vmem>> -> memref<128xi32, #tpu.memory_space<vmem>>
      %dma_wait3A_206 = arith.constant 0 : i32
      %dma_wait3A_207 = tpu.memref_slice %arg4[%dma_wait3A_206] : memref<10240xf32, #tpu.memory_space<vmem_shared>> -> memref<10240xf32, #tpu.memory_space<vmem_shared>>
      tpu.wait_indirect_dma semaphore(%arg8 : memref<!tpu.dma_semaphore, #tpu.memory_space<semaphore_mem>>) src(%arg6 : memref<128xf32, #tpu.memory_space<vmem>>) dst(%dma_wait3A_207 : memref<10240xf32, #tpu.memory_space<vmem_shared>>)
    }
    %scan3A_59 = arith.constant 10 : i32
    %barrier3A_60 = arith.constant 0 : index
    tpu.barrier barrier_id(%barrier3A_60)
    %mul3A_61 = arith.constant 640 : i32
    %mul3A_62 = arith.muli %arg1, %mul3A_61 : i32
    %mul3A_63 = arith.constant 640 : i32
    %mul3A_64 = arith.muli %arg1, %mul3A_63 : i32
    "tpu.region"() ({
      %run_scoped3A = tpu.sem_alloc : memref<!tpu.dma_semaphore, #tpu.memory_space<semaphore_mem>>
      %dma_start3A = tpu.memref_slice %arg3[%arg0, %mul3A_64] : memref<2x10240xf32, #tpu.memory_space<hbm>> -> memref<1x640xf32, #tpu.memory_space<hbm>>
      %dma_start3A_65 = tpu.memref_squeeze %dma_start3A : memref<1x640xf32, #tpu.memory_space<hbm>> -> memref<640xf32, #tpu.memory_space<hbm>>
      %dma_start3A_66 = tpu.memref_slice %arg4[%mul3A_62] : memref<10240xf32, #tpu.memory_space<vmem_shared>> -> memref<640xf32, #tpu.memory_space<vmem_shared>>
      tpu.enqueue_dma source(%dma_start3A_66 : memref<640xf32, #tpu.memory_space<vmem_shared>>) target(%dma_start3A_65 : memref<640xf32, #tpu.memory_space<hbm>>) target_semaphore(%run_scoped3A : memref<!tpu.dma_semaphore, #tpu.memory_space<semaphore_mem>>)
      %dma_wait3A = tpu.memref_slice %arg3[%arg0, %mul3A_64] : memref<2x10240xf32, #tpu.memory_space<hbm>> -> memref<1x640xf32, #tpu.memory_space<hbm>>
      %dma_wait3A_67 = tpu.memref_squeeze %dma_wait3A : memref<1x640xf32, #tpu.memory_space<hbm>> -> memref<640xf32, #tpu.memory_space<hbm>>
      %dma_wait3A_68 = tpu.memref_slice %arg4[%mul3A_62] : memref<10240xf32, #tpu.memory_space<vmem_shared>> -> memref<640xf32, #tpu.memory_space<vmem_shared>>
      tpu.wait_dma2 semaphore(%run_scoped3A : memref<!tpu.dma_semaphore, #tpu.memory_space<semaphore_mem>>) src(%dma_wait3A_68 : memref<640xf32, #tpu.memory_space<vmem_shared>>) dst(%dma_wait3A_67 : memref<640xf32, #tpu.memory_space<hbm>>)
      tpu.yield
    }) : () -> ()
    return
  }
}

#map = affine_map<(d0, d1) -> (0, 0)>
#map1 = affine_map<(d0, d1) -> (0, 0, 0)>
module attributes {stable_mosaic.version = 14 : i64} {
  func.func @_agg_body(%arg0: i32, %arg1: i32, %arg2: memref<10240x128xf32, #tpu.memory_space<hbm>>, %arg3: memref<32x80x128xi32, #tpu.memory_space<hbm>>, %arg4: memref<32x80x128xi32, #tpu.memory_space<hbm>>, %arg5: memref<2x10240x128xf32, #tpu.memory_space<hbm>>, %arg6: memref<10240x128xf32, #tpu.memory_space<vmem_shared>>, %arg7: memref<2x8x128xi32, #tpu.memory_space<vmem>>, %arg8: memref<2x8x128xi32, #tpu.memory_space<vmem>>, %arg9: memref<2x128x128xf32, #tpu.memory_space<vmem>>, %arg10: memref<64x128xf32, #tpu.memory_space<vmem>>, %arg11: memref<!tpu.dma_semaphore, #tpu.memory_space<semaphore_mem>>, %arg12: memref<!tpu.dma_semaphore, #tpu.memory_space<semaphore_mem>>, %arg13: memref<!tpu.dma_semaphore, #tpu.memory_space<semaphore_mem>>, %arg14: memref<!tpu.dma_semaphore, #tpu.memory_space<semaphore_mem>>, %arg15: memref<!tpu.dma_semaphore, #tpu.memory_space<semaphore_mem>>) attributes {dimension_semantics = [#tpu.dimension_semantics<core_parallel>, #tpu.dimension_semantics<subcore_parallel>], iteration_bounds = array<i64: 2, 16>, scalar_prefetch = 0 : i64, scratch_operands = 10 : i64, tpu.core_type = #tpu.core_type<sc_vector_subcore>, window_params = [{transform_indices = #map}, {transform_indices = #map1}, {transform_indices = #map1}, {transform_indices = #map1}]} {
    %mul3A = arith.constant 2 : i32
    %mul3A_0 = arith.muli %arg1, %mul3A : i32
    %add3A = arith.addi %mul3A_0, %arg0 : i32
    %dma_start3A = arith.constant 0 : i32
    %dma_start3A_1 = arith.constant 0 : i32
    %dma_start3A_2 = arith.constant 0 : i32
    %dma_start3A_3 = tpu.memref_slice %arg7[%dma_start3A, %dma_start3A_1, %dma_start3A_2] : memref<2x8x128xi32, #tpu.memory_space<vmem>> -> memref<1x8x128xi32, #tpu.memory_space<vmem>>
    %dma_start3A_4 = tpu.memref_squeeze %dma_start3A_3 : memref<1x8x128xi32, #tpu.memory_space<vmem>> -> memref<8x128xi32, #tpu.memory_space<vmem>>
    %dma_start3A_5 = arith.constant 0 : i32
    %dma_start3A_6 = arith.constant 0 : i32
    %dma_start3A_7 = tpu.memref_slice %arg3[%add3A, %dma_start3A_5, %dma_start3A_6] : memref<32x80x128xi32, #tpu.memory_space<hbm>> -> memref<1x8x128xi32, #tpu.memory_space<hbm>>
    %dma_start3A_8 = tpu.memref_squeeze %dma_start3A_7 : memref<1x8x128xi32, #tpu.memory_space<hbm>> -> memref<8x128xi32, #tpu.memory_space<hbm>>
    %dma_start3A_9 = arith.constant 0 : i32
    %dma_start3A_10 = arith.constant 0 : i32
    %dma_start3A_11 = tpu.memref_slice %arg7[%dma_start3A, %dma_start3A_9, %dma_start3A_10] : memref<2x8x128xi32, #tpu.memory_space<vmem>> -> memref<1x8x128xi32, #tpu.memory_space<vmem>>
    %dma_start3A_12 = tpu.memref_squeeze %dma_start3A_11 : memref<1x8x128xi32, #tpu.memory_space<vmem>> -> memref<8x128xi32, #tpu.memory_space<vmem>>
    %dma_start3A_13 = arith.constant 0 : i32
    %dma_start3A_14 = arith.constant 0 : i32
    %dma_start3A_15 = tpu.memref_slice %arg3[%add3A, %dma_start3A_13, %dma_start3A_14] : memref<32x80x128xi32, #tpu.memory_space<hbm>> -> memref<1x8x128xi32, #tpu.memory_space<hbm>>
    %dma_start3A_16 = tpu.memref_squeeze %dma_start3A_15 : memref<1x8x128xi32, #tpu.memory_space<hbm>> -> memref<8x128xi32, #tpu.memory_space<hbm>>
    tpu.enqueue_dma source(%dma_start3A_16 : memref<8x128xi32, #tpu.memory_space<hbm>>) target(%dma_start3A_12 : memref<8x128xi32, #tpu.memory_space<vmem>>) target_semaphore(%arg13 : memref<!tpu.dma_semaphore, #tpu.memory_space<semaphore_mem>>)
    %dma_start3A_17 = arith.constant 0 : i32
    %dma_start3A_18 = arith.constant 0 : i32
    %dma_start3A_19 = arith.constant 0 : i32
    %dma_start3A_20 = tpu.memref_slice %arg8[%dma_start3A_17, %dma_start3A_18, %dma_start3A_19] : memref<2x8x128xi32, #tpu.memory_space<vmem>> -> memref<1x8x128xi32, #tpu.memory_space<vmem>>
    %dma_start3A_21 = tpu.memref_squeeze %dma_start3A_20 : memref<1x8x128xi32, #tpu.memory_space<vmem>> -> memref<8x128xi32, #tpu.memory_space<vmem>>
    %dma_start3A_22 = arith.constant 0 : i32
    %dma_start3A_23 = arith.constant 0 : i32
    %dma_start3A_24 = tpu.memref_slice %arg4[%add3A, %dma_start3A_22, %dma_start3A_23] : memref<32x80x128xi32, #tpu.memory_space<hbm>> -> memref<1x8x128xi32, #tpu.memory_space<hbm>>
    %dma_start3A_25 = tpu.memref_squeeze %dma_start3A_24 : memref<1x8x128xi32, #tpu.memory_space<hbm>> -> memref<8x128xi32, #tpu.memory_space<hbm>>
    %dma_start3A_26 = arith.constant 0 : i32
    %dma_start3A_27 = arith.constant 0 : i32
    %dma_start3A_28 = tpu.memref_slice %arg8[%dma_start3A_17, %dma_start3A_26, %dma_start3A_27] : memref<2x8x128xi32, #tpu.memory_space<vmem>> -> memref<1x8x128xi32, #tpu.memory_space<vmem>>
    %dma_start3A_29 = tpu.memref_squeeze %dma_start3A_28 : memref<1x8x128xi32, #tpu.memory_space<vmem>> -> memref<8x128xi32, #tpu.memory_space<vmem>>
    %dma_start3A_30 = arith.constant 0 : i32
    %dma_start3A_31 = arith.constant 0 : i32
    %dma_start3A_32 = tpu.memref_slice %arg4[%add3A, %dma_start3A_30, %dma_start3A_31] : memref<32x80x128xi32, #tpu.memory_space<hbm>> -> memref<1x8x128xi32, #tpu.memory_space<hbm>>
    %dma_start3A_33 = tpu.memref_squeeze %dma_start3A_32 : memref<1x8x128xi32, #tpu.memory_space<hbm>> -> memref<8x128xi32, #tpu.memory_space<hbm>>
    tpu.enqueue_dma source(%dma_start3A_33 : memref<8x128xi32, #tpu.memory_space<hbm>>) target(%dma_start3A_29 : memref<8x128xi32, #tpu.memory_space<vmem>>) target_semaphore(%arg13 : memref<!tpu.dma_semaphore, #tpu.memory_space<semaphore_mem>>)
    %scan3A = arith.constant 0 : i32
    %scan3A_34 = arith.constant 0 : i32
    %scan3A_35 = arith.constant 64 : i32
    %scan3A_36 = arith.addi %scan3A_34, %scan3A_35 : i32
    %scan3A_37 = arith.constant 1 : i32
    scf.for %scan3A_108 = %scan3A_34 to %scan3A_36 step %scan3A_37  : i32 {
      %broadcast_in_dim3A = arith.constant 0.000000e+00 : f32
      %broadcast_in_dim3A_109 = vector.broadcast %broadcast_in_dim3A : f32 to vector<16xf32>
      %swap3A = arith.index_cast %scan3A_108 : i32 to index
      %swap3A_110 = arith.constant 0 : index
      %swap3A_111 = tpu.vector_load %arg10[%swap3A, %swap3A_110] {strides = array<i32>} : memref<64x128xf32, #tpu.memory_space<vmem>>, vector<1x16xf32>,
      %swap3A_112 = vector.shape_cast %swap3A_111 : vector<1x16xf32> to vector<16xf32>
      %swap3A_113 = vector.shape_cast %broadcast_in_dim3A_109 : vector<16xf32> to vector<1x16xf32>
      tpu.vector_store %arg10[%swap3A, %swap3A_110], %swap3A_113 {strides = array<i32>} : memref<64x128xf32, #tpu.memory_space<vmem>>, vector<1x16xf32>,
      %broadcast_in_dim3A_114 = arith.constant 0.000000e+00 : f32
      %broadcast_in_dim3A_115 = vector.broadcast %broadcast_in_dim3A_114 : f32 to vector<16xf32>
      %swap3A_116 = arith.index_cast %scan3A_108 : i32 to index
      %swap3A_117 = arith.constant 16 : index
      %swap3A_118 = tpu.vector_load %arg10[%swap3A_116, %swap3A_117] {strides = array<i32>} : memref<64x128xf32, #tpu.memory_space<vmem>>, vector<1x16xf32>,
      %swap3A_119 = vector.shape_cast %swap3A_118 : vector<1x16xf32> to vector<16xf32>
      %swap3A_120 = vector.shape_cast %broadcast_in_dim3A_115 : vector<16xf32> to vector<1x16xf32>
      tpu.vector_store %arg10[%swap3A_116, %swap3A_117], %swap3A_120 {strides = array<i32>} : memref<64x128xf32, #tpu.memory_space<vmem>>, vector<1x16xf32>,
      %broadcast_in_dim3A_121 = arith.constant 0.000000e+00 : f32
      %broadcast_in_dim3A_122 = vector.broadcast %broadcast_in_dim3A_121 : f32 to vector<16xf32>
      %swap3A_123 = arith.index_cast %scan3A_108 : i32 to index
      %swap3A_124 = arith.constant 32 : index
      %swap3A_125 = tpu.vector_load %arg10[%swap3A_123, %swap3A_124] {strides = array<i32>} : memref<64x128xf32, #tpu.memory_space<vmem>>, vector<1x16xf32>,
      %swap3A_126 = vector.shape_cast %swap3A_125 : vector<1x16xf32> to vector<16xf32>
      %swap3A_127 = vector.shape_cast %broadcast_in_dim3A_122 : vector<16xf32> to vector<1x16xf32>
      tpu.vector_store %arg10[%swap3A_123, %swap3A_124], %swap3A_127 {strides = array<i32>} : memref<64x128xf32, #tpu.memory_space<vmem>>, vector<1x16xf32>,
      %broadcast_in_dim3A_128 = arith.constant 0.000000e+00 : f32
      %broadcast_in_dim3A_129 = vector.broadcast %broadcast_in_dim3A_128 : f32 to vector<16xf32>
      %swap3A_130 = arith.index_cast %scan3A_108 : i32 to index
      %swap3A_131 = arith.constant 48 : index
      %swap3A_132 = tpu.vector_load %arg10[%swap3A_130, %swap3A_131] {strides = array<i32>} : memref<64x128xf32, #tpu.memory_space<vmem>>, vector<1x16xf32>,
      %swap3A_133 = vector.shape_cast %swap3A_132 : vector<1x16xf32> to vector<16xf32>
      %swap3A_134 = vector.shape_cast %broadcast_in_dim3A_129 : vector<16xf32> to vector<1x16xf32>
      tpu.vector_store %arg10[%swap3A_130, %swap3A_131], %swap3A_134 {strides = array<i32>} : memref<64x128xf32, #tpu.memory_space<vmem>>, vector<1x16xf32>,
      %broadcast_in_dim3A_135 = arith.constant 0.000000e+00 : f32
      %broadcast_in_dim3A_136 = vector.broadcast %broadcast_in_dim3A_135 : f32 to vector<16xf32>
      %swap3A_137 = arith.index_cast %scan3A_108 : i32 to index
      %swap3A_138 = arith.constant 64 : index
      %swap3A_139 = tpu.vector_load %arg10[%swap3A_137, %swap3A_138] {strides = array<i32>} : memref<64x128xf32, #tpu.memory_space<vmem>>, vector<1x16xf32>,
      %swap3A_140 = vector.shape_cast %swap3A_139 : vector<1x16xf32> to vector<16xf32>
      %swap3A_141 = vector.shape_cast %broadcast_in_dim3A_136 : vector<16xf32> to vector<1x16xf32>
      tpu.vector_store %arg10[%swap3A_137, %swap3A_138], %swap3A_141 {strides = array<i32>} : memref<64x128xf32, #tpu.memory_space<vmem>>, vector<1x16xf32>,
      %broadcast_in_dim3A_142 = arith.constant 0.000000e+00 : f32
      %broadcast_in_dim3A_143 = vector.broadcast %broadcast_in_dim3A_142 : f32 to vector<16xf32>
      %swap3A_144 = arith.index_cast %scan3A_108 : i32 to index
      %swap3A_145 = arith.constant 80 : index
      %swap3A_146 = tpu.vector_load %arg10[%swap3A_144, %swap3A_145] {strides = array<i32>} : memref<64x128xf32, #tpu.memory_space<vmem>>, vector<1x16xf32>,
      %swap3A_147 = vector.shape_cast %swap3A_146 : vector<1x16xf32> to vector<16xf32>
      %swap3A_148 = vector.shape_cast %broadcast_in_dim3A_143 : vector<16xf32> to vector<1x16xf32>
      tpu.vector_store %arg10[%swap3A_144, %swap3A_145], %swap3A_148 {strides = array<i32>} : memref<64x128xf32, #tpu.memory_space<vmem>>, vector<1x16xf32>,
      %broadcast_in_dim3A_149 = arith.constant 0.000000e+00 : f32
      %broadcast_in_dim3A_150 = vector.broadcast %broadcast_in_dim3A_149 : f32 to vector<16xf32>
      %swap3A_151 = arith.index_cast %scan3A_108 : i32 to index
      %swap3A_152 = arith.constant 96 : index
      %swap3A_153 = tpu.vector_load %arg10[%swap3A_151, %swap3A_152] {strides = array<i32>} : memref<64x128xf32, #tpu.memory_space<vmem>>, vector<1x16xf32>,
      %swap3A_154 = vector.shape_cast %swap3A_153 : vector<1x16xf32> to vector<16xf32>
      %swap3A_155 = vector.shape_cast %broadcast_in_dim3A_150 : vector<16xf32> to vector<1x16xf32>
      tpu.vector_store %arg10[%swap3A_151, %swap3A_152], %swap3A_155 {strides = array<i32>} : memref<64x128xf32, #tpu.memory_space<vmem>>, vector<1x16xf32>,
      %broadcast_in_dim3A_156 = arith.constant 0.000000e+00 : f32
      %broadcast_in_dim3A_157 = vector.broadcast %broadcast_in_dim3A_156 : f32 to vector<16xf32>
      %swap3A_158 = arith.index_cast %scan3A_108 : i32 to index
      %swap3A_159 = arith.constant 112 : index
      %swap3A_160 = tpu.vector_load %arg10[%swap3A_158, %swap3A_159] {strides = array<i32>} : memref<64x128xf32, #tpu.memory_space<vmem>>, vector<1x16xf32>,
      %swap3A_161 = vector.shape_cast %swap3A_160 : vector<1x16xf32> to vector<16xf32>
      %swap3A_162 = vector.shape_cast %broadcast_in_dim3A_157 : vector<16xf32> to vector<1x16xf32>
      tpu.vector_store %arg10[%swap3A_158, %swap3A_159], %swap3A_162 {strides = array<i32>} : memref<64x128xf32, #tpu.memory_space<vmem>>, vector<1x16xf32>,
    }
    %scan3A_38 = arith.constant 64 : i32
    %scan3A_39 = arith.constant 0 : i32
    %scan3A_40 = arith.constant 0 : i32
    %scan3A_41 = arith.constant 10 : i32
    %scan3A_42 = arith.addi %scan3A_40, %scan3A_41 : i32
    %scan3A_43 = arith.constant 1 : i32
    scf.for %scan3A_108 = %scan3A_40 to %scan3A_42 step %scan3A_43  : i32 {
      %mul3A_109 = arith.constant 640 : i32
      %mul3A_110 = arith.muli %arg1, %mul3A_109 : i32
      %mul3A_111 = arith.constant 64 : i32
      %mul3A_112 = arith.muli %scan3A_108, %mul3A_111 : i32
      %add3A_113 = arith.addi %mul3A_110, %mul3A_112 : i32
      %dma_start3A_114 = arith.constant 0 : i32
      %dma_start3A_115 = tpu.memref_slice %arg6[%add3A_113, %dma_start3A_114] : memref<10240x128xf32, #tpu.memory_space<vmem_shared>> -> memref<64x128xf32, #tpu.memory_space<vmem_shared>>
      %dma_start3A_116 = arith.constant 0 : i32
      %dma_start3A_117 = tpu.memref_slice %arg6[%add3A_113, %dma_start3A_116] : memref<10240x128xf32, #tpu.memory_space<vmem_shared>> -> memref<64x128xf32, #tpu.memory_space<vmem_shared>>
      tpu.enqueue_dma source(%arg10 : memref<64x128xf32, #tpu.memory_space<vmem>>) target(%dma_start3A_117 : memref<64x128xf32, #tpu.memory_space<vmem_shared>>) target_semaphore(%arg15 : memref<!tpu.dma_semaphore, #tpu.memory_space<semaphore_mem>>)
    }
    %scan3A_44 = arith.constant 10 : i32
    %dma_wait3A = arith.constant 0 : i32
    %dma_wait3A_45 = arith.constant 0 : i32
    %dma_wait3A_46 = arith.constant 0 : i32
    %dma_wait3A_47 = tpu.memref_slice %arg7[%dma_wait3A, %dma_wait3A_45, %dma_wait3A_46] : memref<2x8x128xi32, #tpu.memory_space<vmem>> -> memref<1x8x128xi32, #tpu.memory_space<vmem>>
    %dma_wait3A_48 = tpu.memref_squeeze %dma_wait3A_47 : memref<1x8x128xi32, #tpu.memory_space<vmem>> -> memref<8x128xi32, #tpu.memory_space<vmem>>
    %dma_wait3A_49 = arith.constant 0 : i32
    %dma_wait3A_50 = arith.constant 0 : i32
    %dma_wait3A_51 = tpu.memref_slice %arg3[%add3A, %dma_wait3A_49, %dma_wait3A_50] : memref<32x80x128xi32, #tpu.memory_space<hbm>> -> memref<1x8x128xi32, #tpu.memory_space<hbm>>
    %dma_wait3A_52 = tpu.memref_squeeze %dma_wait3A_51 : memref<1x8x128xi32, #tpu.memory_space<hbm>> -> memref<8x128xi32, #tpu.memory_space<hbm>>
    %dma_wait3A_53 = arith.constant 0 : i32
    %dma_wait3A_54 = arith.constant 0 : i32
    %dma_wait3A_55 = tpu.memref_slice %arg7[%dma_wait3A, %dma_wait3A_53, %dma_wait3A_54] : memref<2x8x128xi32, #tpu.memory_space<vmem>> -> memref<1x8x128xi32, #tpu.memory_space<vmem>>
    %dma_wait3A_56 = tpu.memref_squeeze %dma_wait3A_55 : memref<1x8x128xi32, #tpu.memory_space<vmem>> -> memref<8x128xi32, #tpu.memory_space<vmem>>
    %dma_wait3A_57 = arith.constant 0 : i32
    %dma_wait3A_58 = arith.constant 0 : i32
    %dma_wait3A_59 = tpu.memref_slice %arg3[%add3A, %dma_wait3A_57, %dma_wait3A_58] : memref<32x80x128xi32, #tpu.memory_space<hbm>> -> memref<1x8x128xi32, #tpu.memory_space<hbm>>
    %dma_wait3A_60 = tpu.memref_squeeze %dma_wait3A_59 : memref<1x8x128xi32, #tpu.memory_space<hbm>> -> memref<8x128xi32, #tpu.memory_space<hbm>>
    tpu.wait_dma2 semaphore(%arg13 : memref<!tpu.dma_semaphore, #tpu.memory_space<semaphore_mem>>) src(%dma_wait3A_60 : memref<8x128xi32, #tpu.memory_space<hbm>>) dst(%dma_wait3A_56 : memref<8x128xi32, #tpu.memory_space<vmem>>)
    %dma_wait3A_61 = arith.constant 0 : i32
    %dma_wait3A_62 = arith.constant 0 : i32
    %dma_wait3A_63 = arith.constant 0 : i32
    %dma_wait3A_64 = tpu.memref_slice %arg8[%dma_wait3A_61, %dma_wait3A_62, %dma_wait3A_63] : memref<2x8x128xi32, #tpu.memory_space<vmem>> -> memref<1x8x128xi32, #tpu.memory_space<vmem>>
    %dma_wait3A_65 = tpu.memref_squeeze %dma_wait3A_64 : memref<1x8x128xi32, #tpu.memory_space<vmem>> -> memref<8x128xi32, #tpu.memory_space<vmem>>
    %dma_wait3A_66 = arith.constant 0 : i32
    %dma_wait3A_67 = arith.constant 0 : i32
    %dma_wait3A_68 = tpu.memref_slice %arg4[%add3A, %dma_wait3A_66, %dma_wait3A_67] : memref<32x80x128xi32, #tpu.memory_space<hbm>> -> memref<1x8x128xi32, #tpu.memory_space<hbm>>
    %dma_wait3A_69 = tpu.memref_squeeze %dma_wait3A_68 : memref<1x8x128xi32, #tpu.memory_space<hbm>> -> memref<8x128xi32, #tpu.memory_space<hbm>>
    %dma_wait3A_70 = arith.constant 0 : i32
    %dma_wait3A_71 = arith.constant 0 : i32
    %dma_wait3A_72 = tpu.memref_slice %arg8[%dma_wait3A_61, %dma_wait3A_70, %dma_wait3A_71] : memref<2x8x128xi32, #tpu.memory_space<vmem>> -> memref<1x8x128xi32, #tpu.memory_space<vmem>>
    %dma_wait3A_73 = tpu.memref_squeeze %dma_wait3A_72 : memref<1x8x128xi32, #tpu.memory_space<vmem>> -> memref<8x128xi32, #tpu.memory_space<vmem>>
    %dma_wait3A_74 = arith.constant 0 : i32
    %dma_wait3A_75 = arith.constant 0 : i32
    %dma_wait3A_76 = tpu.memref_slice %arg4[%add3A, %dma_wait3A_74, %dma_wait3A_75] : memref<32x80x128xi32, #tpu.memory_space<hbm>> -> memref<1x8x128xi32, #tpu.memory_space<hbm>>
    %dma_wait3A_77 = tpu.memref_squeeze %dma_wait3A_76 : memref<1x8x128xi32, #tpu.memory_space<hbm>> -> memref<8x128xi32, #tpu.memory_space<hbm>>
    tpu.wait_dma2 semaphore(%arg13 : memref<!tpu.dma_semaphore, #tpu.memory_space<semaphore_mem>>) src(%dma_wait3A_77 : memref<8x128xi32, #tpu.memory_space<hbm>>) dst(%dma_wait3A_73 : memref<8x128xi32, #tpu.memory_space<vmem>>)
    %dma_start3A_78 = arith.constant 0 : i32
    %dma_start3A_79 = arith.constant 0 : i32
    %dma_start3A_80 = arith.constant 0 : i32
    %dma_start3A_81 = arith.constant 0 : i32
    %dma_start3A_82 = arith.constant 0 : i32
    %dma_start3A_83 = tpu.memref_slice %arg9[%dma_start3A_80, %dma_start3A_81, %dma_start3A_82] : memref<2x128x128xf32, #tpu.memory_space<vmem>> -> memref<1x128x128xf32, #tpu.memory_space<vmem>>
    %dma_start3A_84 = tpu.memref_squeeze %dma_start3A_83 : memref<1x128x128xf32, #tpu.memory_space<vmem>> -> memref<128x128xf32, #tpu.memory_space<vmem>>
    %dma_start3A_85 = arith.constant 0 : i32
    %dma_start3A_86 = tpu.memref_slice %arg7[%dma_start3A_78, %dma_start3A_79, %dma_start3A_85] : memref<2x8x128xi32, #tpu.memory_space<vmem>> -> memref<1x1x128xi32, #tpu.memory_space<vmem>>
    %dma_start3A_87 = tpu.memref_squeeze %dma_start3A_86 : memref<1x1x128xi32, #tpu.memory_space<vmem>> -> memref<128xi32, #tpu.memory_space<vmem>>
    %dma_start3A_88 = arith.constant 0 : i32
    %dma_start3A_89 = arith.constant 0 : i32
    %dma_start3A_90 = tpu.memref_slice %arg2[%dma_start3A_88, %dma_start3A_89] : memref<10240x128xf32, #tpu.memory_space<hbm>> -> memref<10240x128xf32, #tpu.memory_space<hbm>>
    tpu.enqueue_indirect_dma source(%dma_start3A_90 : memref<10240x128xf32, #tpu.memory_space<hbm>>) target(%dma_start3A_84 : memref<128x128xf32, #tpu.memory_space<vmem>>) offsets(%dma_start3A_87 : memref<128xi32, #tpu.memory_space<vmem>>) semaphore(%arg11 : memref<!tpu.dma_semaphore, #tpu.memory_space<semaphore_mem>>)
    %scan3A_91 = arith.constant 0 : i32
    %scan3A_92 = arith.constant 0 : i32
    %scan3A_93 = arith.constant 10 : i32
    %scan3A_94 = arith.addi %scan3A_92, %scan3A_93 : i32
    %scan3A_95 = arith.constant 1 : i32
    scf.for %scan3A_108 = %scan3A_92 to %scan3A_94 step %scan3A_95  : i32 {
      %mul3A_109 = arith.constant 640 : i32
      %mul3A_110 = arith.muli %arg1, %mul3A_109 : i32
      %mul3A_111 = arith.constant 64 : i32
      %mul3A_112 = arith.muli %scan3A_108, %mul3A_111 : i32
      %add3A_113 = arith.addi %mul3A_110, %mul3A_112 : i32
      %dma_wait3A_114 = arith.constant 0 : i32
      %dma_wait3A_115 = tpu.memref_slice %arg6[%add3A_113, %dma_wait3A_114] : memref<10240x128xf32, #tpu.memory_space<vmem_shared>> -> memref<64x128xf32, #tpu.memory_space<vmem_shared>>
      %dma_wait3A_116 = arith.constant 0 : i32
      %dma_wait3A_117 = tpu.memref_slice %arg6[%add3A_113, %dma_wait3A_116] : memref<10240x128xf32, #tpu.memory_space<vmem_shared>> -> memref<64x128xf32, #tpu.memory_space<vmem_shared>>
      tpu.wait_dma2 semaphore(%arg15 : memref<!tpu.dma_semaphore, #tpu.memory_space<semaphore_mem>>) src(%arg10 : memref<64x128xf32, #tpu.memory_space<vmem>>) dst(%dma_wait3A_117 : memref<64x128xf32, #tpu.memory_space<vmem_shared>>)
    }
    %scan3A_96 = arith.constant 10 : i32
    %barrier3A = arith.constant 0 : index
    tpu.barrier barrier_id(%barrier3A)
    %scan3A_97 = arith.constant 0 : i32
    %scan3A_98 = arith.constant 0 : i32
    %scan3A_99 = arith.constant 5 : i32
    %scan3A_100 = arith.addi %scan3A_98, %scan3A_99 : i32
    %scan3A_101 = arith.constant 1 : i32
    scf.for %scan3A_108 = %scan3A_98 to %scan3A_100 step %scan3A_101  : i32 {
      %mul3A_109 = arith.constant 2 : i32
      %mul3A_110 = arith.muli %scan3A_108, %mul3A_109 : i32
      %add3A_111 = arith.constant 0 : i32
      %add3A_112 = arith.addi %mul3A_110, %add3A_111 : i32
      %add3A_113 = arith.constant 1 : i32
      %add3A_114 = arith.addi %add3A_112, %add3A_113 : i32
      %lt3A = arith.constant 10 : i32
      %lt3A_115 = arith.cmpi slt, %add3A_114, %lt3A : i32
      %convert_element_type3A = arith.extui %lt3A_115 : i1 to i32
      %cond3A = arith.constant 0 : i32
      %cond3A_116 = arith.cmpi ne, %convert_element_type3A, %cond3A : i32
      scf.if %cond3A_116 {
        %add3A_243 = arith.constant 1 : i32
        %add3A_244 = arith.addi %add3A_112, %add3A_243 : i32
        %mul3A_245 = arith.constant 8 : i32
        %mul3A_246 = arith.muli %add3A_244, %mul3A_245 : i32
        %dma_start3A_247 = arith.constant 1 : i32
        %dma_start3A_248 = arith.constant 0 : i32
        %dma_start3A_249 = arith.constant 0 : i32
        %dma_start3A_250 = tpu.memref_slice %arg7[%dma_start3A_247, %dma_start3A_248, %dma_start3A_249] : memref<2x8x128xi32, #tpu.memory_space<vmem>> -> memref<1x8x128xi32, #tpu.memory_space<vmem>>
        %dma_start3A_251 = tpu.memref_squeeze %dma_start3A_250 : memref<1x8x128xi32, #tpu.memory_space<vmem>> -> memref<8x128xi32, #tpu.memory_space<vmem>>
        %dma_start3A_252 = arith.constant 0 : i32
        %dma_start3A_253 = tpu.memref_slice %arg3[%add3A, %mul3A_246, %dma_start3A_252] : memref<32x80x128xi32, #tpu.memory_space<hbm>> -> memref<1x8x128xi32, #tpu.memory_space<hbm>>
        %dma_start3A_254 = tpu.memref_squeeze %dma_start3A_253 : memref<1x8x128xi32, #tpu.memory_space<hbm>> -> memref<8x128xi32, #tpu.memory_space<hbm>>
        %dma_start3A_255 = arith.constant 0 : i32
        %dma_start3A_256 = arith.constant 0 : i32
        %dma_start3A_257 = tpu.memref_slice %arg7[%dma_start3A_247, %dma_start3A_255, %dma_start3A_256] : memref<2x8x128xi32, #tpu.memory_space<vmem>> -> memref<1x8x128xi32, #tpu.memory_space<vmem>>
        %dma_start3A_258 = tpu.memref_squeeze %dma_start3A_257 : memref<1x8x128xi32, #tpu.memory_space<vmem>> -> memref<8x128xi32, #tpu.memory_space<vmem>>
        %dma_start3A_259 = arith.constant 0 : i32
        %dma_start3A_260 = tpu.memref_slice %arg3[%add3A, %mul3A_246, %dma_start3A_259] : memref<32x80x128xi32, #tpu.memory_space<hbm>> -> memref<1x8x128xi32, #tpu.memory_space<hbm>>
        %dma_start3A_261 = tpu.memref_squeeze %dma_start3A_260 : memref<1x8x128xi32, #tpu.memory_space<hbm>> -> memref<8x128xi32, #tpu.memory_space<hbm>>
        tpu.enqueue_dma source(%dma_start3A_261 : memref<8x128xi32, #tpu.memory_space<hbm>>) target(%dma_start3A_258 : memref<8x128xi32, #tpu.memory_space<vmem>>) target_semaphore(%arg14 : memref<!tpu.dma_semaphore, #tpu.memory_space<semaphore_mem>>)
        %mul3A_262 = arith.constant 8 : i32
        %mul3A_263 = arith.muli %add3A_244, %mul3A_262 : i32
        %dma_start3A_264 = arith.constant 1 : i32
        %dma_start3A_265 = arith.constant 0 : i32
        %dma_start3A_266 = arith.constant 0 : i32
        %dma_start3A_267 = tpu.memref_slice %arg8[%dma_start3A_264, %dma_start3A_265, %dma_start3A_266] : memref<2x8x128xi32, #tpu.memory_space<vmem>> -> memref<1x8x128xi32, #tpu.memory_space<vmem>>
        %dma_start3A_268 = tpu.memref_squeeze %dma_start3A_267 : memref<1x8x128xi32, #tpu.memory_space<vmem>> -> memref<8x128xi32, #tpu.memory_space<vmem>>
        %dma_start3A_269 = arith.constant 0 : i32
        %dma_start3A_270 = tpu.memref_slice %arg4[%add3A, %mul3A_263, %dma_start3A_269] : memref<32x80x128xi32, #tpu.memory_space<hbm>> -> memref<1x8x128xi32, #tpu.memory_space<hbm>>
        %dma_start3A_271 = tpu.memref_squeeze %dma_start3A_270 : memref<1x8x128xi32, #tpu.memory_space<hbm>> -> memref<8x128xi32, #tpu.memory_space<hbm>>
        %dma_start3A_272 = arith.constant 0 : i32
        %dma_start3A_273 = arith.constant 0 : i32
        %dma_start3A_274 = tpu.memref_slice %arg8[%dma_start3A_264, %dma_start3A_272, %dma_start3A_273] : memref<2x8x128xi32, #tpu.memory_space<vmem>> -> memref<1x8x128xi32, #tpu.memory_space<vmem>>
        %dma_start3A_275 = tpu.memref_squeeze %dma_start3A_274 : memref<1x8x128xi32, #tpu.memory_space<vmem>> -> memref<8x128xi32, #tpu.memory_space<vmem>>
        %dma_start3A_276 = arith.constant 0 : i32
        %dma_start3A_277 = tpu.memref_slice %arg4[%add3A, %mul3A_263, %dma_start3A_276] : memref<32x80x128xi32, #tpu.memory_space<hbm>> -> memref<1x8x128xi32, #tpu.memory_space<hbm>>
        %dma_start3A_278 = tpu.memref_squeeze %dma_start3A_277 : memref<1x8x128xi32, #tpu.memory_space<hbm>> -> memref<8x128xi32, #tpu.memory_space<hbm>>
        tpu.enqueue_dma source(%dma_start3A_278 : memref<8x128xi32, #tpu.memory_space<hbm>>) target(%dma_start3A_275 : memref<8x128xi32, #tpu.memory_space<vmem>>) target_semaphore(%arg14 : memref<!tpu.dma_semaphore, #tpu.memory_space<semaphore_mem>>)
      } else {
      }
      %scan3A_117 = arith.constant 0 : i32
      %scan3A_118 = arith.constant 0 : i32
      %scan3A_119 = arith.constant 3 : i32
      %scan3A_120 = arith.addi %scan3A_118, %scan3A_119 : i32
      %scan3A_121 = arith.constant 1 : i32
      scf.for %scan3A_243 = %scan3A_118 to %scan3A_120 step %scan3A_121  : i32 {
        %mul3A_244 = arith.constant 2 : i32
        %mul3A_245 = arith.muli %scan3A_243, %mul3A_244 : i32
        %add3A_246 = arith.constant 0 : i32
        %add3A_247 = arith.addi %mul3A_245, %add3A_246 : i32
        %add3A_248 = arith.constant 1 : i32
        %add3A_249 = arith.addi %add3A_247, %add3A_248 : i32
        %dma_start3A_250 = arith.constant 0 : i32
        %dma_start3A_251 = arith.constant 1 : i32
        %dma_start3A_252 = arith.constant 0 : i32
        %dma_start3A_253 = arith.constant 0 : i32
        %dma_start3A_254 = tpu.memref_slice %arg9[%dma_start3A_251, %dma_start3A_252, %dma_start3A_253] : memref<2x128x128xf32, #tpu.memory_space<vmem>> -> memref<1x128x128xf32, #tpu.memory_space<vmem>>
        %dma_start3A_255 = tpu.memref_squeeze %dma_start3A_254 : memref<1x128x128xf32, #tpu.memory_space<vmem>> -> memref<128x128xf32, #tpu.memory_space<vmem>>
        %dma_start3A_256 = arith.constant 0 : i32
        %dma_start3A_257 = tpu.memref_slice %arg7[%dma_start3A_250, %add3A_249, %dma_start3A_256] : memref<2x8x128xi32, #tpu.memory_space<vmem>> -> memref<1x1x128xi32, #tpu.memory_space<vmem>>
        %dma_start3A_258 = tpu.memref_squeeze %dma_start3A_257 : memref<1x1x128xi32, #tpu.memory_space<vmem>> -> memref<128xi32, #tpu.memory_space<vmem>>
        %dma_start3A_259 = arith.constant 0 : i32
        %dma_start3A_260 = arith.constant 0 : i32
        %dma_start3A_261 = tpu.memref_slice %arg2[%dma_start3A_259, %dma_start3A_260] : memref<10240x128xf32, #tpu.memory_space<hbm>> -> memref<10240x128xf32, #tpu.memory_space<hbm>>
        tpu.enqueue_indirect_dma source(%dma_start3A_261 : memref<10240x128xf32, #tpu.memory_space<hbm>>) target(%dma_start3A_255 : memref<128x128xf32, #tpu.memory_space<vmem>>) offsets(%dma_start3A_258 : memref<128xi32, #tpu.memory_space<vmem>>) semaphore(%arg12 : memref<!tpu.dma_semaphore, #tpu.memory_space<semaphore_mem>>)
        %dma_wait3A_262 = arith.constant 0 : i32
        %dma_wait3A_263 = arith.constant 0 : i32
        %dma_wait3A_264 = arith.constant 0 : i32
        %dma_wait3A_265 = arith.constant 0 : i32
        %dma_wait3A_266 = tpu.memref_slice %arg9[%dma_wait3A_263, %dma_wait3A_264, %dma_wait3A_265] : memref<2x128x128xf32, #tpu.memory_space<vmem>> -> memref<1x128x128xf32, #tpu.memory_space<vmem>>
        %dma_wait3A_267 = tpu.memref_squeeze %dma_wait3A_266 : memref<1x128x128xf32, #tpu.memory_space<vmem>> -> memref<128x128xf32, #tpu.memory_space<vmem>>
        %dma_wait3A_268 = arith.constant 0 : i32
        %dma_wait3A_269 = tpu.memref_slice %arg7[%dma_wait3A_262, %add3A_247, %dma_wait3A_268] : memref<2x8x128xi32, #tpu.memory_space<vmem>> -> memref<1x1x128xi32, #tpu.memory_space<vmem>>
        %dma_wait3A_270 = tpu.memref_squeeze %dma_wait3A_269 : memref<1x1x128xi32, #tpu.memory_space<vmem>> -> memref<128xi32, #tpu.memory_space<vmem>>
        %dma_wait3A_271 = arith.constant 0 : i32
        %dma_wait3A_272 = arith.constant 0 : i32
        %dma_wait3A_273 = tpu.memref_slice %arg2[%dma_wait3A_271, %dma_wait3A_272] : memref<10240x128xf32, #tpu.memory_space<hbm>> -> memref<10240x128xf32, #tpu.memory_space<hbm>>
        tpu.wait_indirect_dma semaphore(%arg11 : memref<!tpu.dma_semaphore, #tpu.memory_space<semaphore_mem>>) src(%dma_wait3A_273 : memref<10240x128xf32, #tpu.memory_space<hbm>>) dst(%dma_wait3A_267 : memref<128x128xf32, #tpu.memory_space<vmem>>)
        %run_scoped3A_274 = arith.constant 0 : i32
        %run_scoped3A_275 = arith.constant 0 : i32
        "tpu.region"() ({
          %run_scoped3A_308 = tpu.sem_alloc : memref<!tpu.dma_semaphore, #tpu.memory_space<semaphore_mem>>
          %dma_start3A_309 = arith.constant 0 : i32
          %dma_start3A_310 = arith.constant 0 : i32
          %dma_start3A_311 = tpu.memref_slice %arg9[%run_scoped3A_274, %dma_start3A_309, %dma_start3A_310] : memref<2x128x128xf32, #tpu.memory_space<vmem>> -> memref<1x128x128xf32, #tpu.memory_space<vmem>>
          %dma_start3A_312 = tpu.memref_squeeze %dma_start3A_311 : memref<1x128x128xf32, #tpu.memory_space<vmem>> -> memref<128x128xf32, #tpu.memory_space<vmem>>
          %dma_start3A_313 = arith.constant 0 : i32
          %dma_start3A_314 = tpu.memref_slice %arg8[%run_scoped3A_275, %add3A_247, %dma_start3A_313] : memref<2x8x128xi32, #tpu.memory_space<vmem>> -> memref<1x1x128xi32, #tpu.memory_space<vmem>>
          %dma_start3A_315 = tpu.memref_squeeze %dma_start3A_314 : memref<1x1x128xi32, #tpu.memory_space<vmem>> -> memref<128xi32, #tpu.memory_space<vmem>>
          %dma_start3A_316 = arith.constant 0 : i32
          %dma_start3A_317 = arith.constant 0 : i32
          %dma_start3A_318 = tpu.memref_slice %arg6[%dma_start3A_316, %dma_start3A_317] : memref<10240x128xf32, #tpu.memory_space<vmem_shared>> -> memref<10240x128xf32, #tpu.memory_space<vmem_shared>>
          tpu.enqueue_indirect_dma source(%dma_start3A_312 : memref<128x128xf32, #tpu.memory_space<vmem>>) target(%dma_start3A_318 : memref<10240x128xf32, #tpu.memory_space<vmem_shared>>) offsets(%dma_start3A_315 : memref<128xi32, #tpu.memory_space<vmem>>) semaphore(%run_scoped3A_308 : memref<!tpu.dma_semaphore, #tpu.memory_space<semaphore_mem>>) {add = true}
          %dma_wait3A_319 = arith.constant 0 : i32
          %dma_wait3A_320 = arith.constant 0 : i32
          %dma_wait3A_321 = tpu.memref_slice %arg9[%run_scoped3A_274, %dma_wait3A_319, %dma_wait3A_320] : memref<2x128x128xf32, #tpu.memory_space<vmem>> -> memref<1x128x128xf32, #tpu.memory_space<vmem>>
          %dma_wait3A_322 = tpu.memref_squeeze %dma_wait3A_321 : memref<1x128x128xf32, #tpu.memory_space<vmem>> -> memref<128x128xf32, #tpu.memory_space<vmem>>
          %dma_wait3A_323 = arith.constant 0 : i32
          %dma_wait3A_324 = tpu.memref_slice %arg8[%run_scoped3A_275, %add3A_247, %dma_wait3A_323] : memref<2x8x128xi32, #tpu.memory_space<vmem>> -> memref<1x1x128xi32, #tpu.memory_space<vmem>>
          %dma_wait3A_325 = tpu.memref_squeeze %dma_wait3A_324 : memref<1x1x128xi32, #tpu.memory_space<vmem>> -> memref<128xi32, #tpu.memory_space<vmem>>
          %dma_wait3A_326 = arith.constant 0 : i32
          %dma_wait3A_327 = arith.constant 0 : i32
          %dma_wait3A_328 = tpu.memref_slice %arg6[%dma_wait3A_326, %dma_wait3A_327] : memref<10240x128xf32, #tpu.memory_space<vmem_shared>> -> memref<10240x128xf32, #tpu.memory_space<vmem_shared>>
          tpu.wait_indirect_dma semaphore(%run_scoped3A_308 : memref<!tpu.dma_semaphore, #tpu.memory_space<semaphore_mem>>) src(%dma_wait3A_322 : memref<128x128xf32, #tpu.memory_space<vmem>>) dst(%dma_wait3A_328 : memref<10240x128xf32, #tpu.memory_space<vmem_shared>>)
          tpu.yield
        }) : () -> ()
        %mul3A_276 = arith.constant 2 : i32
        %mul3A_277 = arith.muli %scan3A_243, %mul3A_276 : i32
        %add3A_278 = arith.constant 1 : i32
        %add3A_279 = arith.addi %mul3A_277, %add3A_278 : i32
        %add3A_280 = arith.constant 1 : i32
        %add3A_281 = arith.addi %add3A_279, %add3A_280 : i32
        %dma_start3A_282 = arith.constant 0 : i32
        %dma_start3A_283 = arith.constant 0 : i32
        %dma_start3A_284 = arith.constant 0 : i32
        %dma_start3A_285 = arith.constant 0 : i32
        %dma_start3A_286 = tpu.memref_slice %arg9[%dma_start3A_283, %dma_start3A_284, %dma_start3A_285] : memref<2x128x128xf32, #tpu.memory_space<vmem>> -> memref<1x128x128xf32, #tpu.memory_space<vmem>>
        %dma_start3A_287 = tpu.memref_squeeze %dma_start3A_286 : memref<1x128x128xf32, #tpu.memory_space<vmem>> -> memref<128x128xf32, #tpu.memory_space<vmem>>
        %dma_start3A_288 = arith.constant 0 : i32
        %dma_start3A_289 = tpu.memref_slice %arg7[%dma_start3A_282, %add3A_281, %dma_start3A_288] : memref<2x8x128xi32, #tpu.memory_space<vmem>> -> memref<1x1x128xi32, #tpu.memory_space<vmem>>
        %dma_start3A_290 = tpu.memref_squeeze %dma_start3A_289 : memref<1x1x128xi32, #tpu.memory_space<vmem>> -> memref<128xi32, #tpu.memory_space<vmem>>
        %dma_start3A_291 = arith.constant 0 : i32
        %dma_start3A_292 = arith.constant 0 : i32
        %dma_start3A_293 = tpu.memref_slice %arg2[%dma_start3A_291, %dma_start3A_292] : memref<10240x128xf32, #tpu.memory_space<hbm>> -> memref<10240x128xf32, #tpu.memory_space<hbm>>
        tpu.enqueue_indirect_dma source(%dma_start3A_293 : memref<10240x128xf32, #tpu.memory_space<hbm>>) target(%dma_start3A_287 : memref<128x128xf32, #tpu.memory_space<vmem>>) offsets(%dma_start3A_290 : memref<128xi32, #tpu.memory_space<vmem>>) semaphore(%arg11 : memref<!tpu.dma_semaphore, #tpu.memory_space<semaphore_mem>>)
        %dma_wait3A_294 = arith.constant 0 : i32
        %dma_wait3A_295 = arith.constant 1 : i32
        %dma_wait3A_296 = arith.constant 0 : i32
        %dma_wait3A_297 = arith.constant 0 : i32
        %dma_wait3A_298 = tpu.memref_slice %arg9[%dma_wait3A_295, %dma_wait3A_296, %dma_wait3A_297] : memref<2x128x128xf32, #tpu.memory_space<vmem>> -> memref<1x128x128xf32, #tpu.memory_space<vmem>>
        %dma_wait3A_299 = tpu.memref_squeeze %dma_wait3A_298 : memref<1x128x128xf32, #tpu.memory_space<vmem>> -> memref<128x128xf32, #tpu.memory_space<vmem>>
        %dma_wait3A_300 = arith.constant 0 : i32
        %dma_wait3A_301 = tpu.memref_slice %arg7[%dma_wait3A_294, %add3A_279, %dma_wait3A_300] : memref<2x8x128xi32, #tpu.memory_space<vmem>> -> memref<1x1x128xi32, #tpu.memory_space<vmem>>
        %dma_wait3A_302 = tpu.memref_squeeze %dma_wait3A_301 : memref<1x1x128xi32, #tpu.memory_space<vmem>> -> memref<128xi32, #tpu.memory_space<vmem>>
        %dma_wait3A_303 = arith.constant 0 : i32
        %dma_wait3A_304 = arith.constant 0 : i32
        %dma_wait3A_305 = tpu.memref_slice %arg2[%dma_wait3A_303, %dma_wait3A_304] : memref<10240x128xf32, #tpu.memory_space<hbm>> -> memref<10240x128xf32, #tpu.memory_space<hbm>>
        tpu.wait_indirect_dma semaphore(%arg12 : memref<!tpu.dma_semaphore, #tpu.memory_space<semaphore_mem>>) src(%dma_wait3A_305 : memref<10240x128xf32, #tpu.memory_space<hbm>>) dst(%dma_wait3A_299 : memref<128x128xf32, #tpu.memory_space<vmem>>)
        %run_scoped3A_306 = arith.constant 1 : i32
        %run_scoped3A_307 = arith.constant 0 : i32
        "tpu.region"() ({
          %run_scoped3A_308 = tpu.sem_alloc : memref<!tpu.dma_semaphore, #tpu.memory_space<semaphore_mem>>
          %dma_start3A_309 = arith.constant 0 : i32
          %dma_start3A_310 = arith.constant 0 : i32
          %dma_start3A_311 = tpu.memref_slice %arg9[%run_scoped3A_306, %dma_start3A_309, %dma_start3A_310] : memref<2x128x128xf32, #tpu.memory_space<vmem>> -> memref<1x128x128xf32, #tpu.memory_space<vmem>>
          %dma_start3A_312 = tpu.memref_squeeze %dma_start3A_311 : memref<1x128x128xf32, #tpu.memory_space<vmem>> -> memref<128x128xf32, #tpu.memory_space<vmem>>
          %dma_start3A_313 = arith.constant 0 : i32
          %dma_start3A_314 = tpu.memref_slice %arg8[%run_scoped3A_307, %add3A_279, %dma_start3A_313] : memref<2x8x128xi32, #tpu.memory_space<vmem>> -> memref<1x1x128xi32, #tpu.memory_space<vmem>>
          %dma_start3A_315 = tpu.memref_squeeze %dma_start3A_314 : memref<1x1x128xi32, #tpu.memory_space<vmem>> -> memref<128xi32, #tpu.memory_space<vmem>>
          %dma_start3A_316 = arith.constant 0 : i32
          %dma_start3A_317 = arith.constant 0 : i32
          %dma_start3A_318 = tpu.memref_slice %arg6[%dma_start3A_316, %dma_start3A_317] : memref<10240x128xf32, #tpu.memory_space<vmem_shared>> -> memref<10240x128xf32, #tpu.memory_space<vmem_shared>>
          tpu.enqueue_indirect_dma source(%dma_start3A_312 : memref<128x128xf32, #tpu.memory_space<vmem>>) target(%dma_start3A_318 : memref<10240x128xf32, #tpu.memory_space<vmem_shared>>) offsets(%dma_start3A_315 : memref<128xi32, #tpu.memory_space<vmem>>) semaphore(%run_scoped3A_308 : memref<!tpu.dma_semaphore, #tpu.memory_space<semaphore_mem>>) {add = true}
          %dma_wait3A_319 = arith.constant 0 : i32
          %dma_wait3A_320 = arith.constant 0 : i32
          %dma_wait3A_321 = tpu.memref_slice %arg9[%run_scoped3A_306, %dma_wait3A_319, %dma_wait3A_320] : memref<2x128x128xf32, #tpu.memory_space<vmem>> -> memref<1x128x128xf32, #tpu.memory_space<vmem>>
          %dma_wait3A_322 = tpu.memref_squeeze %dma_wait3A_321 : memref<1x128x128xf32, #tpu.memory_space<vmem>> -> memref<128x128xf32, #tpu.memory_space<vmem>>
          %dma_wait3A_323 = arith.constant 0 : i32
          %dma_wait3A_324 = tpu.memref_slice %arg8[%run_scoped3A_307, %add3A_279, %dma_wait3A_323] : memref<2x8x128xi32, #tpu.memory_space<vmem>> -> memref<1x1x128xi32, #tpu.memory_space<vmem>>
          %dma_wait3A_325 = tpu.memref_squeeze %dma_wait3A_324 : memref<1x1x128xi32, #tpu.memory_space<vmem>> -> memref<128xi32, #tpu.memory_space<vmem>>
          %dma_wait3A_326 = arith.constant 0 : i32
          %dma_wait3A_327 = arith.constant 0 : i32
          %dma_wait3A_328 = tpu.memref_slice %arg6[%dma_wait3A_326, %dma_wait3A_327] : memref<10240x128xf32, #tpu.memory_space<vmem_shared>> -> memref<10240x128xf32, #tpu.memory_space<vmem_shared>>
          tpu.wait_indirect_dma semaphore(%run_scoped3A_308 : memref<!tpu.dma_semaphore, #tpu.memory_space<semaphore_mem>>) src(%dma_wait3A_322 : memref<128x128xf32, #tpu.memory_space<vmem>>) dst(%dma_wait3A_328 : memref<10240x128xf32, #tpu.memory_space<vmem_shared>>)
          tpu.yield
        }) : () -> ()
      }
      %scan3A_122 = arith.constant 3 : i32
      %dma_start3A_123 = arith.constant 0 : i32
      %dma_start3A_124 = arith.constant 7 : i32
      %dma_start3A_125 = arith.constant 1 : i32
      %dma_start3A_126 = arith.constant 0 : i32
      %dma_start3A_127 = arith.constant 0 : i32
      %dma_start3A_128 = tpu.memref_slice %arg9[%dma_start3A_125, %dma_start3A_126, %dma_start3A_127] : memref<2x128x128xf32, #tpu.memory_space<vmem>> -> memref<1x128x128xf32, #tpu.memory_space<vmem>>
      %dma_start3A_129 = tpu.memref_squeeze %dma_start3A_128 : memref<1x128x128xf32, #tpu.memory_space<vmem>> -> memref<128x128xf32, #tpu.memory_space<vmem>>
      %dma_start3A_130 = arith.constant 0 : i32
      %dma_start3A_131 = tpu.memref_slice %arg7[%dma_start3A_123, %dma_start3A_124, %dma_start3A_130] : memref<2x8x128xi32, #tpu.memory_space<vmem>> -> memref<1x1x128xi32, #tpu.memory_space<vmem>>
      %dma_start3A_132 = tpu.memref_squeeze %dma_start3A_131 : memref<1x1x128xi32, #tpu.memory_space<vmem>> -> memref<128xi32, #tpu.memory_space<vmem>>
      %dma_start3A_133 = arith.constant 0 : i32
      %dma_start3A_134 = arith.constant 0 : i32
      %dma_start3A_135 = tpu.memref_slice %arg2[%dma_start3A_133, %dma_start3A_134] : memref<10240x128xf32, #tpu.memory_space<hbm>> -> memref<10240x128xf32, #tpu.memory_space<hbm>>
      tpu.enqueue_indirect_dma source(%dma_start3A_135 : memref<10240x128xf32, #tpu.memory_space<hbm>>) target(%dma_start3A_129 : memref<128x128xf32, #tpu.memory_space<vmem>>) offsets(%dma_start3A_132 : memref<128xi32, #tpu.memory_space<vmem>>) semaphore(%arg12 : memref<!tpu.dma_semaphore, #tpu.memory_space<semaphore_mem>>)
      %dma_wait3A_136 = arith.constant 0 : i32
      %dma_wait3A_137 = arith.constant 6 : i32
      %dma_wait3A_138 = arith.constant 0 : i32
      %dma_wait3A_139 = arith.constant 0 : i32
      %dma_wait3A_140 = arith.constant 0 : i32
      %dma_wait3A_141 = tpu.memref_slice %arg9[%dma_wait3A_138, %dma_wait3A_139, %dma_wait3A_140] : memref<2x128x128xf32, #tpu.memory_space<vmem>> -> memref<1x128x128xf32, #tpu.memory_space<vmem>>
      %dma_wait3A_142 = tpu.memref_squeeze %dma_wait3A_141 : memref<1x128x128xf32, #tpu.memory_space<vmem>> -> memref<128x128xf32, #tpu.memory_space<vmem>>
      %dma_wait3A_143 = arith.constant 0 : i32
      %dma_wait3A_144 = tpu.memref_slice %arg7[%dma_wait3A_136, %dma_wait3A_137, %dma_wait3A_143] : memref<2x8x128xi32, #tpu.memory_space<vmem>> -> memref<1x1x128xi32, #tpu.memory_space<vmem>>
      %dma_wait3A_145 = tpu.memref_squeeze %dma_wait3A_144 : memref<1x1x128xi32, #tpu.memory_space<vmem>> -> memref<128xi32, #tpu.memory_space<vmem>>
      %dma_wait3A_146 = arith.constant 0 : i32
      %dma_wait3A_147 = arith.constant 0 : i32
      %dma_wait3A_148 = tpu.memref_slice %arg2[%dma_wait3A_146, %dma_wait3A_147] : memref<10240x128xf32, #tpu.memory_space<hbm>> -> memref<10240x128xf32, #tpu.memory_space<hbm>>
      tpu.wait_indirect_dma semaphore(%arg11 : memref<!tpu.dma_semaphore, #tpu.memory_space<semaphore_mem>>) src(%dma_wait3A_148 : memref<10240x128xf32, #tpu.memory_space<hbm>>) dst(%dma_wait3A_142 : memref<128x128xf32, #tpu.memory_space<vmem>>)
      %run_scoped3A = arith.constant 0 : i32
      %run_scoped3A_149 = arith.constant 0 : i32
      %run_scoped3A_150 = arith.constant 6 : i32
      "tpu.region"() ({
        %run_scoped3A_243 = tpu.sem_alloc : memref<!tpu.dma_semaphore, #tpu.memory_space<semaphore_mem>>
        %dma_start3A_244 = arith.constant 0 : i32
        %dma_start3A_245 = arith.constant 0 : i32
        %dma_start3A_246 = tpu.memref_slice %arg9[%run_scoped3A, %dma_start3A_244, %dma_start3A_245] : memref<2x128x128xf32, #tpu.memory_space<vmem>> -> memref<1x128x128xf32, #tpu.memory_space<vmem>>
        %dma_start3A_247 = tpu.memref_squeeze %dma_start3A_246 : memref<1x128x128xf32, #tpu.memory_space<vmem>> -> memref<128x128xf32, #tpu.memory_space<vmem>>
        %dma_start3A_248 = arith.constant 0 : i32
        %dma_start3A_249 = tpu.memref_slice %arg8[%run_scoped3A_149, %run_scoped3A_150, %dma_start3A_248] : memref<2x8x128xi32, #tpu.memory_space<vmem>> -> memref<1x1x128xi32, #tpu.memory_space<vmem>>
        %dma_start3A_250 = tpu.memref_squeeze %dma_start3A_249 : memref<1x1x128xi32, #tpu.memory_space<vmem>> -> memref<128xi32, #tpu.memory_space<vmem>>
        %dma_start3A_251 = arith.constant 0 : i32
        %dma_start3A_252 = arith.constant 0 : i32
        %dma_start3A_253 = tpu.memref_slice %arg6[%dma_start3A_251, %dma_start3A_252] : memref<10240x128xf32, #tpu.memory_space<vmem_shared>> -> memref<10240x128xf32, #tpu.memory_space<vmem_shared>>
        tpu.enqueue_indirect_dma source(%dma_start3A_247 : memref<128x128xf32, #tpu.memory_space<vmem>>) target(%dma_start3A_253 : memref<10240x128xf32, #tpu.memory_space<vmem_shared>>) offsets(%dma_start3A_250 : memref<128xi32, #tpu.memory_space<vmem>>) semaphore(%run_scoped3A_243 : memref<!tpu.dma_semaphore, #tpu.memory_space<semaphore_mem>>) {add = true}
        %dma_wait3A_254 = arith.constant 0 : i32
        %dma_wait3A_255 = arith.constant 0 : i32
        %dma_wait3A_256 = tpu.memref_slice %arg9[%run_scoped3A, %dma_wait3A_254, %dma_wait3A_255] : memref<2x128x128xf32, #tpu.memory_space<vmem>> -> memref<1x128x128xf32, #tpu.memory_space<vmem>>
        %dma_wait3A_257 = tpu.memref_squeeze %dma_wait3A_256 : memref<1x128x128xf32, #tpu.memory_space<vmem>> -> memref<128x128xf32, #tpu.memory_space<vmem>>
        %dma_wait3A_258 = arith.constant 0 : i32
        %dma_wait3A_259 = tpu.memref_slice %arg8[%run_scoped3A_149, %run_scoped3A_150, %dma_wait3A_258] : memref<2x8x128xi32, #tpu.memory_space<vmem>> -> memref<1x1x128xi32, #tpu.memory_space<vmem>>
        %dma_wait3A_260 = tpu.memref_squeeze %dma_wait3A_259 : memref<1x1x128xi32, #tpu.memory_space<vmem>> -> memref<128xi32, #tpu.memory_space<vmem>>
        %dma_wait3A_261 = arith.constant 0 : i32
        %dma_wait3A_262 = arith.constant 0 : i32
        %dma_wait3A_263 = tpu.memref_slice %arg6[%dma_wait3A_261, %dma_wait3A_262] : memref<10240x128xf32, #tpu.memory_space<vmem_shared>> -> memref<10240x128xf32, #tpu.memory_space<vmem_shared>>
        tpu.wait_indirect_dma semaphore(%run_scoped3A_243 : memref<!tpu.dma_semaphore, #tpu.memory_space<semaphore_mem>>) src(%dma_wait3A_257 : memref<128x128xf32, #tpu.memory_space<vmem>>) dst(%dma_wait3A_263 : memref<10240x128xf32, #tpu.memory_space<vmem_shared>>)
        tpu.yield
      }) : () -> ()
      %add3A_151 = arith.constant 1 : i32
      %add3A_152 = arith.addi %add3A_112, %add3A_151 : i32
      %lt3A_153 = arith.constant 10 : i32
      %lt3A_154 = arith.cmpi slt, %add3A_152, %lt3A_153 : i32
      %convert_element_type3A_155 = arith.extui %lt3A_154 : i1 to i32
      %cond3A_156 = arith.constant 0 : i32
      %cond3A_157 = arith.cmpi ne, %convert_element_type3A_155, %cond3A_156 : i32
      scf.if %cond3A_157 {
        %add3A_243 = arith.constant 1 : i32
        %add3A_244 = arith.addi %add3A_112, %add3A_243 : i32
        %mul3A_245 = arith.constant 8 : i32
        %mul3A_246 = arith.muli %add3A_244, %mul3A_245 : i32
        %dma_wait3A_247 = arith.constant 1 : i32
        %dma_wait3A_248 = arith.constant 0 : i32
        %dma_wait3A_249 = arith.constant 0 : i32
        %dma_wait3A_250 = tpu.memref_slice %arg7[%dma_wait3A_247, %dma_wait3A_248, %dma_wait3A_249] : memref<2x8x128xi32, #tpu.memory_space<vmem>> -> memref<1x8x128xi32, #tpu.memory_space<vmem>>
        %dma_wait3A_251 = tpu.memref_squeeze %dma_wait3A_250 : memref<1x8x128xi32, #tpu.memory_space<vmem>> -> memref<8x128xi32, #tpu.memory_space<vmem>>
        %dma_wait3A_252 = arith.constant 0 : i32
        %dma_wait3A_253 = tpu.memref_slice %arg3[%add3A, %mul3A_246, %dma_wait3A_252] : memref<32x80x128xi32, #tpu.memory_space<hbm>> -> memref<1x8x128xi32, #tpu.memory_space<hbm>>
        %dma_wait3A_254 = tpu.memref_squeeze %dma_wait3A_253 : memref<1x8x128xi32, #tpu.memory_space<hbm>> -> memref<8x128xi32, #tpu.memory_space<hbm>>
        %dma_wait3A_255 = arith.constant 0 : i32
        %dma_wait3A_256 = arith.constant 0 : i32
        %dma_wait3A_257 = tpu.memref_slice %arg7[%dma_wait3A_247, %dma_wait3A_255, %dma_wait3A_256] : memref<2x8x128xi32, #tpu.memory_space<vmem>> -> memref<1x8x128xi32, #tpu.memory_space<vmem>>
        %dma_wait3A_258 = tpu.memref_squeeze %dma_wait3A_257 : memref<1x8x128xi32, #tpu.memory_space<vmem>> -> memref<8x128xi32, #tpu.memory_space<vmem>>
        %dma_wait3A_259 = arith.constant 0 : i32
        %dma_wait3A_260 = tpu.memref_slice %arg3[%add3A, %mul3A_246, %dma_wait3A_259] : memref<32x80x128xi32, #tpu.memory_space<hbm>> -> memref<1x8x128xi32, #tpu.memory_space<hbm>>
        %dma_wait3A_261 = tpu.memref_squeeze %dma_wait3A_260 : memref<1x8x128xi32, #tpu.memory_space<hbm>> -> memref<8x128xi32, #tpu.memory_space<hbm>>
        tpu.wait_dma2 semaphore(%arg14 : memref<!tpu.dma_semaphore, #tpu.memory_space<semaphore_mem>>) src(%dma_wait3A_261 : memref<8x128xi32, #tpu.memory_space<hbm>>) dst(%dma_wait3A_258 : memref<8x128xi32, #tpu.memory_space<vmem>>)
        %mul3A_262 = arith.constant 8 : i32
        %mul3A_263 = arith.muli %add3A_244, %mul3A_262 : i32
        %dma_wait3A_264 = arith.constant 1 : i32
        %dma_wait3A_265 = arith.constant 0 : i32
        %dma_wait3A_266 = arith.constant 0 : i32
        %dma_wait3A_267 = tpu.memref_slice %arg8[%dma_wait3A_264, %dma_wait3A_265, %dma_wait3A_266] : memref<2x8x128xi32, #tpu.memory_space<vmem>> -> memref<1x8x128xi32, #tpu.memory_space<vmem>>
        %dma_wait3A_268 = tpu.memref_squeeze %dma_wait3A_267 : memref<1x8x128xi32, #tpu.memory_space<vmem>> -> memref<8x128xi32, #tpu.memory_space<vmem>>
        %dma_wait3A_269 = arith.constant 0 : i32
        %dma_wait3A_270 = tpu.memref_slice %arg4[%add3A, %mul3A_263, %dma_wait3A_269] : memref<32x80x128xi32, #tpu.memory_space<hbm>> -> memref<1x8x128xi32, #tpu.memory_space<hbm>>
        %dma_wait3A_271 = tpu.memref_squeeze %dma_wait3A_270 : memref<1x8x128xi32, #tpu.memory_space<hbm>> -> memref<8x128xi32, #tpu.memory_space<hbm>>
        %dma_wait3A_272 = arith.constant 0 : i32
        %dma_wait3A_273 = arith.constant 0 : i32
        %dma_wait3A_274 = tpu.memref_slice %arg8[%dma_wait3A_264, %dma_wait3A_272, %dma_wait3A_273] : memref<2x8x128xi32, #tpu.memory_space<vmem>> -> memref<1x8x128xi32, #tpu.memory_space<vmem>>
        %dma_wait3A_275 = tpu.memref_squeeze %dma_wait3A_274 : memref<1x8x128xi32, #tpu.memory_space<vmem>> -> memref<8x128xi32, #tpu.memory_space<vmem>>
        %dma_wait3A_276 = arith.constant 0 : i32
        %dma_wait3A_277 = tpu.memref_slice %arg4[%add3A, %mul3A_263, %dma_wait3A_276] : memref<32x80x128xi32, #tpu.memory_space<hbm>> -> memref<1x8x128xi32, #tpu.memory_space<hbm>>
        %dma_wait3A_278 = tpu.memref_squeeze %dma_wait3A_277 : memref<1x8x128xi32, #tpu.memory_space<hbm>> -> memref<8x128xi32, #tpu.memory_space<hbm>>
        tpu.wait_dma2 semaphore(%arg14 : memref<!tpu.dma_semaphore, #tpu.memory_space<semaphore_mem>>) src(%dma_wait3A_278 : memref<8x128xi32, #tpu.memory_space<hbm>>) dst(%dma_wait3A_275 : memref<8x128xi32, #tpu.memory_space<vmem>>)
        %dma_start3A_279 = arith.constant 1 : i32
        %dma_start3A_280 = arith.constant 0 : i32
        %dma_start3A_281 = arith.constant 0 : i32
        %dma_start3A_282 = arith.constant 0 : i32
        %dma_start3A_283 = arith.constant 0 : i32
        %dma_start3A_284 = tpu.memref_slice %arg9[%dma_start3A_281, %dma_start3A_282, %dma_start3A_283] : memref<2x128x128xf32, #tpu.memory_space<vmem>> -> memref<1x128x128xf32, #tpu.memory_space<vmem>>
        %dma_start3A_285 = tpu.memref_squeeze %dma_start3A_284 : memref<1x128x128xf32, #tpu.memory_space<vmem>> -> memref<128x128xf32, #tpu.memory_space<vmem>>
        %dma_start3A_286 = arith.constant 0 : i32
        %dma_start3A_287 = tpu.memref_slice %arg7[%dma_start3A_279, %dma_start3A_280, %dma_start3A_286] : memref<2x8x128xi32, #tpu.memory_space<vmem>> -> memref<1x1x128xi32, #tpu.memory_space<vmem>>
        %dma_start3A_288 = tpu.memref_squeeze %dma_start3A_287 : memref<1x1x128xi32, #tpu.memory_space<vmem>> -> memref<128xi32, #tpu.memory_space<vmem>>
        %dma_start3A_289 = arith.constant 0 : i32
        %dma_start3A_290 = arith.constant 0 : i32
        %dma_start3A_291 = tpu.memref_slice %arg2[%dma_start3A_289, %dma_start3A_290] : memref<10240x128xf32, #tpu.memory_space<hbm>> -> memref<10240x128xf32, #tpu.memory_space<hbm>>
        tpu.enqueue_indirect_dma source(%dma_start3A_291 : memref<10240x128xf32, #tpu.memory_space<hbm>>) target(%dma_start3A_285 : memref<128x128xf32, #tpu.memory_space<vmem>>) offsets(%dma_start3A_288 : memref<128xi32, #tpu.memory_space<vmem>>) semaphore(%arg11 : memref<!tpu.dma_semaphore, #tpu.memory_space<semaphore_mem>>)
      } else {
      }
      %dma_wait3A_158 = arith.constant 0 : i32
      %dma_wait3A_159 = arith.constant 7 : i32
      %dma_wait3A_160 = arith.constant 1 : i32
      %dma_wait3A_161 = arith.constant 0 : i32
      %dma_wait3A_162 = arith.constant 0 : i32
      %dma_wait3A_163 = tpu.memref_slice %arg9[%dma_wait3A_160, %dma_wait3A_161, %dma_wait3A_162] : memref<2x128x128xf32, #tpu.memory_space<vmem>> -> memref<1x128x128xf32, #tpu.memory_space<vmem>>
      %dma_wait3A_164 = tpu.memref_squeeze %dma_wait3A_163 : memref<1x128x128xf32, #tpu.memory_space<vmem>> -> memref<128x128xf32, #tpu.memory_space<vmem>>
      %dma_wait3A_165 = arith.constant 0 : i32
      %dma_wait3A_166 = tpu.memref_slice %arg7[%dma_wait3A_158, %dma_wait3A_159, %dma_wait3A_165] : memref<2x8x128xi32, #tpu.memory_space<vmem>> -> memref<1x1x128xi32, #tpu.memory_space<vmem>>
      %dma_wait3A_167 = tpu.memref_squeeze %dma_wait3A_166 : memref<1x1x128xi32, #tpu.memory_space<vmem>> -> memref<128xi32, #tpu.memory_space<vmem>>
      %dma_wait3A_168 = arith.constant 0 : i32
      %dma_wait3A_169 = arith.constant 0 : i32
      %dma_wait3A_170 = tpu.memref_slice %arg2[%dma_wait3A_168, %dma_wait3A_169] : memref<10240x128xf32, #tpu.memory_space<hbm>> -> memref<10240x128xf32, #tpu.memory_space<hbm>>
      tpu.wait_indirect_dma semaphore(%arg12 : memref<!tpu.dma_semaphore, #tpu.memory_space<semaphore_mem>>) src(%dma_wait3A_170 : memref<10240x128xf32, #tpu.memory_space<hbm>>) dst(%dma_wait3A_164 : memref<128x128xf32, #tpu.memory_space<vmem>>)
      %run_scoped3A_171 = arith.constant 1 : i32
      %run_scoped3A_172 = arith.constant 0 : i32
      %run_scoped3A_173 = arith.constant 7 : i32
      "tpu.region"() ({
        %run_scoped3A_243 = tpu.sem_alloc : memref<!tpu.dma_semaphore, #tpu.memory_space<semaphore_mem>>
        %dma_start3A_244 = arith.constant 0 : i32
        %dma_start3A_245 = arith.constant 0 : i32
        %dma_start3A_246 = tpu.memref_slice %arg9[%run_scoped3A_171, %dma_start3A_244, %dma_start3A_245] : memref<2x128x128xf32, #tpu.memory_space<vmem>> -> memref<1x128x128xf32, #tpu.memory_space<vmem>>
        %dma_start3A_247 = tpu.memref_squeeze %dma_start3A_246 : memref<1x128x128xf32, #tpu.memory_space<vmem>> -> memref<128x128xf32, #tpu.memory_space<vmem>>
        %dma_start3A_248 = arith.constant 0 : i32
        %dma_start3A_249 = tpu.memref_slice %arg8[%run_scoped3A_172, %run_scoped3A_173, %dma_start3A_248] : memref<2x8x128xi32, #tpu.memory_space<vmem>> -> memref<1x1x128xi32, #tpu.memory_space<vmem>>
        %dma_start3A_250 = tpu.memref_squeeze %dma_start3A_249 : memref<1x1x128xi32, #tpu.memory_space<vmem>> -> memref<128xi32, #tpu.memory_space<vmem>>
        %dma_start3A_251 = arith.constant 0 : i32
        %dma_start3A_252 = arith.constant 0 : i32
        %dma_start3A_253 = tpu.memref_slice %arg6[%dma_start3A_251, %dma_start3A_252] : memref<10240x128xf32, #tpu.memory_space<vmem_shared>> -> memref<10240x128xf32, #tpu.memory_space<vmem_shared>>
        tpu.enqueue_indirect_dma source(%dma_start3A_247 : memref<128x128xf32, #tpu.memory_space<vmem>>) target(%dma_start3A_253 : memref<10240x128xf32, #tpu.memory_space<vmem_shared>>) offsets(%dma_start3A_250 : memref<128xi32, #tpu.memory_space<vmem>>) semaphore(%run_scoped3A_243 : memref<!tpu.dma_semaphore, #tpu.memory_space<semaphore_mem>>) {add = true}
        %dma_wait3A_254 = arith.constant 0 : i32
        %dma_wait3A_255 = arith.constant 0 : i32
        %dma_wait3A_256 = tpu.memref_slice %arg9[%run_scoped3A_171, %dma_wait3A_254, %dma_wait3A_255] : memref<2x128x128xf32, #tpu.memory_space<vmem>> -> memref<1x128x128xf32, #tpu.memory_space<vmem>>
        %dma_wait3A_257 = tpu.memref_squeeze %dma_wait3A_256 : memref<1x128x128xf32, #tpu.memory_space<vmem>> -> memref<128x128xf32, #tpu.memory_space<vmem>>
        %dma_wait3A_258 = arith.constant 0 : i32
        %dma_wait3A_259 = tpu.memref_slice %arg8[%run_scoped3A_172, %run_scoped3A_173, %dma_wait3A_258] : memref<2x8x128xi32, #tpu.memory_space<vmem>> -> memref<1x1x128xi32, #tpu.memory_space<vmem>>
        %dma_wait3A_260 = tpu.memref_squeeze %dma_wait3A_259 : memref<1x1x128xi32, #tpu.memory_space<vmem>> -> memref<128xi32, #tpu.memory_space<vmem>>
        %dma_wait3A_261 = arith.constant 0 : i32
        %dma_wait3A_262 = arith.constant 0 : i32
        %dma_wait3A_263 = tpu.memref_slice %arg6[%dma_wait3A_261, %dma_wait3A_262] : memref<10240x128xf32, #tpu.memory_space<vmem_shared>> -> memref<10240x128xf32, #tpu.memory_space<vmem_shared>>
        tpu.wait_indirect_dma semaphore(%run_scoped3A_243 : memref<!tpu.dma_semaphore, #tpu.memory_space<semaphore_mem>>) src(%dma_wait3A_257 : memref<128x128xf32, #tpu.memory_space<vmem>>) dst(%dma_wait3A_263 : memref<10240x128xf32, #tpu.memory_space<vmem_shared>>)
        tpu.yield
      }) : () -> ()
      %mul3A_174 = arith.constant 2 : i32
      %mul3A_175 = arith.muli %scan3A_108, %mul3A_174 : i32
      %add3A_176 = arith.constant 1 : i32
      %add3A_177 = arith.addi %mul3A_175, %add3A_176 : i32
      %add3A_178 = arith.constant 1 : i32
      %add3A_179 = arith.addi %add3A_177, %add3A_178 : i32
      %lt3A_180 = arith.constant 10 : i32
      %lt3A_181 = arith.cmpi slt, %add3A_179, %lt3A_180 : i32
      %convert_element_type3A_182 = arith.extui %lt3A_181 : i1 to i32
      %cond3A_183 = arith.constant 0 : i32
      %cond3A_184 = arith.cmpi ne, %convert_element_type3A_182, %cond3A_183 : i32
      scf.if %cond3A_184 {
        %add3A_243 = arith.constant 1 : i32
        %add3A_244 = arith.addi %add3A_177, %add3A_243 : i32
        %mul3A_245 = arith.constant 8 : i32
        %mul3A_246 = arith.muli %add3A_244, %mul3A_245 : i32
        %dma_start3A_247 = arith.constant 0 : i32
        %dma_start3A_248 = arith.constant 0 : i32
        %dma_start3A_249 = arith.constant 0 : i32
        %dma_start3A_250 = tpu.memref_slice %arg7[%dma_start3A_247, %dma_start3A_248, %dma_start3A_249] : memref<2x8x128xi32, #tpu.memory_space<vmem>> -> memref<1x8x128xi32, #tpu.memory_space<vmem>>
        %dma_start3A_251 = tpu.memref_squeeze %dma_start3A_250 : memref<1x8x128xi32, #tpu.memory_space<vmem>> -> memref<8x128xi32, #tpu.memory_space<vmem>>
        %dma_start3A_252 = arith.constant 0 : i32
        %dma_start3A_253 = tpu.memref_slice %arg3[%add3A, %mul3A_246, %dma_start3A_252] : memref<32x80x128xi32, #tpu.memory_space<hbm>> -> memref<1x8x128xi32, #tpu.memory_space<hbm>>
        %dma_start3A_254 = tpu.memref_squeeze %dma_start3A_253 : memref<1x8x128xi32, #tpu.memory_space<hbm>> -> memref<8x128xi32, #tpu.memory_space<hbm>>
        %dma_start3A_255 = arith.constant 0 : i32
        %dma_start3A_256 = arith.constant 0 : i32
        %dma_start3A_257 = tpu.memref_slice %arg7[%dma_start3A_247, %dma_start3A_255, %dma_start3A_256] : memref<2x8x128xi32, #tpu.memory_space<vmem>> -> memref<1x8x128xi32, #tpu.memory_space<vmem>>
        %dma_start3A_258 = tpu.memref_squeeze %dma_start3A_257 : memref<1x8x128xi32, #tpu.memory_space<vmem>> -> memref<8x128xi32, #tpu.memory_space<vmem>>
        %dma_start3A_259 = arith.constant 0 : i32
        %dma_start3A_260 = tpu.memref_slice %arg3[%add3A, %mul3A_246, %dma_start3A_259] : memref<32x80x128xi32, #tpu.memory_space<hbm>> -> memref<1x8x128xi32, #tpu.memory_space<hbm>>
        %dma_start3A_261 = tpu.memref_squeeze %dma_start3A_260 : memref<1x8x128xi32, #tpu.memory_space<hbm>> -> memref<8x128xi32, #tpu.memory_space<hbm>>
        tpu.enqueue_dma source(%dma_start3A_261 : memref<8x128xi32, #tpu.memory_space<hbm>>) target(%dma_start3A_258 : memref<8x128xi32, #tpu.memory_space<vmem>>) target_semaphore(%arg13 : memref<!tpu.dma_semaphore, #tpu.memory_space<semaphore_mem>>)
        %mul3A_262 = arith.constant 8 : i32
        %mul3A_263 = arith.muli %add3A_244, %mul3A_262 : i32
        %dma_start3A_264 = arith.constant 0 : i32
        %dma_start3A_265 = arith.constant 0 : i32
        %dma_start3A_266 = arith.constant 0 : i32
        %dma_start3A_267 = tpu.memref_slice %arg8[%dma_start3A_264, %dma_start3A_265, %dma_start3A_266] : memref<2x8x128xi32, #tpu.memory_space<vmem>> -> memref<1x8x128xi32, #tpu.memory_space<vmem>>
        %dma_start3A_268 = tpu.memref_squeeze %dma_start3A_267 : memref<1x8x128xi32, #tpu.memory_space<vmem>> -> memref<8x128xi32, #tpu.memory_space<vmem>>
        %dma_start3A_269 = arith.constant 0 : i32
        %dma_start3A_270 = tpu.memref_slice %arg4[%add3A, %mul3A_263, %dma_start3A_269] : memref<32x80x128xi32, #tpu.memory_space<hbm>> -> memref<1x8x128xi32, #tpu.memory_space<hbm>>
        %dma_start3A_271 = tpu.memref_squeeze %dma_start3A_270 : memref<1x8x128xi32, #tpu.memory_space<hbm>> -> memref<8x128xi32, #tpu.memory_space<hbm>>
        %dma_start3A_272 = arith.constant 0 : i32
        %dma_start3A_273 = arith.constant 0 : i32
        %dma_start3A_274 = tpu.memref_slice %arg8[%dma_start3A_264, %dma_start3A_272, %dma_start3A_273] : memref<2x8x128xi32, #tpu.memory_space<vmem>> -> memref<1x8x128xi32, #tpu.memory_space<vmem>>
        %dma_start3A_275 = tpu.memref_squeeze %dma_start3A_274 : memref<1x8x128xi32, #tpu.memory_space<vmem>> -> memref<8x128xi32, #tpu.memory_space<vmem>>
        %dma_start3A_276 = arith.constant 0 : i32
        %dma_start3A_277 = tpu.memref_slice %arg4[%add3A, %mul3A_263, %dma_start3A_276] : memref<32x80x128xi32, #tpu.memory_space<hbm>> -> memref<1x8x128xi32, #tpu.memory_space<hbm>>
        %dma_start3A_278 = tpu.memref_squeeze %dma_start3A_277 : memref<1x8x128xi32, #tpu.memory_space<hbm>> -> memref<8x128xi32, #tpu.memory_space<hbm>>
        tpu.enqueue_dma source(%dma_start3A_278 : memref<8x128xi32, #tpu.memory_space<hbm>>) target(%dma_start3A_275 : memref<8x128xi32, #tpu.memory_space<vmem>>) target_semaphore(%arg13 : memref<!tpu.dma_semaphore, #tpu.memory_space<semaphore_mem>>)
      } else {
      }
      %scan3A_185 = arith.constant 0 : i32
      %scan3A_186 = arith.constant 0 : i32
      %scan3A_187 = arith.constant 3 : i32
      %scan3A_188 = arith.addi %scan3A_186, %scan3A_187 : i32
      %scan3A_189 = arith.constant 1 : i32
      scf.for %scan3A_243 = %scan3A_186 to %scan3A_188 step %scan3A_189  : i32 {
        %mul3A_244 = arith.constant 2 : i32
        %mul3A_245 = arith.muli %scan3A_243, %mul3A_244 : i32
        %add3A_246 = arith.constant 0 : i32
        %add3A_247 = arith.addi %mul3A_245, %add3A_246 : i32
        %add3A_248 = arith.constant 1 : i32
        %add3A_249 = arith.addi %add3A_247, %add3A_248 : i32
        %dma_start3A_250 = arith.constant 1 : i32
        %dma_start3A_251 = arith.constant 1 : i32
        %dma_start3A_252 = arith.constant 0 : i32
        %dma_start3A_253 = arith.constant 0 : i32
        %dma_start3A_254 = tpu.memref_slice %arg9[%dma_start3A_251, %dma_start3A_252, %dma_start3A_253] : memref<2x128x128xf32, #tpu.memory_space<vmem>> -> memref<1x128x128xf32, #tpu.memory_space<vmem>>
        %dma_start3A_255 = tpu.memref_squeeze %dma_start3A_254 : memref<1x128x128xf32, #tpu.memory_space<vmem>> -> memref<128x128xf32, #tpu.memory_space<vmem>>
        %dma_start3A_256 = arith.constant 0 : i32
        %dma_start3A_257 = tpu.memref_slice %arg7[%dma_start3A_250, %add3A_249, %dma_start3A_256] : memref<2x8x128xi32, #tpu.memory_space<vmem>> -> memref<1x1x128xi32, #tpu.memory_space<vmem>>
        %dma_start3A_258 = tpu.memref_squeeze %dma_start3A_257 : memref<1x1x128xi32, #tpu.memory_space<vmem>> -> memref<128xi32, #tpu.memory_space<vmem>>
        %dma_start3A_259 = arith.constant 0 : i32
        %dma_start3A_260 = arith.constant 0 : i32
        %dma_start3A_261 = tpu.memref_slice %arg2[%dma_start3A_259, %dma_start3A_260] : memref<10240x128xf32, #tpu.memory_space<hbm>> -> memref<10240x128xf32, #tpu.memory_space<hbm>>
        tpu.enqueue_indirect_dma source(%dma_start3A_261 : memref<10240x128xf32, #tpu.memory_space<hbm>>) target(%dma_start3A_255 : memref<128x128xf32, #tpu.memory_space<vmem>>) offsets(%dma_start3A_258 : memref<128xi32, #tpu.memory_space<vmem>>) semaphore(%arg12 : memref<!tpu.dma_semaphore, #tpu.memory_space<semaphore_mem>>)
        %dma_wait3A_262 = arith.constant 1 : i32
        %dma_wait3A_263 = arith.constant 0 : i32
        %dma_wait3A_264 = arith.constant 0 : i32
        %dma_wait3A_265 = arith.constant 0 : i32
        %dma_wait3A_266 = tpu.memref_slice %arg9[%dma_wait3A_263, %dma_wait3A_264, %dma_wait3A_265] : memref<2x128x128xf32, #tpu.memory_space<vmem>> -> memref<1x128x128xf32, #tpu.memory_space<vmem>>
        %dma_wait3A_267 = tpu.memref_squeeze %dma_wait3A_266 : memref<1x128x128xf32, #tpu.memory_space<vmem>> -> memref<128x128xf32, #tpu.memory_space<vmem>>
        %dma_wait3A_268 = arith.constant 0 : i32
        %dma_wait3A_269 = tpu.memref_slice %arg7[%dma_wait3A_262, %add3A_247, %dma_wait3A_268] : memref<2x8x128xi32, #tpu.memory_space<vmem>> -> memref<1x1x128xi32, #tpu.memory_space<vmem>>
        %dma_wait3A_270 = tpu.memref_squeeze %dma_wait3A_269 : memref<1x1x128xi32, #tpu.memory_space<vmem>> -> memref<128xi32, #tpu.memory_space<vmem>>
        %dma_wait3A_271 = arith.constant 0 : i32
        %dma_wait3A_272 = arith.constant 0 : i32
        %dma_wait3A_273 = tpu.memref_slice %arg2[%dma_wait3A_271, %dma_wait3A_272] : memref<10240x128xf32, #tpu.memory_space<hbm>> -> memref<10240x128xf32, #tpu.memory_space<hbm>>
        tpu.wait_indirect_dma semaphore(%arg11 : memref<!tpu.dma_semaphore, #tpu.memory_space<semaphore_mem>>) src(%dma_wait3A_273 : memref<10240x128xf32, #tpu.memory_space<hbm>>) dst(%dma_wait3A_267 : memref<128x128xf32, #tpu.memory_space<vmem>>)
        %run_scoped3A_274 = arith.constant 0 : i32
        %run_scoped3A_275 = arith.constant 1 : i32
        "tpu.region"() ({
          %run_scoped3A_308 = tpu.sem_alloc : memref<!tpu.dma_semaphore, #tpu.memory_space<semaphore_mem>>
          %dma_start3A_309 = arith.constant 0 : i32
          %dma_start3A_310 = arith.constant 0 : i32
          %dma_start3A_311 = tpu.memref_slice %arg9[%run_scoped3A_274, %dma_start3A_309, %dma_start3A_310] : memref<2x128x128xf32, #tpu.memory_space<vmem>> -> memref<1x128x128xf32, #tpu.memory_space<vmem>>
          %dma_start3A_312 = tpu.memref_squeeze %dma_start3A_311 : memref<1x128x128xf32, #tpu.memory_space<vmem>> -> memref<128x128xf32, #tpu.memory_space<vmem>>
          %dma_start3A_313 = arith.constant 0 : i32
          %dma_start3A_314 = tpu.memref_slice %arg8[%run_scoped3A_275, %add3A_247, %dma_start3A_313] : memref<2x8x128xi32, #tpu.memory_space<vmem>> -> memref<1x1x128xi32, #tpu.memory_space<vmem>>
          %dma_start3A_315 = tpu.memref_squeeze %dma_start3A_314 : memref<1x1x128xi32, #tpu.memory_space<vmem>> -> memref<128xi32, #tpu.memory_space<vmem>>
          %dma_start3A_316 = arith.constant 0 : i32
          %dma_start3A_317 = arith.constant 0 : i32
          %dma_start3A_318 = tpu.memref_slice %arg6[%dma_start3A_316, %dma_start3A_317] : memref<10240x128xf32, #tpu.memory_space<vmem_shared>> -> memref<10240x128xf32, #tpu.memory_space<vmem_shared>>
          tpu.enqueue_indirect_dma source(%dma_start3A_312 : memref<128x128xf32, #tpu.memory_space<vmem>>) target(%dma_start3A_318 : memref<10240x128xf32, #tpu.memory_space<vmem_shared>>) offsets(%dma_start3A_315 : memref<128xi32, #tpu.memory_space<vmem>>) semaphore(%run_scoped3A_308 : memref<!tpu.dma_semaphore, #tpu.memory_space<semaphore_mem>>) {add = true}
          %dma_wait3A_319 = arith.constant 0 : i32
          %dma_wait3A_320 = arith.constant 0 : i32
          %dma_wait3A_321 = tpu.memref_slice %arg9[%run_scoped3A_274, %dma_wait3A_319, %dma_wait3A_320] : memref<2x128x128xf32, #tpu.memory_space<vmem>> -> memref<1x128x128xf32, #tpu.memory_space<vmem>>
          %dma_wait3A_322 = tpu.memref_squeeze %dma_wait3A_321 : memref<1x128x128xf32, #tpu.memory_space<vmem>> -> memref<128x128xf32, #tpu.memory_space<vmem>>
          %dma_wait3A_323 = arith.constant 0 : i32
          %dma_wait3A_324 = tpu.memref_slice %arg8[%run_scoped3A_275, %add3A_247, %dma_wait3A_323] : memref<2x8x128xi32, #tpu.memory_space<vmem>> -> memref<1x1x128xi32, #tpu.memory_space<vmem>>
          %dma_wait3A_325 = tpu.memref_squeeze %dma_wait3A_324 : memref<1x1x128xi32, #tpu.memory_space<vmem>> -> memref<128xi32, #tpu.memory_space<vmem>>
          %dma_wait3A_326 = arith.constant 0 : i32
          %dma_wait3A_327 = arith.constant 0 : i32
          %dma_wait3A_328 = tpu.memref_slice %arg6[%dma_wait3A_326, %dma_wait3A_327] : memref<10240x128xf32, #tpu.memory_space<vmem_shared>> -> memref<10240x128xf32, #tpu.memory_space<vmem_shared>>
          tpu.wait_indirect_dma semaphore(%run_scoped3A_308 : memref<!tpu.dma_semaphore, #tpu.memory_space<semaphore_mem>>) src(%dma_wait3A_322 : memref<128x128xf32, #tpu.memory_space<vmem>>) dst(%dma_wait3A_328 : memref<10240x128xf32, #tpu.memory_space<vmem_shared>>)
          tpu.yield
        }) : () -> ()
        %mul3A_276 = arith.constant 2 : i32
        %mul3A_277 = arith.muli %scan3A_243, %mul3A_276 : i32
        %add3A_278 = arith.constant 1 : i32
        %add3A_279 = arith.addi %mul3A_277, %add3A_278 : i32
        %add3A_280 = arith.constant 1 : i32
        %add3A_281 = arith.addi %add3A_279, %add3A_280 : i32
        %dma_start3A_282 = arith.constant 1 : i32
        %dma_start3A_283 = arith.constant 0 : i32
        %dma_start3A_284 = arith.constant 0 : i32
        %dma_start3A_285 = arith.constant 0 : i32
        %dma_start3A_286 = tpu.memref_slice %arg9[%dma_start3A_283, %dma_start3A_284, %dma_start3A_285] : memref<2x128x128xf32, #tpu.memory_space<vmem>> -> memref<1x128x128xf32, #tpu.memory_space<vmem>>
        %dma_start3A_287 = tpu.memref_squeeze %dma_start3A_286 : memref<1x128x128xf32, #tpu.memory_space<vmem>> -> memref<128x128xf32, #tpu.memory_space<vmem>>
        %dma_start3A_288 = arith.constant 0 : i32
        %dma_start3A_289 = tpu.memref_slice %arg7[%dma_start3A_282, %add3A_281, %dma_start3A_288] : memref<2x8x128xi32, #tpu.memory_space<vmem>> -> memref<1x1x128xi32, #tpu.memory_space<vmem>>
        %dma_start3A_290 = tpu.memref_squeeze %dma_start3A_289 : memref<1x1x128xi32, #tpu.memory_space<vmem>> -> memref<128xi32, #tpu.memory_space<vmem>>
        %dma_start3A_291 = arith.constant 0 : i32
        %dma_start3A_292 = arith.constant 0 : i32
        %dma_start3A_293 = tpu.memref_slice %arg2[%dma_start3A_291, %dma_start3A_292] : memref<10240x128xf32, #tpu.memory_space<hbm>> -> memref<10240x128xf32, #tpu.memory_space<hbm>>
        tpu.enqueue_indirect_dma source(%dma_start3A_293 : memref<10240x128xf32, #tpu.memory_space<hbm>>) target(%dma_start3A_287 : memref<128x128xf32, #tpu.memory_space<vmem>>) offsets(%dma_start3A_290 : memref<128xi32, #tpu.memory_space<vmem>>) semaphore(%arg11 : memref<!tpu.dma_semaphore, #tpu.memory_space<semaphore_mem>>)
        %dma_wait3A_294 = arith.constant 1 : i32
        %dma_wait3A_295 = arith.constant 1 : i32
        %dma_wait3A_296 = arith.constant 0 : i32
        %dma_wait3A_297 = arith.constant 0 : i32
        %dma_wait3A_298 = tpu.memref_slice %arg9[%dma_wait3A_295, %dma_wait3A_296, %dma_wait3A_297] : memref<2x128x128xf32, #tpu.memory_space<vmem>> -> memref<1x128x128xf32, #tpu.memory_space<vmem>>
        %dma_wait3A_299 = tpu.memref_squeeze %dma_wait3A_298 : memref<1x128x128xf32, #tpu.memory_space<vmem>> -> memref<128x128xf32, #tpu.memory_space<vmem>>
        %dma_wait3A_300 = arith.constant 0 : i32
        %dma_wait3A_301 = tpu.memref_slice %arg7[%dma_wait3A_294, %add3A_279, %dma_wait3A_300] : memref<2x8x128xi32, #tpu.memory_space<vmem>> -> memref<1x1x128xi32, #tpu.memory_space<vmem>>
        %dma_wait3A_302 = tpu.memref_squeeze %dma_wait3A_301 : memref<1x1x128xi32, #tpu.memory_space<vmem>> -> memref<128xi32, #tpu.memory_space<vmem>>
        %dma_wait3A_303 = arith.constant 0 : i32
        %dma_wait3A_304 = arith.constant 0 : i32
        %dma_wait3A_305 = tpu.memref_slice %arg2[%dma_wait3A_303, %dma_wait3A_304] : memref<10240x128xf32, #tpu.memory_space<hbm>> -> memref<10240x128xf32, #tpu.memory_space<hbm>>
        tpu.wait_indirect_dma semaphore(%arg12 : memref<!tpu.dma_semaphore, #tpu.memory_space<semaphore_mem>>) src(%dma_wait3A_305 : memref<10240x128xf32, #tpu.memory_space<hbm>>) dst(%dma_wait3A_299 : memref<128x128xf32, #tpu.memory_space<vmem>>)
        %run_scoped3A_306 = arith.constant 1 : i32
        %run_scoped3A_307 = arith.constant 1 : i32
        "tpu.region"() ({
          %run_scoped3A_308 = tpu.sem_alloc : memref<!tpu.dma_semaphore, #tpu.memory_space<semaphore_mem>>
          %dma_start3A_309 = arith.constant 0 : i32
          %dma_start3A_310 = arith.constant 0 : i32
          %dma_start3A_311 = tpu.memref_slice %arg9[%run_scoped3A_306, %dma_start3A_309, %dma_start3A_310] : memref<2x128x128xf32, #tpu.memory_space<vmem>> -> memref<1x128x128xf32, #tpu.memory_space<vmem>>
          %dma_start3A_312 = tpu.memref_squeeze %dma_start3A_311 : memref<1x128x128xf32, #tpu.memory_space<vmem>> -> memref<128x128xf32, #tpu.memory_space<vmem>>
          %dma_start3A_313 = arith.constant 0 : i32
          %dma_start3A_314 = tpu.memref_slice %arg8[%run_scoped3A_307, %add3A_279, %dma_start3A_313] : memref<2x8x128xi32, #tpu.memory_space<vmem>> -> memref<1x1x128xi32, #tpu.memory_space<vmem>>
          %dma_start3A_315 = tpu.memref_squeeze %dma_start3A_314 : memref<1x1x128xi32, #tpu.memory_space<vmem>> -> memref<128xi32, #tpu.memory_space<vmem>>
          %dma_start3A_316 = arith.constant 0 : i32
          %dma_start3A_317 = arith.constant 0 : i32
          %dma_start3A_318 = tpu.memref_slice %arg6[%dma_start3A_316, %dma_start3A_317] : memref<10240x128xf32, #tpu.memory_space<vmem_shared>> -> memref<10240x128xf32, #tpu.memory_space<vmem_shared>>
          tpu.enqueue_indirect_dma source(%dma_start3A_312 : memref<128x128xf32, #tpu.memory_space<vmem>>) target(%dma_start3A_318 : memref<10240x128xf32, #tpu.memory_space<vmem_shared>>) offsets(%dma_start3A_315 : memref<128xi32, #tpu.memory_space<vmem>>) semaphore(%run_scoped3A_308 : memref<!tpu.dma_semaphore, #tpu.memory_space<semaphore_mem>>) {add = true}
          %dma_wait3A_319 = arith.constant 0 : i32
          %dma_wait3A_320 = arith.constant 0 : i32
          %dma_wait3A_321 = tpu.memref_slice %arg9[%run_scoped3A_306, %dma_wait3A_319, %dma_wait3A_320] : memref<2x128x128xf32, #tpu.memory_space<vmem>> -> memref<1x128x128xf32, #tpu.memory_space<vmem>>
          %dma_wait3A_322 = tpu.memref_squeeze %dma_wait3A_321 : memref<1x128x128xf32, #tpu.memory_space<vmem>> -> memref<128x128xf32, #tpu.memory_space<vmem>>
          %dma_wait3A_323 = arith.constant 0 : i32
          %dma_wait3A_324 = tpu.memref_slice %arg8[%run_scoped3A_307, %add3A_279, %dma_wait3A_323] : memref<2x8x128xi32, #tpu.memory_space<vmem>> -> memref<1x1x128xi32, #tpu.memory_space<vmem>>
          %dma_wait3A_325 = tpu.memref_squeeze %dma_wait3A_324 : memref<1x1x128xi32, #tpu.memory_space<vmem>> -> memref<128xi32, #tpu.memory_space<vmem>>
          %dma_wait3A_326 = arith.constant 0 : i32
          %dma_wait3A_327 = arith.constant 0 : i32
          %dma_wait3A_328 = tpu.memref_slice %arg6[%dma_wait3A_326, %dma_wait3A_327] : memref<10240x128xf32, #tpu.memory_space<vmem_shared>> -> memref<10240x128xf32, #tpu.memory_space<vmem_shared>>
          tpu.wait_indirect_dma semaphore(%run_scoped3A_308 : memref<!tpu.dma_semaphore, #tpu.memory_space<semaphore_mem>>) src(%dma_wait3A_322 : memref<128x128xf32, #tpu.memory_space<vmem>>) dst(%dma_wait3A_328 : memref<10240x128xf32, #tpu.memory_space<vmem_shared>>)
          tpu.yield
        }) : () -> ()
      }
      %scan3A_190 = arith.constant 3 : i32
      %dma_start3A_191 = arith.constant 1 : i32
      %dma_start3A_192 = arith.constant 7 : i32
      %dma_start3A_193 = arith.constant 1 : i32
      %dma_start3A_194 = arith.constant 0 : i32
      %dma_start3A_195 = arith.constant 0 : i32
      %dma_start3A_196 = tpu.memref_slice %arg9[%dma_start3A_193, %dma_start3A_194, %dma_start3A_195] : memref<2x128x128xf32, #tpu.memory_space<vmem>> -> memref<1x128x128xf32, #tpu.memory_space<vmem>>
      %dma_start3A_197 = tpu.memref_squeeze %dma_start3A_196 : memref<1x128x128xf32, #tpu.memory_space<vmem>> -> memref<128x128xf32, #tpu.memory_space<vmem>>
      %dma_start3A_198 = arith.constant 0 : i32
      %dma_start3A_199 = tpu.memref_slice %arg7[%dma_start3A_191, %dma_start3A_192, %dma_start3A_198] : memref<2x8x128xi32, #tpu.memory_space<vmem>> -> memref<1x1x128xi32, #tpu.memory_space<vmem>>
      %dma_start3A_200 = tpu.memref_squeeze %dma_start3A_199 : memref<1x1x128xi32, #tpu.memory_space<vmem>> -> memref<128xi32, #tpu.memory_space<vmem>>
      %dma_start3A_201 = arith.constant 0 : i32
      %dma_start3A_202 = arith.constant 0 : i32
      %dma_start3A_203 = tpu.memref_slice %arg2[%dma_start3A_201, %dma_start3A_202] : memref<10240x128xf32, #tpu.memory_space<hbm>> -> memref<10240x128xf32, #tpu.memory_space<hbm>>
      tpu.enqueue_indirect_dma source(%dma_start3A_203 : memref<10240x128xf32, #tpu.memory_space<hbm>>) target(%dma_start3A_197 : memref<128x128xf32, #tpu.memory_space<vmem>>) offsets(%dma_start3A_200 : memref<128xi32, #tpu.memory_space<vmem>>) semaphore(%arg12 : memref<!tpu.dma_semaphore, #tpu.memory_space<semaphore_mem>>)
      %dma_wait3A_204 = arith.constant 1 : i32
      %dma_wait3A_205 = arith.constant 6 : i32
      %dma_wait3A_206 = arith.constant 0 : i32
      %dma_wait3A_207 = arith.constant 0 : i32
      %dma_wait3A_208 = arith.constant 0 : i32
      %dma_wait3A_209 = tpu.memref_slice %arg9[%dma_wait3A_206, %dma_wait3A_207, %dma_wait3A_208] : memref<2x128x128xf32, #tpu.memory_space<vmem>> -> memref<1x128x128xf32, #tpu.memory_space<vmem>>
      %dma_wait3A_210 = tpu.memref_squeeze %dma_wait3A_209 : memref<1x128x128xf32, #tpu.memory_space<vmem>> -> memref<128x128xf32, #tpu.memory_space<vmem>>
      %dma_wait3A_211 = arith.constant 0 : i32
      %dma_wait3A_212 = tpu.memref_slice %arg7[%dma_wait3A_204, %dma_wait3A_205, %dma_wait3A_211] : memref<2x8x128xi32, #tpu.memory_space<vmem>> -> memref<1x1x128xi32, #tpu.memory_space<vmem>>
      %dma_wait3A_213 = tpu.memref_squeeze %dma_wait3A_212 : memref<1x1x128xi32, #tpu.memory_space<vmem>> -> memref<128xi32, #tpu.memory_space<vmem>>
      %dma_wait3A_214 = arith.constant 0 : i32
      %dma_wait3A_215 = arith.constant 0 : i32
      %dma_wait3A_216 = tpu.memref_slice %arg2[%dma_wait3A_214, %dma_wait3A_215] : memref<10240x128xf32, #tpu.memory_space<hbm>> -> memref<10240x128xf32, #tpu.memory_space<hbm>>
      tpu.wait_indirect_dma semaphore(%arg11 : memref<!tpu.dma_semaphore, #tpu.memory_space<semaphore_mem>>) src(%dma_wait3A_216 : memref<10240x128xf32, #tpu.memory_space<hbm>>) dst(%dma_wait3A_210 : memref<128x128xf32, #tpu.memory_space<vmem>>)
      %run_scoped3A_217 = arith.constant 0 : i32
      %run_scoped3A_218 = arith.constant 1 : i32
      %run_scoped3A_219 = arith.constant 6 : i32
      "tpu.region"() ({
        %run_scoped3A_243 = tpu.sem_alloc : memref<!tpu.dma_semaphore, #tpu.memory_space<semaphore_mem>>
        %dma_start3A_244 = arith.constant 0 : i32
        %dma_start3A_245 = arith.constant 0 : i32
        %dma_start3A_246 = tpu.memref_slice %arg9[%run_scoped3A_217, %dma_start3A_244, %dma_start3A_245] : memref<2x128x128xf32, #tpu.memory_space<vmem>> -> memref<1x128x128xf32, #tpu.memory_space<vmem>>
        %dma_start3A_247 = tpu.memref_squeeze %dma_start3A_246 : memref<1x128x128xf32, #tpu.memory_space<vmem>> -> memref<128x128xf32, #tpu.memory_space<vmem>>
        %dma_start3A_248 = arith.constant 0 : i32
        %dma_start3A_249 = tpu.memref_slice %arg8[%run_scoped3A_218, %run_scoped3A_219, %dma_start3A_248] : memref<2x8x128xi32, #tpu.memory_space<vmem>> -> memref<1x1x128xi32, #tpu.memory_space<vmem>>
        %dma_start3A_250 = tpu.memref_squeeze %dma_start3A_249 : memref<1x1x128xi32, #tpu.memory_space<vmem>> -> memref<128xi32, #tpu.memory_space<vmem>>
        %dma_start3A_251 = arith.constant 0 : i32
        %dma_start3A_252 = arith.constant 0 : i32
        %dma_start3A_253 = tpu.memref_slice %arg6[%dma_start3A_251, %dma_start3A_252] : memref<10240x128xf32, #tpu.memory_space<vmem_shared>> -> memref<10240x128xf32, #tpu.memory_space<vmem_shared>>
        tpu.enqueue_indirect_dma source(%dma_start3A_247 : memref<128x128xf32, #tpu.memory_space<vmem>>) target(%dma_start3A_253 : memref<10240x128xf32, #tpu.memory_space<vmem_shared>>) offsets(%dma_start3A_250 : memref<128xi32, #tpu.memory_space<vmem>>) semaphore(%run_scoped3A_243 : memref<!tpu.dma_semaphore, #tpu.memory_space<semaphore_mem>>) {add = true}
        %dma_wait3A_254 = arith.constant 0 : i32
        %dma_wait3A_255 = arith.constant 0 : i32
        %dma_wait3A_256 = tpu.memref_slice %arg9[%run_scoped3A_217, %dma_wait3A_254, %dma_wait3A_255] : memref<2x128x128xf32, #tpu.memory_space<vmem>> -> memref<1x128x128xf32, #tpu.memory_space<vmem>>
        %dma_wait3A_257 = tpu.memref_squeeze %dma_wait3A_256 : memref<1x128x128xf32, #tpu.memory_space<vmem>> -> memref<128x128xf32, #tpu.memory_space<vmem>>
        %dma_wait3A_258 = arith.constant 0 : i32
        %dma_wait3A_259 = tpu.memref_slice %arg8[%run_scoped3A_218, %run_scoped3A_219, %dma_wait3A_258] : memref<2x8x128xi32, #tpu.memory_space<vmem>> -> memref<1x1x128xi32, #tpu.memory_space<vmem>>
        %dma_wait3A_260 = tpu.memref_squeeze %dma_wait3A_259 : memref<1x1x128xi32, #tpu.memory_space<vmem>> -> memref<128xi32, #tpu.memory_space<vmem>>
        %dma_wait3A_261 = arith.constant 0 : i32
        %dma_wait3A_262 = arith.constant 0 : i32
        %dma_wait3A_263 = tpu.memref_slice %arg6[%dma_wait3A_261, %dma_wait3A_262] : memref<10240x128xf32, #tpu.memory_space<vmem_shared>> -> memref<10240x128xf32, #tpu.memory_space<vmem_shared>>
        tpu.wait_indirect_dma semaphore(%run_scoped3A_243 : memref<!tpu.dma_semaphore, #tpu.memory_space<semaphore_mem>>) src(%dma_wait3A_257 : memref<128x128xf32, #tpu.memory_space<vmem>>) dst(%dma_wait3A_263 : memref<10240x128xf32, #tpu.memory_space<vmem_shared>>)
        tpu.yield
      }) : () -> ()
      %add3A_220 = arith.constant 1 : i32
      %add3A_221 = arith.addi %add3A_177, %add3A_220 : i32
      %lt3A_222 = arith.constant 10 : i32
      %lt3A_223 = arith.cmpi slt, %add3A_221, %lt3A_222 : i32
      %convert_element_type3A_224 = arith.extui %lt3A_223 : i1 to i32
      %cond3A_225 = arith.constant 0 : i32
      %cond3A_226 = arith.cmpi ne, %convert_element_type3A_224, %cond3A_225 : i32
      scf.if %cond3A_226 {
        %add3A_243 = arith.constant 1 : i32
        %add3A_244 = arith.addi %add3A_177, %add3A_243 : i32
        %mul3A_245 = arith.constant 8 : i32
        %mul3A_246 = arith.muli %add3A_244, %mul3A_245 : i32
        %dma_wait3A_247 = arith.constant 0 : i32
        %dma_wait3A_248 = arith.constant 0 : i32
        %dma_wait3A_249 = arith.constant 0 : i32
        %dma_wait3A_250 = tpu.memref_slice %arg7[%dma_wait3A_247, %dma_wait3A_248, %dma_wait3A_249] : memref<2x8x128xi32, #tpu.memory_space<vmem>> -> memref<1x8x128xi32, #tpu.memory_space<vmem>>
        %dma_wait3A_251 = tpu.memref_squeeze %dma_wait3A_250 : memref<1x8x128xi32, #tpu.memory_space<vmem>> -> memref<8x128xi32, #tpu.memory_space<vmem>>
        %dma_wait3A_252 = arith.constant 0 : i32
        %dma_wait3A_253 = tpu.memref_slice %arg3[%add3A, %mul3A_246, %dma_wait3A_252] : memref<32x80x128xi32, #tpu.memory_space<hbm>> -> memref<1x8x128xi32, #tpu.memory_space<hbm>>
        %dma_wait3A_254 = tpu.memref_squeeze %dma_wait3A_253 : memref<1x8x128xi32, #tpu.memory_space<hbm>> -> memref<8x128xi32, #tpu.memory_space<hbm>>
        %dma_wait3A_255 = arith.constant 0 : i32
        %dma_wait3A_256 = arith.constant 0 : i32
        %dma_wait3A_257 = tpu.memref_slice %arg7[%dma_wait3A_247, %dma_wait3A_255, %dma_wait3A_256] : memref<2x8x128xi32, #tpu.memory_space<vmem>> -> memref<1x8x128xi32, #tpu.memory_space<vmem>>
        %dma_wait3A_258 = tpu.memref_squeeze %dma_wait3A_257 : memref<1x8x128xi32, #tpu.memory_space<vmem>> -> memref<8x128xi32, #tpu.memory_space<vmem>>
        %dma_wait3A_259 = arith.constant 0 : i32
        %dma_wait3A_260 = tpu.memref_slice %arg3[%add3A, %mul3A_246, %dma_wait3A_259] : memref<32x80x128xi32, #tpu.memory_space<hbm>> -> memref<1x8x128xi32, #tpu.memory_space<hbm>>
        %dma_wait3A_261 = tpu.memref_squeeze %dma_wait3A_260 : memref<1x8x128xi32, #tpu.memory_space<hbm>> -> memref<8x128xi32, #tpu.memory_space<hbm>>
        tpu.wait_dma2 semaphore(%arg13 : memref<!tpu.dma_semaphore, #tpu.memory_space<semaphore_mem>>) src(%dma_wait3A_261 : memref<8x128xi32, #tpu.memory_space<hbm>>) dst(%dma_wait3A_258 : memref<8x128xi32, #tpu.memory_space<vmem>>)
        %mul3A_262 = arith.constant 8 : i32
        %mul3A_263 = arith.muli %add3A_244, %mul3A_262 : i32
        %dma_wait3A_264 = arith.constant 0 : i32
        %dma_wait3A_265 = arith.constant 0 : i32
        %dma_wait3A_266 = arith.constant 0 : i32
        %dma_wait3A_267 = tpu.memref_slice %arg8[%dma_wait3A_264, %dma_wait3A_265, %dma_wait3A_266] : memref<2x8x128xi32, #tpu.memory_space<vmem>> -> memref<1x8x128xi32, #tpu.memory_space<vmem>>
        %dma_wait3A_268 = tpu.memref_squeeze %dma_wait3A_267 : memref<1x8x128xi32, #tpu.memory_space<vmem>> -> memref<8x128xi32, #tpu.memory_space<vmem>>
        %dma_wait3A_269 = arith.constant 0 : i32
        %dma_wait3A_270 = tpu.memref_slice %arg4[%add3A, %mul3A_263, %dma_wait3A_269] : memref<32x80x128xi32, #tpu.memory_space<hbm>> -> memref<1x8x128xi32, #tpu.memory_space<hbm>>
        %dma_wait3A_271 = tpu.memref_squeeze %dma_wait3A_270 : memref<1x8x128xi32, #tpu.memory_space<hbm>> -> memref<8x128xi32, #tpu.memory_space<hbm>>
        %dma_wait3A_272 = arith.constant 0 : i32
        %dma_wait3A_273 = arith.constant 0 : i32
        %dma_wait3A_274 = tpu.memref_slice %arg8[%dma_wait3A_264, %dma_wait3A_272, %dma_wait3A_273] : memref<2x8x128xi32, #tpu.memory_space<vmem>> -> memref<1x8x128xi32, #tpu.memory_space<vmem>>
        %dma_wait3A_275 = tpu.memref_squeeze %dma_wait3A_274 : memref<1x8x128xi32, #tpu.memory_space<vmem>> -> memref<8x128xi32, #tpu.memory_space<vmem>>
        %dma_wait3A_276 = arith.constant 0 : i32
        %dma_wait3A_277 = tpu.memref_slice %arg4[%add3A, %mul3A_263, %dma_wait3A_276] : memref<32x80x128xi32, #tpu.memory_space<hbm>> -> memref<1x8x128xi32, #tpu.memory_space<hbm>>
        %dma_wait3A_278 = tpu.memref_squeeze %dma_wait3A_277 : memref<1x8x128xi32, #tpu.memory_space<hbm>> -> memref<8x128xi32, #tpu.memory_space<hbm>>
        tpu.wait_dma2 semaphore(%arg13 : memref<!tpu.dma_semaphore, #tpu.memory_space<semaphore_mem>>) src(%dma_wait3A_278 : memref<8x128xi32, #tpu.memory_space<hbm>>) dst(%dma_wait3A_275 : memref<8x128xi32, #tpu.memory_space<vmem>>)
        %dma_start3A_279 = arith.constant 0 : i32
        %dma_start3A_280 = arith.constant 0 : i32
        %dma_start3A_281 = arith.constant 0 : i32
        %dma_start3A_282 = arith.constant 0 : i32
        %dma_start3A_283 = arith.constant 0 : i32
        %dma_start3A_284 = tpu.memref_slice %arg9[%dma_start3A_281, %dma_start3A_282, %dma_start3A_283] : memref<2x128x128xf32, #tpu.memory_space<vmem>> -> memref<1x128x128xf32, #tpu.memory_space<vmem>>
        %dma_start3A_285 = tpu.memref_squeeze %dma_start3A_284 : memref<1x128x128xf32, #tpu.memory_space<vmem>> -> memref<128x128xf32, #tpu.memory_space<vmem>>
        %dma_start3A_286 = arith.constant 0 : i32
        %dma_start3A_287 = tpu.memref_slice %arg7[%dma_start3A_279, %dma_start3A_280, %dma_start3A_286] : memref<2x8x128xi32, #tpu.memory_space<vmem>> -> memref<1x1x128xi32, #tpu.memory_space<vmem>>
        %dma_start3A_288 = tpu.memref_squeeze %dma_start3A_287 : memref<1x1x128xi32, #tpu.memory_space<vmem>> -> memref<128xi32, #tpu.memory_space<vmem>>
        %dma_start3A_289 = arith.constant 0 : i32
        %dma_start3A_290 = arith.constant 0 : i32
        %dma_start3A_291 = tpu.memref_slice %arg2[%dma_start3A_289, %dma_start3A_290] : memref<10240x128xf32, #tpu.memory_space<hbm>> -> memref<10240x128xf32, #tpu.memory_space<hbm>>
        tpu.enqueue_indirect_dma source(%dma_start3A_291 : memref<10240x128xf32, #tpu.memory_space<hbm>>) target(%dma_start3A_285 : memref<128x128xf32, #tpu.memory_space<vmem>>) offsets(%dma_start3A_288 : memref<128xi32, #tpu.memory_space<vmem>>) semaphore(%arg11 : memref<!tpu.dma_semaphore, #tpu.memory_space<semaphore_mem>>)
      } else {
      }
      %dma_wait3A_227 = arith.constant 1 : i32
      %dma_wait3A_228 = arith.constant 7 : i32
      %dma_wait3A_229 = arith.constant 1 : i32
      %dma_wait3A_230 = arith.constant 0 : i32
      %dma_wait3A_231 = arith.constant 0 : i32
      %dma_wait3A_232 = tpu.memref_slice %arg9[%dma_wait3A_229, %dma_wait3A_230, %dma_wait3A_231] : memref<2x128x128xf32, #tpu.memory_space<vmem>> -> memref<1x128x128xf32, #tpu.memory_space<vmem>>
      %dma_wait3A_233 = tpu.memref_squeeze %dma_wait3A_232 : memref<1x128x128xf32, #tpu.memory_space<vmem>> -> memref<128x128xf32, #tpu.memory_space<vmem>>
      %dma_wait3A_234 = arith.constant 0 : i32
      %dma_wait3A_235 = tpu.memref_slice %arg7[%dma_wait3A_227, %dma_wait3A_228, %dma_wait3A_234] : memref<2x8x128xi32, #tpu.memory_space<vmem>> -> memref<1x1x128xi32, #tpu.memory_space<vmem>>
      %dma_wait3A_236 = tpu.memref_squeeze %dma_wait3A_235 : memref<1x1x128xi32, #tpu.memory_space<vmem>> -> memref<128xi32, #tpu.memory_space<vmem>>
      %dma_wait3A_237 = arith.constant 0 : i32
      %dma_wait3A_238 = arith.constant 0 : i32
      %dma_wait3A_239 = tpu.memref_slice %arg2[%dma_wait3A_237, %dma_wait3A_238] : memref<10240x128xf32, #tpu.memory_space<hbm>> -> memref<10240x128xf32, #tpu.memory_space<hbm>>
      tpu.wait_indirect_dma semaphore(%arg12 : memref<!tpu.dma_semaphore, #tpu.memory_space<semaphore_mem>>) src(%dma_wait3A_239 : memref<10240x128xf32, #tpu.memory_space<hbm>>) dst(%dma_wait3A_233 : memref<128x128xf32, #tpu.memory_space<vmem>>)
      %run_scoped3A_240 = arith.constant 1 : i32
      %run_scoped3A_241 = arith.constant 1 : i32
      %run_scoped3A_242 = arith.constant 7 : i32
      "tpu.region"() ({
        %run_scoped3A_243 = tpu.sem_alloc : memref<!tpu.dma_semaphore, #tpu.memory_space<semaphore_mem>>
        %dma_start3A_244 = arith.constant 0 : i32
        %dma_start3A_245 = arith.constant 0 : i32
        %dma_start3A_246 = tpu.memref_slice %arg9[%run_scoped3A_240, %dma_start3A_244, %dma_start3A_245] : memref<2x128x128xf32, #tpu.memory_space<vmem>> -> memref<1x128x128xf32, #tpu.memory_space<vmem>>
        %dma_start3A_247 = tpu.memref_squeeze %dma_start3A_246 : memref<1x128x128xf32, #tpu.memory_space<vmem>> -> memref<128x128xf32, #tpu.memory_space<vmem>>
        %dma_start3A_248 = arith.constant 0 : i32
        %dma_start3A_249 = tpu.memref_slice %arg8[%run_scoped3A_241, %run_scoped3A_242, %dma_start3A_248] : memref<2x8x128xi32, #tpu.memory_space<vmem>> -> memref<1x1x128xi32, #tpu.memory_space<vmem>>
        %dma_start3A_250 = tpu.memref_squeeze %dma_start3A_249 : memref<1x1x128xi32, #tpu.memory_space<vmem>> -> memref<128xi32, #tpu.memory_space<vmem>>
        %dma_start3A_251 = arith.constant 0 : i32
        %dma_start3A_252 = arith.constant 0 : i32
        %dma_start3A_253 = tpu.memref_slice %arg6[%dma_start3A_251, %dma_start3A_252] : memref<10240x128xf32, #tpu.memory_space<vmem_shared>> -> memref<10240x128xf32, #tpu.memory_space<vmem_shared>>
        tpu.enqueue_indirect_dma source(%dma_start3A_247 : memref<128x128xf32, #tpu.memory_space<vmem>>) target(%dma_start3A_253 : memref<10240x128xf32, #tpu.memory_space<vmem_shared>>) offsets(%dma_start3A_250 : memref<128xi32, #tpu.memory_space<vmem>>) semaphore(%run_scoped3A_243 : memref<!tpu.dma_semaphore, #tpu.memory_space<semaphore_mem>>) {add = true}
        %dma_wait3A_254 = arith.constant 0 : i32
        %dma_wait3A_255 = arith.constant 0 : i32
        %dma_wait3A_256 = tpu.memref_slice %arg9[%run_scoped3A_240, %dma_wait3A_254, %dma_wait3A_255] : memref<2x128x128xf32, #tpu.memory_space<vmem>> -> memref<1x128x128xf32, #tpu.memory_space<vmem>>
        %dma_wait3A_257 = tpu.memref_squeeze %dma_wait3A_256 : memref<1x128x128xf32, #tpu.memory_space<vmem>> -> memref<128x128xf32, #tpu.memory_space<vmem>>
        %dma_wait3A_258 = arith.constant 0 : i32
        %dma_wait3A_259 = tpu.memref_slice %arg8[%run_scoped3A_241, %run_scoped3A_242, %dma_wait3A_258] : memref<2x8x128xi32, #tpu.memory_space<vmem>> -> memref<1x1x128xi32, #tpu.memory_space<vmem>>
        %dma_wait3A_260 = tpu.memref_squeeze %dma_wait3A_259 : memref<1x1x128xi32, #tpu.memory_space<vmem>> -> memref<128xi32, #tpu.memory_space<vmem>>
        %dma_wait3A_261 = arith.constant 0 : i32
        %dma_wait3A_262 = arith.constant 0 : i32
        %dma_wait3A_263 = tpu.memref_slice %arg6[%dma_wait3A_261, %dma_wait3A_262] : memref<10240x128xf32, #tpu.memory_space<vmem_shared>> -> memref<10240x128xf32, #tpu.memory_space<vmem_shared>>
        tpu.wait_indirect_dma semaphore(%run_scoped3A_243 : memref<!tpu.dma_semaphore, #tpu.memory_space<semaphore_mem>>) src(%dma_wait3A_257 : memref<128x128xf32, #tpu.memory_space<vmem>>) dst(%dma_wait3A_263 : memref<10240x128xf32, #tpu.memory_space<vmem_shared>>)
        tpu.yield
      }) : () -> ()
    }
    %scan3A_102 = arith.constant 5 : i32
    %barrier3A_103 = arith.constant 0 : index
    tpu.barrier barrier_id(%barrier3A_103)
    %mul3A_104 = arith.constant 640 : i32
    %mul3A_105 = arith.muli %arg1, %mul3A_104 : i32
    %mul3A_106 = arith.constant 640 : i32
    %mul3A_107 = arith.muli %arg1, %mul3A_106 : i32
    "tpu.region"() ({
      %run_scoped3A = tpu.sem_alloc : memref<!tpu.dma_semaphore, #tpu.memory_space<semaphore_mem>>
      %dma_start3A_108 = arith.constant 0 : i32
      %dma_start3A_109 = tpu.memref_slice %arg5[%arg0, %mul3A_107, %dma_start3A_108] : memref<2x10240x128xf32, #tpu.memory_space<hbm>> -> memref<1x640x128xf32, #tpu.memory_space<hbm>>
      %dma_start3A_110 = tpu.memref_squeeze %dma_start3A_109 : memref<1x640x128xf32, #tpu.memory_space<hbm>> -> memref<640x128xf32, #tpu.memory_space<hbm>>
      %dma_start3A_111 = arith.constant 0 : i32
      %dma_start3A_112 = tpu.memref_slice %arg6[%mul3A_105, %dma_start3A_111] : memref<10240x128xf32, #tpu.memory_space<vmem_shared>> -> memref<640x128xf32, #tpu.memory_space<vmem_shared>>
      tpu.enqueue_dma source(%dma_start3A_112 : memref<640x128xf32, #tpu.memory_space<vmem_shared>>) target(%dma_start3A_110 : memref<640x128xf32, #tpu.memory_space<hbm>>) target_semaphore(%run_scoped3A : memref<!tpu.dma_semaphore, #tpu.memory_space<semaphore_mem>>)
      %dma_wait3A_113 = arith.constant 0 : i32
      %dma_wait3A_114 = tpu.memref_slice %arg5[%arg0, %mul3A_107, %dma_wait3A_113] : memref<2x10240x128xf32, #tpu.memory_space<hbm>> -> memref<1x640x128xf32, #tpu.memory_space<hbm>>
      %dma_wait3A_115 = tpu.memref_squeeze %dma_wait3A_114 : memref<1x640x128xf32, #tpu.memory_space<hbm>> -> memref<640x128xf32, #tpu.memory_space<hbm>>
      %dma_wait3A_116 = arith.constant 0 : i32
      %dma_wait3A_117 = tpu.memref_slice %arg6[%mul3A_105, %dma_wait3A_116] : memref<10240x128xf32, #tpu.memory_space<vmem_shared>> -> memref<640x128xf32, #tpu.memory_space<vmem_shared>>
      tpu.wait_dma2 semaphore(%run_scoped3A : memref<!tpu.dma_semaphore, #tpu.memory_space<semaphore_mem>>) src(%dma_wait3A_117 : memref<640x128xf32, #tpu.memory_space<vmem_shared>>) dst(%dma_wait3A_115 : memref<640x128xf32, #tpu.memory_space<hbm>>)
      tpu.yield
    }) : () -> ()
    return
  }
}

#map = affine_map<(d0, d1) -> (0, 0)>
#map1 = affine_map<(d0, d1) -> (0, 0, 0)>
module attributes {stable_mosaic.version = 14 : i64} {
  func.func @_agg_body(%arg0: i32, %arg1: i32, %arg2: memref<10240x128xf32, #tpu.memory_space<hbm>>, %arg3: memref<32x80x128xi32, #tpu.memory_space<hbm>>, %arg4: memref<32x80x128xi32, #tpu.memory_space<hbm>>, %arg5: memref<2x10240x128xf32, #tpu.memory_space<hbm>>, %arg6: memref<10240x128xf32, #tpu.memory_space<vmem_shared>>, %arg7: memref<2x8x128xi32, #tpu.memory_space<vmem>>, %arg8: memref<2x8x128xi32, #tpu.memory_space<vmem>>, %arg9: memref<2x128x128xf32, #tpu.memory_space<vmem>>, %arg10: memref<64x128xf32, #tpu.memory_space<vmem>>, %arg11: memref<!tpu.dma_semaphore, #tpu.memory_space<semaphore_mem>>, %arg12: memref<!tpu.dma_semaphore, #tpu.memory_space<semaphore_mem>>, %arg13: memref<!tpu.dma_semaphore, #tpu.memory_space<semaphore_mem>>, %arg14: memref<!tpu.dma_semaphore, #tpu.memory_space<semaphore_mem>>, %arg15: memref<!tpu.dma_semaphore, #tpu.memory_space<semaphore_mem>>) attributes {dimension_semantics = [#tpu.dimension_semantics<core_parallel>, #tpu.dimension_semantics<subcore_parallel>], iteration_bounds = array<i64: 2, 16>, scalar_prefetch = 0 : i64, scratch_operands = 10 : i64, tpu.core_type = #tpu.core_type<sc_vector_subcore>, window_params = [{transform_indices = #map}, {transform_indices = #map1}, {transform_indices = #map1}, {transform_indices = #map1}]} {
    %mul3A = arith.constant 2 : i32
    %mul3A_0 = arith.muli %arg1, %mul3A : i32
    %add3A = arith.addi %mul3A_0, %arg0 : i32
    %dma_start3A = arith.constant 0 : i32
    %dma_start3A_1 = arith.constant 0 : i32
    %dma_start3A_2 = arith.constant 0 : i32
    %dma_start3A_3 = tpu.memref_slice %arg7[%dma_start3A, %dma_start3A_1, %dma_start3A_2] : memref<2x8x128xi32, #tpu.memory_space<vmem>> -> memref<1x8x128xi32, #tpu.memory_space<vmem>>
    %dma_start3A_4 = tpu.memref_squeeze %dma_start3A_3 : memref<1x8x128xi32, #tpu.memory_space<vmem>> -> memref<8x128xi32, #tpu.memory_space<vmem>>
    %dma_start3A_5 = arith.constant 0 : i32
    %dma_start3A_6 = arith.constant 0 : i32
    %dma_start3A_7 = tpu.memref_slice %arg3[%add3A, %dma_start3A_5, %dma_start3A_6] : memref<32x80x128xi32, #tpu.memory_space<hbm>> -> memref<1x8x128xi32, #tpu.memory_space<hbm>>
    %dma_start3A_8 = tpu.memref_squeeze %dma_start3A_7 : memref<1x8x128xi32, #tpu.memory_space<hbm>> -> memref<8x128xi32, #tpu.memory_space<hbm>>
    %dma_start3A_9 = arith.constant 0 : i32
    %dma_start3A_10 = arith.constant 0 : i32
    %dma_start3A_11 = tpu.memref_slice %arg7[%dma_start3A, %dma_start3A_9, %dma_start3A_10] : memref<2x8x128xi32, #tpu.memory_space<vmem>> -> memref<1x8x128xi32, #tpu.memory_space<vmem>>
    %dma_start3A_12 = tpu.memref_squeeze %dma_start3A_11 : memref<1x8x128xi32, #tpu.memory_space<vmem>> -> memref<8x128xi32, #tpu.memory_space<vmem>>
    %dma_start3A_13 = arith.constant 0 : i32
    %dma_start3A_14 = arith.constant 0 : i32
    %dma_start3A_15 = tpu.memref_slice %arg3[%add3A, %dma_start3A_13, %dma_start3A_14] : memref<32x80x128xi32, #tpu.memory_space<hbm>> -> memref<1x8x128xi32, #tpu.memory_space<hbm>>
    %dma_start3A_16 = tpu.memref_squeeze %dma_start3A_15 : memref<1x8x128xi32, #tpu.memory_space<hbm>> -> memref<8x128xi32, #tpu.memory_space<hbm>>
    tpu.enqueue_dma source(%dma_start3A_16 : memref<8x128xi32, #tpu.memory_space<hbm>>) target(%dma_start3A_12 : memref<8x128xi32, #tpu.memory_space<vmem>>) target_semaphore(%arg13 : memref<!tpu.dma_semaphore, #tpu.memory_space<semaphore_mem>>)
    %dma_start3A_17 = arith.constant 0 : i32
    %dma_start3A_18 = arith.constant 0 : i32
    %dma_start3A_19 = arith.constant 0 : i32
    %dma_start3A_20 = tpu.memref_slice %arg8[%dma_start3A_17, %dma_start3A_18, %dma_start3A_19] : memref<2x8x128xi32, #tpu.memory_space<vmem>> -> memref<1x8x128xi32, #tpu.memory_space<vmem>>
    %dma_start3A_21 = tpu.memref_squeeze %dma_start3A_20 : memref<1x8x128xi32, #tpu.memory_space<vmem>> -> memref<8x128xi32, #tpu.memory_space<vmem>>
    %dma_start3A_22 = arith.constant 0 : i32
    %dma_start3A_23 = arith.constant 0 : i32
    %dma_start3A_24 = tpu.memref_slice %arg4[%add3A, %dma_start3A_22, %dma_start3A_23] : memref<32x80x128xi32, #tpu.memory_space<hbm>> -> memref<1x8x128xi32, #tpu.memory_space<hbm>>
    %dma_start3A_25 = tpu.memref_squeeze %dma_start3A_24 : memref<1x8x128xi32, #tpu.memory_space<hbm>> -> memref<8x128xi32, #tpu.memory_space<hbm>>
    %dma_start3A_26 = arith.constant 0 : i32
    %dma_start3A_27 = arith.constant 0 : i32
    %dma_start3A_28 = tpu.memref_slice %arg8[%dma_start3A_17, %dma_start3A_26, %dma_start3A_27] : memref<2x8x128xi32, #tpu.memory_space<vmem>> -> memref<1x8x128xi32, #tpu.memory_space<vmem>>
    %dma_start3A_29 = tpu.memref_squeeze %dma_start3A_28 : memref<1x8x128xi32, #tpu.memory_space<vmem>> -> memref<8x128xi32, #tpu.memory_space<vmem>>
    %dma_start3A_30 = arith.constant 0 : i32
    %dma_start3A_31 = arith.constant 0 : i32
    %dma_start3A_32 = tpu.memref_slice %arg4[%add3A, %dma_start3A_30, %dma_start3A_31] : memref<32x80x128xi32, #tpu.memory_space<hbm>> -> memref<1x8x128xi32, #tpu.memory_space<hbm>>
    %dma_start3A_33 = tpu.memref_squeeze %dma_start3A_32 : memref<1x8x128xi32, #tpu.memory_space<hbm>> -> memref<8x128xi32, #tpu.memory_space<hbm>>
    tpu.enqueue_dma source(%dma_start3A_33 : memref<8x128xi32, #tpu.memory_space<hbm>>) target(%dma_start3A_29 : memref<8x128xi32, #tpu.memory_space<vmem>>) target_semaphore(%arg13 : memref<!tpu.dma_semaphore, #tpu.memory_space<semaphore_mem>>)
    %scan3A = arith.constant 0 : i32
    %scan3A_34 = arith.constant 0 : i32
    %scan3A_35 = arith.constant 64 : i32
    %scan3A_36 = arith.addi %scan3A_34, %scan3A_35 : i32
    %scan3A_37 = arith.constant 1 : i32
    scf.for %scan3A_108 = %scan3A_34 to %scan3A_36 step %scan3A_37  : i32 {
      %broadcast_in_dim3A = arith.constant 0.000000e+00 : f32
      %broadcast_in_dim3A_109 = vector.broadcast %broadcast_in_dim3A : f32 to vector<16xf32>
      %swap3A = arith.index_cast %scan3A_108 : i32 to index
      %swap3A_110 = arith.constant 0 : index
      %swap3A_111 = tpu.vector_load %arg10[%swap3A, %swap3A_110] {strides = array<i32>} : memref<64x128xf32, #tpu.memory_space<vmem>>, vector<1x16xf32>,
      %swap3A_112 = vector.shape_cast %swap3A_111 : vector<1x16xf32> to vector<16xf32>
      %swap3A_113 = vector.shape_cast %broadcast_in_dim3A_109 : vector<16xf32> to vector<1x16xf32>
      tpu.vector_store %arg10[%swap3A, %swap3A_110], %swap3A_113 {strides = array<i32>} : memref<64x128xf32, #tpu.memory_space<vmem>>, vector<1x16xf32>,
      %broadcast_in_dim3A_114 = arith.constant 0.000000e+00 : f32
      %broadcast_in_dim3A_115 = vector.broadcast %broadcast_in_dim3A_114 : f32 to vector<16xf32>
      %swap3A_116 = arith.index_cast %scan3A_108 : i32 to index
      %swap3A_117 = arith.constant 16 : index
      %swap3A_118 = tpu.vector_load %arg10[%swap3A_116, %swap3A_117] {strides = array<i32>} : memref<64x128xf32, #tpu.memory_space<vmem>>, vector<1x16xf32>,
      %swap3A_119 = vector.shape_cast %swap3A_118 : vector<1x16xf32> to vector<16xf32>
      %swap3A_120 = vector.shape_cast %broadcast_in_dim3A_115 : vector<16xf32> to vector<1x16xf32>
      tpu.vector_store %arg10[%swap3A_116, %swap3A_117], %swap3A_120 {strides = array<i32>} : memref<64x128xf32, #tpu.memory_space<vmem>>, vector<1x16xf32>,
      %broadcast_in_dim3A_121 = arith.constant 0.000000e+00 : f32
      %broadcast_in_dim3A_122 = vector.broadcast %broadcast_in_dim3A_121 : f32 to vector<16xf32>
      %swap3A_123 = arith.index_cast %scan3A_108 : i32 to index
      %swap3A_124 = arith.constant 32 : index
      %swap3A_125 = tpu.vector_load %arg10[%swap3A_123, %swap3A_124] {strides = array<i32>} : memref<64x128xf32, #tpu.memory_space<vmem>>, vector<1x16xf32>,
      %swap3A_126 = vector.shape_cast %swap3A_125 : vector<1x16xf32> to vector<16xf32>
      %swap3A_127 = vector.shape_cast %broadcast_in_dim3A_122 : vector<16xf32> to vector<1x16xf32>
      tpu.vector_store %arg10[%swap3A_123, %swap3A_124], %swap3A_127 {strides = array<i32>} : memref<64x128xf32, #tpu.memory_space<vmem>>, vector<1x16xf32>,
      %broadcast_in_dim3A_128 = arith.constant 0.000000e+00 : f32
      %broadcast_in_dim3A_129 = vector.broadcast %broadcast_in_dim3A_128 : f32 to vector<16xf32>
      %swap3A_130 = arith.index_cast %scan3A_108 : i32 to index
      %swap3A_131 = arith.constant 48 : index
      %swap3A_132 = tpu.vector_load %arg10[%swap3A_130, %swap3A_131] {strides = array<i32>} : memref<64x128xf32, #tpu.memory_space<vmem>>, vector<1x16xf32>,
      %swap3A_133 = vector.shape_cast %swap3A_132 : vector<1x16xf32> to vector<16xf32>
      %swap3A_134 = vector.shape_cast %broadcast_in_dim3A_129 : vector<16xf32> to vector<1x16xf32>
      tpu.vector_store %arg10[%swap3A_130, %swap3A_131], %swap3A_134 {strides = array<i32>} : memref<64x128xf32, #tpu.memory_space<vmem>>, vector<1x16xf32>,
      %broadcast_in_dim3A_135 = arith.constant 0.000000e+00 : f32
      %broadcast_in_dim3A_136 = vector.broadcast %broadcast_in_dim3A_135 : f32 to vector<16xf32>
      %swap3A_137 = arith.index_cast %scan3A_108 : i32 to index
      %swap3A_138 = arith.constant 64 : index
      %swap3A_139 = tpu.vector_load %arg10[%swap3A_137, %swap3A_138] {strides = array<i32>} : memref<64x128xf32, #tpu.memory_space<vmem>>, vector<1x16xf32>,
      %swap3A_140 = vector.shape_cast %swap3A_139 : vector<1x16xf32> to vector<16xf32>
      %swap3A_141 = vector.shape_cast %broadcast_in_dim3A_136 : vector<16xf32> to vector<1x16xf32>
      tpu.vector_store %arg10[%swap3A_137, %swap3A_138], %swap3A_141 {strides = array<i32>} : memref<64x128xf32, #tpu.memory_space<vmem>>, vector<1x16xf32>,
      %broadcast_in_dim3A_142 = arith.constant 0.000000e+00 : f32
      %broadcast_in_dim3A_143 = vector.broadcast %broadcast_in_dim3A_142 : f32 to vector<16xf32>
      %swap3A_144 = arith.index_cast %scan3A_108 : i32 to index
      %swap3A_145 = arith.constant 80 : index
      %swap3A_146 = tpu.vector_load %arg10[%swap3A_144, %swap3A_145] {strides = array<i32>} : memref<64x128xf32, #tpu.memory_space<vmem>>, vector<1x16xf32>,
      %swap3A_147 = vector.shape_cast %swap3A_146 : vector<1x16xf32> to vector<16xf32>
      %swap3A_148 = vector.shape_cast %broadcast_in_dim3A_143 : vector<16xf32> to vector<1x16xf32>
      tpu.vector_store %arg10[%swap3A_144, %swap3A_145], %swap3A_148 {strides = array<i32>} : memref<64x128xf32, #tpu.memory_space<vmem>>, vector<1x16xf32>,
      %broadcast_in_dim3A_149 = arith.constant 0.000000e+00 : f32
      %broadcast_in_dim3A_150 = vector.broadcast %broadcast_in_dim3A_149 : f32 to vector<16xf32>
      %swap3A_151 = arith.index_cast %scan3A_108 : i32 to index
      %swap3A_152 = arith.constant 96 : index
      %swap3A_153 = tpu.vector_load %arg10[%swap3A_151, %swap3A_152] {strides = array<i32>} : memref<64x128xf32, #tpu.memory_space<vmem>>, vector<1x16xf32>,
      %swap3A_154 = vector.shape_cast %swap3A_153 : vector<1x16xf32> to vector<16xf32>
      %swap3A_155 = vector.shape_cast %broadcast_in_dim3A_150 : vector<16xf32> to vector<1x16xf32>
      tpu.vector_store %arg10[%swap3A_151, %swap3A_152], %swap3A_155 {strides = array<i32>} : memref<64x128xf32, #tpu.memory_space<vmem>>, vector<1x16xf32>,
      %broadcast_in_dim3A_156 = arith.constant 0.000000e+00 : f32
      %broadcast_in_dim3A_157 = vector.broadcast %broadcast_in_dim3A_156 : f32 to vector<16xf32>
      %swap3A_158 = arith.index_cast %scan3A_108 : i32 to index
      %swap3A_159 = arith.constant 112 : index
      %swap3A_160 = tpu.vector_load %arg10[%swap3A_158, %swap3A_159] {strides = array<i32>} : memref<64x128xf32, #tpu.memory_space<vmem>>, vector<1x16xf32>,
      %swap3A_161 = vector.shape_cast %swap3A_160 : vector<1x16xf32> to vector<16xf32>
      %swap3A_162 = vector.shape_cast %broadcast_in_dim3A_157 : vector<16xf32> to vector<1x16xf32>
      tpu.vector_store %arg10[%swap3A_158, %swap3A_159], %swap3A_162 {strides = array<i32>} : memref<64x128xf32, #tpu.memory_space<vmem>>, vector<1x16xf32>,
    }
    %scan3A_38 = arith.constant 64 : i32
    %scan3A_39 = arith.constant 0 : i32
    %scan3A_40 = arith.constant 0 : i32
    %scan3A_41 = arith.constant 10 : i32
    %scan3A_42 = arith.addi %scan3A_40, %scan3A_41 : i32
    %scan3A_43 = arith.constant 1 : i32
    scf.for %scan3A_108 = %scan3A_40 to %scan3A_42 step %scan3A_43  : i32 {
      %mul3A_109 = arith.constant 640 : i32
      %mul3A_110 = arith.muli %arg1, %mul3A_109 : i32
      %mul3A_111 = arith.constant 64 : i32
      %mul3A_112 = arith.muli %scan3A_108, %mul3A_111 : i32
      %add3A_113 = arith.addi %mul3A_110, %mul3A_112 : i32
      %dma_start3A_114 = arith.constant 0 : i32
      %dma_start3A_115 = tpu.memref_slice %arg6[%add3A_113, %dma_start3A_114] : memref<10240x128xf32, #tpu.memory_space<vmem_shared>> -> memref<64x128xf32, #tpu.memory_space<vmem_shared>>
      %dma_start3A_116 = arith.constant 0 : i32
      %dma_start3A_117 = tpu.memref_slice %arg6[%add3A_113, %dma_start3A_116] : memref<10240x128xf32, #tpu.memory_space<vmem_shared>> -> memref<64x128xf32, #tpu.memory_space<vmem_shared>>
      tpu.enqueue_dma source(%arg10 : memref<64x128xf32, #tpu.memory_space<vmem>>) target(%dma_start3A_117 : memref<64x128xf32, #tpu.memory_space<vmem_shared>>) target_semaphore(%arg15 : memref<!tpu.dma_semaphore, #tpu.memory_space<semaphore_mem>>)
    }
    %scan3A_44 = arith.constant 10 : i32
    %dma_wait3A = arith.constant 0 : i32
    %dma_wait3A_45 = arith.constant 0 : i32
    %dma_wait3A_46 = arith.constant 0 : i32
    %dma_wait3A_47 = tpu.memref_slice %arg7[%dma_wait3A, %dma_wait3A_45, %dma_wait3A_46] : memref<2x8x128xi32, #tpu.memory_space<vmem>> -> memref<1x8x128xi32, #tpu.memory_space<vmem>>
    %dma_wait3A_48 = tpu.memref_squeeze %dma_wait3A_47 : memref<1x8x128xi32, #tpu.memory_space<vmem>> -> memref<8x128xi32, #tpu.memory_space<vmem>>
    %dma_wait3A_49 = arith.constant 0 : i32
    %dma_wait3A_50 = arith.constant 0 : i32
    %dma_wait3A_51 = tpu.memref_slice %arg3[%add3A, %dma_wait3A_49, %dma_wait3A_50] : memref<32x80x128xi32, #tpu.memory_space<hbm>> -> memref<1x8x128xi32, #tpu.memory_space<hbm>>
    %dma_wait3A_52 = tpu.memref_squeeze %dma_wait3A_51 : memref<1x8x128xi32, #tpu.memory_space<hbm>> -> memref<8x128xi32, #tpu.memory_space<hbm>>
    %dma_wait3A_53 = arith.constant 0 : i32
    %dma_wait3A_54 = arith.constant 0 : i32
    %dma_wait3A_55 = tpu.memref_slice %arg7[%dma_wait3A, %dma_wait3A_53, %dma_wait3A_54] : memref<2x8x128xi32, #tpu.memory_space<vmem>> -> memref<1x8x128xi32, #tpu.memory_space<vmem>>
    %dma_wait3A_56 = tpu.memref_squeeze %dma_wait3A_55 : memref<1x8x128xi32, #tpu.memory_space<vmem>> -> memref<8x128xi32, #tpu.memory_space<vmem>>
    %dma_wait3A_57 = arith.constant 0 : i32
    %dma_wait3A_58 = arith.constant 0 : i32
    %dma_wait3A_59 = tpu.memref_slice %arg3[%add3A, %dma_wait3A_57, %dma_wait3A_58] : memref<32x80x128xi32, #tpu.memory_space<hbm>> -> memref<1x8x128xi32, #tpu.memory_space<hbm>>
    %dma_wait3A_60 = tpu.memref_squeeze %dma_wait3A_59 : memref<1x8x128xi32, #tpu.memory_space<hbm>> -> memref<8x128xi32, #tpu.memory_space<hbm>>
    tpu.wait_dma2 semaphore(%arg13 : memref<!tpu.dma_semaphore, #tpu.memory_space<semaphore_mem>>) src(%dma_wait3A_60 : memref<8x128xi32, #tpu.memory_space<hbm>>) dst(%dma_wait3A_56 : memref<8x128xi32, #tpu.memory_space<vmem>>)
    %dma_wait3A_61 = arith.constant 0 : i32
    %dma_wait3A_62 = arith.constant 0 : i32
    %dma_wait3A_63 = arith.constant 0 : i32
    %dma_wait3A_64 = tpu.memref_slice %arg8[%dma_wait3A_61, %dma_wait3A_62, %dma_wait3A_63] : memref<2x8x128xi32, #tpu.memory_space<vmem>> -> memref<1x8x128xi32, #tpu.memory_space<vmem>>
    %dma_wait3A_65 = tpu.memref_squeeze %dma_wait3A_64 : memref<1x8x128xi32, #tpu.memory_space<vmem>> -> memref<8x128xi32, #tpu.memory_space<vmem>>
    %dma_wait3A_66 = arith.constant 0 : i32
    %dma_wait3A_67 = arith.constant 0 : i32
    %dma_wait3A_68 = tpu.memref_slice %arg4[%add3A, %dma_wait3A_66, %dma_wait3A_67] : memref<32x80x128xi32, #tpu.memory_space<hbm>> -> memref<1x8x128xi32, #tpu.memory_space<hbm>>
    %dma_wait3A_69 = tpu.memref_squeeze %dma_wait3A_68 : memref<1x8x128xi32, #tpu.memory_space<hbm>> -> memref<8x128xi32, #tpu.memory_space<hbm>>
    %dma_wait3A_70 = arith.constant 0 : i32
    %dma_wait3A_71 = arith.constant 0 : i32
    %dma_wait3A_72 = tpu.memref_slice %arg8[%dma_wait3A_61, %dma_wait3A_70, %dma_wait3A_71] : memref<2x8x128xi32, #tpu.memory_space<vmem>> -> memref<1x8x128xi32, #tpu.memory_space<vmem>>
    %dma_wait3A_73 = tpu.memref_squeeze %dma_wait3A_72 : memref<1x8x128xi32, #tpu.memory_space<vmem>> -> memref<8x128xi32, #tpu.memory_space<vmem>>
    %dma_wait3A_74 = arith.constant 0 : i32
    %dma_wait3A_75 = arith.constant 0 : i32
    %dma_wait3A_76 = tpu.memref_slice %arg4[%add3A, %dma_wait3A_74, %dma_wait3A_75] : memref<32x80x128xi32, #tpu.memory_space<hbm>> -> memref<1x8x128xi32, #tpu.memory_space<hbm>>
    %dma_wait3A_77 = tpu.memref_squeeze %dma_wait3A_76 : memref<1x8x128xi32, #tpu.memory_space<hbm>> -> memref<8x128xi32, #tpu.memory_space<hbm>>
    tpu.wait_dma2 semaphore(%arg13 : memref<!tpu.dma_semaphore, #tpu.memory_space<semaphore_mem>>) src(%dma_wait3A_77 : memref<8x128xi32, #tpu.memory_space<hbm>>) dst(%dma_wait3A_73 : memref<8x128xi32, #tpu.memory_space<vmem>>)
    %dma_start3A_78 = arith.constant 0 : i32
    %dma_start3A_79 = arith.constant 0 : i32
    %dma_start3A_80 = arith.constant 0 : i32
    %dma_start3A_81 = arith.constant 0 : i32
    %dma_start3A_82 = arith.constant 0 : i32
    %dma_start3A_83 = tpu.memref_slice %arg9[%dma_start3A_80, %dma_start3A_81, %dma_start3A_82] : memref<2x128x128xf32, #tpu.memory_space<vmem>> -> memref<1x128x128xf32, #tpu.memory_space<vmem>>
    %dma_start3A_84 = tpu.memref_squeeze %dma_start3A_83 : memref<1x128x128xf32, #tpu.memory_space<vmem>> -> memref<128x128xf32, #tpu.memory_space<vmem>>
    %dma_start3A_85 = arith.constant 0 : i32
    %dma_start3A_86 = tpu.memref_slice %arg7[%dma_start3A_78, %dma_start3A_79, %dma_start3A_85] : memref<2x8x128xi32, #tpu.memory_space<vmem>> -> memref<1x1x128xi32, #tpu.memory_space<vmem>>
    %dma_start3A_87 = tpu.memref_squeeze %dma_start3A_86 : memref<1x1x128xi32, #tpu.memory_space<vmem>> -> memref<128xi32, #tpu.memory_space<vmem>>
    %dma_start3A_88 = arith.constant 0 : i32
    %dma_start3A_89 = arith.constant 0 : i32
    %dma_start3A_90 = tpu.memref_slice %arg2[%dma_start3A_88, %dma_start3A_89] : memref<10240x128xf32, #tpu.memory_space<hbm>> -> memref<10240x128xf32, #tpu.memory_space<hbm>>
    tpu.enqueue_indirect_dma source(%dma_start3A_90 : memref<10240x128xf32, #tpu.memory_space<hbm>>) target(%dma_start3A_84 : memref<128x128xf32, #tpu.memory_space<vmem>>) offsets(%dma_start3A_87 : memref<128xi32, #tpu.memory_space<vmem>>) semaphore(%arg11 : memref<!tpu.dma_semaphore, #tpu.memory_space<semaphore_mem>>)
    %scan3A_91 = arith.constant 0 : i32
    %scan3A_92 = arith.constant 0 : i32
    %scan3A_93 = arith.constant 10 : i32
    %scan3A_94 = arith.addi %scan3A_92, %scan3A_93 : i32
    %scan3A_95 = arith.constant 1 : i32
    scf.for %scan3A_108 = %scan3A_92 to %scan3A_94 step %scan3A_95  : i32 {
      %mul3A_109 = arith.constant 640 : i32
      %mul3A_110 = arith.muli %arg1, %mul3A_109 : i32
      %mul3A_111 = arith.constant 64 : i32
      %mul3A_112 = arith.muli %scan3A_108, %mul3A_111 : i32
      %add3A_113 = arith.addi %mul3A_110, %mul3A_112 : i32
      %dma_wait3A_114 = arith.constant 0 : i32
      %dma_wait3A_115 = tpu.memref_slice %arg6[%add3A_113, %dma_wait3A_114] : memref<10240x128xf32, #tpu.memory_space<vmem_shared>> -> memref<64x128xf32, #tpu.memory_space<vmem_shared>>
      %dma_wait3A_116 = arith.constant 0 : i32
      %dma_wait3A_117 = tpu.memref_slice %arg6[%add3A_113, %dma_wait3A_116] : memref<10240x128xf32, #tpu.memory_space<vmem_shared>> -> memref<64x128xf32, #tpu.memory_space<vmem_shared>>
      tpu.wait_dma2 semaphore(%arg15 : memref<!tpu.dma_semaphore, #tpu.memory_space<semaphore_mem>>) src(%arg10 : memref<64x128xf32, #tpu.memory_space<vmem>>) dst(%dma_wait3A_117 : memref<64x128xf32, #tpu.memory_space<vmem_shared>>)
    }
    %scan3A_96 = arith.constant 10 : i32
    %barrier3A = arith.constant 0 : index
    tpu.barrier barrier_id(%barrier3A)
    %scan3A_97 = arith.constant 0 : i32
    %scan3A_98 = arith.constant 0 : i32
    %scan3A_99 = arith.constant 5 : i32
    %scan3A_100 = arith.addi %scan3A_98, %scan3A_99 : i32
    %scan3A_101 = arith.constant 1 : i32
    scf.for %scan3A_108 = %scan3A_98 to %scan3A_100 step %scan3A_101  : i32 {
      %mul3A_109 = arith.constant 2 : i32
      %mul3A_110 = arith.muli %scan3A_108, %mul3A_109 : i32
      %add3A_111 = arith.constant 0 : i32
      %add3A_112 = arith.addi %mul3A_110, %add3A_111 : i32
      %add3A_113 = arith.constant 1 : i32
      %add3A_114 = arith.addi %add3A_112, %add3A_113 : i32
      %lt3A = arith.constant 10 : i32
      %lt3A_115 = arith.cmpi slt, %add3A_114, %lt3A : i32
      %convert_element_type3A = arith.extui %lt3A_115 : i1 to i32
      %cond3A = arith.constant 0 : i32
      %cond3A_116 = arith.cmpi ne, %convert_element_type3A, %cond3A : i32
      scf.if %cond3A_116 {
        %add3A_243 = arith.constant 1 : i32
        %add3A_244 = arith.addi %add3A_112, %add3A_243 : i32
        %mul3A_245 = arith.constant 8 : i32
        %mul3A_246 = arith.muli %add3A_244, %mul3A_245 : i32
        %dma_start3A_247 = arith.constant 1 : i32
        %dma_start3A_248 = arith.constant 0 : i32
        %dma_start3A_249 = arith.constant 0 : i32
        %dma_start3A_250 = tpu.memref_slice %arg7[%dma_start3A_247, %dma_start3A_248, %dma_start3A_249] : memref<2x8x128xi32, #tpu.memory_space<vmem>> -> memref<1x8x128xi32, #tpu.memory_space<vmem>>
        %dma_start3A_251 = tpu.memref_squeeze %dma_start3A_250 : memref<1x8x128xi32, #tpu.memory_space<vmem>> -> memref<8x128xi32, #tpu.memory_space<vmem>>
        %dma_start3A_252 = arith.constant 0 : i32
        %dma_start3A_253 = tpu.memref_slice %arg3[%add3A, %mul3A_246, %dma_start3A_252] : memref<32x80x128xi32, #tpu.memory_space<hbm>> -> memref<1x8x128xi32, #tpu.memory_space<hbm>>
        %dma_start3A_254 = tpu.memref_squeeze %dma_start3A_253 : memref<1x8x128xi32, #tpu.memory_space<hbm>> -> memref<8x128xi32, #tpu.memory_space<hbm>>
        %dma_start3A_255 = arith.constant 0 : i32
        %dma_start3A_256 = arith.constant 0 : i32
        %dma_start3A_257 = tpu.memref_slice %arg7[%dma_start3A_247, %dma_start3A_255, %dma_start3A_256] : memref<2x8x128xi32, #tpu.memory_space<vmem>> -> memref<1x8x128xi32, #tpu.memory_space<vmem>>
        %dma_start3A_258 = tpu.memref_squeeze %dma_start3A_257 : memref<1x8x128xi32, #tpu.memory_space<vmem>> -> memref<8x128xi32, #tpu.memory_space<vmem>>
        %dma_start3A_259 = arith.constant 0 : i32
        %dma_start3A_260 = tpu.memref_slice %arg3[%add3A, %mul3A_246, %dma_start3A_259] : memref<32x80x128xi32, #tpu.memory_space<hbm>> -> memref<1x8x128xi32, #tpu.memory_space<hbm>>
        %dma_start3A_261 = tpu.memref_squeeze %dma_start3A_260 : memref<1x8x128xi32, #tpu.memory_space<hbm>> -> memref<8x128xi32, #tpu.memory_space<hbm>>
        tpu.enqueue_dma source(%dma_start3A_261 : memref<8x128xi32, #tpu.memory_space<hbm>>) target(%dma_start3A_258 : memref<8x128xi32, #tpu.memory_space<vmem>>) target_semaphore(%arg14 : memref<!tpu.dma_semaphore, #tpu.memory_space<semaphore_mem>>)
        %mul3A_262 = arith.constant 8 : i32
        %mul3A_263 = arith.muli %add3A_244, %mul3A_262 : i32
        %dma_start3A_264 = arith.constant 1 : i32
        %dma_start3A_265 = arith.constant 0 : i32
        %dma_start3A_266 = arith.constant 0 : i32
        %dma_start3A_267 = tpu.memref_slice %arg8[%dma_start3A_264, %dma_start3A_265, %dma_start3A_266] : memref<2x8x128xi32, #tpu.memory_space<vmem>> -> memref<1x8x128xi32, #tpu.memory_space<vmem>>
        %dma_start3A_268 = tpu.memref_squeeze %dma_start3A_267 : memref<1x8x128xi32, #tpu.memory_space<vmem>> -> memref<8x128xi32, #tpu.memory_space<vmem>>
        %dma_start3A_269 = arith.constant 0 : i32
        %dma_start3A_270 = tpu.memref_slice %arg4[%add3A, %mul3A_263, %dma_start3A_269] : memref<32x80x128xi32, #tpu.memory_space<hbm>> -> memref<1x8x128xi32, #tpu.memory_space<hbm>>
        %dma_start3A_271 = tpu.memref_squeeze %dma_start3A_270 : memref<1x8x128xi32, #tpu.memory_space<hbm>> -> memref<8x128xi32, #tpu.memory_space<hbm>>
        %dma_start3A_272 = arith.constant 0 : i32
        %dma_start3A_273 = arith.constant 0 : i32
        %dma_start3A_274 = tpu.memref_slice %arg8[%dma_start3A_264, %dma_start3A_272, %dma_start3A_273] : memref<2x8x128xi32, #tpu.memory_space<vmem>> -> memref<1x8x128xi32, #tpu.memory_space<vmem>>
        %dma_start3A_275 = tpu.memref_squeeze %dma_start3A_274 : memref<1x8x128xi32, #tpu.memory_space<vmem>> -> memref<8x128xi32, #tpu.memory_space<vmem>>
        %dma_start3A_276 = arith.constant 0 : i32
        %dma_start3A_277 = tpu.memref_slice %arg4[%add3A, %mul3A_263, %dma_start3A_276] : memref<32x80x128xi32, #tpu.memory_space<hbm>> -> memref<1x8x128xi32, #tpu.memory_space<hbm>>
        %dma_start3A_278 = tpu.memref_squeeze %dma_start3A_277 : memref<1x8x128xi32, #tpu.memory_space<hbm>> -> memref<8x128xi32, #tpu.memory_space<hbm>>
        tpu.enqueue_dma source(%dma_start3A_278 : memref<8x128xi32, #tpu.memory_space<hbm>>) target(%dma_start3A_275 : memref<8x128xi32, #tpu.memory_space<vmem>>) target_semaphore(%arg14 : memref<!tpu.dma_semaphore, #tpu.memory_space<semaphore_mem>>)
      } else {
      }
      %scan3A_117 = arith.constant 0 : i32
      %scan3A_118 = arith.constant 0 : i32
      %scan3A_119 = arith.constant 3 : i32
      %scan3A_120 = arith.addi %scan3A_118, %scan3A_119 : i32
      %scan3A_121 = arith.constant 1 : i32
      scf.for %scan3A_243 = %scan3A_118 to %scan3A_120 step %scan3A_121  : i32 {
        %mul3A_244 = arith.constant 2 : i32
        %mul3A_245 = arith.muli %scan3A_243, %mul3A_244 : i32
        %add3A_246 = arith.constant 0 : i32
        %add3A_247 = arith.addi %mul3A_245, %add3A_246 : i32
        %add3A_248 = arith.constant 1 : i32
        %add3A_249 = arith.addi %add3A_247, %add3A_248 : i32
        %dma_start3A_250 = arith.constant 0 : i32
        %dma_start3A_251 = arith.constant 1 : i32
        %dma_start3A_252 = arith.constant 0 : i32
        %dma_start3A_253 = arith.constant 0 : i32
        %dma_start3A_254 = tpu.memref_slice %arg9[%dma_start3A_251, %dma_start3A_252, %dma_start3A_253] : memref<2x128x128xf32, #tpu.memory_space<vmem>> -> memref<1x128x128xf32, #tpu.memory_space<vmem>>
        %dma_start3A_255 = tpu.memref_squeeze %dma_start3A_254 : memref<1x128x128xf32, #tpu.memory_space<vmem>> -> memref<128x128xf32, #tpu.memory_space<vmem>>
        %dma_start3A_256 = arith.constant 0 : i32
        %dma_start3A_257 = tpu.memref_slice %arg7[%dma_start3A_250, %add3A_249, %dma_start3A_256] : memref<2x8x128xi32, #tpu.memory_space<vmem>> -> memref<1x1x128xi32, #tpu.memory_space<vmem>>
        %dma_start3A_258 = tpu.memref_squeeze %dma_start3A_257 : memref<1x1x128xi32, #tpu.memory_space<vmem>> -> memref<128xi32, #tpu.memory_space<vmem>>
        %dma_start3A_259 = arith.constant 0 : i32
        %dma_start3A_260 = arith.constant 0 : i32
        %dma_start3A_261 = tpu.memref_slice %arg2[%dma_start3A_259, %dma_start3A_260] : memref<10240x128xf32, #tpu.memory_space<hbm>> -> memref<10240x128xf32, #tpu.memory_space<hbm>>
        tpu.enqueue_indirect_dma source(%dma_start3A_261 : memref<10240x128xf32, #tpu.memory_space<hbm>>) target(%dma_start3A_255 : memref<128x128xf32, #tpu.memory_space<vmem>>) offsets(%dma_start3A_258 : memref<128xi32, #tpu.memory_space<vmem>>) semaphore(%arg12 : memref<!tpu.dma_semaphore, #tpu.memory_space<semaphore_mem>>)
        %dma_wait3A_262 = arith.constant 0 : i32
        %dma_wait3A_263 = arith.constant 0 : i32
        %dma_wait3A_264 = arith.constant 0 : i32
        %dma_wait3A_265 = arith.constant 0 : i32
        %dma_wait3A_266 = tpu.memref_slice %arg9[%dma_wait3A_263, %dma_wait3A_264, %dma_wait3A_265] : memref<2x128x128xf32, #tpu.memory_space<vmem>> -> memref<1x128x128xf32, #tpu.memory_space<vmem>>
        %dma_wait3A_267 = tpu.memref_squeeze %dma_wait3A_266 : memref<1x128x128xf32, #tpu.memory_space<vmem>> -> memref<128x128xf32, #tpu.memory_space<vmem>>
        %dma_wait3A_268 = arith.constant 0 : i32
        %dma_wait3A_269 = tpu.memref_slice %arg7[%dma_wait3A_262, %add3A_247, %dma_wait3A_268] : memref<2x8x128xi32, #tpu.memory_space<vmem>> -> memref<1x1x128xi32, #tpu.memory_space<vmem>>
        %dma_wait3A_270 = tpu.memref_squeeze %dma_wait3A_269 : memref<1x1x128xi32, #tpu.memory_space<vmem>> -> memref<128xi32, #tpu.memory_space<vmem>>
        %dma_wait3A_271 = arith.constant 0 : i32
        %dma_wait3A_272 = arith.constant 0 : i32
        %dma_wait3A_273 = tpu.memref_slice %arg2[%dma_wait3A_271, %dma_wait3A_272] : memref<10240x128xf32, #tpu.memory_space<hbm>> -> memref<10240x128xf32, #tpu.memory_space<hbm>>
        tpu.wait_indirect_dma semaphore(%arg11 : memref<!tpu.dma_semaphore, #tpu.memory_space<semaphore_mem>>) src(%dma_wait3A_273 : memref<10240x128xf32, #tpu.memory_space<hbm>>) dst(%dma_wait3A_267 : memref<128x128xf32, #tpu.memory_space<vmem>>)
        %run_scoped3A_274 = arith.constant 0 : i32
        %run_scoped3A_275 = arith.constant 0 : i32
        "tpu.region"() ({
          %run_scoped3A_308 = tpu.sem_alloc : memref<!tpu.dma_semaphore, #tpu.memory_space<semaphore_mem>>
          %dma_start3A_309 = arith.constant 0 : i32
          %dma_start3A_310 = arith.constant 0 : i32
          %dma_start3A_311 = tpu.memref_slice %arg9[%run_scoped3A_274, %dma_start3A_309, %dma_start3A_310] : memref<2x128x128xf32, #tpu.memory_space<vmem>> -> memref<1x128x128xf32, #tpu.memory_space<vmem>>
          %dma_start3A_312 = tpu.memref_squeeze %dma_start3A_311 : memref<1x128x128xf32, #tpu.memory_space<vmem>> -> memref<128x128xf32, #tpu.memory_space<vmem>>
          %dma_start3A_313 = arith.constant 0 : i32
          %dma_start3A_314 = tpu.memref_slice %arg8[%run_scoped3A_275, %add3A_247, %dma_start3A_313] : memref<2x8x128xi32, #tpu.memory_space<vmem>> -> memref<1x1x128xi32, #tpu.memory_space<vmem>>
          %dma_start3A_315 = tpu.memref_squeeze %dma_start3A_314 : memref<1x1x128xi32, #tpu.memory_space<vmem>> -> memref<128xi32, #tpu.memory_space<vmem>>
          %dma_start3A_316 = arith.constant 0 : i32
          %dma_start3A_317 = arith.constant 0 : i32
          %dma_start3A_318 = tpu.memref_slice %arg6[%dma_start3A_316, %dma_start3A_317] : memref<10240x128xf32, #tpu.memory_space<vmem_shared>> -> memref<10240x128xf32, #tpu.memory_space<vmem_shared>>
          tpu.enqueue_indirect_dma source(%dma_start3A_312 : memref<128x128xf32, #tpu.memory_space<vmem>>) target(%dma_start3A_318 : memref<10240x128xf32, #tpu.memory_space<vmem_shared>>) offsets(%dma_start3A_315 : memref<128xi32, #tpu.memory_space<vmem>>) semaphore(%run_scoped3A_308 : memref<!tpu.dma_semaphore, #tpu.memory_space<semaphore_mem>>) {add = true}
          %dma_wait3A_319 = arith.constant 0 : i32
          %dma_wait3A_320 = arith.constant 0 : i32
          %dma_wait3A_321 = tpu.memref_slice %arg9[%run_scoped3A_274, %dma_wait3A_319, %dma_wait3A_320] : memref<2x128x128xf32, #tpu.memory_space<vmem>> -> memref<1x128x128xf32, #tpu.memory_space<vmem>>
          %dma_wait3A_322 = tpu.memref_squeeze %dma_wait3A_321 : memref<1x128x128xf32, #tpu.memory_space<vmem>> -> memref<128x128xf32, #tpu.memory_space<vmem>>
          %dma_wait3A_323 = arith.constant 0 : i32
          %dma_wait3A_324 = tpu.memref_slice %arg8[%run_scoped3A_275, %add3A_247, %dma_wait3A_323] : memref<2x8x128xi32, #tpu.memory_space<vmem>> -> memref<1x1x128xi32, #tpu.memory_space<vmem>>
          %dma_wait3A_325 = tpu.memref_squeeze %dma_wait3A_324 : memref<1x1x128xi32, #tpu.memory_space<vmem>> -> memref<128xi32, #tpu.memory_space<vmem>>
          %dma_wait3A_326 = arith.constant 0 : i32
          %dma_wait3A_327 = arith.constant 0 : i32
          %dma_wait3A_328 = tpu.memref_slice %arg6[%dma_wait3A_326, %dma_wait3A_327] : memref<10240x128xf32, #tpu.memory_space<vmem_shared>> -> memref<10240x128xf32, #tpu.memory_space<vmem_shared>>
          tpu.wait_indirect_dma semaphore(%run_scoped3A_308 : memref<!tpu.dma_semaphore, #tpu.memory_space<semaphore_mem>>) src(%dma_wait3A_322 : memref<128x128xf32, #tpu.memory_space<vmem>>) dst(%dma_wait3A_328 : memref<10240x128xf32, #tpu.memory_space<vmem_shared>>)
          tpu.yield
        }) : () -> ()
        %mul3A_276 = arith.constant 2 : i32
        %mul3A_277 = arith.muli %scan3A_243, %mul3A_276 : i32
        %add3A_278 = arith.constant 1 : i32
        %add3A_279 = arith.addi %mul3A_277, %add3A_278 : i32
        %add3A_280 = arith.constant 1 : i32
        %add3A_281 = arith.addi %add3A_279, %add3A_280 : i32
        %dma_start3A_282 = arith.constant 0 : i32
        %dma_start3A_283 = arith.constant 0 : i32
        %dma_start3A_284 = arith.constant 0 : i32
        %dma_start3A_285 = arith.constant 0 : i32
        %dma_start3A_286 = tpu.memref_slice %arg9[%dma_start3A_283, %dma_start3A_284, %dma_start3A_285] : memref<2x128x128xf32, #tpu.memory_space<vmem>> -> memref<1x128x128xf32, #tpu.memory_space<vmem>>
        %dma_start3A_287 = tpu.memref_squeeze %dma_start3A_286 : memref<1x128x128xf32, #tpu.memory_space<vmem>> -> memref<128x128xf32, #tpu.memory_space<vmem>>
        %dma_start3A_288 = arith.constant 0 : i32
        %dma_start3A_289 = tpu.memref_slice %arg7[%dma_start3A_282, %add3A_281, %dma_start3A_288] : memref<2x8x128xi32, #tpu.memory_space<vmem>> -> memref<1x1x128xi32, #tpu.memory_space<vmem>>
        %dma_start3A_290 = tpu.memref_squeeze %dma_start3A_289 : memref<1x1x128xi32, #tpu.memory_space<vmem>> -> memref<128xi32, #tpu.memory_space<vmem>>
        %dma_start3A_291 = arith.constant 0 : i32
        %dma_start3A_292 = arith.constant 0 : i32
        %dma_start3A_293 = tpu.memref_slice %arg2[%dma_start3A_291, %dma_start3A_292] : memref<10240x128xf32, #tpu.memory_space<hbm>> -> memref<10240x128xf32, #tpu.memory_space<hbm>>
        tpu.enqueue_indirect_dma source(%dma_start3A_293 : memref<10240x128xf32, #tpu.memory_space<hbm>>) target(%dma_start3A_287 : memref<128x128xf32, #tpu.memory_space<vmem>>) offsets(%dma_start3A_290 : memref<128xi32, #tpu.memory_space<vmem>>) semaphore(%arg11 : memref<!tpu.dma_semaphore, #tpu.memory_space<semaphore_mem>>)
        %dma_wait3A_294 = arith.constant 0 : i32
        %dma_wait3A_295 = arith.constant 1 : i32
        %dma_wait3A_296 = arith.constant 0 : i32
        %dma_wait3A_297 = arith.constant 0 : i32
        %dma_wait3A_298 = tpu.memref_slice %arg9[%dma_wait3A_295, %dma_wait3A_296, %dma_wait3A_297] : memref<2x128x128xf32, #tpu.memory_space<vmem>> -> memref<1x128x128xf32, #tpu.memory_space<vmem>>
        %dma_wait3A_299 = tpu.memref_squeeze %dma_wait3A_298 : memref<1x128x128xf32, #tpu.memory_space<vmem>> -> memref<128x128xf32, #tpu.memory_space<vmem>>
        %dma_wait3A_300 = arith.constant 0 : i32
        %dma_wait3A_301 = tpu.memref_slice %arg7[%dma_wait3A_294, %add3A_279, %dma_wait3A_300] : memref<2x8x128xi32, #tpu.memory_space<vmem>> -> memref<1x1x128xi32, #tpu.memory_space<vmem>>
        %dma_wait3A_302 = tpu.memref_squeeze %dma_wait3A_301 : memref<1x1x128xi32, #tpu.memory_space<vmem>> -> memref<128xi32, #tpu.memory_space<vmem>>
        %dma_wait3A_303 = arith.constant 0 : i32
        %dma_wait3A_304 = arith.constant 0 : i32
        %dma_wait3A_305 = tpu.memref_slice %arg2[%dma_wait3A_303, %dma_wait3A_304] : memref<10240x128xf32, #tpu.memory_space<hbm>> -> memref<10240x128xf32, #tpu.memory_space<hbm>>
        tpu.wait_indirect_dma semaphore(%arg12 : memref<!tpu.dma_semaphore, #tpu.memory_space<semaphore_mem>>) src(%dma_wait3A_305 : memref<10240x128xf32, #tpu.memory_space<hbm>>) dst(%dma_wait3A_299 : memref<128x128xf32, #tpu.memory_space<vmem>>)
        %run_scoped3A_306 = arith.constant 1 : i32
        %run_scoped3A_307 = arith.constant 0 : i32
        "tpu.region"() ({
          %run_scoped3A_308 = tpu.sem_alloc : memref<!tpu.dma_semaphore, #tpu.memory_space<semaphore_mem>>
          %dma_start3A_309 = arith.constant 0 : i32
          %dma_start3A_310 = arith.constant 0 : i32
          %dma_start3A_311 = tpu.memref_slice %arg9[%run_scoped3A_306, %dma_start3A_309, %dma_start3A_310] : memref<2x128x128xf32, #tpu.memory_space<vmem>> -> memref<1x128x128xf32, #tpu.memory_space<vmem>>
          %dma_start3A_312 = tpu.memref_squeeze %dma_start3A_311 : memref<1x128x128xf32, #tpu.memory_space<vmem>> -> memref<128x128xf32, #tpu.memory_space<vmem>>
          %dma_start3A_313 = arith.constant 0 : i32
          %dma_start3A_314 = tpu.memref_slice %arg8[%run_scoped3A_307, %add3A_279, %dma_start3A_313] : memref<2x8x128xi32, #tpu.memory_space<vmem>> -> memref<1x1x128xi32, #tpu.memory_space<vmem>>
          %dma_start3A_315 = tpu.memref_squeeze %dma_start3A_314 : memref<1x1x128xi32, #tpu.memory_space<vmem>> -> memref<128xi32, #tpu.memory_space<vmem>>
          %dma_start3A_316 = arith.constant 0 : i32
          %dma_start3A_317 = arith.constant 0 : i32
          %dma_start3A_318 = tpu.memref_slice %arg6[%dma_start3A_316, %dma_start3A_317] : memref<10240x128xf32, #tpu.memory_space<vmem_shared>> -> memref<10240x128xf32, #tpu.memory_space<vmem_shared>>
          tpu.enqueue_indirect_dma source(%dma_start3A_312 : memref<128x128xf32, #tpu.memory_space<vmem>>) target(%dma_start3A_318 : memref<10240x128xf32, #tpu.memory_space<vmem_shared>>) offsets(%dma_start3A_315 : memref<128xi32, #tpu.memory_space<vmem>>) semaphore(%run_scoped3A_308 : memref<!tpu.dma_semaphore, #tpu.memory_space<semaphore_mem>>) {add = true}
          %dma_wait3A_319 = arith.constant 0 : i32
          %dma_wait3A_320 = arith.constant 0 : i32
          %dma_wait3A_321 = tpu.memref_slice %arg9[%run_scoped3A_306, %dma_wait3A_319, %dma_wait3A_320] : memref<2x128x128xf32, #tpu.memory_space<vmem>> -> memref<1x128x128xf32, #tpu.memory_space<vmem>>
          %dma_wait3A_322 = tpu.memref_squeeze %dma_wait3A_321 : memref<1x128x128xf32, #tpu.memory_space<vmem>> -> memref<128x128xf32, #tpu.memory_space<vmem>>
          %dma_wait3A_323 = arith.constant 0 : i32
          %dma_wait3A_324 = tpu.memref_slice %arg8[%run_scoped3A_307, %add3A_279, %dma_wait3A_323] : memref<2x8x128xi32, #tpu.memory_space<vmem>> -> memref<1x1x128xi32, #tpu.memory_space<vmem>>
          %dma_wait3A_325 = tpu.memref_squeeze %dma_wait3A_324 : memref<1x1x128xi32, #tpu.memory_space<vmem>> -> memref<128xi32, #tpu.memory_space<vmem>>
          %dma_wait3A_326 = arith.constant 0 : i32
          %dma_wait3A_327 = arith.constant 0 : i32
          %dma_wait3A_328 = tpu.memref_slice %arg6[%dma_wait3A_326, %dma_wait3A_327] : memref<10240x128xf32, #tpu.memory_space<vmem_shared>> -> memref<10240x128xf32, #tpu.memory_space<vmem_shared>>
          tpu.wait_indirect_dma semaphore(%run_scoped3A_308 : memref<!tpu.dma_semaphore, #tpu.memory_space<semaphore_mem>>) src(%dma_wait3A_322 : memref<128x128xf32, #tpu.memory_space<vmem>>) dst(%dma_wait3A_328 : memref<10240x128xf32, #tpu.memory_space<vmem_shared>>)
          tpu.yield
        }) : () -> ()
      }
      %scan3A_122 = arith.constant 3 : i32
      %dma_start3A_123 = arith.constant 0 : i32
      %dma_start3A_124 = arith.constant 7 : i32
      %dma_start3A_125 = arith.constant 1 : i32
      %dma_start3A_126 = arith.constant 0 : i32
      %dma_start3A_127 = arith.constant 0 : i32
      %dma_start3A_128 = tpu.memref_slice %arg9[%dma_start3A_125, %dma_start3A_126, %dma_start3A_127] : memref<2x128x128xf32, #tpu.memory_space<vmem>> -> memref<1x128x128xf32, #tpu.memory_space<vmem>>
      %dma_start3A_129 = tpu.memref_squeeze %dma_start3A_128 : memref<1x128x128xf32, #tpu.memory_space<vmem>> -> memref<128x128xf32, #tpu.memory_space<vmem>>
      %dma_start3A_130 = arith.constant 0 : i32
      %dma_start3A_131 = tpu.memref_slice %arg7[%dma_start3A_123, %dma_start3A_124, %dma_start3A_130] : memref<2x8x128xi32, #tpu.memory_space<vmem>> -> memref<1x1x128xi32, #tpu.memory_space<vmem>>
      %dma_start3A_132 = tpu.memref_squeeze %dma_start3A_131 : memref<1x1x128xi32, #tpu.memory_space<vmem>> -> memref<128xi32, #tpu.memory_space<vmem>>
      %dma_start3A_133 = arith.constant 0 : i32
      %dma_start3A_134 = arith.constant 0 : i32
      %dma_start3A_135 = tpu.memref_slice %arg2[%dma_start3A_133, %dma_start3A_134] : memref<10240x128xf32, #tpu.memory_space<hbm>> -> memref<10240x128xf32, #tpu.memory_space<hbm>>
      tpu.enqueue_indirect_dma source(%dma_start3A_135 : memref<10240x128xf32, #tpu.memory_space<hbm>>) target(%dma_start3A_129 : memref<128x128xf32, #tpu.memory_space<vmem>>) offsets(%dma_start3A_132 : memref<128xi32, #tpu.memory_space<vmem>>) semaphore(%arg12 : memref<!tpu.dma_semaphore, #tpu.memory_space<semaphore_mem>>)
      %dma_wait3A_136 = arith.constant 0 : i32
      %dma_wait3A_137 = arith.constant 6 : i32
      %dma_wait3A_138 = arith.constant 0 : i32
      %dma_wait3A_139 = arith.constant 0 : i32
      %dma_wait3A_140 = arith.constant 0 : i32
      %dma_wait3A_141 = tpu.memref_slice %arg9[%dma_wait3A_138, %dma_wait3A_139, %dma_wait3A_140] : memref<2x128x128xf32, #tpu.memory_space<vmem>> -> memref<1x128x128xf32, #tpu.memory_space<vmem>>
      %dma_wait3A_142 = tpu.memref_squeeze %dma_wait3A_141 : memref<1x128x128xf32, #tpu.memory_space<vmem>> -> memref<128x128xf32, #tpu.memory_space<vmem>>
      %dma_wait3A_143 = arith.constant 0 : i32
      %dma_wait3A_144 = tpu.memref_slice %arg7[%dma_wait3A_136, %dma_wait3A_137, %dma_wait3A_143] : memref<2x8x128xi32, #tpu.memory_space<vmem>> -> memref<1x1x128xi32, #tpu.memory_space<vmem>>
      %dma_wait3A_145 = tpu.memref_squeeze %dma_wait3A_144 : memref<1x1x128xi32, #tpu.memory_space<vmem>> -> memref<128xi32, #tpu.memory_space<vmem>>
      %dma_wait3A_146 = arith.constant 0 : i32
      %dma_wait3A_147 = arith.constant 0 : i32
      %dma_wait3A_148 = tpu.memref_slice %arg2[%dma_wait3A_146, %dma_wait3A_147] : memref<10240x128xf32, #tpu.memory_space<hbm>> -> memref<10240x128xf32, #tpu.memory_space<hbm>>
      tpu.wait_indirect_dma semaphore(%arg11 : memref<!tpu.dma_semaphore, #tpu.memory_space<semaphore_mem>>) src(%dma_wait3A_148 : memref<10240x128xf32, #tpu.memory_space<hbm>>) dst(%dma_wait3A_142 : memref<128x128xf32, #tpu.memory_space<vmem>>)
      %run_scoped3A = arith.constant 0 : i32
      %run_scoped3A_149 = arith.constant 0 : i32
      %run_scoped3A_150 = arith.constant 6 : i32
      "tpu.region"() ({
        %run_scoped3A_243 = tpu.sem_alloc : memref<!tpu.dma_semaphore, #tpu.memory_space<semaphore_mem>>
        %dma_start3A_244 = arith.constant 0 : i32
        %dma_start3A_245 = arith.constant 0 : i32
        %dma_start3A_246 = tpu.memref_slice %arg9[%run_scoped3A, %dma_start3A_244, %dma_start3A_245] : memref<2x128x128xf32, #tpu.memory_space<vmem>> -> memref<1x128x128xf32, #tpu.memory_space<vmem>>
        %dma_start3A_247 = tpu.memref_squeeze %dma_start3A_246 : memref<1x128x128xf32, #tpu.memory_space<vmem>> -> memref<128x128xf32, #tpu.memory_space<vmem>>
        %dma_start3A_248 = arith.constant 0 : i32
        %dma_start3A_249 = tpu.memref_slice %arg8[%run_scoped3A_149, %run_scoped3A_150, %dma_start3A_248] : memref<2x8x128xi32, #tpu.memory_space<vmem>> -> memref<1x1x128xi32, #tpu.memory_space<vmem>>
        %dma_start3A_250 = tpu.memref_squeeze %dma_start3A_249 : memref<1x1x128xi32, #tpu.memory_space<vmem>> -> memref<128xi32, #tpu.memory_space<vmem>>
        %dma_start3A_251 = arith.constant 0 : i32
        %dma_start3A_252 = arith.constant 0 : i32
        %dma_start3A_253 = tpu.memref_slice %arg6[%dma_start3A_251, %dma_start3A_252] : memref<10240x128xf32, #tpu.memory_space<vmem_shared>> -> memref<10240x128xf32, #tpu.memory_space<vmem_shared>>
        tpu.enqueue_indirect_dma source(%dma_start3A_247 : memref<128x128xf32, #tpu.memory_space<vmem>>) target(%dma_start3A_253 : memref<10240x128xf32, #tpu.memory_space<vmem_shared>>) offsets(%dma_start3A_250 : memref<128xi32, #tpu.memory_space<vmem>>) semaphore(%run_scoped3A_243 : memref<!tpu.dma_semaphore, #tpu.memory_space<semaphore_mem>>) {add = true}
        %dma_wait3A_254 = arith.constant 0 : i32
        %dma_wait3A_255 = arith.constant 0 : i32
        %dma_wait3A_256 = tpu.memref_slice %arg9[%run_scoped3A, %dma_wait3A_254, %dma_wait3A_255] : memref<2x128x128xf32, #tpu.memory_space<vmem>> -> memref<1x128x128xf32, #tpu.memory_space<vmem>>
        %dma_wait3A_257 = tpu.memref_squeeze %dma_wait3A_256 : memref<1x128x128xf32, #tpu.memory_space<vmem>> -> memref<128x128xf32, #tpu.memory_space<vmem>>
        %dma_wait3A_258 = arith.constant 0 : i32
        %dma_wait3A_259 = tpu.memref_slice %arg8[%run_scoped3A_149, %run_scoped3A_150, %dma_wait3A_258] : memref<2x8x128xi32, #tpu.memory_space<vmem>> -> memref<1x1x128xi32, #tpu.memory_space<vmem>>
        %dma_wait3A_260 = tpu.memref_squeeze %dma_wait3A_259 : memref<1x1x128xi32, #tpu.memory_space<vmem>> -> memref<128xi32, #tpu.memory_space<vmem>>
        %dma_wait3A_261 = arith.constant 0 : i32
        %dma_wait3A_262 = arith.constant 0 : i32
        %dma_wait3A_263 = tpu.memref_slice %arg6[%dma_wait3A_261, %dma_wait3A_262] : memref<10240x128xf32, #tpu.memory_space<vmem_shared>> -> memref<10240x128xf32, #tpu.memory_space<vmem_shared>>
        tpu.wait_indirect_dma semaphore(%run_scoped3A_243 : memref<!tpu.dma_semaphore, #tpu.memory_space<semaphore_mem>>) src(%dma_wait3A_257 : memref<128x128xf32, #tpu.memory_space<vmem>>) dst(%dma_wait3A_263 : memref<10240x128xf32, #tpu.memory_space<vmem_shared>>)
        tpu.yield
      }) : () -> ()
      %add3A_151 = arith.constant 1 : i32
      %add3A_152 = arith.addi %add3A_112, %add3A_151 : i32
      %lt3A_153 = arith.constant 10 : i32
      %lt3A_154 = arith.cmpi slt, %add3A_152, %lt3A_153 : i32
      %convert_element_type3A_155 = arith.extui %lt3A_154 : i1 to i32
      %cond3A_156 = arith.constant 0 : i32
      %cond3A_157 = arith.cmpi ne, %convert_element_type3A_155, %cond3A_156 : i32
      scf.if %cond3A_157 {
        %add3A_243 = arith.constant 1 : i32
        %add3A_244 = arith.addi %add3A_112, %add3A_243 : i32
        %mul3A_245 = arith.constant 8 : i32
        %mul3A_246 = arith.muli %add3A_244, %mul3A_245 : i32
        %dma_wait3A_247 = arith.constant 1 : i32
        %dma_wait3A_248 = arith.constant 0 : i32
        %dma_wait3A_249 = arith.constant 0 : i32
        %dma_wait3A_250 = tpu.memref_slice %arg7[%dma_wait3A_247, %dma_wait3A_248, %dma_wait3A_249] : memref<2x8x128xi32, #tpu.memory_space<vmem>> -> memref<1x8x128xi32, #tpu.memory_space<vmem>>
        %dma_wait3A_251 = tpu.memref_squeeze %dma_wait3A_250 : memref<1x8x128xi32, #tpu.memory_space<vmem>> -> memref<8x128xi32, #tpu.memory_space<vmem>>
        %dma_wait3A_252 = arith.constant 0 : i32
        %dma_wait3A_253 = tpu.memref_slice %arg3[%add3A, %mul3A_246, %dma_wait3A_252] : memref<32x80x128xi32, #tpu.memory_space<hbm>> -> memref<1x8x128xi32, #tpu.memory_space<hbm>>
        %dma_wait3A_254 = tpu.memref_squeeze %dma_wait3A_253 : memref<1x8x128xi32, #tpu.memory_space<hbm>> -> memref<8x128xi32, #tpu.memory_space<hbm>>
        %dma_wait3A_255 = arith.constant 0 : i32
        %dma_wait3A_256 = arith.constant 0 : i32
        %dma_wait3A_257 = tpu.memref_slice %arg7[%dma_wait3A_247, %dma_wait3A_255, %dma_wait3A_256] : memref<2x8x128xi32, #tpu.memory_space<vmem>> -> memref<1x8x128xi32, #tpu.memory_space<vmem>>
        %dma_wait3A_258 = tpu.memref_squeeze %dma_wait3A_257 : memref<1x8x128xi32, #tpu.memory_space<vmem>> -> memref<8x128xi32, #tpu.memory_space<vmem>>
        %dma_wait3A_259 = arith.constant 0 : i32
        %dma_wait3A_260 = tpu.memref_slice %arg3[%add3A, %mul3A_246, %dma_wait3A_259] : memref<32x80x128xi32, #tpu.memory_space<hbm>> -> memref<1x8x128xi32, #tpu.memory_space<hbm>>
        %dma_wait3A_261 = tpu.memref_squeeze %dma_wait3A_260 : memref<1x8x128xi32, #tpu.memory_space<hbm>> -> memref<8x128xi32, #tpu.memory_space<hbm>>
        tpu.wait_dma2 semaphore(%arg14 : memref<!tpu.dma_semaphore, #tpu.memory_space<semaphore_mem>>) src(%dma_wait3A_261 : memref<8x128xi32, #tpu.memory_space<hbm>>) dst(%dma_wait3A_258 : memref<8x128xi32, #tpu.memory_space<vmem>>)
        %mul3A_262 = arith.constant 8 : i32
        %mul3A_263 = arith.muli %add3A_244, %mul3A_262 : i32
        %dma_wait3A_264 = arith.constant 1 : i32
        %dma_wait3A_265 = arith.constant 0 : i32
        %dma_wait3A_266 = arith.constant 0 : i32
        %dma_wait3A_267 = tpu.memref_slice %arg8[%dma_wait3A_264, %dma_wait3A_265, %dma_wait3A_266] : memref<2x8x128xi32, #tpu.memory_space<vmem>> -> memref<1x8x128xi32, #tpu.memory_space<vmem>>
        %dma_wait3A_268 = tpu.memref_squeeze %dma_wait3A_267 : memref<1x8x128xi32, #tpu.memory_space<vmem>> -> memref<8x128xi32, #tpu.memory_space<vmem>>
        %dma_wait3A_269 = arith.constant 0 : i32
        %dma_wait3A_270 = tpu.memref_slice %arg4[%add3A, %mul3A_263, %dma_wait3A_269] : memref<32x80x128xi32, #tpu.memory_space<hbm>> -> memref<1x8x128xi32, #tpu.memory_space<hbm>>
        %dma_wait3A_271 = tpu.memref_squeeze %dma_wait3A_270 : memref<1x8x128xi32, #tpu.memory_space<hbm>> -> memref<8x128xi32, #tpu.memory_space<hbm>>
        %dma_wait3A_272 = arith.constant 0 : i32
        %dma_wait3A_273 = arith.constant 0 : i32
        %dma_wait3A_274 = tpu.memref_slice %arg8[%dma_wait3A_264, %dma_wait3A_272, %dma_wait3A_273] : memref<2x8x128xi32, #tpu.memory_space<vmem>> -> memref<1x8x128xi32, #tpu.memory_space<vmem>>
        %dma_wait3A_275 = tpu.memref_squeeze %dma_wait3A_274 : memref<1x8x128xi32, #tpu.memory_space<vmem>> -> memref<8x128xi32, #tpu.memory_space<vmem>>
        %dma_wait3A_276 = arith.constant 0 : i32
        %dma_wait3A_277 = tpu.memref_slice %arg4[%add3A, %mul3A_263, %dma_wait3A_276] : memref<32x80x128xi32, #tpu.memory_space<hbm>> -> memref<1x8x128xi32, #tpu.memory_space<hbm>>
        %dma_wait3A_278 = tpu.memref_squeeze %dma_wait3A_277 : memref<1x8x128xi32, #tpu.memory_space<hbm>> -> memref<8x128xi32, #tpu.memory_space<hbm>>
        tpu.wait_dma2 semaphore(%arg14 : memref<!tpu.dma_semaphore, #tpu.memory_space<semaphore_mem>>) src(%dma_wait3A_278 : memref<8x128xi32, #tpu.memory_space<hbm>>) dst(%dma_wait3A_275 : memref<8x128xi32, #tpu.memory_space<vmem>>)
        %dma_start3A_279 = arith.constant 1 : i32
        %dma_start3A_280 = arith.constant 0 : i32
        %dma_start3A_281 = arith.constant 0 : i32
        %dma_start3A_282 = arith.constant 0 : i32
        %dma_start3A_283 = arith.constant 0 : i32
        %dma_start3A_284 = tpu.memref_slice %arg9[%dma_start3A_281, %dma_start3A_282, %dma_start3A_283] : memref<2x128x128xf32, #tpu.memory_space<vmem>> -> memref<1x128x128xf32, #tpu.memory_space<vmem>>
        %dma_start3A_285 = tpu.memref_squeeze %dma_start3A_284 : memref<1x128x128xf32, #tpu.memory_space<vmem>> -> memref<128x128xf32, #tpu.memory_space<vmem>>
        %dma_start3A_286 = arith.constant 0 : i32
        %dma_start3A_287 = tpu.memref_slice %arg7[%dma_start3A_279, %dma_start3A_280, %dma_start3A_286] : memref<2x8x128xi32, #tpu.memory_space<vmem>> -> memref<1x1x128xi32, #tpu.memory_space<vmem>>
        %dma_start3A_288 = tpu.memref_squeeze %dma_start3A_287 : memref<1x1x128xi32, #tpu.memory_space<vmem>> -> memref<128xi32, #tpu.memory_space<vmem>>
        %dma_start3A_289 = arith.constant 0 : i32
        %dma_start3A_290 = arith.constant 0 : i32
        %dma_start3A_291 = tpu.memref_slice %arg2[%dma_start3A_289, %dma_start3A_290] : memref<10240x128xf32, #tpu.memory_space<hbm>> -> memref<10240x128xf32, #tpu.memory_space<hbm>>
        tpu.enqueue_indirect_dma source(%dma_start3A_291 : memref<10240x128xf32, #tpu.memory_space<hbm>>) target(%dma_start3A_285 : memref<128x128xf32, #tpu.memory_space<vmem>>) offsets(%dma_start3A_288 : memref<128xi32, #tpu.memory_space<vmem>>) semaphore(%arg11 : memref<!tpu.dma_semaphore, #tpu.memory_space<semaphore_mem>>)
      } else {
      }
      %dma_wait3A_158 = arith.constant 0 : i32
      %dma_wait3A_159 = arith.constant 7 : i32
      %dma_wait3A_160 = arith.constant 1 : i32
      %dma_wait3A_161 = arith.constant 0 : i32
      %dma_wait3A_162 = arith.constant 0 : i32
      %dma_wait3A_163 = tpu.memref_slice %arg9[%dma_wait3A_160, %dma_wait3A_161, %dma_wait3A_162] : memref<2x128x128xf32, #tpu.memory_space<vmem>> -> memref<1x128x128xf32, #tpu.memory_space<vmem>>
      %dma_wait3A_164 = tpu.memref_squeeze %dma_wait3A_163 : memref<1x128x128xf32, #tpu.memory_space<vmem>> -> memref<128x128xf32, #tpu.memory_space<vmem>>
      %dma_wait3A_165 = arith.constant 0 : i32
      %dma_wait3A_166 = tpu.memref_slice %arg7[%dma_wait3A_158, %dma_wait3A_159, %dma_wait3A_165] : memref<2x8x128xi32, #tpu.memory_space<vmem>> -> memref<1x1x128xi32, #tpu.memory_space<vmem>>
      %dma_wait3A_167 = tpu.memref_squeeze %dma_wait3A_166 : memref<1x1x128xi32, #tpu.memory_space<vmem>> -> memref<128xi32, #tpu.memory_space<vmem>>
      %dma_wait3A_168 = arith.constant 0 : i32
      %dma_wait3A_169 = arith.constant 0 : i32
      %dma_wait3A_170 = tpu.memref_slice %arg2[%dma_wait3A_168, %dma_wait3A_169] : memref<10240x128xf32, #tpu.memory_space<hbm>> -> memref<10240x128xf32, #tpu.memory_space<hbm>>
      tpu.wait_indirect_dma semaphore(%arg12 : memref<!tpu.dma_semaphore, #tpu.memory_space<semaphore_mem>>) src(%dma_wait3A_170 : memref<10240x128xf32, #tpu.memory_space<hbm>>) dst(%dma_wait3A_164 : memref<128x128xf32, #tpu.memory_space<vmem>>)
      %run_scoped3A_171 = arith.constant 1 : i32
      %run_scoped3A_172 = arith.constant 0 : i32
      %run_scoped3A_173 = arith.constant 7 : i32
      "tpu.region"() ({
        %run_scoped3A_243 = tpu.sem_alloc : memref<!tpu.dma_semaphore, #tpu.memory_space<semaphore_mem>>
        %dma_start3A_244 = arith.constant 0 : i32
        %dma_start3A_245 = arith.constant 0 : i32
        %dma_start3A_246 = tpu.memref_slice %arg9[%run_scoped3A_171, %dma_start3A_244, %dma_start3A_245] : memref<2x128x128xf32, #tpu.memory_space<vmem>> -> memref<1x128x128xf32, #tpu.memory_space<vmem>>
        %dma_start3A_247 = tpu.memref_squeeze %dma_start3A_246 : memref<1x128x128xf32, #tpu.memory_space<vmem>> -> memref<128x128xf32, #tpu.memory_space<vmem>>
        %dma_start3A_248 = arith.constant 0 : i32
        %dma_start3A_249 = tpu.memref_slice %arg8[%run_scoped3A_172, %run_scoped3A_173, %dma_start3A_248] : memref<2x8x128xi32, #tpu.memory_space<vmem>> -> memref<1x1x128xi32, #tpu.memory_space<vmem>>
        %dma_start3A_250 = tpu.memref_squeeze %dma_start3A_249 : memref<1x1x128xi32, #tpu.memory_space<vmem>> -> memref<128xi32, #tpu.memory_space<vmem>>
        %dma_start3A_251 = arith.constant 0 : i32
        %dma_start3A_252 = arith.constant 0 : i32
        %dma_start3A_253 = tpu.memref_slice %arg6[%dma_start3A_251, %dma_start3A_252] : memref<10240x128xf32, #tpu.memory_space<vmem_shared>> -> memref<10240x128xf32, #tpu.memory_space<vmem_shared>>
        tpu.enqueue_indirect_dma source(%dma_start3A_247 : memref<128x128xf32, #tpu.memory_space<vmem>>) target(%dma_start3A_253 : memref<10240x128xf32, #tpu.memory_space<vmem_shared>>) offsets(%dma_start3A_250 : memref<128xi32, #tpu.memory_space<vmem>>) semaphore(%run_scoped3A_243 : memref<!tpu.dma_semaphore, #tpu.memory_space<semaphore_mem>>) {add = true}
        %dma_wait3A_254 = arith.constant 0 : i32
        %dma_wait3A_255 = arith.constant 0 : i32
        %dma_wait3A_256 = tpu.memref_slice %arg9[%run_scoped3A_171, %dma_wait3A_254, %dma_wait3A_255] : memref<2x128x128xf32, #tpu.memory_space<vmem>> -> memref<1x128x128xf32, #tpu.memory_space<vmem>>
        %dma_wait3A_257 = tpu.memref_squeeze %dma_wait3A_256 : memref<1x128x128xf32, #tpu.memory_space<vmem>> -> memref<128x128xf32, #tpu.memory_space<vmem>>
        %dma_wait3A_258 = arith.constant 0 : i32
        %dma_wait3A_259 = tpu.memref_slice %arg8[%run_scoped3A_172, %run_scoped3A_173, %dma_wait3A_258] : memref<2x8x128xi32, #tpu.memory_space<vmem>> -> memref<1x1x128xi32, #tpu.memory_space<vmem>>
        %dma_wait3A_260 = tpu.memref_squeeze %dma_wait3A_259 : memref<1x1x128xi32, #tpu.memory_space<vmem>> -> memref<128xi32, #tpu.memory_space<vmem>>
        %dma_wait3A_261 = arith.constant 0 : i32
        %dma_wait3A_262 = arith.constant 0 : i32
        %dma_wait3A_263 = tpu.memref_slice %arg6[%dma_wait3A_261, %dma_wait3A_262] : memref<10240x128xf32, #tpu.memory_space<vmem_shared>> -> memref<10240x128xf32, #tpu.memory_space<vmem_shared>>
        tpu.wait_indirect_dma semaphore(%run_scoped3A_243 : memref<!tpu.dma_semaphore, #tpu.memory_space<semaphore_mem>>) src(%dma_wait3A_257 : memref<128x128xf32, #tpu.memory_space<vmem>>) dst(%dma_wait3A_263 : memref<10240x128xf32, #tpu.memory_space<vmem_shared>>)
        tpu.yield
      }) : () -> ()
      %mul3A_174 = arith.constant 2 : i32
      %mul3A_175 = arith.muli %scan3A_108, %mul3A_174 : i32
      %add3A_176 = arith.constant 1 : i32
      %add3A_177 = arith.addi %mul3A_175, %add3A_176 : i32
      %add3A_178 = arith.constant 1 : i32
      %add3A_179 = arith.addi %add3A_177, %add3A_178 : i32
      %lt3A_180 = arith.constant 10 : i32
      %lt3A_181 = arith.cmpi slt, %add3A_179, %lt3A_180 : i32
      %convert_element_type3A_182 = arith.extui %lt3A_181 : i1 to i32
      %cond3A_183 = arith.constant 0 : i32
      %cond3A_184 = arith.cmpi ne, %convert_element_type3A_182, %cond3A_183 : i32
      scf.if %cond3A_184 {
        %add3A_243 = arith.constant 1 : i32
        %add3A_244 = arith.addi %add3A_177, %add3A_243 : i32
        %mul3A_245 = arith.constant 8 : i32
        %mul3A_246 = arith.muli %add3A_244, %mul3A_245 : i32
        %dma_start3A_247 = arith.constant 0 : i32
        %dma_start3A_248 = arith.constant 0 : i32
        %dma_start3A_249 = arith.constant 0 : i32
        %dma_start3A_250 = tpu.memref_slice %arg7[%dma_start3A_247, %dma_start3A_248, %dma_start3A_249] : memref<2x8x128xi32, #tpu.memory_space<vmem>> -> memref<1x8x128xi32, #tpu.memory_space<vmem>>
        %dma_start3A_251 = tpu.memref_squeeze %dma_start3A_250 : memref<1x8x128xi32, #tpu.memory_space<vmem>> -> memref<8x128xi32, #tpu.memory_space<vmem>>
        %dma_start3A_252 = arith.constant 0 : i32
        %dma_start3A_253 = tpu.memref_slice %arg3[%add3A, %mul3A_246, %dma_start3A_252] : memref<32x80x128xi32, #tpu.memory_space<hbm>> -> memref<1x8x128xi32, #tpu.memory_space<hbm>>
        %dma_start3A_254 = tpu.memref_squeeze %dma_start3A_253 : memref<1x8x128xi32, #tpu.memory_space<hbm>> -> memref<8x128xi32, #tpu.memory_space<hbm>>
        %dma_start3A_255 = arith.constant 0 : i32
        %dma_start3A_256 = arith.constant 0 : i32
        %dma_start3A_257 = tpu.memref_slice %arg7[%dma_start3A_247, %dma_start3A_255, %dma_start3A_256] : memref<2x8x128xi32, #tpu.memory_space<vmem>> -> memref<1x8x128xi32, #tpu.memory_space<vmem>>
        %dma_start3A_258 = tpu.memref_squeeze %dma_start3A_257 : memref<1x8x128xi32, #tpu.memory_space<vmem>> -> memref<8x128xi32, #tpu.memory_space<vmem>>
        %dma_start3A_259 = arith.constant 0 : i32
        %dma_start3A_260 = tpu.memref_slice %arg3[%add3A, %mul3A_246, %dma_start3A_259] : memref<32x80x128xi32, #tpu.memory_space<hbm>> -> memref<1x8x128xi32, #tpu.memory_space<hbm>>
        %dma_start3A_261 = tpu.memref_squeeze %dma_start3A_260 : memref<1x8x128xi32, #tpu.memory_space<hbm>> -> memref<8x128xi32, #tpu.memory_space<hbm>>
        tpu.enqueue_dma source(%dma_start3A_261 : memref<8x128xi32, #tpu.memory_space<hbm>>) target(%dma_start3A_258 : memref<8x128xi32, #tpu.memory_space<vmem>>) target_semaphore(%arg13 : memref<!tpu.dma_semaphore, #tpu.memory_space<semaphore_mem>>)
        %mul3A_262 = arith.constant 8 : i32
        %mul3A_263 = arith.muli %add3A_244, %mul3A_262 : i32
        %dma_start3A_264 = arith.constant 0 : i32
        %dma_start3A_265 = arith.constant 0 : i32
        %dma_start3A_266 = arith.constant 0 : i32
        %dma_start3A_267 = tpu.memref_slice %arg8[%dma_start3A_264, %dma_start3A_265, %dma_start3A_266] : memref<2x8x128xi32, #tpu.memory_space<vmem>> -> memref<1x8x128xi32, #tpu.memory_space<vmem>>
        %dma_start3A_268 = tpu.memref_squeeze %dma_start3A_267 : memref<1x8x128xi32, #tpu.memory_space<vmem>> -> memref<8x128xi32, #tpu.memory_space<vmem>>
        %dma_start3A_269 = arith.constant 0 : i32
        %dma_start3A_270 = tpu.memref_slice %arg4[%add3A, %mul3A_263, %dma_start3A_269] : memref<32x80x128xi32, #tpu.memory_space<hbm>> -> memref<1x8x128xi32, #tpu.memory_space<hbm>>
        %dma_start3A_271 = tpu.memref_squeeze %dma_start3A_270 : memref<1x8x128xi32, #tpu.memory_space<hbm>> -> memref<8x128xi32, #tpu.memory_space<hbm>>
        %dma_start3A_272 = arith.constant 0 : i32
        %dma_start3A_273 = arith.constant 0 : i32
        %dma_start3A_274 = tpu.memref_slice %arg8[%dma_start3A_264, %dma_start3A_272, %dma_start3A_273] : memref<2x8x128xi32, #tpu.memory_space<vmem>> -> memref<1x8x128xi32, #tpu.memory_space<vmem>>
        %dma_start3A_275 = tpu.memref_squeeze %dma_start3A_274 : memref<1x8x128xi32, #tpu.memory_space<vmem>> -> memref<8x128xi32, #tpu.memory_space<vmem>>
        %dma_start3A_276 = arith.constant 0 : i32
        %dma_start3A_277 = tpu.memref_slice %arg4[%add3A, %mul3A_263, %dma_start3A_276] : memref<32x80x128xi32, #tpu.memory_space<hbm>> -> memref<1x8x128xi32, #tpu.memory_space<hbm>>
        %dma_start3A_278 = tpu.memref_squeeze %dma_start3A_277 : memref<1x8x128xi32, #tpu.memory_space<hbm>> -> memref<8x128xi32, #tpu.memory_space<hbm>>
        tpu.enqueue_dma source(%dma_start3A_278 : memref<8x128xi32, #tpu.memory_space<hbm>>) target(%dma_start3A_275 : memref<8x128xi32, #tpu.memory_space<vmem>>) target_semaphore(%arg13 : memref<!tpu.dma_semaphore, #tpu.memory_space<semaphore_mem>>)
      } else {
      }
      %scan3A_185 = arith.constant 0 : i32
      %scan3A_186 = arith.constant 0 : i32
      %scan3A_187 = arith.constant 3 : i32
      %scan3A_188 = arith.addi %scan3A_186, %scan3A_187 : i32
      %scan3A_189 = arith.constant 1 : i32
      scf.for %scan3A_243 = %scan3A_186 to %scan3A_188 step %scan3A_189  : i32 {
        %mul3A_244 = arith.constant 2 : i32
        %mul3A_245 = arith.muli %scan3A_243, %mul3A_244 : i32
        %add3A_246 = arith.constant 0 : i32
        %add3A_247 = arith.addi %mul3A_245, %add3A_246 : i32
        %add3A_248 = arith.constant 1 : i32
        %add3A_249 = arith.addi %add3A_247, %add3A_248 : i32
        %dma_start3A_250 = arith.constant 1 : i32
        %dma_start3A_251 = arith.constant 1 : i32
        %dma_start3A_252 = arith.constant 0 : i32
        %dma_start3A_253 = arith.constant 0 : i32
        %dma_start3A_254 = tpu.memref_slice %arg9[%dma_start3A_251, %dma_start3A_252, %dma_start3A_253] : memref<2x128x128xf32, #tpu.memory_space<vmem>> -> memref<1x128x128xf32, #tpu.memory_space<vmem>>
        %dma_start3A_255 = tpu.memref_squeeze %dma_start3A_254 : memref<1x128x128xf32, #tpu.memory_space<vmem>> -> memref<128x128xf32, #tpu.memory_space<vmem>>
        %dma_start3A_256 = arith.constant 0 : i32
        %dma_start3A_257 = tpu.memref_slice %arg7[%dma_start3A_250, %add3A_249, %dma_start3A_256] : memref<2x8x128xi32, #tpu.memory_space<vmem>> -> memref<1x1x128xi32, #tpu.memory_space<vmem>>
        %dma_start3A_258 = tpu.memref_squeeze %dma_start3A_257 : memref<1x1x128xi32, #tpu.memory_space<vmem>> -> memref<128xi32, #tpu.memory_space<vmem>>
        %dma_start3A_259 = arith.constant 0 : i32
        %dma_start3A_260 = arith.constant 0 : i32
        %dma_start3A_261 = tpu.memref_slice %arg2[%dma_start3A_259, %dma_start3A_260] : memref<10240x128xf32, #tpu.memory_space<hbm>> -> memref<10240x128xf32, #tpu.memory_space<hbm>>
        tpu.enqueue_indirect_dma source(%dma_start3A_261 : memref<10240x128xf32, #tpu.memory_space<hbm>>) target(%dma_start3A_255 : memref<128x128xf32, #tpu.memory_space<vmem>>) offsets(%dma_start3A_258 : memref<128xi32, #tpu.memory_space<vmem>>) semaphore(%arg12 : memref<!tpu.dma_semaphore, #tpu.memory_space<semaphore_mem>>)
        %dma_wait3A_262 = arith.constant 1 : i32
        %dma_wait3A_263 = arith.constant 0 : i32
        %dma_wait3A_264 = arith.constant 0 : i32
        %dma_wait3A_265 = arith.constant 0 : i32
        %dma_wait3A_266 = tpu.memref_slice %arg9[%dma_wait3A_263, %dma_wait3A_264, %dma_wait3A_265] : memref<2x128x128xf32, #tpu.memory_space<vmem>> -> memref<1x128x128xf32, #tpu.memory_space<vmem>>
        %dma_wait3A_267 = tpu.memref_squeeze %dma_wait3A_266 : memref<1x128x128xf32, #tpu.memory_space<vmem>> -> memref<128x128xf32, #tpu.memory_space<vmem>>
        %dma_wait3A_268 = arith.constant 0 : i32
        %dma_wait3A_269 = tpu.memref_slice %arg7[%dma_wait3A_262, %add3A_247, %dma_wait3A_268] : memref<2x8x128xi32, #tpu.memory_space<vmem>> -> memref<1x1x128xi32, #tpu.memory_space<vmem>>
        %dma_wait3A_270 = tpu.memref_squeeze %dma_wait3A_269 : memref<1x1x128xi32, #tpu.memory_space<vmem>> -> memref<128xi32, #tpu.memory_space<vmem>>
        %dma_wait3A_271 = arith.constant 0 : i32
        %dma_wait3A_272 = arith.constant 0 : i32
        %dma_wait3A_273 = tpu.memref_slice %arg2[%dma_wait3A_271, %dma_wait3A_272] : memref<10240x128xf32, #tpu.memory_space<hbm>> -> memref<10240x128xf32, #tpu.memory_space<hbm>>
        tpu.wait_indirect_dma semaphore(%arg11 : memref<!tpu.dma_semaphore, #tpu.memory_space<semaphore_mem>>) src(%dma_wait3A_273 : memref<10240x128xf32, #tpu.memory_space<hbm>>) dst(%dma_wait3A_267 : memref<128x128xf32, #tpu.memory_space<vmem>>)
        %run_scoped3A_274 = arith.constant 0 : i32
        %run_scoped3A_275 = arith.constant 1 : i32
        "tpu.region"() ({
          %run_scoped3A_308 = tpu.sem_alloc : memref<!tpu.dma_semaphore, #tpu.memory_space<semaphore_mem>>
          %dma_start3A_309 = arith.constant 0 : i32
          %dma_start3A_310 = arith.constant 0 : i32
          %dma_start3A_311 = tpu.memref_slice %arg9[%run_scoped3A_274, %dma_start3A_309, %dma_start3A_310] : memref<2x128x128xf32, #tpu.memory_space<vmem>> -> memref<1x128x128xf32, #tpu.memory_space<vmem>>
          %dma_start3A_312 = tpu.memref_squeeze %dma_start3A_311 : memref<1x128x128xf32, #tpu.memory_space<vmem>> -> memref<128x128xf32, #tpu.memory_space<vmem>>
          %dma_start3A_313 = arith.constant 0 : i32
          %dma_start3A_314 = tpu.memref_slice %arg8[%run_scoped3A_275, %add3A_247, %dma_start3A_313] : memref<2x8x128xi32, #tpu.memory_space<vmem>> -> memref<1x1x128xi32, #tpu.memory_space<vmem>>
          %dma_start3A_315 = tpu.memref_squeeze %dma_start3A_314 : memref<1x1x128xi32, #tpu.memory_space<vmem>> -> memref<128xi32, #tpu.memory_space<vmem>>
          %dma_start3A_316 = arith.constant 0 : i32
          %dma_start3A_317 = arith.constant 0 : i32
          %dma_start3A_318 = tpu.memref_slice %arg6[%dma_start3A_316, %dma_start3A_317] : memref<10240x128xf32, #tpu.memory_space<vmem_shared>> -> memref<10240x128xf32, #tpu.memory_space<vmem_shared>>
          tpu.enqueue_indirect_dma source(%dma_start3A_312 : memref<128x128xf32, #tpu.memory_space<vmem>>) target(%dma_start3A_318 : memref<10240x128xf32, #tpu.memory_space<vmem_shared>>) offsets(%dma_start3A_315 : memref<128xi32, #tpu.memory_space<vmem>>) semaphore(%run_scoped3A_308 : memref<!tpu.dma_semaphore, #tpu.memory_space<semaphore_mem>>) {add = true}
          %dma_wait3A_319 = arith.constant 0 : i32
          %dma_wait3A_320 = arith.constant 0 : i32
          %dma_wait3A_321 = tpu.memref_slice %arg9[%run_scoped3A_274, %dma_wait3A_319, %dma_wait3A_320] : memref<2x128x128xf32, #tpu.memory_space<vmem>> -> memref<1x128x128xf32, #tpu.memory_space<vmem>>
          %dma_wait3A_322 = tpu.memref_squeeze %dma_wait3A_321 : memref<1x128x128xf32, #tpu.memory_space<vmem>> -> memref<128x128xf32, #tpu.memory_space<vmem>>
          %dma_wait3A_323 = arith.constant 0 : i32
          %dma_wait3A_324 = tpu.memref_slice %arg8[%run_scoped3A_275, %add3A_247, %dma_wait3A_323] : memref<2x8x128xi32, #tpu.memory_space<vmem>> -> memref<1x1x128xi32, #tpu.memory_space<vmem>>
          %dma_wait3A_325 = tpu.memref_squeeze %dma_wait3A_324 : memref<1x1x128xi32, #tpu.memory_space<vmem>> -> memref<128xi32, #tpu.memory_space<vmem>>
          %dma_wait3A_326 = arith.constant 0 : i32
          %dma_wait3A_327 = arith.constant 0 : i32
          %dma_wait3A_328 = tpu.memref_slice %arg6[%dma_wait3A_326, %dma_wait3A_327] : memref<10240x128xf32, #tpu.memory_space<vmem_shared>> -> memref<10240x128xf32, #tpu.memory_space<vmem_shared>>
          tpu.wait_indirect_dma semaphore(%run_scoped3A_308 : memref<!tpu.dma_semaphore, #tpu.memory_space<semaphore_mem>>) src(%dma_wait3A_322 : memref<128x128xf32, #tpu.memory_space<vmem>>) dst(%dma_wait3A_328 : memref<10240x128xf32, #tpu.memory_space<vmem_shared>>)
          tpu.yield
        }) : () -> ()
        %mul3A_276 = arith.constant 2 : i32
        %mul3A_277 = arith.muli %scan3A_243, %mul3A_276 : i32
        %add3A_278 = arith.constant 1 : i32
        %add3A_279 = arith.addi %mul3A_277, %add3A_278 : i32
        %add3A_280 = arith.constant 1 : i32
        %add3A_281 = arith.addi %add3A_279, %add3A_280 : i32
        %dma_start3A_282 = arith.constant 1 : i32
        %dma_start3A_283 = arith.constant 0 : i32
        %dma_start3A_284 = arith.constant 0 : i32
        %dma_start3A_285 = arith.constant 0 : i32
        %dma_start3A_286 = tpu.memref_slice %arg9[%dma_start3A_283, %dma_start3A_284, %dma_start3A_285] : memref<2x128x128xf32, #tpu.memory_space<vmem>> -> memref<1x128x128xf32, #tpu.memory_space<vmem>>
        %dma_start3A_287 = tpu.memref_squeeze %dma_start3A_286 : memref<1x128x128xf32, #tpu.memory_space<vmem>> -> memref<128x128xf32, #tpu.memory_space<vmem>>
        %dma_start3A_288 = arith.constant 0 : i32
        %dma_start3A_289 = tpu.memref_slice %arg7[%dma_start3A_282, %add3A_281, %dma_start3A_288] : memref<2x8x128xi32, #tpu.memory_space<vmem>> -> memref<1x1x128xi32, #tpu.memory_space<vmem>>
        %dma_start3A_290 = tpu.memref_squeeze %dma_start3A_289 : memref<1x1x128xi32, #tpu.memory_space<vmem>> -> memref<128xi32, #tpu.memory_space<vmem>>
        %dma_start3A_291 = arith.constant 0 : i32
        %dma_start3A_292 = arith.constant 0 : i32
        %dma_start3A_293 = tpu.memref_slice %arg2[%dma_start3A_291, %dma_start3A_292] : memref<10240x128xf32, #tpu.memory_space<hbm>> -> memref<10240x128xf32, #tpu.memory_space<hbm>>
        tpu.enqueue_indirect_dma source(%dma_start3A_293 : memref<10240x128xf32, #tpu.memory_space<hbm>>) target(%dma_start3A_287 : memref<128x128xf32, #tpu.memory_space<vmem>>) offsets(%dma_start3A_290 : memref<128xi32, #tpu.memory_space<vmem>>) semaphore(%arg11 : memref<!tpu.dma_semaphore, #tpu.memory_space<semaphore_mem>>)
        %dma_wait3A_294 = arith.constant 1 : i32
        %dma_wait3A_295 = arith.constant 1 : i32
        %dma_wait3A_296 = arith.constant 0 : i32
        %dma_wait3A_297 = arith.constant 0 : i32
        %dma_wait3A_298 = tpu.memref_slice %arg9[%dma_wait3A_295, %dma_wait3A_296, %dma_wait3A_297] : memref<2x128x128xf32, #tpu.memory_space<vmem>> -> memref<1x128x128xf32, #tpu.memory_space<vmem>>
        %dma_wait3A_299 = tpu.memref_squeeze %dma_wait3A_298 : memref<1x128x128xf32, #tpu.memory_space<vmem>> -> memref<128x128xf32, #tpu.memory_space<vmem>>
        %dma_wait3A_300 = arith.constant 0 : i32
        %dma_wait3A_301 = tpu.memref_slice %arg7[%dma_wait3A_294, %add3A_279, %dma_wait3A_300] : memref<2x8x128xi32, #tpu.memory_space<vmem>> -> memref<1x1x128xi32, #tpu.memory_space<vmem>>
        %dma_wait3A_302 = tpu.memref_squeeze %dma_wait3A_301 : memref<1x1x128xi32, #tpu.memory_space<vmem>> -> memref<128xi32, #tpu.memory_space<vmem>>
        %dma_wait3A_303 = arith.constant 0 : i32
        %dma_wait3A_304 = arith.constant 0 : i32
        %dma_wait3A_305 = tpu.memref_slice %arg2[%dma_wait3A_303, %dma_wait3A_304] : memref<10240x128xf32, #tpu.memory_space<hbm>> -> memref<10240x128xf32, #tpu.memory_space<hbm>>
        tpu.wait_indirect_dma semaphore(%arg12 : memref<!tpu.dma_semaphore, #tpu.memory_space<semaphore_mem>>) src(%dma_wait3A_305 : memref<10240x128xf32, #tpu.memory_space<hbm>>) dst(%dma_wait3A_299 : memref<128x128xf32, #tpu.memory_space<vmem>>)
        %run_scoped3A_306 = arith.constant 1 : i32
        %run_scoped3A_307 = arith.constant 1 : i32
        "tpu.region"() ({
          %run_scoped3A_308 = tpu.sem_alloc : memref<!tpu.dma_semaphore, #tpu.memory_space<semaphore_mem>>
          %dma_start3A_309 = arith.constant 0 : i32
          %dma_start3A_310 = arith.constant 0 : i32
          %dma_start3A_311 = tpu.memref_slice %arg9[%run_scoped3A_306, %dma_start3A_309, %dma_start3A_310] : memref<2x128x128xf32, #tpu.memory_space<vmem>> -> memref<1x128x128xf32, #tpu.memory_space<vmem>>
          %dma_start3A_312 = tpu.memref_squeeze %dma_start3A_311 : memref<1x128x128xf32, #tpu.memory_space<vmem>> -> memref<128x128xf32, #tpu.memory_space<vmem>>
          %dma_start3A_313 = arith.constant 0 : i32
          %dma_start3A_314 = tpu.memref_slice %arg8[%run_scoped3A_307, %add3A_279, %dma_start3A_313] : memref<2x8x128xi32, #tpu.memory_space<vmem>> -> memref<1x1x128xi32, #tpu.memory_space<vmem>>
          %dma_start3A_315 = tpu.memref_squeeze %dma_start3A_314 : memref<1x1x128xi32, #tpu.memory_space<vmem>> -> memref<128xi32, #tpu.memory_space<vmem>>
          %dma_start3A_316 = arith.constant 0 : i32
          %dma_start3A_317 = arith.constant 0 : i32
          %dma_start3A_318 = tpu.memref_slice %arg6[%dma_start3A_316, %dma_start3A_317] : memref<10240x128xf32, #tpu.memory_space<vmem_shared>> -> memref<10240x128xf32, #tpu.memory_space<vmem_shared>>
          tpu.enqueue_indirect_dma source(%dma_start3A_312 : memref<128x128xf32, #tpu.memory_space<vmem>>) target(%dma_start3A_318 : memref<10240x128xf32, #tpu.memory_space<vmem_shared>>) offsets(%dma_start3A_315 : memref<128xi32, #tpu.memory_space<vmem>>) semaphore(%run_scoped3A_308 : memref<!tpu.dma_semaphore, #tpu.memory_space<semaphore_mem>>) {add = true}
          %dma_wait3A_319 = arith.constant 0 : i32
          %dma_wait3A_320 = arith.constant 0 : i32
          %dma_wait3A_321 = tpu.memref_slice %arg9[%run_scoped3A_306, %dma_wait3A_319, %dma_wait3A_320] : memref<2x128x128xf32, #tpu.memory_space<vmem>> -> memref<1x128x128xf32, #tpu.memory_space<vmem>>
          %dma_wait3A_322 = tpu.memref_squeeze %dma_wait3A_321 : memref<1x128x128xf32, #tpu.memory_space<vmem>> -> memref<128x128xf32, #tpu.memory_space<vmem>>
          %dma_wait3A_323 = arith.constant 0 : i32
          %dma_wait3A_324 = tpu.memref_slice %arg8[%run_scoped3A_307, %add3A_279, %dma_wait3A_323] : memref<2x8x128xi32, #tpu.memory_space<vmem>> -> memref<1x1x128xi32, #tpu.memory_space<vmem>>
          %dma_wait3A_325 = tpu.memref_squeeze %dma_wait3A_324 : memref<1x1x128xi32, #tpu.memory_space<vmem>> -> memref<128xi32, #tpu.memory_space<vmem>>
          %dma_wait3A_326 = arith.constant 0 : i32
          %dma_wait3A_327 = arith.constant 0 : i32
          %dma_wait3A_328 = tpu.memref_slice %arg6[%dma_wait3A_326, %dma_wait3A_327] : memref<10240x128xf32, #tpu.memory_space<vmem_shared>> -> memref<10240x128xf32, #tpu.memory_space<vmem_shared>>
          tpu.wait_indirect_dma semaphore(%run_scoped3A_308 : memref<!tpu.dma_semaphore, #tpu.memory_space<semaphore_mem>>) src(%dma_wait3A_322 : memref<128x128xf32, #tpu.memory_space<vmem>>) dst(%dma_wait3A_328 : memref<10240x128xf32, #tpu.memory_space<vmem_shared>>)
          tpu.yield
        }) : () -> ()
      }
      %scan3A_190 = arith.constant 3 : i32
      %dma_start3A_191 = arith.constant 1 : i32
      %dma_start3A_192 = arith.constant 7 : i32
      %dma_start3A_193 = arith.constant 1 : i32
      %dma_start3A_194 = arith.constant 0 : i32
      %dma_start3A_195 = arith.constant 0 : i32
      %dma_start3A_196 = tpu.memref_slice %arg9[%dma_start3A_193, %dma_start3A_194, %dma_start3A_195] : memref<2x128x128xf32, #tpu.memory_space<vmem>> -> memref<1x128x128xf32, #tpu.memory_space<vmem>>
      %dma_start3A_197 = tpu.memref_squeeze %dma_start3A_196 : memref<1x128x128xf32, #tpu.memory_space<vmem>> -> memref<128x128xf32, #tpu.memory_space<vmem>>
      %dma_start3A_198 = arith.constant 0 : i32
      %dma_start3A_199 = tpu.memref_slice %arg7[%dma_start3A_191, %dma_start3A_192, %dma_start3A_198] : memref<2x8x128xi32, #tpu.memory_space<vmem>> -> memref<1x1x128xi32, #tpu.memory_space<vmem>>
      %dma_start3A_200 = tpu.memref_squeeze %dma_start3A_199 : memref<1x1x128xi32, #tpu.memory_space<vmem>> -> memref<128xi32, #tpu.memory_space<vmem>>
      %dma_start3A_201 = arith.constant 0 : i32
      %dma_start3A_202 = arith.constant 0 : i32
      %dma_start3A_203 = tpu.memref_slice %arg2[%dma_start3A_201, %dma_start3A_202] : memref<10240x128xf32, #tpu.memory_space<hbm>> -> memref<10240x128xf32, #tpu.memory_space<hbm>>
      tpu.enqueue_indirect_dma source(%dma_start3A_203 : memref<10240x128xf32, #tpu.memory_space<hbm>>) target(%dma_start3A_197 : memref<128x128xf32, #tpu.memory_space<vmem>>) offsets(%dma_start3A_200 : memref<128xi32, #tpu.memory_space<vmem>>) semaphore(%arg12 : memref<!tpu.dma_semaphore, #tpu.memory_space<semaphore_mem>>)
      %dma_wait3A_204 = arith.constant 1 : i32
      %dma_wait3A_205 = arith.constant 6 : i32
      %dma_wait3A_206 = arith.constant 0 : i32
      %dma_wait3A_207 = arith.constant 0 : i32
      %dma_wait3A_208 = arith.constant 0 : i32
      %dma_wait3A_209 = tpu.memref_slice %arg9[%dma_wait3A_206, %dma_wait3A_207, %dma_wait3A_208] : memref<2x128x128xf32, #tpu.memory_space<vmem>> -> memref<1x128x128xf32, #tpu.memory_space<vmem>>
      %dma_wait3A_210 = tpu.memref_squeeze %dma_wait3A_209 : memref<1x128x128xf32, #tpu.memory_space<vmem>> -> memref<128x128xf32, #tpu.memory_space<vmem>>
      %dma_wait3A_211 = arith.constant 0 : i32
      %dma_wait3A_212 = tpu.memref_slice %arg7[%dma_wait3A_204, %dma_wait3A_205, %dma_wait3A_211] : memref<2x8x128xi32, #tpu.memory_space<vmem>> -> memref<1x1x128xi32, #tpu.memory_space<vmem>>
      %dma_wait3A_213 = tpu.memref_squeeze %dma_wait3A_212 : memref<1x1x128xi32, #tpu.memory_space<vmem>> -> memref<128xi32, #tpu.memory_space<vmem>>
      %dma_wait3A_214 = arith.constant 0 : i32
      %dma_wait3A_215 = arith.constant 0 : i32
      %dma_wait3A_216 = tpu.memref_slice %arg2[%dma_wait3A_214, %dma_wait3A_215] : memref<10240x128xf32, #tpu.memory_space<hbm>> -> memref<10240x128xf32, #tpu.memory_space<hbm>>
      tpu.wait_indirect_dma semaphore(%arg11 : memref<!tpu.dma_semaphore, #tpu.memory_space<semaphore_mem>>) src(%dma_wait3A_216 : memref<10240x128xf32, #tpu.memory_space<hbm>>) dst(%dma_wait3A_210 : memref<128x128xf32, #tpu.memory_space<vmem>>)
      %run_scoped3A_217 = arith.constant 0 : i32
      %run_scoped3A_218 = arith.constant 1 : i32
      %run_scoped3A_219 = arith.constant 6 : i32
      "tpu.region"() ({
        %run_scoped3A_243 = tpu.sem_alloc : memref<!tpu.dma_semaphore, #tpu.memory_space<semaphore_mem>>
        %dma_start3A_244 = arith.constant 0 : i32
        %dma_start3A_245 = arith.constant 0 : i32
        %dma_start3A_246 = tpu.memref_slice %arg9[%run_scoped3A_217, %dma_start3A_244, %dma_start3A_245] : memref<2x128x128xf32, #tpu.memory_space<vmem>> -> memref<1x128x128xf32, #tpu.memory_space<vmem>>
        %dma_start3A_247 = tpu.memref_squeeze %dma_start3A_246 : memref<1x128x128xf32, #tpu.memory_space<vmem>> -> memref<128x128xf32, #tpu.memory_space<vmem>>
        %dma_start3A_248 = arith.constant 0 : i32
        %dma_start3A_249 = tpu.memref_slice %arg8[%run_scoped3A_218, %run_scoped3A_219, %dma_start3A_248] : memref<2x8x128xi32, #tpu.memory_space<vmem>> -> memref<1x1x128xi32, #tpu.memory_space<vmem>>
        %dma_start3A_250 = tpu.memref_squeeze %dma_start3A_249 : memref<1x1x128xi32, #tpu.memory_space<vmem>> -> memref<128xi32, #tpu.memory_space<vmem>>
        %dma_start3A_251 = arith.constant 0 : i32
        %dma_start3A_252 = arith.constant 0 : i32
        %dma_start3A_253 = tpu.memref_slice %arg6[%dma_start3A_251, %dma_start3A_252] : memref<10240x128xf32, #tpu.memory_space<vmem_shared>> -> memref<10240x128xf32, #tpu.memory_space<vmem_shared>>
        tpu.enqueue_indirect_dma source(%dma_start3A_247 : memref<128x128xf32, #tpu.memory_space<vmem>>) target(%dma_start3A_253 : memref<10240x128xf32, #tpu.memory_space<vmem_shared>>) offsets(%dma_start3A_250 : memref<128xi32, #tpu.memory_space<vmem>>) semaphore(%run_scoped3A_243 : memref<!tpu.dma_semaphore, #tpu.memory_space<semaphore_mem>>) {add = true}
        %dma_wait3A_254 = arith.constant 0 : i32
        %dma_wait3A_255 = arith.constant 0 : i32
        %dma_wait3A_256 = tpu.memref_slice %arg9[%run_scoped3A_217, %dma_wait3A_254, %dma_wait3A_255] : memref<2x128x128xf32, #tpu.memory_space<vmem>> -> memref<1x128x128xf32, #tpu.memory_space<vmem>>
        %dma_wait3A_257 = tpu.memref_squeeze %dma_wait3A_256 : memref<1x128x128xf32, #tpu.memory_space<vmem>> -> memref<128x128xf32, #tpu.memory_space<vmem>>
        %dma_wait3A_258 = arith.constant 0 : i32
        %dma_wait3A_259 = tpu.memref_slice %arg8[%run_scoped3A_218, %run_scoped3A_219, %dma_wait3A_258] : memref<2x8x128xi32, #tpu.memory_space<vmem>> -> memref<1x1x128xi32, #tpu.memory_space<vmem>>
        %dma_wait3A_260 = tpu.memref_squeeze %dma_wait3A_259 : memref<1x1x128xi32, #tpu.memory_space<vmem>> -> memref<128xi32, #tpu.memory_space<vmem>>
        %dma_wait3A_261 = arith.constant 0 : i32
        %dma_wait3A_262 = arith.constant 0 : i32
        %dma_wait3A_263 = tpu.memref_slice %arg6[%dma_wait3A_261, %dma_wait3A_262] : memref<10240x128xf32, #tpu.memory_space<vmem_shared>> -> memref<10240x128xf32, #tpu.memory_space<vmem_shared>>
        tpu.wait_indirect_dma semaphore(%run_scoped3A_243 : memref<!tpu.dma_semaphore, #tpu.memory_space<semaphore_mem>>) src(%dma_wait3A_257 : memref<128x128xf32, #tpu.memory_space<vmem>>) dst(%dma_wait3A_263 : memref<10240x128xf32, #tpu.memory_space<vmem_shared>>)
        tpu.yield
      }) : () -> ()
      %add3A_220 = arith.constant 1 : i32
      %add3A_221 = arith.addi %add3A_177, %add3A_220 : i32
      %lt3A_222 = arith.constant 10 : i32
      %lt3A_223 = arith.cmpi slt, %add3A_221, %lt3A_222 : i32
      %convert_element_type3A_224 = arith.extui %lt3A_223 : i1 to i32
      %cond3A_225 = arith.constant 0 : i32
      %cond3A_226 = arith.cmpi ne, %convert_element_type3A_224, %cond3A_225 : i32
      scf.if %cond3A_226 {
        %add3A_243 = arith.constant 1 : i32
        %add3A_244 = arith.addi %add3A_177, %add3A_243 : i32
        %mul3A_245 = arith.constant 8 : i32
        %mul3A_246 = arith.muli %add3A_244, %mul3A_245 : i32
        %dma_wait3A_247 = arith.constant 0 : i32
        %dma_wait3A_248 = arith.constant 0 : i32
        %dma_wait3A_249 = arith.constant 0 : i32
        %dma_wait3A_250 = tpu.memref_slice %arg7[%dma_wait3A_247, %dma_wait3A_248, %dma_wait3A_249] : memref<2x8x128xi32, #tpu.memory_space<vmem>> -> memref<1x8x128xi32, #tpu.memory_space<vmem>>
        %dma_wait3A_251 = tpu.memref_squeeze %dma_wait3A_250 : memref<1x8x128xi32, #tpu.memory_space<vmem>> -> memref<8x128xi32, #tpu.memory_space<vmem>>
        %dma_wait3A_252 = arith.constant 0 : i32
        %dma_wait3A_253 = tpu.memref_slice %arg3[%add3A, %mul3A_246, %dma_wait3A_252] : memref<32x80x128xi32, #tpu.memory_space<hbm>> -> memref<1x8x128xi32, #tpu.memory_space<hbm>>
        %dma_wait3A_254 = tpu.memref_squeeze %dma_wait3A_253 : memref<1x8x128xi32, #tpu.memory_space<hbm>> -> memref<8x128xi32, #tpu.memory_space<hbm>>
        %dma_wait3A_255 = arith.constant 0 : i32
        %dma_wait3A_256 = arith.constant 0 : i32
        %dma_wait3A_257 = tpu.memref_slice %arg7[%dma_wait3A_247, %dma_wait3A_255, %dma_wait3A_256] : memref<2x8x128xi32, #tpu.memory_space<vmem>> -> memref<1x8x128xi32, #tpu.memory_space<vmem>>
        %dma_wait3A_258 = tpu.memref_squeeze %dma_wait3A_257 : memref<1x8x128xi32, #tpu.memory_space<vmem>> -> memref<8x128xi32, #tpu.memory_space<vmem>>
        %dma_wait3A_259 = arith.constant 0 : i32
        %dma_wait3A_260 = tpu.memref_slice %arg3[%add3A, %mul3A_246, %dma_wait3A_259] : memref<32x80x128xi32, #tpu.memory_space<hbm>> -> memref<1x8x128xi32, #tpu.memory_space<hbm>>
        %dma_wait3A_261 = tpu.memref_squeeze %dma_wait3A_260 : memref<1x8x128xi32, #tpu.memory_space<hbm>> -> memref<8x128xi32, #tpu.memory_space<hbm>>
        tpu.wait_dma2 semaphore(%arg13 : memref<!tpu.dma_semaphore, #tpu.memory_space<semaphore_mem>>) src(%dma_wait3A_261 : memref<8x128xi32, #tpu.memory_space<hbm>>) dst(%dma_wait3A_258 : memref<8x128xi32, #tpu.memory_space<vmem>>)
        %mul3A_262 = arith.constant 8 : i32
        %mul3A_263 = arith.muli %add3A_244, %mul3A_262 : i32
        %dma_wait3A_264 = arith.constant 0 : i32
        %dma_wait3A_265 = arith.constant 0 : i32
        %dma_wait3A_266 = arith.constant 0 : i32
        %dma_wait3A_267 = tpu.memref_slice %arg8[%dma_wait3A_264, %dma_wait3A_265, %dma_wait3A_266] : memref<2x8x128xi32, #tpu.memory_space<vmem>> -> memref<1x8x128xi32, #tpu.memory_space<vmem>>
        %dma_wait3A_268 = tpu.memref_squeeze %dma_wait3A_267 : memref<1x8x128xi32, #tpu.memory_space<vmem>> -> memref<8x128xi32, #tpu.memory_space<vmem>>
        %dma_wait3A_269 = arith.constant 0 : i32
        %dma_wait3A_270 = tpu.memref_slice %arg4[%add3A, %mul3A_263, %dma_wait3A_269] : memref<32x80x128xi32, #tpu.memory_space<hbm>> -> memref<1x8x128xi32, #tpu.memory_space<hbm>>
        %dma_wait3A_271 = tpu.memref_squeeze %dma_wait3A_270 : memref<1x8x128xi32, #tpu.memory_space<hbm>> -> memref<8x128xi32, #tpu.memory_space<hbm>>
        %dma_wait3A_272 = arith.constant 0 : i32
        %dma_wait3A_273 = arith.constant 0 : i32
        %dma_wait3A_274 = tpu.memref_slice %arg8[%dma_wait3A_264, %dma_wait3A_272, %dma_wait3A_273] : memref<2x8x128xi32, #tpu.memory_space<vmem>> -> memref<1x8x128xi32, #tpu.memory_space<vmem>>
        %dma_wait3A_275 = tpu.memref_squeeze %dma_wait3A_274 : memref<1x8x128xi32, #tpu.memory_space<vmem>> -> memref<8x128xi32, #tpu.memory_space<vmem>>
        %dma_wait3A_276 = arith.constant 0 : i32
        %dma_wait3A_277 = tpu.memref_slice %arg4[%add3A, %mul3A_263, %dma_wait3A_276] : memref<32x80x128xi32, #tpu.memory_space<hbm>> -> memref<1x8x128xi32, #tpu.memory_space<hbm>>
        %dma_wait3A_278 = tpu.memref_squeeze %dma_wait3A_277 : memref<1x8x128xi32, #tpu.memory_space<hbm>> -> memref<8x128xi32, #tpu.memory_space<hbm>>
        tpu.wait_dma2 semaphore(%arg13 : memref<!tpu.dma_semaphore, #tpu.memory_space<semaphore_mem>>) src(%dma_wait3A_278 : memref<8x128xi32, #tpu.memory_space<hbm>>) dst(%dma_wait3A_275 : memref<8x128xi32, #tpu.memory_space<vmem>>)
        %dma_start3A_279 = arith.constant 0 : i32
        %dma_start3A_280 = arith.constant 0 : i32
        %dma_start3A_281 = arith.constant 0 : i32
        %dma_start3A_282 = arith.constant 0 : i32
        %dma_start3A_283 = arith.constant 0 : i32
        %dma_start3A_284 = tpu.memref_slice %arg9[%dma_start3A_281, %dma_start3A_282, %dma_start3A_283] : memref<2x128x128xf32, #tpu.memory_space<vmem>> -> memref<1x128x128xf32, #tpu.memory_space<vmem>>
        %dma_start3A_285 = tpu.memref_squeeze %dma_start3A_284 : memref<1x128x128xf32, #tpu.memory_space<vmem>> -> memref<128x128xf32, #tpu.memory_space<vmem>>
        %dma_start3A_286 = arith.constant 0 : i32
        %dma_start3A_287 = tpu.memref_slice %arg7[%dma_start3A_279, %dma_start3A_280, %dma_start3A_286] : memref<2x8x128xi32, #tpu.memory_space<vmem>> -> memref<1x1x128xi32, #tpu.memory_space<vmem>>
        %dma_start3A_288 = tpu.memref_squeeze %dma_start3A_287 : memref<1x1x128xi32, #tpu.memory_space<vmem>> -> memref<128xi32, #tpu.memory_space<vmem>>
        %dma_start3A_289 = arith.constant 0 : i32
        %dma_start3A_290 = arith.constant 0 : i32
        %dma_start3A_291 = tpu.memref_slice %arg2[%dma_start3A_289, %dma_start3A_290] : memref<10240x128xf32, #tpu.memory_space<hbm>> -> memref<10240x128xf32, #tpu.memory_space<hbm>>
        tpu.enqueue_indirect_dma source(%dma_start3A_291 : memref<10240x128xf32, #tpu.memory_space<hbm>>) target(%dma_start3A_285 : memref<128x128xf32, #tpu.memory_space<vmem>>) offsets(%dma_start3A_288 : memref<128xi32, #tpu.memory_space<vmem>>) semaphore(%arg11 : memref<!tpu.dma_semaphore, #tpu.memory_space<semaphore_mem>>)
      } else {
      }
      %dma_wait3A_227 = arith.constant 1 : i32
      %dma_wait3A_228 = arith.constant 7 : i32
      %dma_wait3A_229 = arith.constant 1 : i32
      %dma_wait3A_230 = arith.constant 0 : i32
      %dma_wait3A_231 = arith.constant 0 : i32
      %dma_wait3A_232 = tpu.memref_slice %arg9[%dma_wait3A_229, %dma_wait3A_230, %dma_wait3A_231] : memref<2x128x128xf32, #tpu.memory_space<vmem>> -> memref<1x128x128xf32, #tpu.memory_space<vmem>>
      %dma_wait3A_233 = tpu.memref_squeeze %dma_wait3A_232 : memref<1x128x128xf32, #tpu.memory_space<vmem>> -> memref<128x128xf32, #tpu.memory_space<vmem>>
      %dma_wait3A_234 = arith.constant 0 : i32
      %dma_wait3A_235 = tpu.memref_slice %arg7[%dma_wait3A_227, %dma_wait3A_228, %dma_wait3A_234] : memref<2x8x128xi32, #tpu.memory_space<vmem>> -> memref<1x1x128xi32, #tpu.memory_space<vmem>>
      %dma_wait3A_236 = tpu.memref_squeeze %dma_wait3A_235 : memref<1x1x128xi32, #tpu.memory_space<vmem>> -> memref<128xi32, #tpu.memory_space<vmem>>
      %dma_wait3A_237 = arith.constant 0 : i32
      %dma_wait3A_238 = arith.constant 0 : i32
      %dma_wait3A_239 = tpu.memref_slice %arg2[%dma_wait3A_237, %dma_wait3A_238] : memref<10240x128xf32, #tpu.memory_space<hbm>> -> memref<10240x128xf32, #tpu.memory_space<hbm>>
      tpu.wait_indirect_dma semaphore(%arg12 : memref<!tpu.dma_semaphore, #tpu.memory_space<semaphore_mem>>) src(%dma_wait3A_239 : memref<10240x128xf32, #tpu.memory_space<hbm>>) dst(%dma_wait3A_233 : memref<128x128xf32, #tpu.memory_space<vmem>>)
      %run_scoped3A_240 = arith.constant 1 : i32
      %run_scoped3A_241 = arith.constant 1 : i32
      %run_scoped3A_242 = arith.constant 7 : i32
      "tpu.region"() ({
        %run_scoped3A_243 = tpu.sem_alloc : memref<!tpu.dma_semaphore, #tpu.memory_space<semaphore_mem>>
        %dma_start3A_244 = arith.constant 0 : i32
        %dma_start3A_245 = arith.constant 0 : i32
        %dma_start3A_246 = tpu.memref_slice %arg9[%run_scoped3A_240, %dma_start3A_244, %dma_start3A_245] : memref<2x128x128xf32, #tpu.memory_space<vmem>> -> memref<1x128x128xf32, #tpu.memory_space<vmem>>
        %dma_start3A_247 = tpu.memref_squeeze %dma_start3A_246 : memref<1x128x128xf32, #tpu.memory_space<vmem>> -> memref<128x128xf32, #tpu.memory_space<vmem>>
        %dma_start3A_248 = arith.constant 0 : i32
        %dma_start3A_249 = tpu.memref_slice %arg8[%run_scoped3A_241, %run_scoped3A_242, %dma_start3A_248] : memref<2x8x128xi32, #tpu.memory_space<vmem>> -> memref<1x1x128xi32, #tpu.memory_space<vmem>>
        %dma_start3A_250 = tpu.memref_squeeze %dma_start3A_249 : memref<1x1x128xi32, #tpu.memory_space<vmem>> -> memref<128xi32, #tpu.memory_space<vmem>>
        %dma_start3A_251 = arith.constant 0 : i32
        %dma_start3A_252 = arith.constant 0 : i32
        %dma_start3A_253 = tpu.memref_slice %arg6[%dma_start3A_251, %dma_start3A_252] : memref<10240x128xf32, #tpu.memory_space<vmem_shared>> -> memref<10240x128xf32, #tpu.memory_space<vmem_shared>>
        tpu.enqueue_indirect_dma source(%dma_start3A_247 : memref<128x128xf32, #tpu.memory_space<vmem>>) target(%dma_start3A_253 : memref<10240x128xf32, #tpu.memory_space<vmem_shared>>) offsets(%dma_start3A_250 : memref<128xi32, #tpu.memory_space<vmem>>) semaphore(%run_scoped3A_243 : memref<!tpu.dma_semaphore, #tpu.memory_space<semaphore_mem>>) {add = true}
        %dma_wait3A_254 = arith.constant 0 : i32
        %dma_wait3A_255 = arith.constant 0 : i32
        %dma_wait3A_256 = tpu.memref_slice %arg9[%run_scoped3A_240, %dma_wait3A_254, %dma_wait3A_255] : memref<2x128x128xf32, #tpu.memory_space<vmem>> -> memref<1x128x128xf32, #tpu.memory_space<vmem>>
        %dma_wait3A_257 = tpu.memref_squeeze %dma_wait3A_256 : memref<1x128x128xf32, #tpu.memory_space<vmem>> -> memref<128x128xf32, #tpu.memory_space<vmem>>
        %dma_wait3A_258 = arith.constant 0 : i32
        %dma_wait3A_259 = tpu.memref_slice %arg8[%run_scoped3A_241, %run_scoped3A_242, %dma_wait3A_258] : memref<2x8x128xi32, #tpu.memory_space<vmem>> -> memref<1x1x128xi32, #tpu.memory_space<vmem>>
        %dma_wait3A_260 = tpu.memref_squeeze %dma_wait3A_259 : memref<1x1x128xi32, #tpu.memory_space<vmem>> -> memref<128xi32, #tpu.memory_space<vmem>>
        %dma_wait3A_261 = arith.constant 0 : i32
        %dma_wait3A_262 = arith.constant 0 : i32
        %dma_wait3A_263 = tpu.memref_slice %arg6[%dma_wait3A_261, %dma_wait3A_262] : memref<10240x128xf32, #tpu.memory_space<vmem_shared>> -> memref<10240x128xf32, #tpu.memory_space<vmem_shared>>
        tpu.wait_indirect_dma semaphore(%run_scoped3A_243 : memref<!tpu.dma_semaphore, #tpu.memory_space<semaphore_mem>>) src(%dma_wait3A_257 : memref<128x128xf32, #tpu.memory_space<vmem>>) dst(%dma_wait3A_263 : memref<10240x128xf32, #tpu.memory_space<vmem_shared>>)
        tpu.yield
      }) : () -> ()
    }
    %scan3A_102 = arith.constant 5 : i32
    %barrier3A_103 = arith.constant 0 : index
    tpu.barrier barrier_id(%barrier3A_103)
    %mul3A_104 = arith.constant 640 : i32
    %mul3A_105 = arith.muli %arg1, %mul3A_104 : i32
    %mul3A_106 = arith.constant 640 : i32
    %mul3A_107 = arith.muli %arg1, %mul3A_106 : i32
    "tpu.region"() ({
      %run_scoped3A = tpu.sem_alloc : memref<!tpu.dma_semaphore, #tpu.memory_space<semaphore_mem>>
      %dma_start3A_108 = arith.constant 0 : i32
      %dma_start3A_109 = tpu.memref_slice %arg5[%arg0, %mul3A_107, %dma_start3A_108] : memref<2x10240x128xf32, #tpu.memory_space<hbm>> -> memref<1x640x128xf32, #tpu.memory_space<hbm>>
      %dma_start3A_110 = tpu.memref_squeeze %dma_start3A_109 : memref<1x640x128xf32, #tpu.memory_space<hbm>> -> memref<640x128xf32, #tpu.memory_space<hbm>>
      %dma_start3A_111 = arith.constant 0 : i32
      %dma_start3A_112 = tpu.memref_slice %arg6[%mul3A_105, %dma_start3A_111] : memref<10240x128xf32, #tpu.memory_space<vmem_shared>> -> memref<640x128xf32, #tpu.memory_space<vmem_shared>>
      tpu.enqueue_dma source(%dma_start3A_112 : memref<640x128xf32, #tpu.memory_space<vmem_shared>>) target(%dma_start3A_110 : memref<640x128xf32, #tpu.memory_space<hbm>>) target_semaphore(%run_scoped3A : memref<!tpu.dma_semaphore, #tpu.memory_space<semaphore_mem>>)
      %dma_wait3A_113 = arith.constant 0 : i32
      %dma_wait3A_114 = tpu.memref_slice %arg5[%arg0, %mul3A_107, %dma_wait3A_113] : memref<2x10240x128xf32, #tpu.memory_space<hbm>> -> memref<1x640x128xf32, #tpu.memory_space<hbm>>
      %dma_wait3A_115 = tpu.memref_squeeze %dma_wait3A_114 : memref<1x640x128xf32, #tpu.memory_space<hbm>> -> memref<640x128xf32, #tpu.memory_space<hbm>>
      %dma_wait3A_116 = arith.constant 0 : i32
      %dma_wait3A_117 = tpu.memref_slice %arg6[%mul3A_105, %dma_wait3A_116] : memref<10240x128xf32, #tpu.memory_space<vmem_shared>> -> memref<640x128xf32, #tpu.memory_space<vmem_shared>>
      tpu.wait_dma2 semaphore(%run_scoped3A : memref<!tpu.dma_semaphore, #tpu.memory_space<semaphore_mem>>) src(%dma_wait3A_117 : memref<640x128xf32, #tpu.memory_space<vmem_shared>>) dst(%dma_wait3A_115 : memref<640x128xf32, #tpu.memory_space<hbm>>)
      tpu.yield
    }) : () -> ()
    return
  }
}

module attributes {stable_mosaic.version = 14 : i64} {
  func.func @_lin1_body(%arg0: memref<10000x128xf32, #tpu.memory_space<vmem>>, %arg1: memref<128x128xf32, #tpu.memory_space<vmem>>, %arg2: memref<2x80x128xf32, #tpu.memory_space<vmem>>, %arg3: memref<10240x128xf32, #tpu.memory_space<vmem>>) attributes {dimension_semantics = [], scalar_prefetch = 0 : i64, scratch_operands = 0 : i64, tpu.core_type = #tpu.core_type<tc>} {
    %get3A = arith.constant 0 : index
    %get3A_0 = arith.constant 0 : index
    %get3A_1 = arith.constant 0 : index
    %get3A_2 = vector.load %arg2[%get3A, %get3A_0, %get3A_1] : memref<2x80x128xf32, #tpu.memory_space<vmem>>, vector<1x80x128xf32>
    %get3A_3 = vector.shape_cast %get3A_2 : vector<1x80x128xf32> to vector<80x128xf32>
    %get3A_4 = arith.constant 1 : index
    %get3A_5 = arith.constant 0 : index
    %get3A_6 = arith.constant 0 : index
    %get3A_7 = vector.load %arg2[%get3A_4, %get3A_5, %get3A_6] : memref<2x80x128xf32, #tpu.memory_space<vmem>>, vector<1x80x128xf32>
    %get3A_8 = vector.shape_cast %get3A_7 : vector<1x80x128xf32> to vector<80x128xf32>
    %add3A = arith.addf %get3A_3, %get3A_8 : vector<80x128xf32>
    %add3A_9 = arith.constant 1.000000e+00 : f32
    %add3A_10 = vector.broadcast %add3A_9 : f32 to vector<80x128xf32>
    %add3A_11 = arith.addf %add3A, %add3A_10 : vector<80x128xf32>
    %rsqrt3A = math.rsqrt %add3A_11 : vector<80x128xf32>
    %iota3A = tpu.iota {dimensions = array<i32: 0>} : vector<128x128xi32>
    %iota3A_12 = tpu.iota {dimensions = array<i32: 1>} : vector<128x128xi32>
    %eq3A = arith.cmpi eq, %iota3A, %iota3A_12 : vector<128x128xi32>
    %convert_element_type3A = arith.extui %eq3A : vector<128x128xi1> to vector<128x128xi32>
    %convert_element_type3A_13 = arith.sitofp %convert_element_type3A : vector<128x128xi32> to vector<128x128xf32>
    %broadcast_in_dim3A = vector.shape_cast %rsqrt3A : vector<80x128xf32> to vector<80x1x128xf32>
    %broadcast_in_dim3A_14 = vector.shape_cast %convert_element_type3A_13 : vector<128x128xf32> to vector<1x128x128xf32>
    %mul3A = vector.broadcast %broadcast_in_dim3A : vector<80x1x128xf32> to vector<80x128x128xf32>
    %mul3A_15 = vector.broadcast %broadcast_in_dim3A_14 : vector<1x128x128xf32> to vector<80x128x128xf32>
    %mul3A_16 = arith.mulf %mul3A, %mul3A_15 : vector<80x128x128xf32>
    %reduce_sum3A = arith.constant dense<0.000000e+00> : vector<80x128xf32>
    %reduce_sum3A_17 = vector.multi_reduction <add>, %mul3A_16, %reduce_sum3A [2] : vector<80x128x128xf32> to vector<80x128xf32>
    %broadcast_in_dim3A_18 = vector.shape_cast %reduce_sum3A_17 : vector<80x128xf32> to vector<80x128x1xf32>
    %reshape3A = vector.shape_cast %broadcast_in_dim3A_18 : vector<80x128x1xf32> to vector<10240x1xf32>
    %get3A_19 = arith.constant 0 : index
    %get3A_20 = arith.constant 0 : index
    %get3A_21 = vector.load %arg0[%get3A_19, %get3A_20] : memref<10000x128xf32, #tpu.memory_space<vmem>>, vector<10000x128xf32>
    %get3A_22 = arith.constant 0 : index
    %get3A_23 = arith.constant 0 : index
    %get3A_24 = vector.load %arg1[%get3A_22, %get3A_23] : memref<128x128xf32, #tpu.memory_space<vmem>>, vector<128x128xf32>
    %dot_general3A = arith.constant dense<0.000000e+00> : vector<10000x128xf32>
    %dot_general3A_25 = tpu.matmul %get3A_21, %get3A_24, %dot_general3A {dimension_numbers = #tpu.dot_dimension_numbers<[1], [0], [0], [1], [0, 0, 1, 1], [], []>, transpose_lhs_hint = false} : vector<10000x128xf32>, vector<128x128xf32>, vector<10000x128xf32> -> vector<10000x128xf32>
    %slice3A = vector.extract_strided_slice %reshape3A {offsets = [0, 0], sizes = [10000, 1], strides = [1, 1]} : vector<10240x1xf32> to vector<10000x1xf32>
    %mul3A_26 = vector.broadcast %slice3A : vector<10000x1xf32> to vector<10000x128xf32>
    %mul3A_27 = arith.mulf %dot_general3A_25, %mul3A_26 : vector<10000x128xf32>
    %swap3A = arith.constant 0 : index
    %swap3A_28 = arith.constant 0 : index
    %swap3A_29 = vector.load %arg3[%swap3A, %swap3A_28] : memref<10240x128xf32, #tpu.memory_space<vmem>>, vector<10000x128xf32>
    tpu.vector_store %arg3[%swap3A, %swap3A_28], %mul3A_27 {strides = array<i32>} : memref<10240x128xf32, #tpu.memory_space<vmem>>, vector<10000x128xf32>,
    %broadcast_in_dim3A_30 = arith.constant 0.000000e+00 : f32
    %broadcast_in_dim3A_31 = vector.broadcast %broadcast_in_dim3A_30 : f32 to vector<240x128xf32>
    %swap3A_32 = arith.constant 10000 : index
    %swap3A_33 = arith.constant 0 : index
    %swap3A_34 = vector.load %arg3[%swap3A_32, %swap3A_33] : memref<10240x128xf32, #tpu.memory_space<vmem>>, vector<240x128xf32>
    tpu.vector_store %arg3[%swap3A_32, %swap3A_33], %broadcast_in_dim3A_31 {strides = array<i32>} : memref<10240x128xf32, #tpu.memory_space<vmem>>, vector<240x128xf32>,
    return
  }
}

module attributes {stable_mosaic.version = 14 : i64} {
  func.func @_lin2_body(%arg0: memref<2x10240x128xf32, #tpu.memory_space<vmem>>, %arg1: memref<10240x128xf32, #tpu.memory_space<vmem>>, %arg2: memref<2x80x128xf32, #tpu.memory_space<vmem>>, %arg3: memref<1x128xf32, #tpu.memory_space<vmem>>, %arg4: memref<128x128xf32, #tpu.memory_space<vmem>>, %arg5: memref<10240x128xf32, #tpu.memory_space<vmem>>) attributes {dimension_semantics = [], scalar_prefetch = 0 : i64, scratch_operands = 0 : i64, tpu.core_type = #tpu.core_type<tc>} {
    %get3A = arith.constant 0 : index
    %get3A_0 = arith.constant 0 : index
    %get3A_1 = arith.constant 0 : index
    %get3A_2 = vector.load %arg2[%get3A, %get3A_0, %get3A_1] : memref<2x80x128xf32, #tpu.memory_space<vmem>>, vector<1x80x128xf32>
    %get3A_3 = vector.shape_cast %get3A_2 : vector<1x80x128xf32> to vector<80x128xf32>
    %get3A_4 = arith.constant 1 : index
    %get3A_5 = arith.constant 0 : index
    %get3A_6 = arith.constant 0 : index
    %get3A_7 = vector.load %arg2[%get3A_4, %get3A_5, %get3A_6] : memref<2x80x128xf32, #tpu.memory_space<vmem>>, vector<1x80x128xf32>
    %get3A_8 = vector.shape_cast %get3A_7 : vector<1x80x128xf32> to vector<80x128xf32>
    %add3A = arith.addf %get3A_3, %get3A_8 : vector<80x128xf32>
    %add3A_9 = arith.constant 1.000000e+00 : f32
    %add3A_10 = vector.broadcast %add3A_9 : f32 to vector<80x128xf32>
    %add3A_11 = arith.addf %add3A, %add3A_10 : vector<80x128xf32>
    %rsqrt3A = math.rsqrt %add3A_11 : vector<80x128xf32>
    %iota3A = tpu.iota {dimensions = array<i32: 0>} : vector<128x128xi32>
    %iota3A_12 = tpu.iota {dimensions = array<i32: 1>} : vector<128x128xi32>
    %eq3A = arith.cmpi eq, %iota3A, %iota3A_12 : vector<128x128xi32>
    %convert_element_type3A = arith.extui %eq3A : vector<128x128xi1> to vector<128x128xi32>
    %convert_element_type3A_13 = arith.sitofp %convert_element_type3A : vector<128x128xi32> to vector<128x128xf32>
    %broadcast_in_dim3A = vector.shape_cast %rsqrt3A : vector<80x128xf32> to vector<80x1x128xf32>
    %broadcast_in_dim3A_14 = vector.shape_cast %convert_element_type3A_13 : vector<128x128xf32> to vector<1x128x128xf32>
    %mul3A = vector.broadcast %broadcast_in_dim3A : vector<80x1x128xf32> to vector<80x128x128xf32>
    %mul3A_15 = vector.broadcast %broadcast_in_dim3A_14 : vector<1x128x128xf32> to vector<80x128x128xf32>
    %mul3A_16 = arith.mulf %mul3A, %mul3A_15 : vector<80x128x128xf32>
    %reduce_sum3A = arith.constant dense<0.000000e+00> : vector<80x128xf32>
    %reduce_sum3A_17 = vector.multi_reduction <add>, %mul3A_16, %reduce_sum3A [2] : vector<80x128x128xf32> to vector<80x128xf32>
    %broadcast_in_dim3A_18 = vector.shape_cast %reduce_sum3A_17 : vector<80x128xf32> to vector<80x128x1xf32>
    %reshape3A = vector.shape_cast %broadcast_in_dim3A_18 : vector<80x128x1xf32> to vector<10240x1xf32>
    %get3A_19 = arith.constant 0 : index
    %get3A_20 = arith.constant 0 : index
    %get3A_21 = arith.constant 0 : index
    %get3A_22 = vector.load %arg0[%get3A_19, %get3A_20, %get3A_21] : memref<2x10240x128xf32, #tpu.memory_space<vmem>>, vector<1x10240x128xf32>
    %get3A_23 = vector.shape_cast %get3A_22 : vector<1x10240x128xf32> to vector<10240x128xf32>
    %get3A_24 = arith.constant 1 : index
    %get3A_25 = arith.constant 0 : index
    %get3A_26 = arith.constant 0 : index
    %get3A_27 = vector.load %arg0[%get3A_24, %get3A_25, %get3A_26] : memref<2x10240x128xf32, #tpu.memory_space<vmem>>, vector<1x10240x128xf32>
    %get3A_28 = vector.shape_cast %get3A_27 : vector<1x10240x128xf32> to vector<10240x128xf32>
    %add3A_29 = arith.addf %get3A_23, %get3A_28 : vector<10240x128xf32>
    %get3A_30 = arith.constant 0 : index
    %get3A_31 = arith.constant 0 : index
    %get3A_32 = vector.load %arg1[%get3A_30, %get3A_31] : memref<10240x128xf32, #tpu.memory_space<vmem>>, vector<10240x128xf32>
    %add3A_33 = arith.addf %add3A_29, %get3A_32 : vector<10240x128xf32>
    %mul3A_34 = vector.broadcast %reshape3A : vector<10240x1xf32> to vector<10240x128xf32>
    %mul3A_35 = arith.mulf %add3A_33, %mul3A_34 : vector<10240x128xf32>
    %get3A_36 = arith.constant 0 : index
    %get3A_37 = arith.constant 0 : index
    %get3A_38 = vector.load %arg3[%get3A_36, %get3A_37] : memref<1x128xf32, #tpu.memory_space<vmem>>, vector<1x128xf32>
    %add3A_39 = vector.broadcast %get3A_38 : vector<1x128xf32> to vector<10240x128xf32>
    %add3A_40 = arith.addf %mul3A_35, %add3A_39 : vector<10240x128xf32>
    %max3A = arith.constant 0.000000e+00 : f32
    %max3A_41 = vector.broadcast %max3A : f32 to vector<10240x128xf32>
    %max3A_42 = arith.maximumf %add3A_40, %max3A_41 : vector<10240x128xf32>
    %get3A_43 = arith.constant 0 : index
    %get3A_44 = arith.constant 0 : index
    %get3A_45 = vector.load %arg4[%get3A_43, %get3A_44] : memref<128x128xf32, #tpu.memory_space<vmem>>, vector<128x128xf32>
    %dot_general3A = arith.constant dense<0.000000e+00> : vector<10240x128xf32>
    %dot_general3A_46 = tpu.matmul %max3A_42, %get3A_45, %dot_general3A {dimension_numbers = #tpu.dot_dimension_numbers<[1], [0], [0], [1], [0, 0, 1, 1], [], []>, transpose_lhs_hint = false} : vector<10240x128xf32>, vector<128x128xf32>, vector<10240x128xf32> -> vector<10240x128xf32>
    %mul3A_47 = vector.broadcast %reshape3A : vector<10240x1xf32> to vector<10240x128xf32>
    %mul3A_48 = arith.mulf %dot_general3A_46, %mul3A_47 : vector<10240x128xf32>
    %swap3A = arith.constant 0 : index
    %swap3A_49 = arith.constant 0 : index
    %swap3A_50 = vector.load %arg5[%swap3A, %swap3A_49] : memref<10240x128xf32, #tpu.memory_space<vmem>>, vector<10240x128xf32>
    tpu.vector_store %arg5[%swap3A, %swap3A_49], %mul3A_48 {strides = array<i32>} : memref<10240x128xf32, #tpu.memory_space<vmem>>, vector<10240x128xf32>,
    return
  }
}

module attributes {stable_mosaic.version = 14 : i64} {
  func.func @_out_body(%arg0: memref<2x10240x128xf32, #tpu.memory_space<vmem>>, %arg1: memref<10240x128xf32, #tpu.memory_space<vmem>>, %arg2: memref<2x80x128xf32, #tpu.memory_space<vmem>>, %arg3: memref<1x128xf32, #tpu.memory_space<vmem>>, %arg4: memref<10000x128xf32, #tpu.memory_space<vmem>>) attributes {dimension_semantics = [], scalar_prefetch = 0 : i64, scratch_operands = 0 : i64, tpu.core_type = #tpu.core_type<tc>} {
    %get3A = arith.constant 0 : index
    %get3A_0 = arith.constant 0 : index
    %get3A_1 = arith.constant 0 : index
    %get3A_2 = vector.load %arg2[%get3A, %get3A_0, %get3A_1] : memref<2x80x128xf32, #tpu.memory_space<vmem>>, vector<1x80x128xf32>
    %get3A_3 = vector.shape_cast %get3A_2 : vector<1x80x128xf32> to vector<80x128xf32>
    %get3A_4 = arith.constant 1 : index
    %get3A_5 = arith.constant 0 : index
    %get3A_6 = arith.constant 0 : index
    %get3A_7 = vector.load %arg2[%get3A_4, %get3A_5, %get3A_6] : memref<2x80x128xf32, #tpu.memory_space<vmem>>, vector<1x80x128xf32>
    %get3A_8 = vector.shape_cast %get3A_7 : vector<1x80x128xf32> to vector<80x128xf32>
    %add3A = arith.addf %get3A_3, %get3A_8 : vector<80x128xf32>
    %add3A_9 = arith.constant 1.000000e+00 : f32
    %add3A_10 = vector.broadcast %add3A_9 : f32 to vector<80x128xf32>
    %add3A_11 = arith.addf %add3A, %add3A_10 : vector<80x128xf32>
    %rsqrt3A = math.rsqrt %add3A_11 : vector<80x128xf32>
    %iota3A = tpu.iota {dimensions = array<i32: 0>} : vector<128x128xi32>
    %iota3A_12 = tpu.iota {dimensions = array<i32: 1>} : vector<128x128xi32>
    %eq3A = arith.cmpi eq, %iota3A, %iota3A_12 : vector<128x128xi32>
    %convert_element_type3A = arith.extui %eq3A : vector<128x128xi1> to vector<128x128xi32>
    %convert_element_type3A_13 = arith.sitofp %convert_element_type3A : vector<128x128xi32> to vector<128x128xf32>
    %broadcast_in_dim3A = vector.shape_cast %rsqrt3A : vector<80x128xf32> to vector<80x1x128xf32>
    %broadcast_in_dim3A_14 = vector.shape_cast %convert_element_type3A_13 : vector<128x128xf32> to vector<1x128x128xf32>
    %mul3A = vector.broadcast %broadcast_in_dim3A : vector<80x1x128xf32> to vector<80x128x128xf32>
    %mul3A_15 = vector.broadcast %broadcast_in_dim3A_14 : vector<1x128x128xf32> to vector<80x128x128xf32>
    %mul3A_16 = arith.mulf %mul3A, %mul3A_15 : vector<80x128x128xf32>
    %reduce_sum3A = arith.constant dense<0.000000e+00> : vector<80x128xf32>
    %reduce_sum3A_17 = vector.multi_reduction <add>, %mul3A_16, %reduce_sum3A [2] : vector<80x128x128xf32> to vector<80x128xf32>
    %broadcast_in_dim3A_18 = vector.shape_cast %reduce_sum3A_17 : vector<80x128xf32> to vector<80x128x1xf32>
    %reshape3A = vector.shape_cast %broadcast_in_dim3A_18 : vector<80x128x1xf32> to vector<10240x1xf32>
    %get3A_19 = arith.constant 0 : index
    %get3A_20 = arith.constant 0 : index
    %get3A_21 = arith.constant 0 : index
    %get3A_22 = vector.load %arg0[%get3A_19, %get3A_20, %get3A_21] : memref<2x10240x128xf32, #tpu.memory_space<vmem>>, vector<1x10000x128xf32>
    %get3A_23 = vector.shape_cast %get3A_22 : vector<1x10000x128xf32> to vector<10000x128xf32>
    %get3A_24 = arith.constant 1 : index
    %get3A_25 = arith.constant 0 : index
    %get3A_26 = arith.constant 0 : index
    %get3A_27 = vector.load %arg0[%get3A_24, %get3A_25, %get3A_26] : memref<2x10240x128xf32, #tpu.memory_space<vmem>>, vector<1x10000x128xf32>
    %get3A_28 = vector.shape_cast %get3A_27 : vector<1x10000x128xf32> to vector<10000x128xf32>
    %add3A_29 = arith.addf %get3A_23, %get3A_28 : vector<10000x128xf32>
    %get3A_30 = arith.constant 0 : index
    %get3A_31 = arith.constant 0 : index
    %get3A_32 = vector.load %arg1[%get3A_30, %get3A_31] : memref<10240x128xf32, #tpu.memory_space<vmem>>, vector<10000x128xf32>
    %add3A_33 = arith.addf %add3A_29, %get3A_32 : vector<10000x128xf32>
    %slice3A = vector.extract_strided_slice %reshape3A {offsets = [0, 0], sizes = [10000, 1], strides = [1, 1]} : vector<10240x1xf32> to vector<10000x1xf32>
    %mul3A_34 = vector.broadcast %slice3A : vector<10000x1xf32> to vector<10000x128xf32>
    %mul3A_35 = arith.mulf %add3A_33, %mul3A_34 : vector<10000x128xf32>
    %get3A_36 = arith.constant 0 : index
    %get3A_37 = arith.constant 0 : index
    %get3A_38 = vector.load %arg3[%get3A_36, %get3A_37] : memref<1x128xf32, #tpu.memory_space<vmem>>, vector<1x128xf32>
    %add3A_39 = vector.broadcast %get3A_38 : vector<1x128xf32> to vector<10000x128xf32>
    %add3A_40 = arith.addf %mul3A_35, %add3A_39 : vector<10000x128xf32>
    %swap3A = arith.constant 0 : index
    %swap3A_41 = arith.constant 0 : index
    %swap3A_42 = vector.load %arg4[%swap3A, %swap3A_41] : memref<10000x128xf32, #tpu.memory_space<vmem>>, vector<10000x128xf32>
    tpu.vector_store %arg4[%swap3A, %swap3A_41], %add3A_40 {strides = array<i32>} : memref<10000x128xf32, #tpu.memory_space<vmem>>, vector<10000x128xf32>,
    return
  }
}

</mosaic_0001>

<sc_bundles>
// kernel: kernel.11.cloned.1.call-start
scs
__scs_entry_jumppad:
0x0: {  	(pc) =	sbr.rel $0x88, $3  }
0x1: {  	(tag) =	ssettag $0x0;
	lr =	simm.s32 $0x1  }
0x2: {  	[smem:$0x3F9B] =	sst lr;
	_ =	strace $0xD0000000  }
0x3: {  	_ = 	snop  }
0x4: {  	_ = 	snop  }
0x5: {  	_ = 	snop  }
0x6: {  	_ = 	snop  }
0x7: {  	_ = 	snop  }
__scs_overlays_trampoline_lowered:
0x8: {  	[smem:$0x3FAA] =	sst s0  }
0x9: {  	[smem:$0x3FAB] =	sst s1  }
0xa: {  	[smem:$0x3FAC] =	sst s2  }
0xb: {  	[smem:$0x3FAD] =	sst s3  }
0xc: {  	[smem:$0x3FAE] =	sst s4  }
0xd: {  	[smem:$0x3FAF] =	sst s5  }
0xe: {  	[smem:$0x3FB0] =	sst s6  }
0xf: {  	[smem:$0x3FB1] =	sst s7  }
0x10: {  	[smem:$0x3FB2] =	sst s8  }
0x11: {  	[smem:$0x3FB3] =	sst s9;
	s0 =	simm.s32 @!p0 $0x0  }
0x12: {  	s1 =	sld [smem:$0x3F99];
	s0 =	simm.s32 @p0 $0x1  }
0x13: {  	[smem:$0x3FB4] =	sst s0;
	s0 =	simm.s32 @!p1 $0x0  }
0x14: {  	s2 =	sld [smem:$0x3F98];
	s0 =	simm.s32 @p1 $0x1  }
0x15: {  	[smem:$0x3FB5] =	sst s0;
	s0 =	simm.s32 @!p2 $0x0  }
0x16: {  	s3 =	sld [smem:$0x3FDB];
	s0 =	simm.s32 @p2 $0x1  }
0x17: {  	s4 =	simm.s32 $0x1BF5;
	[smem:$0x3FB7] =	sst s0  }
0x18: {  	s0 =	sld [smem:$0x3F9A];
	_ =	swait.ge [sflag:s4], $0x0  }
0x19: {  	s7 =	sld [smem:$0x3F9B]  }
0x1a: {  	s8 =	sadd.s32 $0xFFFFE003, lr  }
0x1b: {  	s9 =	sadd.s32 $0xFFFFFEF7, lr;
	s5 =	simm.s32 $0xFFFFFFFF;
	p2 =	slt.u32 s8, $0xFFFFF086  }
0x1c: {  	p1 =	slt.u32 s9, $0xF7A;
	s5 =	simm.s32 @!p2 $0x0  }
0x1d: {  	s5 =	simm.s32 @p1 $0x1;
	p0 =	seq.s32 s7, s2  }
0x1e: {  	s7 =	smul.u32 @!p0 $0xF7A, s2;
	p2 =	seq.s32 @!p0 s5, $0x0  }
0x1f: {  	s9 =	smul.u32 $0xF7A, s1;
	s8 =	simm.s32 @!p0 $0x1BF5;
	p2 =	por !p2, p0  }
0x20: {  	[sflag:s8] =	ssyncset.s32 @!p0 $0xFFFFF086;
	s6 =	sadd.s32 @!p0 s3, s7;
	s7 =	simm.s32 @!p0 $0x108  }
0x21: {  	s3 =	sadd.s32 s3, s9;
	s6 =	sadd.s32 @!p0 $0x88, s6;
	s7 =	simm.s32 @p2 $0x1082  }
0x22: {  	[simem:s7], [sflag:s8] =	dma.local @!p0 [hbm:s6], $0xF7A  }
0x23: {  	s9 =	sor.u32 $0xD0000000, s2;
	s6 =	simm.s32 $0x108;
	_ =	swait.ge @!p0 [sflag:s8], $0x0  }
0x24: {  	s3 =	sadd.s32 $0x88, s3;
	s6 =	simm.s32 @!p1 $0x1082;
	[sflag:s4] =	ssyncset.s32 $0xFFFFF086  }
0x25: {  	[simem:s6], [sflag:s4] =	dma.local [hbm:s3], $0xF7A  }
0x26: {  	[smem:$0x3F9B] =	sst s1;
	(tag) =	ssettag s2;
	_ =	strace s9  }
0x27: {  	s1 =	sld [smem:$0x3FAB]  }
0x28: {  	s2 =	sld [smem:$0x3FAC]  }
0x29: {  	s4 =	sld [smem:$0x3FAE]  }
0x2a: {  	p0 =	seq.s32 s5, $0x0;
	s5 =	sld [smem:$0x3FAF]  }
0x2b: {  	s6 =	sld [smem:$0x3FB0]  }
0x2c: {  	s7 =	sld [smem:$0x3FB1]  }
0x2d: {  	s3 =	simm.s32 $0x108;
	s8 =	sld [smem:$0x3FB2]  }
0x2e: {  	s3 =	simm.s32 @!p0 $0x1082;
	s9 =	sld [smem:$0x3FB3]  }
0x2f: {  	lr =	sadd.s32 s0, s3;
	s0 =	sld [smem:$0x3FAA]  }
0x30: {  	s3 =	sld [smem:$0x3FAD]  }
0x31: {  	[smem:$0x3FB6] =	sst s10  }
0x32: {  	s10 =	sld [smem:$0x3FB4];
	_ =	sdelay $0x3  }
0x33: {  	p0 =	seq.s32 s10, $0x1;
	s10 =	sld [smem:$0x3FB6];
	_ =	sdelay $0x3  }
0x34: {  	[smem:$0x3FB6] =	sst s10  }
0x35: {  	s10 =	sld [smem:$0x3FB5];
	_ =	sdelay $0x3  }
0x36: {  	p1 =	seq.s32 s10, $0x1;
	s10 =	sld [smem:$0x3FB6];
	_ =	sdelay $0x3  }
0x37: {  	[smem:$0x3FB6] =	sst s10  }
0x38: {  	s10 =	sld [smem:$0x3FB7]  }
0x39: {  	_ = 	snop;
	(pc) =	sbr.ind lr, $3  }
0x3a: {  	_ = 	snop  }
0x3b: {  	_ = 	snop  }
0x3c: {  	p2 =	seq.s32 s10, $0x1;
	s10 =	sld [smem:$0x3FB6]  }
0x3d: {  	_ =	shalt  }
0x3e: {  	_ =	shalt  }
0x3f: {  	_ =	shalt  }
0x40: {  	_ =	shalt  }
0x41: {  	_ =	shalt  }
0x42: {  	_ =	shalt  }
0x43: {  	_ =	shalt  }
0x44: {  	_ =	shalt  }
0x45: {  	_ =	shalt  }
0x46: {  	_ =	shalt  }
0x47: {  	_ =	shalt  }
0x48: {  	_ =	shalt  }
0x49: {  	_ =	shalt  }
0x4a: {  	_ =	shalt  }
0x4b: {  	_ =	shalt  }
0x4c: {  	_ =	shalt  }
0x4d: {  	_ =	shalt  }
0x4e: {  	_ =	shalt  }
0x4f: {  	_ =	shalt  }
0x50: {  	_ =	shalt  }
0x51: {  	_ =	shalt  }
0x52: {  	_ =	shalt  }
0x53: {  	_ =	shalt  }
0x54: {  	_ =	shalt  }
0x55: {  	_ =	shalt  }
0x56: {  	_ =	shalt  }
0x57: {  	_ =	shalt  }
0x58: {  	_ =	shalt  }
0x59: {  	_ =	shalt  }
0x5a: {  	_ =	shalt  }
0x5b: {  	_ =	shalt  }
0x5c: {  	_ =	shalt  }
0x5d: {  	_ =	shalt  }
0x5e: {  	_ =	shalt  }
0x5f: {  	_ =	shalt  }
0x60: {  	_ =	shalt  }
0x61: {  	_ =	shalt  }
0x62: {  	_ =	shalt  }
0x63: {  	_ =	shalt  }
0x64: {  	_ =	shalt  }
0x65: {  	_ =	shalt  }
0x66: {  	_ =	shalt  }
0x67: {  	_ =	shalt  }
0x68: {  	_ =	shalt  }
0x69: {  	_ =	shalt  }
0x6a: {  	_ =	shalt  }
0x6b: {  	_ =	shalt  }
0x6c: {  	_ =	shalt  }
0x6d: {  	_ =	shalt  }
0x6e: {  	_ =	shalt  }
0x6f: {  	_ =	shalt  }
0x70: {  	_ =	shalt  }
0x71: {  	_ =	shalt  }
0x72: {  	_ =	shalt  }
0x73: {  	_ =	shalt  }
0x74: {  	_ =	shalt  }
0x75: {  	_ =	shalt  }
0x76: {  	_ =	shalt  }
0x77: {  	_ =	shalt  }
0x78: {  	_ =	shalt  }
0x79: {  	_ =	shalt  }
0x7a: {  	_ =	shalt  }
0x7b: {  	_ =	shalt  }
0x7c: {  	_ =	shalt  }
0x7d: {  	_ =	shalt  }
0x7e: {  	_ =	shalt  }
0x7f: {  	_ =	shalt  }
0x80: {  	_ =	shalt  }
0x81: {  	_ =	shalt  }
0x82: {  	_ =	shalt  }
0x83: {  	_ =	shalt  }
0x84: {  	_ =	shalt  }
0x85: {  	_ =	shalt  }
0x86: {  	_ =	shalt  }
0x87: {  	_ =	shalt  }
.Lfunc_end0:
.L_simem_size_0:
called_computation.1_lowered:
.L_overlay_start_0:
0x88: {  	s2 =	sld [smem:$0x3FD9]  }
0x89: {  	s3 =	sld [smem:$0x3FFE];
	_ =	sdelay $0x1  }
0x8a: {  	s1 =	srdreg.scid  }
0x8b: {  	s0 =	sand.u32 $0x1, s1  }
0x8c: {  	s17 =	sshll.u32 s0, $0xA;
	s2 =	sadd.s32 s3, s2  }
0x8d: {  	s2 =	sadd.s32 s2, s17  }
0x8e: {  	[smem:$0x3FC2] =	sst s2  }
0x8f: {  	_ = 	snop  }
0x90: {  	s2 =	sld [smem:$0x3FD0];
	(tm) =	ssettm $0x1  }
0x91: {  	s18 =	sld [smem:$0x3FFB];
	_ =	sdelay $0x3  }
0x92: {  	_ =	strace s18  }
0x93: {  	s3 =	sld [smem:$0x3FFC];
	_ =	sdelay $0x3  }
0x94: {  	_ =	strace s3  }
0x95: {  	s3 =	sld [smem:$0x3FFD];
	_ =	sdelay $0x3  }
0x96: {  	_ =	strace s3  }
0x97: {  	_ =	strace $0x8FFFFFFF  }
0x98: {  	s19 =	sld [smem:$0x3FDB];
	_ =	sdelay $0x1  }
0x99: {  	s4 =	simm.s32 $_scs_section_size  }
0x9a: {  	s5 =	simm.s32 $_size__tile_overlayer_lowered;
	s6 =	simm.s32 $_tile_overlayer_lowered  }
0x9b: {  	s22 =	simm.s32 $0x1BFF;
	s21 =	sshll.u32 s6, $0x1;
	s3 =	sadd.s32 s4, s19  }
0x9c: {  	s7 =	simm.s32 $0x0;
	s20 =	sshll.u32 s5, $0x1;
	s5 =	sadd.s32 s21, s3  }
0x9d: {  	[timem:s7], [sflag:s22] =	dma.local [hbm:s5], s20  }
0x9e: {  	_ =	swait.ge [sflag:s22], s20  }
0x9f: {  	s4 =	ssub.s32 $0x0, s20;
	[sflag:s22] =	ssyncset.done $0x0  }
0xa0: {  	[sflag:s22] =	ssyncadd.s32 s4;
	_ =	sdelay $0x1  }
0xa1: {  	s23 =	simm.s32 $0x1B8B  }
0xa2: {  	_ =	swait.ge [sflag:s23], $0x1  }
0xa3: {  	[sflag:s23] =	ssyncset.done $0x0  }
0xa4: {  	s25 =	simm.s32 $0x1B8E;
	s24 =	sld [smem:$0x3FFE];
	[sflag:s23] =	ssyncadd.s32 $0xFFFFFFFF  }
0xa5: {  	s26 =	simm.s32 $execute0_lowered;
	[smem:$0x3FD2] =	sst s25  }
0xa6: {  	s5 =	sshll.u32 s26, $0x1;
	_ =	strace $0x80000049;
	[dreg:$0x1] =	wrdreg $0xFFFFFFFF  }
0xa7: {  	s28 =	simm.s32 $_size_execute0_lowered;
	s3 =	sadd.s32 s3, s5;
	[dreg:$0x0] =	wrdreg $0x0  }
0xa8: {  	s5 =	sshll.u32 s28, $0x1;
	[dreg:$0x2] =	wrdreg s3  }
0xa9: {  	[dreg:$0x3] =	wrdreg s5  }
0xaa: {  	[dreg:$0x4] =	wrdreg $0xC0  }
0xab: {  	_ =	task [dreg:s7], $0x5FFFF  }
0xac: {  	[dreg:$0x1] =	wrdreg $0xFFFFFFFF  }
0xad: {  	[dreg:$0x0] =	wrdreg $0x60  }
0xae: {  	[dreg:$0x2] =	wrdreg s24  }
0xaf: {  	[dreg:$0x3] =	wrdreg s2  }
0xb0: {  	[dreg:$0x4] =	wrdreg $0x0  }
0xb1: {  	[dreg:$0x5] =	wrdreg $0x9  }
0xb2: {  	_ =	task.clear_ibuf [dreg:s7], $0x6FFFF;
	_ =	strace $0x90000049  }
0xb3: {  	s29 =	simm.s32 $0x9;
	_ =	strace $0x8000004B  }
0xb4: {  	_ =	swait.ge [sflag:s29], $0x1  }
0xb5: {  	[sflag:s29] =	ssyncadd.s32 $0xFFFFFFFF  }
0xb6: {  	_ =	strace $0x9000004B  }
0xb7: {  	_ =	sfence  }
0xb8: {  	s30 =	sld [smem:$0x0];
	_ =	sdelay $0x2  }
0xb9: {  	s31 =	sshll.u32 s1, $0xD;
	s1 =	sshrl.u32 s1, $0x2  }
0xba: {  	s3 =	sand.u32 $0x4000, s31;
	s1 =	sadd.s32 s1, s30  }
0xbb: {  	s0 =	sor.u32 s3, s0;
	s1 =	sshll.u32 s1, $0x11  }
0xbc: {  	s0 =	sor.u32 s1, s0  }
0xbd: {  	s0 =	sadd.s32 $0x8F2B, s0  }
0xbe: {  	[sflag:s0] =	ssyncadd.remote.s32 $0x1  }
0xbf: {  	_ =	sfence.sel $0xFFFF  }
0xc0: {  	[dreg:$0x0] =	wrdreg $0xFFFFFFFF;
	(pc) =	sbr.abs _section_cstart, $3  }
0xc1: {  	[dreg:$0x1] =	wrdreg $0xFFFFFFFF  }
0xc2: {  	_ =	task.clear_ibuf [dreg:s7], $0x2FFFF;
	_ =	strace $0x9FFFFFFF  }
0xc3: {  	(tm) =	ssettm $0x7FFFFFFF  }
tec
execute0_lowered:
.L_overlay_start_1:
0x0: {  	(tag) =	ssettag $0x1  }
0x1: {  	s1 =	rddreg [dreg:$0x0]  }
0x2: {  	s0 =	srdreg.scid;
	s2 =	rddreg [dreg:$0x1]  }
0x3: {  	s12 =	stileid.u32;
	s3 =	rddreg [dreg:$0x2];
	s4 =	simm.s32 $0x0  }
0x4: {  	s21 =	simm.s32 $0x14080;
	s23 =	simm.s32 $0x14100;
	[smem:$0x7FF] =	sst s4  }
0x5: {  	s24 =	simm.s32 $0x14880;
	_ =	strace $0x8000004A;
	[dreg:$0x6] =	wrdreg s21  }
0x6: {  	s25 =	simm.s32 $0x14180;
	s26 =	simm.s32 $0x14900;
	[dreg:$0x7] =	wrdreg s23  }
0x7: {  	s13 =	simm.s32 $0x14980;
	s15 =	simm.s32 $0x14280;
	[dreg:$0x8] =	wrdreg s24  }
0x8: {  	s17 =	simm.s32 $0x14A00;
	s18 =	smul.u32 $0x5000, s12;
	[dreg:$0x9] =	wrdreg s25  }
0x9: {  	s7 =	sand.u32 $0x1, s0;
	s8 =	smul.u32 $0x14000, s12;
	[dreg:$0xa] =	wrdreg s26  }
0xa: {  	s11 =	sshll.u32 s12, $0x1;
	s16 =	smul.u32 $0x50000, s12;
	[dreg:$0xc] =	wrdreg s13  }
0xb: {  	s12 =	simm.s32 $0x14C80;
	s5 =	smul.u32 $0x2800, s7;
	[dreg:$0xd] =	wrdreg s15  }
0xc: {  	s6 =	smul.u32 $0x140000, s7;
	s20 =	ssub.s32 $0x2, s7;
	[dreg:$0xe] =	wrdreg s17  }
0xd: {  	s7 =	sor.u32 s7, s11;
	s11 =	simm.s32 $0x14200;
	[dreg:$0x16] =	wrdreg s12  }
0xe: {  	s21 =	simm.s32 $0x14380;
	[dreg:$0xb] =	wrdreg s11  }
0xf: {  	s24 =	simm.s32 $0x14B80;
	[dreg:$0x11] =	wrdreg s21  }
0x10: {  	s26 =	simm.s32 $0x14480;
	s7 =	smul.u32 $0x2800, s7;
	[dreg:$0x13] =	wrdreg s24  }
0x11: {  	[dreg:$0x14] =	wrdreg s26;
	s24 =	simm.s32 $0x14E00;
	s26 =	simm.s32 $0x14E80  }
0x12: {  	s0 =	sadd.s32 s5, s18;
	s5 =	sadd.s32 $0x2800, s1;
	[dreg:$0x1c] =	wrdreg s24  }
0x13: {  	s8 =	sadd.s32 s8, s6;
	s18 =	simm.s32 $0x14300;
	[dreg:$0x1e] =	wrdreg s26  }
0x14: {  	s9 =	sor.u32 $0x400, s0;
	[dreg:$0xf] =	wrdreg s18;
	s18 =	simm.s32 $0x14600  }
0x15: {  	s7 =	sshrl.u32 s7, $0x3;
	s0 =	sadd.s32 $0x800, s0;
	[dreg:$0x19] =	wrdreg s18  }
0x16: {  	s6 =	sadd.s32 $0xC800, s1;
	s14 =	sadd.s32 s2, s7;
	[smem:$0x7FD] =	sst s0  }
0x17: {  	s9 =	sshrl.u32 s9, $0x3;
	s7 =	sadd.s32 s5, s7;
	[dreg:$0x1f] =	wrdreg s14  }
0x18: {  	s8 =	sshrl.u32 s8, $0x3;
	s10 =	sadd.s32 s9, s5;
	[smem:$0x7F1] =	sst s7  }
0x19: {  	s1 =	sadd.s32 s8, s1;
	s19 =	sadd.s32 s9, s2;
	[dreg:$0x4] =	wrdreg s10  }
0x1a: {  	s1 =	sadd.s32 $0x34800, s1;
	[dreg:$0x5] =	wrdreg s19  }
0x1b: {  	s22 =	sshrl.u32 s20, $0x1;
	s14 =	simm.s32 $0x14580;
	[smem:$0x7F2] =	sst s1  }
0x1c: {  	s10 =	ssub.s32 s20, s22;
	s20 =	simm.s32 $0x14A80;
	[dreg:$0x17] =	wrdreg s14  }
0x1d: {  	s22 =	simm.s32 $0x14B00;
	[dreg:$0x10] =	wrdreg s20  }
0x1e: {  	s19 =	sshrl.u32 s16, $0x2;
	s16 =	simm.s32 $0x14D00;
	[dreg:$0x12] =	wrdreg s22  }
0x1f: {  	s28 =	simm.s32 $0x15000;
	s23 =	smax.u32 s10, $0x1;
	[dreg:$0x18] =	wrdreg s16  }
0x20: {  	s29 =	simm.s32 $0x5;
	s10 =	simm.s32 $0x14500;
	[smem:$0x7F3] =	sst s23  }
0x21: {  	s30 =	simm.s32 $0x14400;
	s20 =	simm.s32 $0x14D80;
	[dreg:$0x15] =	wrdreg s10  }
0x22: {  	s9 =	sadd.s32 s19, s3;
	s22 =	simm.s32 $0x14680;
	[dreg:$0x1a] =	wrdreg s20  }
0x23: {  	s31 =	simm.s32 $0x14C00;
	s25 =	sadd.s32 $0x2000, s9;
	[dreg:$0x1b] =	wrdreg s22  }
0x24: {  	s12 =	simm.s32 $0x14F00;
	s8 =	sadd.s32 $0x4000, s9;
	[smem:$0x7F4] =	sst s25  }
0x25: {  	s24 =	simm.s32 $0x1D000;
	s11 =	sadd.s32 $0x6000, s9;
	[smem:$0x7F5] =	sst s8  }
0x26: {  	s26 =	simm.s32 $0x80;
	s13 =	sadd.s32 $0x8000, s9;
	[smem:$0x7F6] =	sst s11  }
0x27: {  	s0 =	simm.s32 $0x1;
	s15 =	sadd.s32 $0xA000, s9;
	[smem:$0x7F7] =	sst s13  }
0x28: {  	s7 =	simm.s32 $0x6;
	s17 =	sadd.s32 $0xC000, s9;
	[smem:$0x7F8] =	sst s15  }
0x29: {  	s1 =	simm.s32 $0x19000;
	s19 =	sadd.s32 $0xE000, s9;
	[smem:$0x7F9] =	sst s17  }
0x2a: {  	s14 =	simm.s32 $0x0;
	s21 =	sadd.s32 $0x10000, s9;
	[smem:$0x7FA] =	sst s19  }
0x2b: {  	s16 =	simm.s32 $0x14000;
	s23 =	sadd.s32 $0x12000, s9;
	[smem:$0x7FB] =	sst s21  }
0x2c: {  	s10 =	simm.s32 $0x4;
	[smem:$0x7FC] =	sst s23;
	s25 =	simm.s32 $0x14700  }
0x2d: {  	s23 =	simm.s32 $0x14800;
	s8 =	simm.s32 $0x2;
	s11 =	simm.s32 $0x14780  }
0x2e: {  	v0 =	vimm.f32 $0.0e+00;
	s13 =	simm.s32 $0x14F80;
	[dreg:$0x1d] =	wrdreg s25;
	s25 =	simm.s32 $0x3  }
.LBB2_1:
0x2f: {  	s15 =	rddreg [dreg:$0x1f]  }
0x30: {  	s22 =	sld [smem:$0x7F1]  }
0x31: {  	[tilespmem:s16], [sflag:$0x3] =	stream.linear.gather [hbm4b:s15+s4], $0x400, $0x38;
	[tilespmem:$0x1F000] =	vst v63  }
0x32: {  	s17 =	simm.s32 $0x200;
	s15 =	simm.s32 $0x0  }
0x33: {  	[tilespmem:s23], [sflag:$0x3] =	stream.linear.gather [hbm4b:s22+s4], $0x400, $0x38;
	[tilespmem:$0x1F000] =	vst v63  }
.LBB2_2:
0x34: {  	p0 =	sne.s32 s17, $0x7E00;
	[tilespmem:s15+$0x1D070] =	vst v0  }
0x35: {  	[tilespmem:s15+$0x1D000] =	vst v0  }
0x36: {  	[tilespmem:s15+$0x1D010] =	vst v0  }
.Ltmp0:
0x37: {  	[tilespmem:s15+$0x1D020] =	vst v0;
	(pc) =	sbr.rel @p0 .LBB2_2-.Ltmp0, $4  }
0x38: {  	[tilespmem:s15+$0x1D030] =	vst v0  }
0x39: {  	[tilespmem:s15+$0x1D040] =	vst v0  }
0x3a: {  	[tilespmem:s15+$0x1D050] =	vst v0  }
0x3b: {  	[tilespmem:s15+$0x1D060] =	vst v0;
	s15 =	sshra.s32 s17, $0x2;
	s17 =	sadd.s32 $0x200, s17  }
0x3c: {  	[tilespmem:s15+$0x1D070] =	vst v0  }
0x3d: {  	[tilespmem:s15+$0x1D000] =	vst v0  }
0x3e: {  	[tilespmem:s15+$0x1D010] =	vst v0  }
0x3f: {  	[tilespmem:s15+$0x1D020] =	vst v0  }
0x40: {  	[tilespmem:s15+$0x1D030] =	vst v0  }
0x41: {  	[tilespmem:s15+$0x1D040] =	vst v0  }
0x42: {  	[tilespmem:s15+$0x1D050] =	vst v0  }
0x43: {  	[tilespmem:s15+$0x1D060] =	vst v0;
	s20 =	sld [smem:$0x7F4]  }
0x44: {  	[spmem:s9] =	stream.linear.scatter [tilespmem:s24], [sflag:$0x5], $0x2000, $0x38;
	[tilespmem:$0x1F000] =	vst v63  }
0x45: {  	s21 =	sld [smem:$0x7F5]  }
0x46: {  	[spmem:s20] =	stream.linear.scatter [tilespmem:s24], [sflag:$0x5], $0x2000, $0x38;
	[tilespmem:$0x1F000] =	vst v63  }
0x47: {  	s22 =	sld [smem:$0x7F6]  }
0x48: {  	[spmem:s21] =	stream.linear.scatter [tilespmem:s24], [sflag:$0x5], $0x2000, $0x38;
	[tilespmem:$0x1F000] =	vst v63  }
0x49: {  	s17 =	sld [smem:$0x7F7]  }
0x4a: {  	[spmem:s22] =	stream.linear.scatter [tilespmem:s24], [sflag:$0x5], $0x2000, $0x38;
	[tilespmem:$0x1F000] =	vst v63  }
0x4b: {  	s18 =	sld [smem:$0x7F8]  }
0x4c: {  	[spmem:s17] =	stream.linear.scatter [tilespmem:s24], [sflag:$0x5], $0x2000, $0x38;
	[tilespmem:$0x1F000] =	vst v63  }
0x4d: {  	s19 =	sld [smem:$0x7F9]  }
0x4e: {  	[spmem:s18] =	stream.linear.scatter [tilespmem:s24], [sflag:$0x5], $0x2000, $0x38;
	[tilespmem:$0x1F000] =	vst v63  }
0x4f: {  	s20 =	sld [smem:$0x7FA]  }
0x50: {  	[spmem:s19] =	stream.linear.scatter [tilespmem:s24], [sflag:$0x5], $0x2000, $0x38;
	[tilespmem:$0x1F000] =	vst v63  }
0x51: {  	s21 =	sld [smem:$0x7FB]  }
0x52: {  	[spmem:s20] =	stream.linear.scatter [tilespmem:s24], [sflag:$0x5], $0x2000, $0x38;
	[tilespmem:$0x1F000] =	vst v63  }
0x53: {  	s22 =	sld [smem:$0x7FC]  }
0x54: {  	[spmem:s21] =	stream.linear.scatter [tilespmem:s24], [sflag:$0x5], $0x2000, $0x38;
	[tilespmem:$0x1F000] =	vst v63  }
0x55: {  	_ = 	snop  }
0x56: {  	[spmem:s22] =	stream.linear.scatter [tilespmem:s24], [sflag:$0x5], $0x2000, $0x38;
	[tilespmem:$0x1F000] =	vst v63  }
0x57: {  	_ =	swait.ge [sflag:s25], $0x400  }
0x58: {  	[sflag:s25] =	ssyncset.done $0x0  }
0x59: {  	[sflag:s25] =	ssyncadd.s32 $0xFFFFFC00  }
0x5a: {  	_ =	swait.ge [sflag:s25], $0x400  }
0x5b: {  	[sflag:s25] =	ssyncset.done $0x0  }
0x5c: {  	[sflag:s25] =	ssyncadd.s32 $0xFFFFFC00  }
0x5d: {  	[tilespmem:s28], [sflag:$0x1] =	stream.indirect.gather [hbm4b:s6+s26], $0x80, s16, s26, $0xb8;
	[tilespmem:$0x1F000] =	vst v63  }
0x5e: {  	_ =	swait.ge [sflag:s29], $0x2000  }
0x5f: {  	[sflag:s29] =	ssyncset.done $0x0  }
0x60: {  	[sflag:s29] =	ssyncadd.s32 $0xFFFFE000  }
0x61: {  	_ =	swait.ge [sflag:s29], $0x2000  }
0x62: {  	[sflag:s29] =	ssyncset.done $0x0  }
0x63: {  	[sflag:s29] =	ssyncadd.s32 $0xFFFFE000  }
0x64: {  	_ =	swait.ge [sflag:s29], $0x2000  }
0x65: {  	[sflag:s29] =	ssyncset.done $0x0  }
0x66: {  	[sflag:s29] =	ssyncadd.s32 $0xFFFFE000  }
0x67: {  	_ =	swait.ge [sflag:s29], $0x2000  }
0x68: {  	[sflag:s29] =	ssyncset.done $0x0  }
0x69: {  	[sflag:s29] =	ssyncadd.s32 $0xFFFFE000  }
0x6a: {  	_ =	swait.ge [sflag:s29], $0x2000  }
0x6b: {  	[sflag:s29] =	ssyncset.done $0x0  }
0x6c: {  	[sflag:s29] =	ssyncadd.s32 $0xFFFFE000  }
0x6d: {  	_ =	swait.ge [sflag:s29], $0x2000  }
0x6e: {  	[sflag:s29] =	ssyncset.done $0x0  }
0x6f: {  	[sflag:s29] =	ssyncadd.s32 $0xFFFFE000  }
0x70: {  	_ =	swait.ge [sflag:s29], $0x2000  }
0x71: {  	[sflag:s29] =	ssyncset.done $0x0  }
0x72: {  	[sflag:s29] =	ssyncadd.s32 $0xFFFFE000  }
0x73: {  	_ =	swait.ge [sflag:s29], $0x2000  }
0x74: {  	[sflag:s29] =	ssyncset.done $0x0  }
0x75: {  	[sflag:s29] =	ssyncadd.s32 $0xFFFFE000  }
0x76: {  	_ =	swait.ge [sflag:s29], $0x2000  }
0x77: {  	[sflag:s29] =	ssyncset.done $0x0  }
0x78: {  	[sflag:s29] =	ssyncadd.s32 $0xFFFFE000  }
0x79: {  	_ =	swait.ge [sflag:s29], $0x2000  }
0x7a: {  	[sflag:s29] =	ssyncset.done $0x0  }
0x7b: {  	[sflag:s29] =	ssyncadd.s32 $0xFFFFE000  }
0x7c: {  	[bflag:$0x0] =	sbarrier.arrive $0xFFFF  }
0x7d: {  	s16 =	rddreg [dreg:$0x5]  }
0x7e: {  	s17 =	rddreg [dreg:$0x4];
	s15 =	sadd.s32 $0x0, s16  }
0x7f: {  	[tilespmem:s30], [sflag:$0x4] =	stream.linear.gather [hbm4b:s15+s4], $0x400, $0x38;
	[tilespmem:$0x1F000] =	vst v63  }
0x80: {  	s17 =	sadd.s32 $0x0, s17  }
0x81: {  	[tilespmem:s31], [sflag:$0x4] =	stream.linear.gather [hbm4b:s17+s4], $0x400, $0x38;
	[tilespmem:$0x1F000] =	vst v63  }
0x82: {  	s18 =	rddreg [dreg:$0x6]  }
0x83: {  	[tilespmem:s1], [sflag:$0x2] =	stream.indirect.gather [hbm4b:s6+s26], $0x80, s18, s26, $0xb8;
	[tilespmem:$0x1F000] =	vst v63  }
0x84: {  	_ =	swait.ge [sflag:s0], $0x4000  }
0x85: {  	[sflag:s0] =	ssyncset.done $0x0  }
0x86: {  	[sflag:s0] =	ssyncadd.s32 $0xFFFFC000  }
0x87: {  	[spmem:s3] =	stream.indirect.scatter.add.f32 [tilespmem:s28], [sflag:$0x6], $0x80, s23, s26, $0xb8;
	[tilespmem:$0x1F000] =	vst v63  }
0x88: {  	_ =	swait.ge [sflag:s7], $0x4000  }
0x89: {  	[sflag:s7] =	ssyncset.done $0x0  }
0x8a: {  	s19 =	rddreg [dreg:$0x7];
	[sflag:s7] =	ssyncadd.s32 $0xFFFFC000  }
0x8b: {  	[tilespmem:s28], [sflag:$0x1] =	stream.indirect.gather [hbm4b:s6+s26], $0x80, s19, s26, $0xb8;
	[tilespmem:$0x1F000] =	vst v63  }
0x8c: {  	_ =	swait.ge [sflag:s8], $0x4000  }
0x8d: {  	[sflag:s8] =	ssyncset.done $0x0  }
0x8e: {  	s20 =	rddreg [dreg:$0x8];
	[sflag:s8] =	ssyncadd.s32 $0xFFFFC000  }
0x8f: {  	[spmem:s3] =	stream.indirect.scatter.add.f32 [tilespmem:s1], [sflag:$0x6], $0x80, s20, s26, $0xb8;
	[tilespmem:$0x1F000] =	vst v63  }
0x90: {  	_ =	swait.ge [sflag:s7], $0x4000  }
0x91: {  	[sflag:s7] =	ssyncset.done $0x0  }
0x92: {  	s21 =	rddreg [dreg:$0x9];
	[sflag:s7] =	ssyncadd.s32 $0xFFFFC000  }
0x93: {  	[tilespmem:s1], [sflag:$0x2] =	stream.indirect.gather [hbm4b:s6+s26], $0x80, s21, s26, $0xb8;
	[tilespmem:$0x1F000] =	vst v63  }
0x94: {  	_ =	swait.ge [sflag:s0], $0x4000  }
0x95: {  	[sflag:s0] =	ssyncset.done $0x0  }
0x96: {  	s22 =	rddreg [dreg:$0xa];
	[sflag:s0] =	ssyncadd.s32 $0xFFFFC000  }
0x97: {  	[spmem:s3] =	stream.indirect.scatter.add.f32 [tilespmem:s28], [sflag:$0x6], $0x80, s22, s26, $0xb8;
	[tilespmem:$0x1F000] =	vst v63  }
0x98: {  	_ =	swait.ge [sflag:s7], $0x4000  }
0x99: {  	[sflag:s7] =	ssyncset.done $0x0  }
0x9a: {  	s16 =	rddreg [dreg:$0xb];
	[sflag:s7] =	ssyncadd.s32 $0xFFFFC000  }
0x9b: {  	[tilespmem:s28], [sflag:$0x1] =	stream.indirect.gather [hbm4b:s6+s26], $0x80, s16, s26, $0xb8;
	[tilespmem:$0x1F000] =	vst v63  }
0x9c: {  	_ =	swait.ge [sflag:s8], $0x4000  }
0x9d: {  	[sflag:s8] =	ssyncset.done $0x0  }
0x9e: {  	s17 =	rddreg [dreg:$0xc];
	[sflag:s8] =	ssyncadd.s32 $0xFFFFC000  }
0x9f: {  	[spmem:s3] =	stream.indirect.scatter.add.f32 [tilespmem:s1], [sflag:$0x6], $0x80, s17, s26, $0xb8;
	[tilespmem:$0x1F000] =	vst v63  }
0xa0: {  	_ =	swait.ge [sflag:s7], $0x4000  }
0xa1: {  	[sflag:s7] =	ssyncset.done $0x0  }
0xa2: {  	s18 =	rddreg [dreg:$0xd];
	[sflag:s7] =	ssyncadd.s32 $0xFFFFC000  }
0xa3: {  	[tilespmem:s1], [sflag:$0x2] =	stream.indirect.gather [hbm4b:s6+s26], $0x80, s18, s26, $0xb8;
	[tilespmem:$0x1F000] =	vst v63  }
0xa4: {  	_ =	swait.ge [sflag:s0], $0x4000  }
0xa5: {  	[sflag:s0] =	ssyncset.done $0x0  }
0xa6: {  	s19 =	rddreg [dreg:$0xe];
	[sflag:s0] =	ssyncadd.s32 $0xFFFFC000  }
0xa7: {  	[spmem:s3] =	stream.indirect.scatter.add.f32 [tilespmem:s28], [sflag:$0x6], $0x80, s19, s26, $0xb8;
	[tilespmem:$0x1F000] =	vst v63  }
0xa8: {  	_ =	swait.ge [sflag:s7], $0x4000  }
0xa9: {  	[sflag:s7] =	ssyncset.done $0x0  }
0xaa: {  	s20 =	rddreg [dreg:$0xf];
	[sflag:s7] =	ssyncadd.s32 $0xFFFFC000  }
0xab: {  	[tilespmem:s28], [sflag:$0x1] =	stream.indirect.gather [hbm4b:s6+s26], $0x80, s20, s26, $0xb8;
	[tilespmem:$0x1F000] =	vst v63  }
0xac: {  	_ =	swait.ge [sflag:s8], $0x4000  }
0xad: {  	[sflag:s8] =	ssyncset.done $0x0  }
0xae: {  	s21 =	rddreg [dreg:$0x10];
	[sflag:s8] =	ssyncadd.s32 $0xFFFFC000  }
0xaf: {  	[spmem:s3] =	stream.indirect.scatter.add.f32 [tilespmem:s1], [sflag:$0x6], $0x80, s21, s26, $0xb8;
	[tilespmem:$0x1F000] =	vst v63  }
0xb0: {  	_ =	swait.ge [sflag:s7], $0x4000  }
0xb1: {  	[sflag:s7] =	ssyncset.done $0x0  }
0xb2: {  	s22 =	rddreg [dreg:$0x11];
	[sflag:s7] =	ssyncadd.s32 $0xFFFFC000  }
0xb3: {  	[tilespmem:s1], [sflag:$0x2] =	stream.indirect.gather [hbm4b:s6+s26], $0x80, s22, s26, $0xb8;
	[tilespmem:$0x1F000] =	vst v63  }
0xb4: {  	_ =	swait.ge [sflag:s0], $0x4000  }
0xb5: {  	[sflag:s0] =	ssyncset.done $0x0  }
0xb6: {  	s16 =	rddreg [dreg:$0x12];
	[sflag:s0] =	ssyncadd.s32 $0xFFFFC000  }
0xb7: {  	[spmem:s3] =	stream.indirect.scatter.add.f32 [tilespmem:s28], [sflag:$0x6], $0x80, s16, s26, $0xb8;
	[tilespmem:$0x1F000] =	vst v63  }
0xb8: {  	_ =	swait.ge [sflag:s7], $0x4000  }
0xb9: {  	[sflag:s7] =	ssyncset.done $0x0  }
0xba: {  	[sflag:s7] =	ssyncadd.s32 $0xFFFFC000  }
0xbb: {  	_ =	swait.ge [sflag:s10], $0x400  }
0xbc: {  	[sflag:s10] =	ssyncset.done $0x0  }
0xbd: {  	[sflag:s10] =	ssyncadd.s32 $0xFFFFFC00  }
0xbe: {  	_ =	swait.ge [sflag:s10], $0x400  }
0xbf: {  	[sflag:s10] =	ssyncset.done $0x0  }
0xc0: {  	[sflag:s10] =	ssyncadd.s32 $0xFFFFFC00  }
0xc1: {  	[tilespmem:s28], [sflag:$0x1] =	stream.indirect.gather [hbm4b:s6+s26], $0x80, s30, s26, $0xb8;
	[tilespmem:$0x1F000] =	vst v63  }
0xc2: {  	_ =	swait.ge [sflag:s8], $0x4000  }
0xc3: {  	[sflag:s8] =	ssyncset.done $0x0  }
0xc4: {  	s17 =	rddreg [dreg:$0x13];
	[sflag:s8] =	ssyncadd.s32 $0xFFFFC000  }
0xc5: {  	[spmem:s3] =	stream.indirect.scatter.add.f32 [tilespmem:s1], [sflag:$0x6], $0x80, s17, s26, $0xb8;
	[tilespmem:$0x1F000] =	vst v63  }
0xc6: {  	_ =	swait.ge [sflag:s7], $0x4000  }
0xc7: {  	s16 =	sld [smem:$0x7FD];
	_ =	sdelay $0x1  }
0xc8: {  	p0 =	por $0x0, $0x0  }
0xc9: {  	s15 =	simm.s32 @!p0 $0x14000;
	[sflag:s7] =	ssyncset.done $0x0;
	s17 =	sshrl.u32 @!p0 s16, $0x3  }
0xca: {  	s21 =	simm.s32 @!p0 $0x0;
	[sflag:s7] =	ssyncadd.s32 $0xFFFFC000;
	s18 =	sadd.s32 @!p0 s2, s17  }
0xcb: {  	[tilespmem:s15], [sflag:$0x3] =	stream.linear.gather @!p0 [hbm4b:s18+s21], $0x400, $0x38;
	[tilespmem:$0x1F000] =	vst v63  }
0xcc: {  	s17 =	sadd.s32 @!p0 s5, s17;
	s18 =	simm.s32 @!p0 $0x14800  }
0xcd: {  	[tilespmem:s18], [sflag:$0x3] =	stream.linear.gather @!p0 [hbm4b:s17+s21], $0x400, $0x38;
	[tilespmem:$0x1F000] =	vst v63  }
0xce: {  	s22 =	rddreg [dreg:$0x14]  }
0xcf: {  	[tilespmem:s1], [sflag:$0x2] =	stream.indirect.gather [hbm4b:s6+s26], $0x80, s22, s26, $0xb8;
	[tilespmem:$0x1F000] =	vst v63  }
0xd0: {  	_ =	swait.ge [sflag:s0], $0x4000  }
0xd1: {  	[sflag:s0] =	ssyncset.done $0x0  }
0xd2: {  	[sflag:s0] =	ssyncadd.s32 $0xFFFFC000  }
0xd3: {  	[spmem:s3] =	stream.indirect.scatter.add.f32 [tilespmem:s28], [sflag:$0x6], $0x80, s31, s26, $0xb8;
	[tilespmem:$0x1F000] =	vst v63  }
0xd4: {  	_ =	swait.ge [sflag:s7], $0x4000  }
0xd5: {  	[sflag:s7] =	ssyncset.done $0x0  }
0xd6: {  	s18 =	rddreg [dreg:$0x15];
	[sflag:s7] =	ssyncadd.s32 $0xFFFFC000  }
0xd7: {  	[tilespmem:s28], [sflag:$0x1] =	stream.indirect.gather [hbm4b:s6+s26], $0x80, s18, s26, $0xb8;
	[tilespmem:$0x1F000] =	vst v63  }
0xd8: {  	_ =	swait.ge [sflag:s8], $0x4000  }
0xd9: {  	[sflag:s8] =	ssyncset.done $0x0  }
0xda: {  	s19 =	rddreg [dreg:$0x16];
	[sflag:s8] =	ssyncadd.s32 $0xFFFFC000  }
0xdb: {  	[spmem:s3] =	stream.indirect.scatter.add.f32 [tilespmem:s1], [sflag:$0x6], $0x80, s19, s26, $0xb8;
	[tilespmem:$0x1F000] =	vst v63  }
0xdc: {  	_ =	swait.ge [sflag:s7], $0x4000  }
0xdd: {  	[sflag:s7] =	ssyncset.done $0x0  }
0xde: {  	s20 =	rddreg [dreg:$0x17];
	[sflag:s7] =	ssyncadd.s32 $0xFFFFC000  }
0xdf: {  	[tilespmem:s1], [sflag:$0x2] =	stream.indirect.gather [hbm4b:s6+s26], $0x80, s20, s26, $0xb8;
	[tilespmem:$0x1F000] =	vst v63  }
0xe0: {  	_ =	swait.ge [sflag:s0], $0x4000  }
0xe1: {  	[sflag:s0] =	ssyncset.done $0x0  }
0xe2: {  	s21 =	rddreg [dreg:$0x18];
	[sflag:s0] =	ssyncadd.s32 $0xFFFFC000  }
0xe3: {  	[spmem:s3] =	stream.indirect.scatter.add.f32 [tilespmem:s28], [sflag:$0x6], $0x80, s21, s26, $0xb8;
	[tilespmem:$0x1F000] =	vst v63  }
0xe4: {  	_ =	swait.ge [sflag:s7], $0x4000  }
0xe5: {  	[sflag:s7] =	ssyncset.done $0x0  }
0xe6: {  	s22 =	rddreg [dreg:$0x19];
	[sflag:s7] =	ssyncadd.s32 $0xFFFFC000  }
0xe7: {  	[tilespmem:s28], [sflag:$0x1] =	stream.indirect.gather [hbm4b:s6+s26], $0x80, s22, s26, $0xb8;
	[tilespmem:$0x1F000] =	vst v63  }
0xe8: {  	_ =	swait.ge [sflag:s8], $0x4000  }
0xe9: {  	[sflag:s8] =	ssyncset.done $0x0  }
0xea: {  	s18 =	rddreg [dreg:$0x1a];
	[sflag:s8] =	ssyncadd.s32 $0xFFFFC000  }
0xeb: {  	[spmem:s3] =	stream.indirect.scatter.add.f32 [tilespmem:s1], [sflag:$0x6], $0x80, s18, s26, $0xb8;
	[tilespmem:$0x1F000] =	vst v63  }
0xec: {  	_ =	swait.ge [sflag:s7], $0x4000  }
0xed: {  	[sflag:s7] =	ssyncset.done $0x0  }
0xee: {  	s19 =	rddreg [dreg:$0x1b];
	[sflag:s7] =	ssyncadd.s32 $0xFFFFC000  }
0xef: {  	[tilespmem:s1], [sflag:$0x2] =	stream.indirect.gather [hbm4b:s6+s26], $0x80, s19, s26, $0xb8;
	[tilespmem:$0x1F000] =	vst v63  }
0xf0: {  	_ =	swait.ge [sflag:s0], $0x4000  }
0xf1: {  	[sflag:s0] =	ssyncset.done $0x0  }
0xf2: {  	s20 =	rddreg [dreg:$0x1c];
	[sflag:s0] =	ssyncadd.s32 $0xFFFFC000  }
0xf3: {  	[spmem:s3] =	stream.indirect.scatter.add.f32 [tilespmem:s28], [sflag:$0x6], $0x80, s20, s26, $0xb8;
	[tilespmem:$0x1F000] =	vst v63  }
0xf4: {  	_ =	swait.ge [sflag:s7], $0x4000  }
0xf5: {  	[sflag:s7] =	ssyncset.done $0x0  }
0xf6: {  	s21 =	rddreg [dreg:$0x1d];
	[sflag:s7] =	ssyncadd.s32 $0xFFFFC000  }
0xf7: {  	[tilespmem:s28], [sflag:$0x1] =	stream.indirect.gather [hbm4b:s6+s26], $0x80, s21, s26, $0xb8;
	[tilespmem:$0x1F000] =	vst v63  }
0xf8: {  	_ =	swait.ge [sflag:s8], $0x4000  }
0xf9: {  	[sflag:s8] =	ssyncset.done $0x0  }
0xfa: {  	s22 =	rddreg [dreg:$0x1e];
	[sflag:s8] =	ssyncadd.s32 $0xFFFFC000  }
0xfb: {  	[spmem:s3] =	stream.indirect.scatter.add.f32 [tilespmem:s1], [sflag:$0x6], $0x80, s22, s26, $0xb8;
	[tilespmem:$0x1F000] =	vst v63  }
0xfc: {  	_ =	swait.ge [sflag:s7], $0x4000  }
0xfd: {  	[sflag:s7] =	ssyncset.done $0x0  }
0xfe: {  	[sflag:s7] =	ssyncadd.s32 $0xFFFFC000  }
0xff: {  	[tilespmem:s1], [sflag:$0x2] =	stream.indirect.gather [hbm4b:s6+s26], $0x80, s11, s26, $0xb8;
	[tilespmem:$0x1F000] =	vst v63  }
0x100: {  	_ =	swait.ge [sflag:s0], $0x4000  }
0x101: {  	[sflag:s0] =	ssyncset.done $0x0  }
0x102: {  	[sflag:s0] =	ssyncadd.s32 $0xFFFFC000  }
0x103: {  	[spmem:s3] =	stream.indirect.scatter.add.f32 [tilespmem:s28], [sflag:$0x6], $0x80, s12, s26, $0xb8;
	[tilespmem:$0x1F000] =	vst v63  }
0x104: {  	_ =	swait.ge [sflag:s7], $0x4000  }
0x105: {  	[sflag:s7] =	ssyncset.done $0x0  }
0x106: {  	s17 =	simm.s32 @!p0 $0x3;
	[sflag:s7] =	ssyncadd.s32 $0xFFFFC000  }
0x107: {  	_ =	swait.ge @!p0 [sflag:s17], $0x400  }
0x108: {  	[sflag:s17] =	ssyncset.done @!p0 $0x0  }
0x109: {  	[sflag:s17] =	ssyncadd.s32 @!p0 $0xFFFFFC00  }
0x10a: {  	_ =	swait.ge @!p0 [sflag:s17], $0x400  }
0x10b: {  	[sflag:s17] =	ssyncset.done @!p0 $0x0  }
0x10c: {  	s18 =	simm.s32 @!p0 $0x15000;
	[sflag:s17] =	ssyncadd.s32 @!p0 $0xFFFFFC00;
	s17 =	simm.s32 @!p0 $0x80  }
0x10d: {  	[tilespmem:s18], [sflag:$0x1] =	stream.indirect.gather @!p0 [hbm4b:s6+s17], $0x80, s15, s17, $0xb8;
	[tilespmem:$0x1F000] =	vst v63  }
0x10e: {  	_ =	swait.ge [sflag:s8], $0x4000  }
0x10f: {  	[sflag:s8] =	ssyncset.done $0x0  }
0x110: {  	[sflag:s8] =	ssyncadd.s32 $0xFFFFC000  }
0x111: {  	[spmem:s3] =	stream.indirect.scatter.add.f32 [tilespmem:s1], [sflag:$0x6], $0x80, s13, s26, $0xb8;
	[tilespmem:$0x1F000] =	vst v63  }
0x112: {  	s21 =	smov.u32 s16;
	s15 =	simm.s32 $0x100;
	_ =	swait.ge [sflag:s7], $0x4000  }
0x113: {  	s17 =	simm.s32 $0x200;
	s18 =	rddreg [dreg:$0x5];
	[sflag:s7] =	ssyncset.done $0x0  }
.LBB2_4:
0x114: {  	[sflag:s7] =	ssyncadd.s32 $0xFFFFC000;
	s19 =	rddreg [dreg:$0x4];
	s18 =	sadd.s32 s15, s18  }
0x115: {  	[tilespmem:s30], [sflag:$0x4] =	stream.linear.gather [hbm4b:s18+s4], $0x400, $0x38;
	[tilespmem:$0x1F000] =	vst v63  }
0x116: {  	s20 =	sadd.s32 s15, s19  }
0x117: {  	[tilespmem:s31], [sflag:$0x4] =	stream.linear.gather [hbm4b:s20+s4], $0x400, $0x38;
	[tilespmem:$0x1F000] =	vst v63  }
0x118: {  	s16 =	rddreg [dreg:$0x6]  }
0x119: {  	[tilespmem:s1], [sflag:$0x2] =	stream.indirect.gather [hbm4b:s6+s26], $0x80, s16, s26, $0xb8;
	[tilespmem:$0x1F000] =	vst v63  }
0x11a: {  	_ =	swait.ge [sflag:s0], $0x4000  }
0x11b: {  	[sflag:s0] =	ssyncset.done $0x0  }
0x11c: {  	[sflag:s0] =	ssyncadd.s32 $0xFFFFC000  }
0x11d: {  	[spmem:s3] =	stream.indirect.scatter.add.f32 [tilespmem:s28], [sflag:$0x6], $0x80, s23, s26, $0xb8;
	[tilespmem:$0x1F000] =	vst v63  }
0x11e: {  	_ =	swait.ge [sflag:s7], $0x4000  }
0x11f: {  	[sflag:s7] =	ssyncset.done $0x0  }
0x120: {  	s19 =	rddreg [dreg:$0x7];
	[sflag:s7] =	ssyncadd.s32 $0xFFFFC000  }
0x121: {  	[tilespmem:s28], [sflag:$0x1] =	stream.indirect.gather [hbm4b:s6+s26], $0x80, s19, s26, $0xb8;
	[tilespmem:$0x1F000] =	vst v63  }
0x122: {  	_ =	swait.ge [sflag:s8], $0x4000  }
0x123: {  	[sflag:s8] =	ssyncset.done $0x0  }
0x124: {  	s20 =	rddreg [dreg:$0x8];
	[sflag:s8] =	ssyncadd.s32 $0xFFFFC000  }
0x125: {  	[spmem:s3] =	stream.indirect.scatter.add.f32 [tilespmem:s1], [sflag:$0x6], $0x80, s20, s26, $0xb8;
	[tilespmem:$0x1F000] =	vst v63  }
0x126: {  	_ =	swait.ge [sflag:s7], $0x4000  }
0x127: {  	[sflag:s7] =	ssyncset.done $0x0  }
0x128: {  	s16 =	rddreg [dreg:$0x9];
	[sflag:s7] =	ssyncadd.s32 $0xFFFFC000  }
0x129: {  	[tilespmem:s1], [sflag:$0x2] =	stream.indirect.gather [hbm4b:s6+s26], $0x80, s16, s26, $0xb8;
	[tilespmem:$0x1F000] =	vst v63  }
0x12a: {  	_ =	swait.ge [sflag:s0], $0x4000  }
0x12b: {  	[sflag:s0] =	ssyncset.done $0x0  }
0x12c: {  	s19 =	rddreg [dreg:$0xa];
	[sflag:s0] =	ssyncadd.s32 $0xFFFFC000  }
0x12d: {  	[spmem:s3] =	stream.indirect.scatter.add.f32 [tilespmem:s28], [sflag:$0x6], $0x80, s19, s26, $0xb8;
	[tilespmem:$0x1F000] =	vst v63  }
0x12e: {  	_ =	swait.ge [sflag:s7], $0x4000  }
0x12f: {  	[sflag:s7] =	ssyncset.done $0x0  }
0x130: {  	s20 =	rddreg [dreg:$0xb];
	[sflag:s7] =	ssyncadd.s32 $0xFFFFC000  }
0x131: {  	[tilespmem:s28], [sflag:$0x1] =	stream.indirect.gather [hbm4b:s6+s26], $0x80, s20, s26, $0xb8;
	[tilespmem:$0x1F000] =	vst v63  }
0x132: {  	_ =	swait.ge [sflag:s8], $0x4000  }
0x133: {  	[sflag:s8] =	ssyncset.done $0x0  }
0x134: {  	s16 =	rddreg [dreg:$0xc];
	[sflag:s8] =	ssyncadd.s32 $0xFFFFC000  }
0x135: {  	[spmem:s3] =	stream.indirect.scatter.add.f32 [tilespmem:s1], [sflag:$0x6], $0x80, s16, s26, $0xb8;
	[tilespmem:$0x1F000] =	vst v63  }
0x136: {  	_ =	swait.ge [sflag:s7], $0x4000  }
0x137: {  	[sflag:s7] =	ssyncset.done $0x0  }
0x138: {  	s19 =	rddreg [dreg:$0xd];
	[sflag:s7] =	ssyncadd.s32 $0xFFFFC000  }
0x139: {  	[tilespmem:s1], [sflag:$0x2] =	stream.indirect.gather [hbm4b:s6+s26], $0x80, s19, s26, $0xb8;
	[tilespmem:$0x1F000] =	vst v63  }
0x13a: {  	_ =	swait.ge [sflag:s0], $0x4000  }
0x13b: {  	[sflag:s0] =	ssyncset.done $0x0  }
0x13c: {  	s20 =	rddreg [dreg:$0xe];
	[sflag:s0] =	ssyncadd.s32 $0xFFFFC000  }
0x13d: {  	[spmem:s3] =	stream.indirect.scatter.add.f32 [tilespmem:s28], [sflag:$0x6], $0x80, s20, s26, $0xb8;
	[tilespmem:$0x1F000] =	vst v63  }
0x13e: {  	_ =	swait.ge [sflag:s7], $0x4000  }
0x13f: {  	[sflag:s7] =	ssyncset.done $0x0  }
0x140: {  	s16 =	rddreg [dreg:$0xf];
	[sflag:s7] =	ssyncadd.s32 $0xFFFFC000  }
0x141: {  	[tilespmem:s28], [sflag:$0x1] =	stream.indirect.gather [hbm4b:s6+s26], $0x80, s16, s26, $0xb8;
	[tilespmem:$0x1F000] =	vst v63  }
0x142: {  	_ =	swait.ge [sflag:s8], $0x4000  }
0x143: {  	[sflag:s8] =	ssyncset.done $0x0  }
0x144: {  	s19 =	rddreg [dreg:$0x10];
	[sflag:s8] =	ssyncadd.s32 $0xFFFFC000  }
0x145: {  	[spmem:s3] =	stream.indirect.scatter.add.f32 [tilespmem:s1], [sflag:$0x6], $0x80, s19, s26, $0xb8;
	[tilespmem:$0x1F000] =	vst v63  }
0x146: {  	_ =	swait.ge [sflag:s7], $0x4000  }
0x147: {  	[sflag:s7] =	ssyncset.done $0x0  }
0x148: {  	s20 =	rddreg [dreg:$0x11];
	[sflag:s7] =	ssyncadd.s32 $0xFFFFC000  }
0x149: {  	[tilespmem:s1], [sflag:$0x2] =	stream.indirect.gather [hbm4b:s6+s26], $0x80, s20, s26, $0xb8;
	[tilespmem:$0x1F000] =	vst v63  }
0x14a: {  	_ =	swait.ge [sflag:s0], $0x4000  }
0x14b: {  	[sflag:s0] =	ssyncset.done $0x0  }
0x14c: {  	s16 =	rddreg [dreg:$0x12];
	[sflag:s0] =	ssyncadd.s32 $0xFFFFC000  }
0x14d: {  	[spmem:s3] =	stream.indirect.scatter.add.f32 [tilespmem:s28], [sflag:$0x6], $0x80, s16, s26, $0xb8;
	[tilespmem:$0x1F000] =	vst v63  }
0x14e: {  	_ =	swait.ge [sflag:s7], $0x4000  }
0x14f: {  	[sflag:s7] =	ssyncset.done $0x0  }
0x150: {  	[sflag:s7] =	ssyncadd.s32 $0xFFFFC000  }
0x151: {  	_ =	swait.ge [sflag:s10], $0x400  }
0x152: {  	[sflag:s10] =	ssyncset.done $0x0  }
0x153: {  	[sflag:s10] =	ssyncadd.s32 $0xFFFFFC00  }
0x154: {  	_ =	swait.ge [sflag:s10], $0x400  }
0x155: {  	[sflag:s10] =	ssyncset.done $0x0  }
0x156: {  	[sflag:s10] =	ssyncadd.s32 $0xFFFFFC00  }
0x157: {  	[tilespmem:s28], [sflag:$0x1] =	stream.indirect.gather [hbm4b:s6+s26], $0x80, s30, s26, $0xb8;
	[tilespmem:$0x1F000] =	vst v63  }
0x158: {  	_ =	swait.ge [sflag:s8], $0x4000  }
0x159: {  	s21 =	sadd.s32 $0x800, s21;
	[sflag:s8] =	ssyncset.done $0x0  }
0x15a: {  	s22 =	smov.u32 s17;
	s19 =	rddreg [dreg:$0x13];
	[sflag:s8] =	ssyncadd.s32 $0xFFFFC000  }
0x15b: {  	[spmem:s3] =	stream.indirect.scatter.add.f32 [tilespmem:s1], [sflag:$0x6], $0x80, s19, s26, $0xb8;
	[tilespmem:$0x1F000] =	vst v63  }
0x15c: {  	p1 =	seq.s32 s15, $0x400;
	s15 =	smov.u32 s22;
	_ =	swait.ge [sflag:s7], $0x4000  }
0x15d: {  	s18 =	sshrl.u32 @!p1 s21, $0x3;
	s22 =	simm.s32 @!p1 $0x14000;
	[sflag:s7] =	ssyncset.done $0x0  }
0x15e: {  	s20 =	simm.s32 @!p1 $0x0;
	s19 =	sadd.s32 @!p1 s2, s18;
	[sflag:s7] =	ssyncadd.s32 $0xFFFFC000  }
0x15f: {  	[tilespmem:s22], [sflag:$0x3] =	stream.linear.gather @!p1 [hbm4b:s19+s20], $0x400, $0x38;
	[tilespmem:$0x1F000] =	vst v63  }
0x160: {  	s18 =	sadd.s32 @!p1 s5, s18;
	s19 =	simm.s32 @!p1 $0x14800  }
0x161: {  	[tilespmem:s19], [sflag:$0x3] =	stream.linear.gather @!p1 [hbm4b:s18+s20], $0x400, $0x38;
	[tilespmem:$0x1F000] =	vst v63  }
0x162: {  	s16 =	rddreg [dreg:$0x14]  }
0x163: {  	[tilespmem:s1], [sflag:$0x2] =	stream.indirect.gather [hbm4b:s6+s26], $0x80, s16, s26, $0xb8;
	[tilespmem:$0x1F000] =	vst v63  }
0x164: {  	_ =	swait.ge [sflag:s0], $0x4000  }
0x165: {  	[sflag:s0] =	ssyncset.done $0x0  }
0x166: {  	[sflag:s0] =	ssyncadd.s32 $0xFFFFC000  }
0x167: {  	[spmem:s3] =	stream.indirect.scatter.add.f32 [tilespmem:s28], [sflag:$0x6], $0x80, s31, s26, $0xb8;
	[tilespmem:$0x1F000] =	vst v63  }
0x168: {  	_ =	swait.ge [sflag:s7], $0x4000  }
0x169: {  	[sflag:s7] =	ssyncset.done $0x0  }
0x16a: {  	s20 =	rddreg [dreg:$0x15];
	[sflag:s7] =	ssyncadd.s32 $0xFFFFC000  }
0x16b: {  	[tilespmem:s28], [sflag:$0x1] =	stream.indirect.gather [hbm4b:s6+s26], $0x80, s20, s26, $0xb8;
	[tilespmem:$0x1F000] =	vst v63  }
0x16c: {  	_ =	swait.ge [sflag:s8], $0x4000  }
0x16d: {  	[sflag:s8] =	ssyncset.done $0x0  }
0x16e: {  	s18 =	rddreg [dreg:$0x16];
	[sflag:s8] =	ssyncadd.s32 $0xFFFFC000  }
0x16f: {  	[spmem:s3] =	stream.indirect.scatter.add.f32 [tilespmem:s1], [sflag:$0x6], $0x80, s18, s26, $0xb8;
	[tilespmem:$0x1F000] =	vst v63  }
0x170: {  	_ =	swait.ge [sflag:s7], $0x4000  }
0x171: {  	[sflag:s7] =	ssyncset.done $0x0  }
0x172: {  	s19 =	rddreg [dreg:$0x17];
	[sflag:s7] =	ssyncadd.s32 $0xFFFFC000  }
0x173: {  	[tilespmem:s1], [sflag:$0x2] =	stream.indirect.gather [hbm4b:s6+s26], $0x80, s19, s26, $0xb8;
	[tilespmem:$0x1F000] =	vst v63  }
0x174: {  	_ =	swait.ge [sflag:s0], $0x4000  }
0x175: {  	[sflag:s0] =	ssyncset.done $0x0  }
0x176: {  	s20 =	rddreg [dreg:$0x18];
	[sflag:s0] =	ssyncadd.s32 $0xFFFFC000  }
0x177: {  	[spmem:s3] =	stream.indirect.scatter.add.f32 [tilespmem:s28], [sflag:$0x6], $0x80, s20, s26, $0xb8;
	[tilespmem:$0x1F000] =	vst v63  }
0x178: {  	_ =	swait.ge [sflag:s7], $0x4000  }
0x179: {  	[sflag:s7] =	ssyncset.done $0x0  }
0x17a: {  	s18 =	rddreg [dreg:$0x19];
	[sflag:s7] =	ssyncadd.s32 $0xFFFFC000  }
0x17b: {  	[tilespmem:s28], [sflag:$0x1] =	stream.indirect.gather [hbm4b:s6+s26], $0x80, s18, s26, $0xb8;
	[tilespmem:$0x1F000] =	vst v63  }
0x17c: {  	_ =	swait.ge [sflag:s8], $0x4000  }
0x17d: {  	[sflag:s8] =	ssyncset.done $0x0  }
0x17e: {  	s19 =	rddreg [dreg:$0x1a];
	[sflag:s8] =	ssyncadd.s32 $0xFFFFC000  }
0x17f: {  	[spmem:s3] =	stream.indirect.scatter.add.f32 [tilespmem:s1], [sflag:$0x6], $0x80, s19, s26, $0xb8;
	[tilespmem:$0x1F000] =	vst v63  }
0x180: {  	_ =	swait.ge [sflag:s7], $0x4000  }
0x181: {  	[sflag:s7] =	ssyncset.done $0x0  }
0x182: {  	s20 =	rddreg [dreg:$0x1b];
	[sflag:s7] =	ssyncadd.s32 $0xFFFFC000  }
0x183: {  	[tilespmem:s1], [sflag:$0x2] =	stream.indirect.gather [hbm4b:s6+s26], $0x80, s20, s26, $0xb8;
	[tilespmem:$0x1F000] =	vst v63  }
0x184: {  	_ =	swait.ge [sflag:s0], $0x4000  }
0x185: {  	[sflag:s0] =	ssyncset.done $0x0  }
0x186: {  	s18 =	rddreg [dreg:$0x1c];
	[sflag:s0] =	ssyncadd.s32 $0xFFFFC000  }
0x187: {  	[spmem:s3] =	stream.indirect.scatter.add.f32 [tilespmem:s28], [sflag:$0x6], $0x80, s18, s26, $0xb8;
	[tilespmem:$0x1F000] =	vst v63  }
0x188: {  	_ =	swait.ge [sflag:s7], $0x4000  }
0x189: {  	[sflag:s7] =	ssyncset.done $0x0  }
0x18a: {  	s19 =	rddreg [dreg:$0x1d];
	[sflag:s7] =	ssyncadd.s32 $0xFFFFC000  }
0x18b: {  	[tilespmem:s28], [sflag:$0x1] =	stream.indirect.gather [hbm4b:s6+s26], $0x80, s19, s26, $0xb8;
	[tilespmem:$0x1F000] =	vst v63  }
0x18c: {  	_ =	swait.ge [sflag:s8], $0x4000  }
0x18d: {  	[sflag:s8] =	ssyncset.done $0x0  }
0x18e: {  	s20 =	rddreg [dreg:$0x1e];
	[sflag:s8] =	ssyncadd.s32 $0xFFFFC000  }
0x18f: {  	[spmem:s3] =	stream.indirect.scatter.add.f32 [tilespmem:s1], [sflag:$0x6], $0x80, s20, s26, $0xb8;
	[tilespmem:$0x1F000] =	vst v63  }
0x190: {  	_ =	swait.ge [sflag:s7], $0x4000  }
0x191: {  	[sflag:s7] =	ssyncset.done $0x0  }
0x192: {  	[sflag:s7] =	ssyncadd.s32 $0xFFFFC000  }
0x193: {  	[tilespmem:s1], [sflag:$0x2] =	stream.indirect.gather [hbm4b:s6+s26], $0x80, s11, s26, $0xb8;
	[tilespmem:$0x1F000] =	vst v63  }
0x194: {  	_ =	swait.ge [sflag:s0], $0x4000  }
0x195: {  	[sflag:s0] =	ssyncset.done $0x0  }
0x196: {  	[sflag:s0] =	ssyncadd.s32 $0xFFFFC000  }
0x197: {  	[spmem:s3] =	stream.indirect.scatter.add.f32 [tilespmem:s28], [sflag:$0x6], $0x80, s12, s26, $0xb8;
	[tilespmem:$0x1F000] =	vst v63  }
0x198: {  	_ =	swait.ge [sflag:s7], $0x4000  }
0x199: {  	[sflag:s7] =	ssyncset.done $0x0  }
0x19a: {  	s16 =	simm.s32 @!p1 $0x3;
	[sflag:s7] =	ssyncadd.s32 $0xFFFFC000  }
0x19b: {  	_ =	swait.ge @!p1 [sflag:s16], $0x400  }
0x19c: {  	[sflag:s16] =	ssyncset.done @!p1 $0x0  }
0x19d: {  	[sflag:s16] =	ssyncadd.s32 @!p1 $0xFFFFFC00  }
0x19e: {  	_ =	swait.ge @!p1 [sflag:s16], $0x400  }
0x19f: {  	s17 =	sadd.s32 $0x100, s17;
	[sflag:s16] =	ssyncset.done @!p1 $0x0  }
0x1a0: {  	s18 =	simm.s32 @!p1 $0x15000;
	[sflag:s16] =	ssyncadd.s32 @!p1 $0xFFFFFC00;
	s16 =	simm.s32 @!p1 $0x80  }
0x1a1: {  	[tilespmem:s18], [sflag:$0x1] =	stream.indirect.gather @!p1 [hbm4b:s6+s16], $0x80, s22, s16, $0xb8;
	[tilespmem:$0x1F000] =	vst v63  }
0x1a2: {  	p0 =	sne.s32 s17, $0x500;
	_ =	swait.ge [sflag:s8], $0x4000  }
.Ltmp1:
0x1a3: {  	[sflag:s8] =	ssyncset.done $0x0;
	(pc) =	sbr.rel @p0 .LBB2_4-.Ltmp1, $4  }
0x1a4: {  	[sflag:s8] =	ssyncadd.s32 $0xFFFFC000  }
0x1a5: {  	[spmem:s3] =	stream.indirect.scatter.add.f32 [tilespmem:s1], [sflag:$0x6], $0x80, s13, s26, $0xb8;
	[tilespmem:$0x1F000] =	vst v63  }
0x1a6: {  	_ =	swait.ge [sflag:s7], $0x4000  }
0x1a7: {  	s18 =	rddreg [dreg:$0x5];
	[sflag:s7] =	ssyncset.done $0x0  }
0x1a8: {  	s16 =	rddreg [dreg:$0x4];
	[sflag:s7] =	ssyncadd.s32 $0xFFFFC000;
	s17 =	sadd.s32 s15, s18  }
0x1a9: {  	[tilespmem:s30], [sflag:$0x4] =	stream.linear.gather [hbm4b:s17+s4], $0x400, $0x38;
	[tilespmem:$0x1F000] =	vst v63  }
0x1aa: {  	s16 =	sadd.s32 s15, s16  }
0x1ab: {  	[tilespmem:s31], [sflag:$0x4] =	stream.linear.gather [hbm4b:s16+s4], $0x400, $0x38;
	[tilespmem:$0x1F000] =	vst v63  }
0x1ac: {  	s22 =	rddreg [dreg:$0x6]  }
0x1ad: {  	[tilespmem:s1], [sflag:$0x2] =	stream.indirect.gather [hbm4b:s6+s26], $0x80, s22, s26, $0xb8;
	[tilespmem:$0x1F000] =	vst v63  }
0x1ae: {  	_ =	swait.ge [sflag:s0], $0x4000  }
0x1af: {  	[sflag:s0] =	ssyncset.done $0x0  }
0x1b0: {  	[sflag:s0] =	ssyncadd.s32 $0xFFFFC000  }
0x1b1: {  	[spmem:s3] =	stream.indirect.scatter.add.f32 [tilespmem:s28], [sflag:$0x6], $0x80, s23, s26, $0xb8;
	[tilespmem:$0x1F000] =	vst v63  }
0x1b2: {  	_ =	swait.ge [sflag:s7], $0x4000  }
0x1b3: {  	[sflag:s7] =	ssyncset.done $0x0  }
0x1b4: {  	s18 =	rddreg [dreg:$0x7];
	[sflag:s7] =	ssyncadd.s32 $0xFFFFC000  }
0x1b5: {  	[tilespmem:s28], [sflag:$0x1] =	stream.indirect.gather [hbm4b:s6+s26], $0x80, s18, s26, $0xb8;
	[tilespmem:$0x1F000] =	vst v63  }
0x1b6: {  	_ =	swait.ge [sflag:s8], $0x4000  }
0x1b7: {  	[sflag:s8] =	ssyncset.done $0x0  }
0x1b8: {  	s19 =	rddreg [dreg:$0x8];
	[sflag:s8] =	ssyncadd.s32 $0xFFFFC000  }
0x1b9: {  	[spmem:s3] =	stream.indirect.scatter.add.f32 [tilespmem:s1], [sflag:$0x6], $0x80, s19, s26, $0xb8;
	[tilespmem:$0x1F000] =	vst v63  }
0x1ba: {  	_ =	swait.ge [sflag:s7], $0x4000  }
0x1bb: {  	[sflag:s7] =	ssyncset.done $0x0  }
0x1bc: {  	s20 =	rddreg [dreg:$0x9];
	[sflag:s7] =	ssyncadd.s32 $0xFFFFC000  }
0x1bd: {  	[tilespmem:s1], [sflag:$0x2] =	stream.indirect.gather [hbm4b:s6+s26], $0x80, s20, s26, $0xb8;
	[tilespmem:$0x1F000] =	vst v63  }
0x1be: {  	_ =	swait.ge [sflag:s0], $0x4000  }
0x1bf: {  	[sflag:s0] =	ssyncset.done $0x0  }
0x1c0: {  	s22 =	rddreg [dreg:$0xa];
	[sflag:s0] =	ssyncadd.s32 $0xFFFFC000  }
0x1c1: {  	[spmem:s3] =	stream.indirect.scatter.add.f32 [tilespmem:s28], [sflag:$0x6], $0x80, s22, s26, $0xb8;
	[tilespmem:$0x1F000] =	vst v63  }
0x1c2: {  	_ =	swait.ge [sflag:s7], $0x4000  }
0x1c3: {  	[sflag:s7] =	ssyncset.done $0x0  }
0x1c4: {  	s17 =	rddreg [dreg:$0xb];
	[sflag:s7] =	ssyncadd.s32 $0xFFFFC000  }
0x1c5: {  	[tilespmem:s28], [sflag:$0x1] =	stream.indirect.gather [hbm4b:s6+s26], $0x80, s17, s26, $0xb8;
	[tilespmem:$0x1F000] =	vst v63  }
0x1c6: {  	_ =	swait.ge [sflag:s8], $0x4000  }
0x1c7: {  	[sflag:s8] =	ssyncset.done $0x0  }
0x1c8: {  	s18 =	rddreg [dreg:$0xc];
	[sflag:s8] =	ssyncadd.s32 $0xFFFFC000  }
0x1c9: {  	[spmem:s3] =	stream.indirect.scatter.add.f32 [tilespmem:s1], [sflag:$0x6], $0x80, s18, s26, $0xb8;
	[tilespmem:$0x1F000] =	vst v63  }
0x1ca: {  	_ =	swait.ge [sflag:s7], $0x4000  }
0x1cb: {  	[sflag:s7] =	ssyncset.done $0x0  }
0x1cc: {  	s19 =	rddreg [dreg:$0xd];
	[sflag:s7] =	ssyncadd.s32 $0xFFFFC000  }
0x1cd: {  	[tilespmem:s1], [sflag:$0x2] =	stream.indirect.gather [hbm4b:s6+s26], $0x80, s19, s26, $0xb8;
	[tilespmem:$0x1F000] =	vst v63  }
0x1ce: {  	_ =	swait.ge [sflag:s0], $0x4000  }
0x1cf: {  	[sflag:s0] =	ssyncset.done $0x0  }
0x1d0: {  	s20 =	rddreg [dreg:$0xe];
	[sflag:s0] =	ssyncadd.s32 $0xFFFFC000  }
0x1d1: {  	[spmem:s3] =	stream.indirect.scatter.add.f32 [tilespmem:s28], [sflag:$0x6], $0x80, s20, s26, $0xb8;
	[tilespmem:$0x1F000] =	vst v63  }
0x1d2: {  	_ =	swait.ge [sflag:s7], $0x4000  }
0x1d3: {  	[sflag:s7] =	ssyncset.done $0x0  }
0x1d4: {  	s22 =	rddreg [dreg:$0xf];
	[sflag:s7] =	ssyncadd.s32 $0xFFFFC000  }
0x1d5: {  	[tilespmem:s28], [sflag:$0x1] =	stream.indirect.gather [hbm4b:s6+s26], $0x80, s22, s26, $0xb8;
	[tilespmem:$0x1F000] =	vst v63  }
0x1d6: {  	_ =	swait.ge [sflag:s8], $0x4000  }
0x1d7: {  	[sflag:s8] =	ssyncset.done $0x0  }
0x1d8: {  	s17 =	rddreg [dreg:$0x10];
	[sflag:s8] =	ssyncadd.s32 $0xFFFFC000  }
0x1d9: {  	[spmem:s3] =	stream.indirect.scatter.add.f32 [tilespmem:s1], [sflag:$0x6], $0x80, s17, s26, $0xb8;
	[tilespmem:$0x1F000] =	vst v63  }
0x1da: {  	_ =	swait.ge [sflag:s7], $0x4000  }
0x1db: {  	[sflag:s7] =	ssyncset.done $0x0  }
0x1dc: {  	s18 =	rddreg [dreg:$0x11];
	[sflag:s7] =	ssyncadd.s32 $0xFFFFC000  }
0x1dd: {  	[tilespmem:s1], [sflag:$0x2] =	stream.indirect.gather [hbm4b:s6+s26], $0x80, s18, s26, $0xb8;
	[tilespmem:$0x1F000] =	vst v63  }
0x1de: {  	_ =	swait.ge [sflag:s0], $0x4000  }
0x1df: {  	[sflag:s0] =	ssyncset.done $0x0  }
0x1e0: {  	s19 =	rddreg [dreg:$0x12];
	[sflag:s0] =	ssyncadd.s32 $0xFFFFC000  }
0x1e1: {  	[spmem:s3] =	stream.indirect.scatter.add.f32 [tilespmem:s28], [sflag:$0x6], $0x80, s19, s26, $0xb8;
	[tilespmem:$0x1F000] =	vst v63  }
0x1e2: {  	_ =	swait.ge [sflag:s7], $0x4000  }
0x1e3: {  	[sflag:s7] =	ssyncset.done $0x0  }
0x1e4: {  	[sflag:s7] =	ssyncadd.s32 $0xFFFFC000  }
0x1e5: {  	_ =	swait.ge [sflag:s10], $0x400  }
0x1e6: {  	[sflag:s10] =	ssyncset.done $0x0  }
0x1e7: {  	[sflag:s10] =	ssyncadd.s32 $0xFFFFFC00  }
0x1e8: {  	_ =	swait.ge [sflag:s10], $0x400  }
0x1e9: {  	[sflag:s10] =	ssyncset.done $0x0  }
0x1ea: {  	[sflag:s10] =	ssyncadd.s32 $0xFFFFFC00  }
0x1eb: {  	[tilespmem:s28], [sflag:$0x1] =	stream.indirect.gather [hbm4b:s6+s26], $0x80, s30, s26, $0xb8;
	[tilespmem:$0x1F000] =	vst v63  }
0x1ec: {  	_ =	swait.ge [sflag:s8], $0x4000  }
0x1ed: {  	[sflag:s8] =	ssyncset.done $0x0  }
0x1ee: {  	s20 =	rddreg [dreg:$0x13];
	[sflag:s8] =	ssyncadd.s32 $0xFFFFC000  }
0x1ef: {  	[spmem:s3] =	stream.indirect.scatter.add.f32 [tilespmem:s1], [sflag:$0x6], $0x80, s20, s26, $0xb8;
	[tilespmem:$0x1F000] =	vst v63  }
0x1f0: {  	p0 =	seq.s32 s15, $0x400;
	s16 =	sadd.s32 $0x800, s21;
	_ =	swait.ge [sflag:s7], $0x4000  }
0x1f1: {  	s15 =	simm.s32 @!p0 $0x14000;
	s16 =	sshrl.u32 @!p0 s16, $0x3;
	[sflag:s7] =	ssyncset.done $0x0  }
0x1f2: {  	s17 =	sadd.s32 @!p0 s2, s16;
	s18 =	simm.s32 @!p0 $0x0;
	[sflag:s7] =	ssyncadd.s32 $0xFFFFC000  }
0x1f3: {  	[tilespmem:s15], [sflag:$0x3] =	stream.linear.gather @!p0 [hbm4b:s17+s18], $0x400, $0x38;
	[tilespmem:$0x1F000] =	vst v63  }
0x1f4: {  	s16 =	sadd.s32 @!p0 s5, s16;
	s17 =	simm.s32 @!p0 $0x14800  }
0x1f5: {  	[tilespmem:s17], [sflag:$0x3] =	stream.linear.gather @!p0 [hbm4b:s16+s18], $0x400, $0x38;
	[tilespmem:$0x1F000] =	vst v63  }
0x1f6: {  	s19 =	rddreg [dreg:$0x14]  }
0x1f7: {  	[tilespmem:s1], [sflag:$0x2] =	stream.indirect.gather [hbm4b:s6+s26], $0x80, s19, s26, $0xb8;
	[tilespmem:$0x1F000] =	vst v63  }
0x1f8: {  	_ =	swait.ge [sflag:s0], $0x4000  }
0x1f9: {  	[sflag:s0] =	ssyncset.done $0x0  }
0x1fa: {  	[sflag:s0] =	ssyncadd.s32 $0xFFFFC000  }
0x1fb: {  	[spmem:s3] =	stream.indirect.scatter.add.f32 [tilespmem:s28], [sflag:$0x6], $0x80, s31, s26, $0xb8;
	[tilespmem:$0x1F000] =	vst v63  }
0x1fc: {  	_ =	swait.ge [sflag:s7], $0x4000  }
0x1fd: {  	[sflag:s7] =	ssyncset.done $0x0  }
0x1fe: {  	s21 =	rddreg [dreg:$0x15];
	[sflag:s7] =	ssyncadd.s32 $0xFFFFC000  }
0x1ff: {  	[tilespmem:s28], [sflag:$0x1] =	stream.indirect.gather [hbm4b:s6+s26], $0x80, s21, s26, $0xb8;
	[tilespmem:$0x1F000] =	vst v63  }
0x200: {  	_ =	swait.ge [sflag:s8], $0x4000  }
0x201: {  	[sflag:s8] =	ssyncset.done $0x0  }
0x202: {  	s22 =	rddreg [dreg:$0x16];
	[sflag:s8] =	ssyncadd.s32 $0xFFFFC000  }
0x203: {  	[spmem:s3] =	stream.indirect.scatter.add.f32 [tilespmem:s1], [sflag:$0x6], $0x80, s22, s26, $0xb8;
	[tilespmem:$0x1F000] =	vst v63  }
0x204: {  	_ =	swait.ge [sflag:s7], $0x4000  }
0x205: {  	[sflag:s7] =	ssyncset.done $0x0  }
0x206: {  	s17 =	rddreg [dreg:$0x17];
	[sflag:s7] =	ssyncadd.s32 $0xFFFFC000  }
0x207: {  	[tilespmem:s1], [sflag:$0x2] =	stream.indirect.gather [hbm4b:s6+s26], $0x80, s17, s26, $0xb8;
	[tilespmem:$0x1F000] =	vst v63  }
0x208: {  	_ =	swait.ge [sflag:s0], $0x4000  }
0x209: {  	[sflag:s0] =	ssyncset.done $0x0  }
0x20a: {  	s18 =	rddreg [dreg:$0x18];
	[sflag:s0] =	ssyncadd.s32 $0xFFFFC000  }
0x20b: {  	[spmem:s3] =	stream.indirect.scatter.add.f32 [tilespmem:s28], [sflag:$0x6], $0x80, s18, s26, $0xb8;
	[tilespmem:$0x1F000] =	vst v63  }
0x20c: {  	_ =	swait.ge [sflag:s7], $0x4000  }
0x20d: {  	[sflag:s7] =	ssyncset.done $0x0  }
0x20e: {  	s19 =	rddreg [dreg:$0x19];
	[sflag:s7] =	ssyncadd.s32 $0xFFFFC000  }
0x20f: {  	[tilespmem:s28], [sflag:$0x1] =	stream.indirect.gather [hbm4b:s6+s26], $0x80, s19, s26, $0xb8;
	[tilespmem:$0x1F000] =	vst v63  }
0x210: {  	_ =	swait.ge [sflag:s8], $0x4000  }
0x211: {  	[sflag:s8] =	ssyncset.done $0x0  }
0x212: {  	s20 =	rddreg [dreg:$0x1a];
	[sflag:s8] =	ssyncadd.s32 $0xFFFFC000  }
0x213: {  	[spmem:s3] =	stream.indirect.scatter.add.f32 [tilespmem:s1], [sflag:$0x6], $0x80, s20, s26, $0xb8;
	[tilespmem:$0x1F000] =	vst v63  }
0x214: {  	_ =	swait.ge [sflag:s7], $0x4000  }
0x215: {  	[sflag:s7] =	ssyncset.done $0x0  }
0x216: {  	s21 =	rddreg [dreg:$0x1b];
	[sflag:s7] =	ssyncadd.s32 $0xFFFFC000  }
0x217: {  	[tilespmem:s1], [sflag:$0x2] =	stream.indirect.gather [hbm4b:s6+s26], $0x80, s21, s26, $0xb8;
	[tilespmem:$0x1F000] =	vst v63  }
0x218: {  	_ =	swait.ge [sflag:s0], $0x4000  }
0x219: {  	[sflag:s0] =	ssyncset.done $0x0  }
0x21a: {  	s22 =	rddreg [dreg:$0x1c];
	[sflag:s0] =	ssyncadd.s32 $0xFFFFC000  }
0x21b: {  	[spmem:s3] =	stream.indirect.scatter.add.f32 [tilespmem:s28], [sflag:$0x6], $0x80, s22, s26, $0xb8;
	[tilespmem:$0x1F000] =	vst v63  }
0x21c: {  	_ =	swait.ge [sflag:s7], $0x4000  }
0x21d: {  	[sflag:s7] =	ssyncset.done $0x0  }
0x21e: {  	s17 =	rddreg [dreg:$0x1d];
	[sflag:s7] =	ssyncadd.s32 $0xFFFFC000  }
0x21f: {  	[tilespmem:s28], [sflag:$0x1] =	stream.indirect.gather [hbm4b:s6+s26], $0x80, s17, s26, $0xb8;
	[tilespmem:$0x1F000] =	vst v63  }
0x220: {  	_ =	swait.ge [sflag:s8], $0x4000  }
0x221: {  	[sflag:s8] =	ssyncset.done $0x0  }
0x222: {  	s18 =	rddreg [dreg:$0x1e];
	[sflag:s8] =	ssyncadd.s32 $0xFFFFC000  }
0x223: {  	[spmem:s3] =	stream.indirect.scatter.add.f32 [tilespmem:s1], [sflag:$0x6], $0x80, s18, s26, $0xb8;
	[tilespmem:$0x1F000] =	vst v63  }
0x224: {  	_ =	swait.ge [sflag:s7], $0x4000  }
0x225: {  	[sflag:s7] =	ssyncset.done $0x0  }
0x226: {  	[sflag:s7] =	ssyncadd.s32 $0xFFFFC000  }
0x227: {  	[tilespmem:s1], [sflag:$0x2] =	stream.indirect.gather [hbm4b:s6+s26], $0x80, s11, s26, $0xb8;
	[tilespmem:$0x1F000] =	vst v63  }
0x228: {  	_ =	swait.ge [sflag:s0], $0x4000  }
0x229: {  	[sflag:s0] =	ssyncset.done $0x0  }
0x22a: {  	[sflag:s0] =	ssyncadd.s32 $0xFFFFC000  }
0x22b: {  	[spmem:s3] =	stream.indirect.scatter.add.f32 [tilespmem:s28], [sflag:$0x6], $0x80, s12, s26, $0xb8;
	[tilespmem:$0x1F000] =	vst v63  }
0x22c: {  	_ =	swait.ge [sflag:s7], $0x4000  }
0x22d: {  	[sflag:s7] =	ssyncset.done $0x0  }
0x22e: {  	s16 =	simm.s32 @!p0 $0x3;
	[sflag:s7] =	ssyncadd.s32 $0xFFFFC000  }
0x22f: {  	_ =	swait.ge @!p0 [sflag:s16], $0x400  }
0x230: {  	[sflag:s16] =	ssyncset.done @!p0 $0x0  }
0x231: {  	[sflag:s16] =	ssyncadd.s32 @!p0 $0xFFFFFC00  }
0x232: {  	_ =	swait.ge @!p0 [sflag:s16], $0x400  }
0x233: {  	[sflag:s16] =	ssyncset.done @!p0 $0x0  }
0x234: {  	s17 =	simm.s32 @!p0 $0x15000;
	[sflag:s16] =	ssyncadd.s32 @!p0 $0xFFFFFC00;
	s16 =	simm.s32 @!p0 $0x80  }
0x235: {  	[tilespmem:s17], [sflag:$0x1] =	stream.indirect.gather @!p0 [hbm4b:s6+s16], $0x80, s15, s16, $0xb8;
	[tilespmem:$0x1F000] =	vst v63  }
0x236: {  	_ =	swait.ge [sflag:s8], $0x4000  }
0x237: {  	[sflag:s8] =	ssyncset.done $0x0  }
0x238: {  	[sflag:s8] =	ssyncadd.s32 $0xFFFFC000  }
0x239: {  	[spmem:s3] =	stream.indirect.scatter.add.f32 [tilespmem:s1], [sflag:$0x6], $0x80, s13, s26, $0xb8;
	[tilespmem:$0x1F000] =	vst v63  }
0x23a: {  	_ =	swait.ge [sflag:s7], $0x4000  }
0x23b: {  	[sflag:s7] =	ssyncset.done $0x0  }
0x23c: {  	[sflag:s7] =	ssyncadd.s32 $0xFFFFC000  }
0x23d: {  	[bflag:$0x0] =	sbarrier.arrive $0xFFFF  }
0x23e: {  	s19 =	stileid.u32;
	s21 =	sld [smem:$0x7F2]  }
0x23f: {  	s15 =	sshll.u32 s19, $0x6  }
0x240: {  	s20 =	sshrl.u32 s9, $0x3;
	s15 =	sor.u32 $0x1C06, s15  }
0x241: {  	[hbm:s21], [sflag:s15] =	dma.local [spmem:s20], $0x2800  }
0x242: {  	_ =	swait.ge [sflag:s7], $0x2800  }
0x243: {  	s22 =	sld [smem:$0x7F3];
	_ =	sdelay $0x1  }
0x244: {  	s14 =	sadd.s32 $0x1, s14  }
0x245: {  	p0 =	sne.s32 s14, s22  }
.Ltmp2:
0x246: {  	_ = 	snop;
	(pc) =	sbr.rel @p0 .LBB2_1-.Ltmp2, $3  }
0x247: {  	_ =	sdelay $0x1  }
0x248: {  	[sflag:s7] =	ssyncset.done $0x0  }
0x249: {  	s16 =	simm.s32 $0x14000;
	[sflag:s7] =	ssyncadd.s32 $0xFFFFD800  }
0x24a: {  	_ =	sfence.sel $0x180000  }
0x24b: {  	[bflag:$0x0] =	sbarrier.arrive $0xFFFF  }
0x24c: {  	_ =	strace $0x9000004A  }
0x24d: {  	s0 =	stileid.u32;
	[bflag:$0x2] =	sbarrier.arrive $0xFFFF  }
0x24e: {  	p0 =	sne.s32 s0, $0x0;
	s0 =	rddreg [dreg:$0x3]  }
0x24f: {  	s0 =	sadd.s32 @!p0 $0x100000, s0  }
0x250: {  	[sflag:s0] =	ssyncadd.tile.s32 @!p0 $0x1;
	_ =	shalt  }
.Lfunc_end2:
_tile_overlayer_lowered:
.L_overlay_start_2:
0x251: {  	(tag) =	ssettag $0x2  }
0x252: {  	s0 =	rddreg [dreg:$0x0];
	s2 =	stileid.u32  }
0x253: {  	s1 =	rddreg [dreg:$0x1];
	p0 =	sne.s32 s2, $0x0  }
0x254: {  	s3 =	rddreg [dreg:$0x2];
	[bflag:$0x3] =	sbarrier.arrive $0xFFFF;
	s2 =	simm.s32 @!p0 $0x1C06  }
0x255: {  	[timem:s3], [sflag:s2] =	dma.local @!p0 [hbm:s0], s1  }
0x256: {  	s0 =	simm.s32 @!p0 $0x6  }
0x257: {  	_ =	swait.ge @!p0 [sflag:s0], s1  }
0x258: {  	s1 =	ssub.s32 @!p0 $0x0, s1;
	[sflag:s0] =	ssyncset.done @!p0 $0x0  }
0x259: {  	[sflag:s0] =	ssyncadd.s32 @!p0 s1  }
0x25a: {  	[bflag:$0x3] =	sbarrier.arrive $0xFFFF  }
0x25b: {  	_ =	shalt  }

// kernel: kernel.14.cloned.1.call-start
scs
__scs_entry_jumppad:
0x0: {  	(pc) =	sbr.rel $0x88, $3  }
0x1: {  	(tag) =	ssettag $0x0;
	lr =	simm.s32 $0x1  }
0x2: {  	[smem:$0x3F9B] =	sst lr;
	_ =	strace $0xD0000000  }
0x3: {  	_ = 	snop  }
0x4: {  	_ = 	snop  }
0x5: {  	_ = 	snop  }
0x6: {  	_ = 	snop  }
0x7: {  	_ = 	snop  }
__scs_overlays_trampoline_lowered:
0x8: {  	[smem:$0x3FAA] =	sst s0  }
0x9: {  	[smem:$0x3FAB] =	sst s1  }
0xa: {  	[smem:$0x3FAC] =	sst s2  }
0xb: {  	[smem:$0x3FAD] =	sst s3  }
0xc: {  	[smem:$0x3FAE] =	sst s4  }
0xd: {  	[smem:$0x3FAF] =	sst s5  }
0xe: {  	[smem:$0x3FB0] =	sst s6  }
0xf: {  	[smem:$0x3FB1] =	sst s7  }
0x10: {  	[smem:$0x3FB2] =	sst s8  }
0x11: {  	[smem:$0x3FB3] =	sst s9;
	s0 =	simm.s32 @!p0 $0x0  }
0x12: {  	s1 =	sld [smem:$0x3F99];
	s0 =	simm.s32 @p0 $0x1  }
0x13: {  	[smem:$0x3FB4] =	sst s0;
	s0 =	simm.s32 @!p1 $0x0  }
0x14: {  	s2 =	sld [smem:$0x3F98];
	s0 =	simm.s32 @p1 $0x1  }
0x15: {  	[smem:$0x3FB5] =	sst s0;
	s0 =	simm.s32 @!p2 $0x0  }
0x16: {  	s3 =	sld [smem:$0x3FDB];
	s0 =	simm.s32 @p2 $0x1  }
0x17: {  	s4 =	simm.s32 $0x1BF5;
	[smem:$0x3FB7] =	sst s0  }
0x18: {  	s0 =	sld [smem:$0x3F9A];
	_ =	swait.ge [sflag:s4], $0x0  }
0x19: {  	s7 =	sld [smem:$0x3F9B]  }
0x1a: {  	s8 =	sadd.s32 $0xFFFFE003, lr  }
0x1b: {  	s9 =	sadd.s32 $0xFFFFFEF7, lr;
	s5 =	simm.s32 $0xFFFFFFFF;
	p2 =	slt.u32 s8, $0xFFFFF086  }
0x1c: {  	p1 =	slt.u32 s9, $0xF7A;
	s5 =	simm.s32 @!p2 $0x0  }
0x1d: {  	s5 =	simm.s32 @p1 $0x1;
	p0 =	seq.s32 s7, s2  }
0x1e: {  	s7 =	smul.u32 @!p0 $0xF7A, s2;
	p2 =	seq.s32 @!p0 s5, $0x0  }
0x1f: {  	s9 =	smul.u32 $0xF7A, s1;
	s8 =	simm.s32 @!p0 $0x1BF5;
	p2 =	por !p2, p0  }
0x20: {  	[sflag:s8] =	ssyncset.s32 @!p0 $0xFFFFF086;
	s6 =	sadd.s32 @!p0 s3, s7;
	s7 =	simm.s32 @!p0 $0x108  }
0x21: {  	s3 =	sadd.s32 s3, s9;
	s6 =	sadd.s32 @!p0 $0x88, s6;
	s7 =	simm.s32 @p2 $0x1082  }
0x22: {  	[simem:s7], [sflag:s8] =	dma.local @!p0 [hbm:s6], $0xF7A  }
0x23: {  	s9 =	sor.u32 $0xD0000000, s2;
	s6 =	simm.s32 $0x108;
	_ =	swait.ge @!p0 [sflag:s8], $0x0  }
0x24: {  	s3 =	sadd.s32 $0x88, s3;
	s6 =	simm.s32 @!p1 $0x1082;
	[sflag:s4] =	ssyncset.s32 $0xFFFFF086  }
0x25: {  	[simem:s6], [sflag:s4] =	dma.local [hbm:s3], $0xF7A  }
0x26: {  	[smem:$0x3F9B] =	sst s1;
	(tag) =	ssettag s2;
	_ =	strace s9  }
0x27: {  	s1 =	sld [smem:$0x3FAB]  }
0x28: {  	s2 =	sld [smem:$0x3FAC]  }
0x29: {  	s4 =	sld [smem:$0x3FAE]  }
0x2a: {  	p0 =	seq.s32 s5, $0x0;
	s5 =	sld [smem:$0x3FAF]  }
0x2b: {  	s6 =	sld [smem:$0x3FB0]  }
0x2c: {  	s7 =	sld [smem:$0x3FB1]  }
0x2d: {  	s3 =	simm.s32 $0x108;
	s8 =	sld [smem:$0x3FB2]  }
0x2e: {  	s3 =	simm.s32 @!p0 $0x1082;
	s9 =	sld [smem:$0x3FB3]  }
0x2f: {  	lr =	sadd.s32 s0, s3;
	s0 =	sld [smem:$0x3FAA]  }
0x30: {  	s3 =	sld [smem:$0x3FAD]  }
0x31: {  	[smem:$0x3FB6] =	sst s10  }
0x32: {  	s10 =	sld [smem:$0x3FB4];
	_ =	sdelay $0x3  }
0x33: {  	p0 =	seq.s32 s10, $0x1;
	s10 =	sld [smem:$0x3FB6];
	_ =	sdelay $0x3  }
0x34: {  	[smem:$0x3FB6] =	sst s10  }
0x35: {  	s10 =	sld [smem:$0x3FB5];
	_ =	sdelay $0x3  }
0x36: {  	p1 =	seq.s32 s10, $0x1;
	s10 =	sld [smem:$0x3FB6];
	_ =	sdelay $0x3  }
0x37: {  	[smem:$0x3FB6] =	sst s10  }
0x38: {  	s10 =	sld [smem:$0x3FB7]  }
0x39: {  	_ = 	snop;
	(pc) =	sbr.ind lr, $3  }
0x3a: {  	_ = 	snop  }
0x3b: {  	_ = 	snop  }
0x3c: {  	p2 =	seq.s32 s10, $0x1;
	s10 =	sld [smem:$0x3FB6]  }
0x3d: {  	_ =	shalt  }
0x3e: {  	_ =	shalt  }
0x3f: {  	_ =	shalt  }
0x40: {  	_ =	shalt  }
0x41: {  	_ =	shalt  }
0x42: {  	_ =	shalt  }
0x43: {  	_ =	shalt  }
0x44: {  	_ =	shalt  }
0x45: {  	_ =	shalt  }
0x46: {  	_ =	shalt  }
0x47: {  	_ =	shalt  }
0x48: {  	_ =	shalt  }
0x49: {  	_ =	shalt  }
0x4a: {  	_ =	shalt  }
0x4b: {  	_ =	shalt  }
0x4c: {  	_ =	shalt  }
0x4d: {  	_ =	shalt  }
0x4e: {  	_ =	shalt  }
0x4f: {  	_ =	shalt  }
0x50: {  	_ =	shalt  }
0x51: {  	_ =	shalt  }
0x52: {  	_ =	shalt  }
0x53: {  	_ =	shalt  }
0x54: {  	_ =	shalt  }
0x55: {  	_ =	shalt  }
0x56: {  	_ =	shalt  }
0x57: {  	_ =	shalt  }
0x58: {  	_ =	shalt  }
0x59: {  	_ =	shalt  }
0x5a: {  	_ =	shalt  }
0x5b: {  	_ =	shalt  }
0x5c: {  	_ =	shalt  }
0x5d: {  	_ =	shalt  }
0x5e: {  	_ =	shalt  }
0x5f: {  	_ =	shalt  }
0x60: {  	_ =	shalt  }
0x61: {  	_ =	shalt  }
0x62: {  	_ =	shalt  }
0x63: {  	_ =	shalt  }
0x64: {  	_ =	shalt  }
0x65: {  	_ =	shalt  }
0x66: {  	_ =	shalt  }
0x67: {  	_ =	shalt  }
0x68: {  	_ =	shalt  }
0x69: {  	_ =	shalt  }
0x6a: {  	_ =	shalt  }
0x6b: {  	_ =	shalt  }
0x6c: {  	_ =	shalt  }
0x6d: {  	_ =	shalt  }
0x6e: {  	_ =	shalt  }
0x6f: {  	_ =	shalt  }
0x70: {  	_ =	shalt  }
0x71: {  	_ =	shalt  }
0x72: {  	_ =	shalt  }
0x73: {  	_ =	shalt  }
0x74: {  	_ =	shalt  }
0x75: {  	_ =	shalt  }
0x76: {  	_ =	shalt  }
0x77: {  	_ =	shalt  }
0x78: {  	_ =	shalt  }
0x79: {  	_ =	shalt  }
0x7a: {  	_ =	shalt  }
0x7b: {  	_ =	shalt  }
0x7c: {  	_ =	shalt  }
0x7d: {  	_ =	shalt  }
0x7e: {  	_ =	shalt  }
0x7f: {  	_ =	shalt  }
0x80: {  	_ =	shalt  }
0x81: {  	_ =	shalt  }
0x82: {  	_ =	shalt  }
0x83: {  	_ =	shalt  }
0x84: {  	_ =	shalt  }
0x85: {  	_ =	shalt  }
0x86: {  	_ =	shalt  }
0x87: {  	_ =	shalt  }
.Lfunc_end0:
.L_simem_size_0:
called_computation.2_lowered:
.L_overlay_start_0:
0x88: {  	s2 =	sld [smem:$0x3FD9]  }
0x89: {  	s3 =	sld [smem:$0x3FFE];
	_ =	sdelay $0x1  }
0x8a: {  	s1 =	srdreg.scid  }
0x8b: {  	s0 =	sand.u32 $0x1, s1  }
0x8c: {  	s17 =	sshll.u32 s0, $0xA;
	s2 =	sadd.s32 s3, s2  }
0x8d: {  	s2 =	sadd.s32 s2, s17  }
0x8e: {  	[smem:$0x3FC2] =	sst s2  }
0x8f: {  	_ = 	snop  }
0x90: {  	s2 =	sld [smem:$0x3FD0];
	(tm) =	ssettm $0x1  }
0x91: {  	s18 =	sld [smem:$0x3FFB];
	_ =	sdelay $0x3  }
0x92: {  	_ =	strace s18  }
0x93: {  	s3 =	sld [smem:$0x3FFC];
	_ =	sdelay $0x3  }
0x94: {  	_ =	strace s3  }
0x95: {  	s3 =	sld [smem:$0x3FFD];
	_ =	sdelay $0x3  }
0x96: {  	_ =	strace s3  }
0x97: {  	_ =	strace $0x8FFFFFFF  }
0x98: {  	s19 =	sld [smem:$0x3FDB];
	_ =	sdelay $0x1  }
0x99: {  	s4 =	simm.s32 $_scs_section_size  }
0x9a: {  	s5 =	simm.s32 $_size__tile_overlayer_lowered;
	s6 =	simm.s32 $_tile_overlayer_lowered  }
0x9b: {  	s22 =	simm.s32 $0x1BFF;
	s21 =	sshll.u32 s6, $0x1;
	s3 =	sadd.s32 s4, s19  }
0x9c: {  	s7 =	simm.s32 $0x0;
	s20 =	sshll.u32 s5, $0x1;
	s5 =	sadd.s32 s21, s3  }
0x9d: {  	[timem:s7], [sflag:s22] =	dma.local [hbm:s5], s20  }
0x9e: {  	_ =	swait.ge [sflag:s22], s20  }
0x9f: {  	s4 =	ssub.s32 $0x0, s20;
	[sflag:s22] =	ssyncset.done $0x0  }
0xa0: {  	[sflag:s22] =	ssyncadd.s32 s4;
	_ =	sdelay $0x1  }
0xa1: {  	s23 =	simm.s32 $0x1B8B  }
0xa2: {  	_ =	swait.ge [sflag:s23], $0x1  }
0xa3: {  	[sflag:s23] =	ssyncset.done $0x0  }
0xa4: {  	s25 =	simm.s32 $0x1B8E;
	s24 =	sld [smem:$0x3FFE];
	[sflag:s23] =	ssyncadd.s32 $0xFFFFFFFF  }
0xa5: {  	s26 =	simm.s32 $execute0_lowered;
	[smem:$0x3FD2] =	sst s25  }
0xa6: {  	s5 =	sshll.u32 s26, $0x1;
	_ =	strace $0x8000004C;
	[dreg:$0x1] =	wrdreg $0xFFFFFFFF  }
0xa7: {  	s28 =	simm.s32 $_size_execute0_lowered;
	s3 =	sadd.s32 s3, s5;
	[dreg:$0x0] =	wrdreg $0x0  }
0xa8: {  	s5 =	sshll.u32 s28, $0x1;
	[dreg:$0x2] =	wrdreg s3  }
0xa9: {  	[dreg:$0x3] =	wrdreg s5  }
0xaa: {  	[dreg:$0x4] =	wrdreg $0xC0  }
0xab: {  	_ =	task [dreg:s7], $0x5FFFF  }
0xac: {  	[dreg:$0x1] =	wrdreg $0xFFFFFFFF  }
0xad: {  	[dreg:$0x0] =	wrdreg $0x60  }
0xae: {  	[dreg:$0x2] =	wrdreg s24  }
0xaf: {  	[dreg:$0x3] =	wrdreg s2  }
0xb0: {  	[dreg:$0x4] =	wrdreg $0x0  }
0xb1: {  	[dreg:$0x5] =	wrdreg $0x9  }
0xb2: {  	_ =	task.clear_ibuf [dreg:s7], $0x6FFFF;
	_ =	strace $0x9000004C  }
0xb3: {  	s29 =	simm.s32 $0x9;
	_ =	strace $0x8000004E  }
0xb4: {  	_ =	swait.ge [sflag:s29], $0x1  }
0xb5: {  	[sflag:s29] =	ssyncadd.s32 $0xFFFFFFFF  }
0xb6: {  	_ =	strace $0x9000004E  }
0xb7: {  	_ =	sfence  }
0xb8: {  	s30 =	sld [smem:$0x0];
	_ =	sdelay $0x2  }
0xb9: {  	s31 =	sshll.u32 s1, $0xD;
	s1 =	sshrl.u32 s1, $0x2  }
0xba: {  	s3 =	sand.u32 $0x4000, s31;
	s1 =	sadd.s32 s1, s30  }
0xbb: {  	s0 =	sor.u32 s3, s0;
	s1 =	sshll.u32 s1, $0x11  }
0xbc: {  	s0 =	sor.u32 s1, s0  }
0xbd: {  	s0 =	sadd.s32 $0x8F2B, s0  }
0xbe: {  	[sflag:s0] =	ssyncadd.remote.s32 $0x1  }
0xbf: {  	_ =	sfence.sel $0xFFFF  }
0xc0: {  	[dreg:$0x0] =	wrdreg $0xFFFFFFFF;
	(pc) =	sbr.abs _section_cstart, $3  }
0xc1: {  	[dreg:$0x1] =	wrdreg $0xFFFFFFFF  }
0xc2: {  	_ =	task.clear_ibuf [dreg:s7], $0x2FFFF;
	_ =	strace $0x9FFFFFFF  }
0xc3: {  	(tm) =	ssettm $0x7FFFFFFF  }
tec
execute0_lowered:
.L_overlay_start_1:
0x0: {  	(tag) =	ssettag $0x1  }
0x1: {  	s1 =	rddreg [dreg:$0x0]  }
0x2: {  	s0 =	srdreg.scid;
	s2 =	rddreg [dreg:$0x1]  }
0x3: {  	s12 =	stileid.u32;
	s3 =	rddreg [dreg:$0x2];
	s4 =	simm.s32 $0x0  }
0x4: {  	s21 =	simm.s32 $0x14080;
	s23 =	simm.s32 $0x14100;
	[smem:$0x7FF] =	sst s4  }
0x5: {  	s24 =	simm.s32 $0x14880;
	_ =	strace $0x8000004D;
	[dreg:$0x6] =	wrdreg s21  }
0x6: {  	s25 =	simm.s32 $0x14180;
	s26 =	simm.s32 $0x14900;
	[dreg:$0x7] =	wrdreg s23  }
0x7: {  	s13 =	simm.s32 $0x14980;
	s15 =	simm.s32 $0x14280;
	[dreg:$0x8] =	wrdreg s24  }
0x8: {  	s17 =	simm.s32 $0x14A00;
	s18 =	smul.u32 $0x5000, s12;
	[dreg:$0x9] =	wrdreg s25  }
0x9: {  	s7 =	sand.u32 $0x1, s0;
	s8 =	smul.u32 $0x14000, s12;
	[dreg:$0xa] =	wrdreg s26  }
0xa: {  	s11 =	sshll.u32 s12, $0x1;
	s16 =	smul.u32 $0x50000, s12;
	[dreg:$0xc] =	wrdreg s13  }
0xb: {  	s12 =	simm.s32 $0x14C80;
	s5 =	smul.u32 $0x2800, s7;
	[dreg:$0xd] =	wrdreg s15  }
0xc: {  	s6 =	smul.u32 $0x140000, s7;
	s20 =	ssub.s32 $0x2, s7;
	[dreg:$0xe] =	wrdreg s17  }
0xd: {  	s7 =	sor.u32 s7, s11;
	s11 =	simm.s32 $0x14200;
	[dreg:$0x16] =	wrdreg s12  }
0xe: {  	s21 =	simm.s32 $0x14380;
	[dreg:$0xb] =	wrdreg s11  }
0xf: {  	s24 =	simm.s32 $0x14B80;
	[dreg:$0x11] =	wrdreg s21  }
0x10: {  	s26 =	simm.s32 $0x14480;
	s7 =	smul.u32 $0x2800, s7;
	[dreg:$0x13] =	wrdreg s24  }
0x11: {  	[dreg:$0x14] =	wrdreg s26;
	s24 =	simm.s32 $0x14E00;
	s26 =	simm.s32 $0x14E80  }
0x12: {  	s0 =	sadd.s32 s5, s18;
	s5 =	sadd.s32 $0x2800, s1;
	[dreg:$0x1c] =	wrdreg s24  }
0x13: {  	s8 =	sadd.s32 s8, s6;
	s18 =	simm.s32 $0x14300;
	[dreg:$0x1e] =	wrdreg s26  }
0x14: {  	s9 =	sor.u32 $0x400, s0;
	[dreg:$0xf] =	wrdreg s18;
	s18 =	simm.s32 $0x14600  }
0x15: {  	s7 =	sshrl.u32 s7, $0x3;
	s0 =	sadd.s32 $0x800, s0;
	[dreg:$0x19] =	wrdreg s18  }
0x16: {  	s6 =	sadd.s32 $0xC800, s1;
	s14 =	sadd.s32 s2, s7;
	[smem:$0x7FD] =	sst s0  }
0x17: {  	s9 =	sshrl.u32 s9, $0x3;
	s7 =	sadd.s32 s5, s7;
	[dreg:$0x1f] =	wrdreg s14  }
0x18: {  	s8 =	sshrl.u32 s8, $0x3;
	s10 =	sadd.s32 s9, s5;
	[smem:$0x7F1] =	sst s7  }
0x19: {  	s1 =	sadd.s32 s8, s1;
	s19 =	sadd.s32 s9, s2;
	[dreg:$0x4] =	wrdreg s10  }
0x1a: {  	s1 =	sadd.s32 $0x34800, s1;
	[dreg:$0x5] =	wrdreg s19  }
0x1b: {  	s22 =	sshrl.u32 s20, $0x1;
	s14 =	simm.s32 $0x14580;
	[smem:$0x7F2] =	sst s1  }
0x1c: {  	s10 =	ssub.s32 s20, s22;
	s20 =	simm.s32 $0x14A80;
	[dreg:$0x17] =	wrdreg s14  }
0x1d: {  	s22 =	simm.s32 $0x14B00;
	[dreg:$0x10] =	wrdreg s20  }
0x1e: {  	s19 =	sshrl.u32 s16, $0x2;
	s16 =	simm.s32 $0x14D00;
	[dreg:$0x12] =	wrdreg s22  }
0x1f: {  	s28 =	simm.s32 $0x15000;
	s23 =	smax.u32 s10, $0x1;
	[dreg:$0x18] =	wrdreg s16  }
0x20: {  	s29 =	simm.s32 $0x5;
	s10 =	simm.s32 $0x14500;
	[smem:$0x7F3] =	sst s23  }
0x21: {  	s30 =	simm.s32 $0x14400;
	s20 =	simm.s32 $0x14D80;
	[dreg:$0x15] =	wrdreg s10  }
0x22: {  	s9 =	sadd.s32 s19, s3;
	s22 =	simm.s32 $0x14680;
	[dreg:$0x1a] =	wrdreg s20  }
0x23: {  	s31 =	simm.s32 $0x14C00;
	s25 =	sadd.s32 $0x2000, s9;
	[dreg:$0x1b] =	wrdreg s22  }
0x24: {  	s12 =	simm.s32 $0x14F00;
	s8 =	sadd.s32 $0x4000, s9;
	[smem:$0x7F4] =	sst s25  }
0x25: {  	s24 =	simm.s32 $0x1D000;
	s11 =	sadd.s32 $0x6000, s9;
	[smem:$0x7F5] =	sst s8  }
0x26: {  	s26 =	simm.s32 $0x80;
	s13 =	sadd.s32 $0x8000, s9;
	[smem:$0x7F6] =	sst s11  }
0x27: {  	s0 =	simm.s32 $0x1;
	s15 =	sadd.s32 $0xA000, s9;
	[smem:$0x7F7] =	sst s13  }
0x28: {  	s7 =	simm.s32 $0x6;
	s17 =	sadd.s32 $0xC000, s9;
	[smem:$0x7F8] =	sst s15  }
0x29: {  	s1 =	simm.s32 $0x19000;
	s19 =	sadd.s32 $0xE000, s9;
	[smem:$0x7F9] =	sst s17  }
0x2a: {  	s14 =	simm.s32 $0x0;
	s21 =	sadd.s32 $0x10000, s9;
	[smem:$0x7FA] =	sst s19  }
0x2b: {  	s16 =	simm.s32 $0x14000;
	s23 =	sadd.s32 $0x12000, s9;
	[smem:$0x7FB] =	sst s21  }
0x2c: {  	s10 =	simm.s32 $0x4;
	[smem:$0x7FC] =	sst s23;
	s25 =	simm.s32 $0x14700  }
0x2d: {  	s23 =	simm.s32 $0x14800;
	s8 =	simm.s32 $0x2;
	s11 =	simm.s32 $0x14780  }
0x2e: {  	v0 =	vimm.f32 $0.0e+00;
	s13 =	simm.s32 $0x14F80;
	[dreg:$0x1d] =	wrdreg s25;
	s25 =	simm.s32 $0x3  }
.LBB2_1:
0x2f: {  	s15 =	rddreg [dreg:$0x1f]  }
0x30: {  	s22 =	sld [smem:$0x7F1]  }
0x31: {  	[tilespmem:s16], [sflag:$0x3] =	stream.linear.gather [hbm4b:s15+s4], $0x400, $0x38;
	[tilespmem:$0x1F000] =	vst v63  }
0x32: {  	s17 =	simm.s32 $0x200;
	s15 =	simm.s32 $0x0  }
0x33: {  	[tilespmem:s23], [sflag:$0x3] =	stream.linear.gather [hbm4b:s22+s4], $0x400, $0x38;
	[tilespmem:$0x1F000] =	vst v63  }
.LBB2_2:
0x34: {  	p0 =	sne.s32 s17, $0x7E00;
	[tilespmem:s15+$0x1D070] =	vst v0  }
0x35: {  	[tilespmem:s15+$0x1D000] =	vst v0  }
0x36: {  	[tilespmem:s15+$0x1D010] =	vst v0  }
.Ltmp0:
0x37: {  	[tilespmem:s15+$0x1D020] =	vst v0;
	(pc) =	sbr.rel @p0 .LBB2_2-.Ltmp0, $4  }
0x38: {  	[tilespmem:s15+$0x1D030] =	vst v0  }
0x39: {  	[tilespmem:s15+$0x1D040] =	vst v0  }
0x3a: {  	[tilespmem:s15+$0x1D050] =	vst v0  }
0x3b: {  	[tilespmem:s15+$0x1D060] =	vst v0;
	s15 =	sshra.s32 s17, $0x2;
	s17 =	sadd.s32 $0x200, s17  }
0x3c: {  	[tilespmem:s15+$0x1D070] =	vst v0  }
0x3d: {  	[tilespmem:s15+$0x1D000] =	vst v0  }
0x3e: {  	[tilespmem:s15+$0x1D010] =	vst v0  }
0x3f: {  	[tilespmem:s15+$0x1D020] =	vst v0  }
0x40: {  	[tilespmem:s15+$0x1D030] =	vst v0  }
0x41: {  	[tilespmem:s15+$0x1D040] =	vst v0  }
0x42: {  	[tilespmem:s15+$0x1D050] =	vst v0  }
0x43: {  	[tilespmem:s15+$0x1D060] =	vst v0;
	s20 =	sld [smem:$0x7F4]  }
0x44: {  	[spmem:s9] =	stream.linear.scatter [tilespmem:s24], [sflag:$0x5], $0x2000, $0x38;
	[tilespmem:$0x1F000] =	vst v63  }
0x45: {  	s21 =	sld [smem:$0x7F5]  }
0x46: {  	[spmem:s20] =	stream.linear.scatter [tilespmem:s24], [sflag:$0x5], $0x2000, $0x38;
	[tilespmem:$0x1F000] =	vst v63  }
0x47: {  	s22 =	sld [smem:$0x7F6]  }
0x48: {  	[spmem:s21] =	stream.linear.scatter [tilespmem:s24], [sflag:$0x5], $0x2000, $0x38;
	[tilespmem:$0x1F000] =	vst v63  }
0x49: {  	s17 =	sld [smem:$0x7F7]  }
0x4a: {  	[spmem:s22] =	stream.linear.scatter [tilespmem:s24], [sflag:$0x5], $0x2000, $0x38;
	[tilespmem:$0x1F000] =	vst v63  }
0x4b: {  	s18 =	sld [smem:$0x7F8]  }
0x4c: {  	[spmem:s17] =	stream.linear.scatter [tilespmem:s24], [sflag:$0x5], $0x2000, $0x38;
	[tilespmem:$0x1F000] =	vst v63  }
0x4d: {  	s19 =	sld [smem:$0x7F9]  }
0x4e: {  	[spmem:s18] =	stream.linear.scatter [tilespmem:s24], [sflag:$0x5], $0x2000, $0x38;
	[tilespmem:$0x1F000] =	vst v63  }
0x4f: {  	s20 =	sld [smem:$0x7FA]  }
0x50: {  	[spmem:s19] =	stream.linear.scatter [tilespmem:s24], [sflag:$0x5], $0x2000, $0x38;
	[tilespmem:$0x1F000] =	vst v63  }
0x51: {  	s21 =	sld [smem:$0x7FB]  }
0x52: {  	[spmem:s20] =	stream.linear.scatter [tilespmem:s24], [sflag:$0x5], $0x2000, $0x38;
	[tilespmem:$0x1F000] =	vst v63  }
0x53: {  	s22 =	sld [smem:$0x7FC]  }
0x54: {  	[spmem:s21] =	stream.linear.scatter [tilespmem:s24], [sflag:$0x5], $0x2000, $0x38;
	[tilespmem:$0x1F000] =	vst v63  }
0x55: {  	_ = 	snop  }
0x56: {  	[spmem:s22] =	stream.linear.scatter [tilespmem:s24], [sflag:$0x5], $0x2000, $0x38;
	[tilespmem:$0x1F000] =	vst v63  }
0x57: {  	_ =	swait.ge [sflag:s25], $0x400  }
0x58: {  	[sflag:s25] =	ssyncset.done $0x0  }
0x59: {  	[sflag:s25] =	ssyncadd.s32 $0xFFFFFC00  }
0x5a: {  	_ =	swait.ge [sflag:s25], $0x400  }
0x5b: {  	[sflag:s25] =	ssyncset.done $0x0  }
0x5c: {  	[sflag:s25] =	ssyncadd.s32 $0xFFFFFC00  }
0x5d: {  	[tilespmem:s28], [sflag:$0x1] =	stream.indirect.gather [hbm4b:s6+s26], $0x80, s16, s26, $0xb8;
	[tilespmem:$0x1F000] =	vst v63  }
0x5e: {  	_ =	swait.ge [sflag:s29], $0x2000  }
0x5f: {  	[sflag:s29] =	ssyncset.done $0x0  }
0x60: {  	[sflag:s29] =	ssyncadd.s32 $0xFFFFE000  }
0x61: {  	_ =	swait.ge [sflag:s29], $0x2000  }
0x62: {  	[sflag:s29] =	ssyncset.done $0x0  }
0x63: {  	[sflag:s29] =	ssyncadd.s32 $0xFFFFE000  }
0x64: {  	_ =	swait.ge [sflag:s29], $0x2000  }
0x65: {  	[sflag:s29] =	ssyncset.done $0x0  }
0x66: {  	[sflag:s29] =	ssyncadd.s32 $0xFFFFE000  }
0x67: {  	_ =	swait.ge [sflag:s29], $0x2000  }
0x68: {  	[sflag:s29] =	ssyncset.done $0x0  }
0x69: {  	[sflag:s29] =	ssyncadd.s32 $0xFFFFE000  }
0x6a: {  	_ =	swait.ge [sflag:s29], $0x2000  }
0x6b: {  	[sflag:s29] =	ssyncset.done $0x0  }
0x6c: {  	[sflag:s29] =	ssyncadd.s32 $0xFFFFE000  }
0x6d: {  	_ =	swait.ge [sflag:s29], $0x2000  }
0x6e: {  	[sflag:s29] =	ssyncset.done $0x0  }
0x6f: {  	[sflag:s29] =	ssyncadd.s32 $0xFFFFE000  }
0x70: {  	_ =	swait.ge [sflag:s29], $0x2000  }
0x71: {  	[sflag:s29] =	ssyncset.done $0x0  }
0x72: {  	[sflag:s29] =	ssyncadd.s32 $0xFFFFE000  }
0x73: {  	_ =	swait.ge [sflag:s29], $0x2000  }
0x74: {  	[sflag:s29] =	ssyncset.done $0x0  }
0x75: {  	[sflag:s29] =	ssyncadd.s32 $0xFFFFE000  }
0x76: {  	_ =	swait.ge [sflag:s29], $0x2000  }
0x77: {  	[sflag:s29] =	ssyncset.done $0x0  }
0x78: {  	[sflag:s29] =	ssyncadd.s32 $0xFFFFE000  }
0x79: {  	_ =	swait.ge [sflag:s29], $0x2000  }
0x7a: {  	[sflag:s29] =	ssyncset.done $0x0  }
0x7b: {  	[sflag:s29] =	ssyncadd.s32 $0xFFFFE000  }
0x7c: {  	[bflag:$0x0] =	sbarrier.arrive $0xFFFF  }
0x7d: {  	s16 =	rddreg [dreg:$0x5]  }
0x7e: {  	s17 =	rddreg [dreg:$0x4];
	s15 =	sadd.s32 $0x0, s16  }
0x7f: {  	[tilespmem:s30], [sflag:$0x4] =	stream.linear.gather [hbm4b:s15+s4], $0x400, $0x38;
	[tilespmem:$0x1F000] =	vst v63  }
0x80: {  	s17 =	sadd.s32 $0x0, s17  }
0x81: {  	[tilespmem:s31], [sflag:$0x4] =	stream.linear.gather [hbm4b:s17+s4], $0x400, $0x38;
	[tilespmem:$0x1F000] =	vst v63  }
0x82: {  	s18 =	rddreg [dreg:$0x6]  }
0x83: {  	[tilespmem:s1], [sflag:$0x2] =	stream.indirect.gather [hbm4b:s6+s26], $0x80, s18, s26, $0xb8;
	[tilespmem:$0x1F000] =	vst v63  }
0x84: {  	_ =	swait.ge [sflag:s0], $0x4000  }
0x85: {  	[sflag:s0] =	ssyncset.done $0x0  }
0x86: {  	[sflag:s0] =	ssyncadd.s32 $0xFFFFC000  }
0x87: {  	[spmem:s3] =	stream.indirect.scatter.add.f32 [tilespmem:s28], [sflag:$0x6], $0x80, s23, s26, $0xb8;
	[tilespmem:$0x1F000] =	vst v63  }
0x88: {  	_ =	swait.ge [sflag:s7], $0x4000  }
0x89: {  	[sflag:s7] =	ssyncset.done $0x0  }
0x8a: {  	s19 =	rddreg [dreg:$0x7];
	[sflag:s7] =	ssyncadd.s32 $0xFFFFC000  }
0x8b: {  	[tilespmem:s28], [sflag:$0x1] =	stream.indirect.gather [hbm4b:s6+s26], $0x80, s19, s26, $0xb8;
	[tilespmem:$0x1F000] =	vst v63  }
0x8c: {  	_ =	swait.ge [sflag:s8], $0x4000  }
0x8d: {  	[sflag:s8] =	ssyncset.done $0x0  }
0x8e: {  	s20 =	rddreg [dreg:$0x8];
	[sflag:s8] =	ssyncadd.s32 $0xFFFFC000  }
0x8f: {  	[spmem:s3] =	stream.indirect.scatter.add.f32 [tilespmem:s1], [sflag:$0x6], $0x80, s20, s26, $0xb8;
	[tilespmem:$0x1F000] =	vst v63  }
0x90: {  	_ =	swait.ge [sflag:s7], $0x4000  }
0x91: {  	[sflag:s7] =	ssyncset.done $0x0  }
0x92: {  	s21 =	rddreg [dreg:$0x9];
	[sflag:s7] =	ssyncadd.s32 $0xFFFFC000  }
0x93: {  	[tilespmem:s1], [sflag:$0x2] =	stream.indirect.gather [hbm4b:s6+s26], $0x80, s21, s26, $0xb8;
	[tilespmem:$0x1F000] =	vst v63  }
0x94: {  	_ =	swait.ge [sflag:s0], $0x4000  }
0x95: {  	[sflag:s0] =	ssyncset.done $0x0  }
0x96: {  	s22 =	rddreg [dreg:$0xa];
	[sflag:s0] =	ssyncadd.s32 $0xFFFFC000  }
0x97: {  	[spmem:s3] =	stream.indirect.scatter.add.f32 [tilespmem:s28], [sflag:$0x6], $0x80, s22, s26, $0xb8;
	[tilespmem:$0x1F000] =	vst v63  }
0x98: {  	_ =	swait.ge [sflag:s7], $0x4000  }
0x99: {  	[sflag:s7] =	ssyncset.done $0x0  }
0x9a: {  	s16 =	rddreg [dreg:$0xb];
	[sflag:s7] =	ssyncadd.s32 $0xFFFFC000  }
0x9b: {  	[tilespmem:s28], [sflag:$0x1] =	stream.indirect.gather [hbm4b:s6+s26], $0x80, s16, s26, $0xb8;
	[tilespmem:$0x1F000] =	vst v63  }
0x9c: {  	_ =	swait.ge [sflag:s8], $0x4000  }
0x9d: {  	[sflag:s8] =	ssyncset.done $0x0  }
0x9e: {  	s17 =	rddreg [dreg:$0xc];
	[sflag:s8] =	ssyncadd.s32 $0xFFFFC000  }
0x9f: {  	[spmem:s3] =	stream.indirect.scatter.add.f32 [tilespmem:s1], [sflag:$0x6], $0x80, s17, s26, $0xb8;
	[tilespmem:$0x1F000] =	vst v63  }
0xa0: {  	_ =	swait.ge [sflag:s7], $0x4000  }
0xa1: {  	[sflag:s7] =	ssyncset.done $0x0  }
0xa2: {  	s18 =	rddreg [dreg:$0xd];
	[sflag:s7] =	ssyncadd.s32 $0xFFFFC000  }
0xa3: {  	[tilespmem:s1], [sflag:$0x2] =	stream.indirect.gather [hbm4b:s6+s26], $0x80, s18, s26, $0xb8;
	[tilespmem:$0x1F000] =	vst v63  }
0xa4: {  	_ =	swait.ge [sflag:s0], $0x4000  }
0xa5: {  	[sflag:s0] =	ssyncset.done $0x0  }
0xa6: {  	s19 =	rddreg [dreg:$0xe];
	[sflag:s0] =	ssyncadd.s32 $0xFFFFC000  }
0xa7: {  	[spmem:s3] =	stream.indirect.scatter.add.f32 [tilespmem:s28], [sflag:$0x6], $0x80, s19, s26, $0xb8;
	[tilespmem:$0x1F000] =	vst v63  }
0xa8: {  	_ =	swait.ge [sflag:s7], $0x4000  }
0xa9: {  	[sflag:s7] =	ssyncset.done $0x0  }
0xaa: {  	s20 =	rddreg [dreg:$0xf];
	[sflag:s7] =	ssyncadd.s32 $0xFFFFC000  }
0xab: {  	[tilespmem:s28], [sflag:$0x1] =	stream.indirect.gather [hbm4b:s6+s26], $0x80, s20, s26, $0xb8;
	[tilespmem:$0x1F000] =	vst v63  }
0xac: {  	_ =	swait.ge [sflag:s8], $0x4000  }
0xad: {  	[sflag:s8] =	ssyncset.done $0x0  }
0xae: {  	s21 =	rddreg [dreg:$0x10];
	[sflag:s8] =	ssyncadd.s32 $0xFFFFC000  }
0xaf: {  	[spmem:s3] =	stream.indirect.scatter.add.f32 [tilespmem:s1], [sflag:$0x6], $0x80, s21, s26, $0xb8;
	[tilespmem:$0x1F000] =	vst v63  }
0xb0: {  	_ =	swait.ge [sflag:s7], $0x4000  }
0xb1: {  	[sflag:s7] =	ssyncset.done $0x0  }
0xb2: {  	s22 =	rddreg [dreg:$0x11];
	[sflag:s7] =	ssyncadd.s32 $0xFFFFC000  }
0xb3: {  	[tilespmem:s1], [sflag:$0x2] =	stream.indirect.gather [hbm4b:s6+s26], $0x80, s22, s26, $0xb8;
	[tilespmem:$0x1F000] =	vst v63  }
0xb4: {  	_ =	swait.ge [sflag:s0], $0x4000  }
0xb5: {  	[sflag:s0] =	ssyncset.done $0x0  }
0xb6: {  	s16 =	rddreg [dreg:$0x12];
	[sflag:s0] =	ssyncadd.s32 $0xFFFFC000  }
0xb7: {  	[spmem:s3] =	stream.indirect.scatter.add.f32 [tilespmem:s28], [sflag:$0x6], $0x80, s16, s26, $0xb8;
	[tilespmem:$0x1F000] =	vst v63  }
0xb8: {  	_ =	swait.ge [sflag:s7], $0x4000  }
0xb9: {  	[sflag:s7] =	ssyncset.done $0x0  }
0xba: {  	[sflag:s7] =	ssyncadd.s32 $0xFFFFC000  }
0xbb: {  	_ =	swait.ge [sflag:s10], $0x400  }
0xbc: {  	[sflag:s10] =	ssyncset.done $0x0  }
0xbd: {  	[sflag:s10] =	ssyncadd.s32 $0xFFFFFC00  }
0xbe: {  	_ =	swait.ge [sflag:s10], $0x400  }
0xbf: {  	[sflag:s10] =	ssyncset.done $0x0  }
0xc0: {  	[sflag:s10] =	ssyncadd.s32 $0xFFFFFC00  }
0xc1: {  	[tilespmem:s28], [sflag:$0x1] =	stream.indirect.gather [hbm4b:s6+s26], $0x80, s30, s26, $0xb8;
	[tilespmem:$0x1F000] =	vst v63  }
0xc2: {  	_ =	swait.ge [sflag:s8], $0x4000  }
0xc3: {  	[sflag:s8] =	ssyncset.done $0x0  }
0xc4: {  	s17 =	rddreg [dreg:$0x13];
	[sflag:s8] =	ssyncadd.s32 $0xFFFFC000  }
0xc5: {  	[spmem:s3] =	stream.indirect.scatter.add.f32 [tilespmem:s1], [sflag:$0x6], $0x80, s17, s26, $0xb8;
	[tilespmem:$0x1F000] =	vst v63  }
0xc6: {  	_ =	swait.ge [sflag:s7], $0x4000  }
0xc7: {  	s16 =	sld [smem:$0x7FD];
	_ =	sdelay $0x1  }
0xc8: {  	p0 =	por $0x0, $0x0  }
0xc9: {  	s15 =	simm.s32 @!p0 $0x14000;
	[sflag:s7] =	ssyncset.done $0x0;
	s17 =	sshrl.u32 @!p0 s16, $0x3  }
0xca: {  	s21 =	simm.s32 @!p0 $0x0;
	[sflag:s7] =	ssyncadd.s32 $0xFFFFC000;
	s18 =	sadd.s32 @!p0 s2, s17  }
0xcb: {  	[tilespmem:s15], [sflag:$0x3] =	stream.linear.gather @!p0 [hbm4b:s18+s21], $0x400, $0x38;
	[tilespmem:$0x1F000] =	vst v63  }
0xcc: {  	s17 =	sadd.s32 @!p0 s5, s17;
	s18 =	simm.s32 @!p0 $0x14800  }
0xcd: {  	[tilespmem:s18], [sflag:$0x3] =	stream.linear.gather @!p0 [hbm4b:s17+s21], $0x400, $0x38;
	[tilespmem:$0x1F000] =	vst v63  }
0xce: {  	s22 =	rddreg [dreg:$0x14]  }
0xcf: {  	[tilespmem:s1], [sflag:$0x2] =	stream.indirect.gather [hbm4b:s6+s26], $0x80, s22, s26, $0xb8;
	[tilespmem:$0x1F000] =	vst v63  }
0xd0: {  	_ =	swait.ge [sflag:s0], $0x4000  }
0xd1: {  	[sflag:s0] =	ssyncset.done $0x0  }
0xd2: {  	[sflag:s0] =	ssyncadd.s32 $0xFFFFC000  }
0xd3: {  	[spmem:s3] =	stream.indirect.scatter.add.f32 [tilespmem:s28], [sflag:$0x6], $0x80, s31, s26, $0xb8;
	[tilespmem:$0x1F000] =	vst v63  }
0xd4: {  	_ =	swait.ge [sflag:s7], $0x4000  }
0xd5: {  	[sflag:s7] =	ssyncset.done $0x0  }
0xd6: {  	s18 =	rddreg [dreg:$0x15];
	[sflag:s7] =	ssyncadd.s32 $0xFFFFC000  }
0xd7: {  	[tilespmem:s28], [sflag:$0x1] =	stream.indirect.gather [hbm4b:s6+s26], $0x80, s18, s26, $0xb8;
	[tilespmem:$0x1F000] =	vst v63  }
0xd8: {  	_ =	swait.ge [sflag:s8], $0x4000  }
0xd9: {  	[sflag:s8] =	ssyncset.done $0x0  }
0xda: {  	s19 =	rddreg [dreg:$0x16];
	[sflag:s8] =	ssyncadd.s32 $0xFFFFC000  }
0xdb: {  	[spmem:s3] =	stream.indirect.scatter.add.f32 [tilespmem:s1], [sflag:$0x6], $0x80, s19, s26, $0xb8;
	[tilespmem:$0x1F000] =	vst v63  }
0xdc: {  	_ =	swait.ge [sflag:s7], $0x4000  }
0xdd: {  	[sflag:s7] =	ssyncset.done $0x0  }
0xde: {  	s20 =	rddreg [dreg:$0x17];
	[sflag:s7] =	ssyncadd.s32 $0xFFFFC000  }
0xdf: {  	[tilespmem:s1], [sflag:$0x2] =	stream.indirect.gather [hbm4b:s6+s26], $0x80, s20, s26, $0xb8;
	[tilespmem:$0x1F000] =	vst v63  }
0xe0: {  	_ =	swait.ge [sflag:s0], $0x4000  }
0xe1: {  	[sflag:s0] =	ssyncset.done $0x0  }
0xe2: {  	s21 =	rddreg [dreg:$0x18];
	[sflag:s0] =	ssyncadd.s32 $0xFFFFC000  }
0xe3: {  	[spmem:s3] =	stream.indirect.scatter.add.f32 [tilespmem:s28], [sflag:$0x6], $0x80, s21, s26, $0xb8;
	[tilespmem:$0x1F000] =	vst v63  }
0xe4: {  	_ =	swait.ge [sflag:s7], $0x4000  }
0xe5: {  	[sflag:s7] =	ssyncset.done $0x0  }
0xe6: {  	s22 =	rddreg [dreg:$0x19];
	[sflag:s7] =	ssyncadd.s32 $0xFFFFC000  }
0xe7: {  	[tilespmem:s28], [sflag:$0x1] =	stream.indirect.gather [hbm4b:s6+s26], $0x80, s22, s26, $0xb8;
	[tilespmem:$0x1F000] =	vst v63  }
0xe8: {  	_ =	swait.ge [sflag:s8], $0x4000  }
0xe9: {  	[sflag:s8] =	ssyncset.done $0x0  }
0xea: {  	s18 =	rddreg [dreg:$0x1a];
	[sflag:s8] =	ssyncadd.s32 $0xFFFFC000  }
0xeb: {  	[spmem:s3] =	stream.indirect.scatter.add.f32 [tilespmem:s1], [sflag:$0x6], $0x80, s18, s26, $0xb8;
	[tilespmem:$0x1F000] =	vst v63  }
0xec: {  	_ =	swait.ge [sflag:s7], $0x4000  }
0xed: {  	[sflag:s7] =	ssyncset.done $0x0  }
0xee: {  	s19 =	rddreg [dreg:$0x1b];
	[sflag:s7] =	ssyncadd.s32 $0xFFFFC000  }
0xef: {  	[tilespmem:s1], [sflag:$0x2] =	stream.indirect.gather [hbm4b:s6+s26], $0x80, s19, s26, $0xb8;
	[tilespmem:$0x1F000] =	vst v63  }
0xf0: {  	_ =	swait.ge [sflag:s0], $0x4000  }
0xf1: {  	[sflag:s0] =	ssyncset.done $0x0  }
0xf2: {  	s20 =	rddreg [dreg:$0x1c];
	[sflag:s0] =	ssyncadd.s32 $0xFFFFC000  }
0xf3: {  	[spmem:s3] =	stream.indirect.scatter.add.f32 [tilespmem:s28], [sflag:$0x6], $0x80, s20, s26, $0xb8;
	[tilespmem:$0x1F000] =	vst v63  }
0xf4: {  	_ =	swait.ge [sflag:s7], $0x4000  }
0xf5: {  	[sflag:s7] =	ssyncset.done $0x0  }
0xf6: {  	s21 =	rddreg [dreg:$0x1d];
	[sflag:s7] =	ssyncadd.s32 $0xFFFFC000  }
0xf7: {  	[tilespmem:s28], [sflag:$0x1] =	stream.indirect.gather [hbm4b:s6+s26], $0x80, s21, s26, $0xb8;
	[tilespmem:$0x1F000] =	vst v63  }
0xf8: {  	_ =	swait.ge [sflag:s8], $0x4000  }
0xf9: {  	[sflag:s8] =	ssyncset.done $0x0  }
0xfa: {  	s22 =	rddreg [dreg:$0x1e];
	[sflag:s8] =	ssyncadd.s32 $0xFFFFC000  }
0xfb: {  	[spmem:s3] =	stream.indirect.scatter.add.f32 [tilespmem:s1], [sflag:$0x6], $0x80, s22, s26, $0xb8;
	[tilespmem:$0x1F000] =	vst v63  }
0xfc: {  	_ =	swait.ge [sflag:s7], $0x4000  }
0xfd: {  	[sflag:s7] =	ssyncset.done $0x0  }
0xfe: {  	[sflag:s7] =	ssyncadd.s32 $0xFFFFC000  }
0xff: {  	[tilespmem:s1], [sflag:$0x2] =	stream.indirect.gather [hbm4b:s6+s26], $0x80, s11, s26, $0xb8;
	[tilespmem:$0x1F000] =	vst v63  }
0x100: {  	_ =	swait.ge [sflag:s0], $0x4000  }
0x101: {  	[sflag:s0] =	ssyncset.done $0x0  }
0x102: {  	[sflag:s0] =	ssyncadd.s32 $0xFFFFC000  }
0x103: {  	[spmem:s3] =	stream.indirect.scatter.add.f32 [tilespmem:s28], [sflag:$0x6], $0x80, s12, s26, $0xb8;
	[tilespmem:$0x1F000] =	vst v63  }
0x104: {  	_ =	swait.ge [sflag:s7], $0x4000  }
0x105: {  	[sflag:s7] =	ssyncset.done $0x0  }
0x106: {  	s17 =	simm.s32 @!p0 $0x3;
	[sflag:s7] =	ssyncadd.s32 $0xFFFFC000  }
0x107: {  	_ =	swait.ge @!p0 [sflag:s17], $0x400  }
0x108: {  	[sflag:s17] =	ssyncset.done @!p0 $0x0  }
0x109: {  	[sflag:s17] =	ssyncadd.s32 @!p0 $0xFFFFFC00  }
0x10a: {  	_ =	swait.ge @!p0 [sflag:s17], $0x400  }
0x10b: {  	[sflag:s17] =	ssyncset.done @!p0 $0x0  }
0x10c: {  	s18 =	simm.s32 @!p0 $0x15000;
	[sflag:s17] =	ssyncadd.s32 @!p0 $0xFFFFFC00;
	s17 =	simm.s32 @!p0 $0x80  }
0x10d: {  	[tilespmem:s18], [sflag:$0x1] =	stream.indirect.gather @!p0 [hbm4b:s6+s17], $0x80, s15, s17, $0xb8;
	[tilespmem:$0x1F000] =	vst v63  }
0x10e: {  	_ =	swait.ge [sflag:s8], $0x4000  }
0x10f: {  	[sflag:s8] =	ssyncset.done $0x0  }
0x110: {  	[sflag:s8] =	ssyncadd.s32 $0xFFFFC000  }
0x111: {  	[spmem:s3] =	stream.indirect.scatter.add.f32 [tilespmem:s1], [sflag:$0x6], $0x80, s13, s26, $0xb8;
	[tilespmem:$0x1F000] =	vst v63  }
0x112: {  	s21 =	smov.u32 s16;
	s15 =	simm.s32 $0x100;
	_ =	swait.ge [sflag:s7], $0x4000  }
0x113: {  	s17 =	simm.s32 $0x200;
	s18 =	rddreg [dreg:$0x5];
	[sflag:s7] =	ssyncset.done $0x0  }
.LBB2_4:
0x114: {  	[sflag:s7] =	ssyncadd.s32 $0xFFFFC000;
	s19 =	rddreg [dreg:$0x4];
	s18 =	sadd.s32 s15, s18  }
0x115: {  	[tilespmem:s30], [sflag:$0x4] =	stream.linear.gather [hbm4b:s18+s4], $0x400, $0x38;
	[tilespmem:$0x1F000] =	vst v63  }
0x116: {  	s20 =	sadd.s32 s15, s19  }
0x117: {  	[tilespmem:s31], [sflag:$0x4] =	stream.linear.gather [hbm4b:s20+s4], $0x400, $0x38;
	[tilespmem:$0x1F000] =	vst v63  }
0x118: {  	s16 =	rddreg [dreg:$0x6]  }
0x119: {  	[tilespmem:s1], [sflag:$0x2] =	stream.indirect.gather [hbm4b:s6+s26], $0x80, s16, s26, $0xb8;
	[tilespmem:$0x1F000] =	vst v63  }
0x11a: {  	_ =	swait.ge [sflag:s0], $0x4000  }
0x11b: {  	[sflag:s0] =	ssyncset.done $0x0  }
0x11c: {  	[sflag:s0] =	ssyncadd.s32 $0xFFFFC000  }
0x11d: {  	[spmem:s3] =	stream.indirect.scatter.add.f32 [tilespmem:s28], [sflag:$0x6], $0x80, s23, s26, $0xb8;
	[tilespmem:$0x1F000] =	vst v63  }
0x11e: {  	_ =	swait.ge [sflag:s7], $0x4000  }
0x11f: {  	[sflag:s7] =	ssyncset.done $0x0  }
0x120: {  	s19 =	rddreg [dreg:$0x7];
	[sflag:s7] =	ssyncadd.s32 $0xFFFFC000  }
0x121: {  	[tilespmem:s28], [sflag:$0x1] =	stream.indirect.gather [hbm4b:s6+s26], $0x80, s19, s26, $0xb8;
	[tilespmem:$0x1F000] =	vst v63  }
0x122: {  	_ =	swait.ge [sflag:s8], $0x4000  }
0x123: {  	[sflag:s8] =	ssyncset.done $0x0  }
0x124: {  	s20 =	rddreg [dreg:$0x8];
	[sflag:s8] =	ssyncadd.s32 $0xFFFFC000  }
0x125: {  	[spmem:s3] =	stream.indirect.scatter.add.f32 [tilespmem:s1], [sflag:$0x6], $0x80, s20, s26, $0xb8;
	[tilespmem:$0x1F000] =	vst v63  }
0x126: {  	_ =	swait.ge [sflag:s7], $0x4000  }
0x127: {  	[sflag:s7] =	ssyncset.done $0x0  }
0x128: {  	s16 =	rddreg [dreg:$0x9];
	[sflag:s7] =	ssyncadd.s32 $0xFFFFC000  }
0x129: {  	[tilespmem:s1], [sflag:$0x2] =	stream.indirect.gather [hbm4b:s6+s26], $0x80, s16, s26, $0xb8;
	[tilespmem:$0x1F000] =	vst v63  }
0x12a: {  	_ =	swait.ge [sflag:s0], $0x4000  }
0x12b: {  	[sflag:s0] =	ssyncset.done $0x0  }
0x12c: {  	s19 =	rddreg [dreg:$0xa];
	[sflag:s0] =	ssyncadd.s32 $0xFFFFC000  }
0x12d: {  	[spmem:s3] =	stream.indirect.scatter.add.f32 [tilespmem:s28], [sflag:$0x6], $0x80, s19, s26, $0xb8;
	[tilespmem:$0x1F000] =	vst v63  }
0x12e: {  	_ =	swait.ge [sflag:s7], $0x4000  }
0x12f: {  	[sflag:s7] =	ssyncset.done $0x0  }
0x130: {  	s20 =	rddreg [dreg:$0xb];
	[sflag:s7] =	ssyncadd.s32 $0xFFFFC000  }
0x131: {  	[tilespmem:s28], [sflag:$0x1] =	stream.indirect.gather [hbm4b:s6+s26], $0x80, s20, s26, $0xb8;
	[tilespmem:$0x1F000] =	vst v63  }
0x132: {  	_ =	swait.ge [sflag:s8], $0x4000  }
0x133: {  	[sflag:s8] =	ssyncset.done $0x0  }
0x134: {  	s16 =	rddreg [dreg:$0xc];
	[sflag:s8] =	ssyncadd.s32 $0xFFFFC000  }
0x135: {  	[spmem:s3] =	stream.indirect.scatter.add.f32 [tilespmem:s1], [sflag:$0x6], $0x80, s16, s26, $0xb8;
	[tilespmem:$0x1F000] =	vst v63  }
0x136: {  	_ =	swait.ge [sflag:s7], $0x4000  }
0x137: {  	[sflag:s7] =	ssyncset.done $0x0  }
0x138: {  	s19 =	rddreg [dreg:$0xd];
	[sflag:s7] =	ssyncadd.s32 $0xFFFFC000  }
0x139: {  	[tilespmem:s1], [sflag:$0x2] =	stream.indirect.gather [hbm4b:s6+s26], $0x80, s19, s26, $0xb8;
	[tilespmem:$0x1F000] =	vst v63  }
0x13a: {  	_ =	swait.ge [sflag:s0], $0x4000  }
0x13b: {  	[sflag:s0] =	ssyncset.done $0x0  }
0x13c: {  	s20 =	rddreg [dreg:$0xe];
	[sflag:s0] =	ssyncadd.s32 $0xFFFFC000  }
0x13d: {  	[spmem:s3] =	stream.indirect.scatter.add.f32 [tilespmem:s28], [sflag:$0x6], $0x80, s20, s26, $0xb8;
	[tilespmem:$0x1F000] =	vst v63  }
0x13e: {  	_ =	swait.ge [sflag:s7], $0x4000  }
0x13f: {  	[sflag:s7] =	ssyncset.done $0x0  }
0x140: {  	s16 =	rddreg [dreg:$0xf];
	[sflag:s7] =	ssyncadd.s32 $0xFFFFC000  }
0x141: {  	[tilespmem:s28], [sflag:$0x1] =	stream.indirect.gather [hbm4b:s6+s26], $0x80, s16, s26, $0xb8;
	[tilespmem:$0x1F000] =	vst v63  }
0x142: {  	_ =	swait.ge [sflag:s8], $0x4000  }
0x143: {  	[sflag:s8] =	ssyncset.done $0x0  }
0x144: {  	s19 =	rddreg [dreg:$0x10];
	[sflag:s8] =	ssyncadd.s32 $0xFFFFC000  }
0x145: {  	[spmem:s3] =	stream.indirect.scatter.add.f32 [tilespmem:s1], [sflag:$0x6], $0x80, s19, s26, $0xb8;
	[tilespmem:$0x1F000] =	vst v63  }
0x146: {  	_ =	swait.ge [sflag:s7], $0x4000  }
0x147: {  	[sflag:s7] =	ssyncset.done $0x0  }
0x148: {  	s20 =	rddreg [dreg:$0x11];
	[sflag:s7] =	ssyncadd.s32 $0xFFFFC000  }
0x149: {  	[tilespmem:s1], [sflag:$0x2] =	stream.indirect.gather [hbm4b:s6+s26], $0x80, s20, s26, $0xb8;
	[tilespmem:$0x1F000] =	vst v63  }
0x14a: {  	_ =	swait.ge [sflag:s0], $0x4000  }
0x14b: {  	[sflag:s0] =	ssyncset.done $0x0  }
0x14c: {  	s16 =	rddreg [dreg:$0x12];
	[sflag:s0] =	ssyncadd.s32 $0xFFFFC000  }
0x14d: {  	[spmem:s3] =	stream.indirect.scatter.add.f32 [tilespmem:s28], [sflag:$0x6], $0x80, s16, s26, $0xb8;
	[tilespmem:$0x1F000] =	vst v63  }
0x14e: {  	_ =	swait.ge [sflag:s7], $0x4000  }
0x14f: {  	[sflag:s7] =	ssyncset.done $0x0  }
0x150: {  	[sflag:s7] =	ssyncadd.s32 $0xFFFFC000  }
0x151: {  	_ =	swait.ge [sflag:s10], $0x400  }
0x152: {  	[sflag:s10] =	ssyncset.done $0x0  }
0x153: {  	[sflag:s10] =	ssyncadd.s32 $0xFFFFFC00  }
0x154: {  	_ =	swait.ge [sflag:s10], $0x400  }
0x155: {  	[sflag:s10] =	ssyncset.done $0x0  }
0x156: {  	[sflag:s10] =	ssyncadd.s32 $0xFFFFFC00  }
0x157: {  	[tilespmem:s28], [sflag:$0x1] =	stream.indirect.gather [hbm4b:s6+s26], $0x80, s30, s26, $0xb8;
	[tilespmem:$0x1F000] =	vst v63  }
0x158: {  	_ =	swait.ge [sflag:s8], $0x4000  }
0x159: {  	s21 =	sadd.s32 $0x800, s21;
	[sflag:s8] =	ssyncset.done $0x0  }
0x15a: {  	s22 =	smov.u32 s17;
	s19 =	rddreg [dreg:$0x13];
	[sflag:s8] =	ssyncadd.s32 $0xFFFFC000  }
0x15b: {  	[spmem:s3] =	stream.indirect.scatter.add.f32 [tilespmem:s1], [sflag:$0x6], $0x80, s19, s26, $0xb8;
	[tilespmem:$0x1F000] =	vst v63  }
0x15c: {  	p1 =	seq.s32 s15, $0x400;
	s15 =	smov.u32 s22;
	_ =	swait.ge [sflag:s7], $0x4000  }
0x15d: {  	s18 =	sshrl.u32 @!p1 s21, $0x3;
	s22 =	simm.s32 @!p1 $0x14000;
	[sflag:s7] =	ssyncset.done $0x0  }
0x15e: {  	s20 =	simm.s32 @!p1 $0x0;
	s19 =	sadd.s32 @!p1 s2, s18;
	[sflag:s7] =	ssyncadd.s32 $0xFFFFC000  }
0x15f: {  	[tilespmem:s22], [sflag:$0x3] =	stream.linear.gather @!p1 [hbm4b:s19+s20], $0x400, $0x38;
	[tilespmem:$0x1F000] =	vst v63  }
0x160: {  	s18 =	sadd.s32 @!p1 s5, s18;
	s19 =	simm.s32 @!p1 $0x14800  }
0x161: {  	[tilespmem:s19], [sflag:$0x3] =	stream.linear.gather @!p1 [hbm4b:s18+s20], $0x400, $0x38;
	[tilespmem:$0x1F000] =	vst v63  }
0x162: {  	s16 =	rddreg [dreg:$0x14]  }
0x163: {  	[tilespmem:s1], [sflag:$0x2] =	stream.indirect.gather [hbm4b:s6+s26], $0x80, s16, s26, $0xb8;
	[tilespmem:$0x1F000] =	vst v63  }
0x164: {  	_ =	swait.ge [sflag:s0], $0x4000  }
0x165: {  	[sflag:s0] =	ssyncset.done $0x0  }
0x166: {  	[sflag:s0] =	ssyncadd.s32 $0xFFFFC000  }
0x167: {  	[spmem:s3] =	stream.indirect.scatter.add.f32 [tilespmem:s28], [sflag:$0x6], $0x80, s31, s26, $0xb8;
	[tilespmem:$0x1F000] =	vst v63  }
0x168: {  	_ =	swait.ge [sflag:s7], $0x4000  }
0x169: {  	[sflag:s7] =	ssyncset.done $0x0  }
0x16a: {  	s20 =	rddreg [dreg:$0x15];
	[sflag:s7] =	ssyncadd.s32 $0xFFFFC000  }
0x16b: {  	[tilespmem:s28], [sflag:$0x1] =	stream.indirect.gather [hbm4b:s6+s26], $0x80, s20, s26, $0xb8;
	[tilespmem:$0x1F000] =	vst v63  }
0x16c: {  	_ =	swait.ge [sflag:s8], $0x4000  }
0x16d: {  	[sflag:s8] =	ssyncset.done $0x0  }
0x16e: {  	s18 =	rddreg [dreg:$0x16];
	[sflag:s8] =	ssyncadd.s32 $0xFFFFC000  }
0x16f: {  	[spmem:s3] =	stream.indirect.scatter.add.f32 [tilespmem:s1], [sflag:$0x6], $0x80, s18, s26, $0xb8;
	[tilespmem:$0x1F000] =	vst v63  }
0x170: {  	_ =	swait.ge [sflag:s7], $0x4000  }
0x171: {  	[sflag:s7] =	ssyncset.done $0x0  }
0x172: {  	s19 =	rddreg [dreg:$0x17];
	[sflag:s7] =	ssyncadd.s32 $0xFFFFC000  }
0x173: {  	[tilespmem:s1], [sflag:$0x2] =	stream.indirect.gather [hbm4b:s6+s26], $0x80, s19, s26, $0xb8;
	[tilespmem:$0x1F000] =	vst v63  }
0x174: {  	_ =	swait.ge [sflag:s0], $0x4000  }
0x175: {  	[sflag:s0] =	ssyncset.done $0x0  }
0x176: {  	s20 =	rddreg [dreg:$0x18];
	[sflag:s0] =	ssyncadd.s32 $0xFFFFC000  }
0x177: {  	[spmem:s3] =	stream.indirect.scatter.add.f32 [tilespmem:s28], [sflag:$0x6], $0x80, s20, s26, $0xb8;
	[tilespmem:$0x1F000] =	vst v63  }
0x178: {  	_ =	swait.ge [sflag:s7], $0x4000  }
0x179: {  	[sflag:s7] =	ssyncset.done $0x0  }
0x17a: {  	s18 =	rddreg [dreg:$0x19];
	[sflag:s7] =	ssyncadd.s32 $0xFFFFC000  }
0x17b: {  	[tilespmem:s28], [sflag:$0x1] =	stream.indirect.gather [hbm4b:s6+s26], $0x80, s18, s26, $0xb8;
	[tilespmem:$0x1F000] =	vst v63  }
0x17c: {  	_ =	swait.ge [sflag:s8], $0x4000  }
0x17d: {  	[sflag:s8] =	ssyncset.done $0x0  }
0x17e: {  	s19 =	rddreg [dreg:$0x1a];
	[sflag:s8] =	ssyncadd.s32 $0xFFFFC000  }
0x17f: {  	[spmem:s3] =	stream.indirect.scatter.add.f32 [tilespmem:s1], [sflag:$0x6], $0x80, s19, s26, $0xb8;
	[tilespmem:$0x1F000] =	vst v63  }
0x180: {  	_ =	swait.ge [sflag:s7], $0x4000  }
0x181: {  	[sflag:s7] =	ssyncset.done $0x0  }
0x182: {  	s20 =	rddreg [dreg:$0x1b];
	[sflag:s7] =	ssyncadd.s32 $0xFFFFC000  }
0x183: {  	[tilespmem:s1], [sflag:$0x2] =	stream.indirect.gather [hbm4b:s6+s26], $0x80, s20, s26, $0xb8;
	[tilespmem:$0x1F000] =	vst v63  }
0x184: {  	_ =	swait.ge [sflag:s0], $0x4000  }
0x185: {  	[sflag:s0] =	ssyncset.done $0x0  }
0x186: {  	s18 =	rddreg [dreg:$0x1c];
	[sflag:s0] =	ssyncadd.s32 $0xFFFFC000  }
0x187: {  	[spmem:s3] =	stream.indirect.scatter.add.f32 [tilespmem:s28], [sflag:$0x6], $0x80, s18, s26, $0xb8;
	[tilespmem:$0x1F000] =	vst v63  }
0x188: {  	_ =	swait.ge [sflag:s7], $0x4000  }
0x189: {  	[sflag:s7] =	ssyncset.done $0x0  }
0x18a: {  	s19 =	rddreg [dreg:$0x1d];
	[sflag:s7] =	ssyncadd.s32 $0xFFFFC000  }
0x18b: {  	[tilespmem:s28], [sflag:$0x1] =	stream.indirect.gather [hbm4b:s6+s26], $0x80, s19, s26, $0xb8;
	[tilespmem:$0x1F000] =	vst v63  }
0x18c: {  	_ =	swait.ge [sflag:s8], $0x4000  }
0x18d: {  	[sflag:s8] =	ssyncset.done $0x0  }
0x18e: {  	s20 =	rddreg [dreg:$0x1e];
	[sflag:s8] =	ssyncadd.s32 $0xFFFFC000  }
0x18f: {  	[spmem:s3] =	stream.indirect.scatter.add.f32 [tilespmem:s1], [sflag:$0x6], $0x80, s20, s26, $0xb8;
	[tilespmem:$0x1F000] =	vst v63  }
0x190: {  	_ =	swait.ge [sflag:s7], $0x4000  }
0x191: {  	[sflag:s7] =	ssyncset.done $0x0  }
0x192: {  	[sflag:s7] =	ssyncadd.s32 $0xFFFFC000  }
0x193: {  	[tilespmem:s1], [sflag:$0x2] =	stream.indirect.gather [hbm4b:s6+s26], $0x80, s11, s26, $0xb8;
	[tilespmem:$0x1F000] =	vst v63  }
0x194: {  	_ =	swait.ge [sflag:s0], $0x4000  }
0x195: {  	[sflag:s0] =	ssyncset.done $0x0  }
0x196: {  	[sflag:s0] =	ssyncadd.s32 $0xFFFFC000  }
0x197: {  	[spmem:s3] =	stream.indirect.scatter.add.f32 [tilespmem:s28], [sflag:$0x6], $0x80, s12, s26, $0xb8;
	[tilespmem:$0x1F000] =	vst v63  }
0x198: {  	_ =	swait.ge [sflag:s7], $0x4000  }
0x199: {  	[sflag:s7] =	ssyncset.done $0x0  }
0x19a: {  	s16 =	simm.s32 @!p1 $0x3;
	[sflag:s7] =	ssyncadd.s32 $0xFFFFC000  }
0x19b: {  	_ =	swait.ge @!p1 [sflag:s16], $0x400  }
0x19c: {  	[sflag:s16] =	ssyncset.done @!p1 $0x0  }
0x19d: {  	[sflag:s16] =	ssyncadd.s32 @!p1 $0xFFFFFC00  }
0x19e: {  	_ =	swait.ge @!p1 [sflag:s16], $0x400  }
0x19f: {  	s17 =	sadd.s32 $0x100, s17;
	[sflag:s16] =	ssyncset.done @!p1 $0x0  }
0x1a0: {  	s18 =	simm.s32 @!p1 $0x15000;
	[sflag:s16] =	ssyncadd.s32 @!p1 $0xFFFFFC00;
	s16 =	simm.s32 @!p1 $0x80  }
0x1a1: {  	[tilespmem:s18], [sflag:$0x1] =	stream.indirect.gather @!p1 [hbm4b:s6+s16], $0x80, s22, s16, $0xb8;
	[tilespmem:$0x1F000] =	vst v63  }
0x1a2: {  	p0 =	sne.s32 s17, $0x500;
	_ =	swait.ge [sflag:s8], $0x4000  }
.Ltmp1:
0x1a3: {  	[sflag:s8] =	ssyncset.done $0x0;
	(pc) =	sbr.rel @p0 .LBB2_4-.Ltmp1, $4  }
0x1a4: {  	[sflag:s8] =	ssyncadd.s32 $0xFFFFC000  }
0x1a5: {  	[spmem:s3] =	stream.indirect.scatter.add.f32 [tilespmem:s1], [sflag:$0x6], $0x80, s13, s26, $0xb8;
	[tilespmem:$0x1F000] =	vst v63  }
0x1a6: {  	_ =	swait.ge [sflag:s7], $0x4000  }
0x1a7: {  	s18 =	rddreg [dreg:$0x5];
	[sflag:s7] =	ssyncset.done $0x0  }
0x1a8: {  	s16 =	rddreg [dreg:$0x4];
	[sflag:s7] =	ssyncadd.s32 $0xFFFFC000;
	s17 =	sadd.s32 s15, s18  }
0x1a9: {  	[tilespmem:s30], [sflag:$0x4] =	stream.linear.gather [hbm4b:s17+s4], $0x400, $0x38;
	[tilespmem:$0x1F000] =	vst v63  }
0x1aa: {  	s16 =	sadd.s32 s15, s16  }
0x1ab: {  	[tilespmem:s31], [sflag:$0x4] =	stream.linear.gather [hbm4b:s16+s4], $0x400, $0x38;
	[tilespmem:$0x1F000] =	vst v63  }
0x1ac: {  	s22 =	rddreg [dreg:$0x6]  }
0x1ad: {  	[tilespmem:s1], [sflag:$0x2] =	stream.indirect.gather [hbm4b:s6+s26], $0x80, s22, s26, $0xb8;
	[tilespmem:$0x1F000] =	vst v63  }
0x1ae: {  	_ =	swait.ge [sflag:s0], $0x4000  }
0x1af: {  	[sflag:s0] =	ssyncset.done $0x0  }
0x1b0: {  	[sflag:s0] =	ssyncadd.s32 $0xFFFFC000  }
0x1b1: {  	[spmem:s3] =	stream.indirect.scatter.add.f32 [tilespmem:s28], [sflag:$0x6], $0x80, s23, s26, $0xb8;
	[tilespmem:$0x1F000] =	vst v63  }
0x1b2: {  	_ =	swait.ge [sflag:s7], $0x4000  }
0x1b3: {  	[sflag:s7] =	ssyncset.done $0x0  }
0x1b4: {  	s18 =	rddreg [dreg:$0x7];
	[sflag:s7] =	ssyncadd.s32 $0xFFFFC000  }
0x1b5: {  	[tilespmem:s28], [sflag:$0x1] =	stream.indirect.gather [hbm4b:s6+s26], $0x80, s18, s26, $0xb8;
	[tilespmem:$0x1F000] =	vst v63  }
0x1b6: {  	_ =	swait.ge [sflag:s8], $0x4000  }
0x1b7: {  	[sflag:s8] =	ssyncset.done $0x0  }
0x1b8: {  	s19 =	rddreg [dreg:$0x8];
	[sflag:s8] =	ssyncadd.s32 $0xFFFFC000  }
0x1b9: {  	[spmem:s3] =	stream.indirect.scatter.add.f32 [tilespmem:s1], [sflag:$0x6], $0x80, s19, s26, $0xb8;
	[tilespmem:$0x1F000] =	vst v63  }
0x1ba: {  	_ =	swait.ge [sflag:s7], $0x4000  }
0x1bb: {  	[sflag:s7] =	ssyncset.done $0x0  }
0x1bc: {  	s20 =	rddreg [dreg:$0x9];
	[sflag:s7] =	ssyncadd.s32 $0xFFFFC000  }
0x1bd: {  	[tilespmem:s1], [sflag:$0x2] =	stream.indirect.gather [hbm4b:s6+s26], $0x80, s20, s26, $0xb8;
	[tilespmem:$0x1F000] =	vst v63  }
0x1be: {  	_ =	swait.ge [sflag:s0], $0x4000  }
0x1bf: {  	[sflag:s0] =	ssyncset.done $0x0  }
0x1c0: {  	s22 =	rddreg [dreg:$0xa];
	[sflag:s0] =	ssyncadd.s32 $0xFFFFC000  }
0x1c1: {  	[spmem:s3] =	stream.indirect.scatter.add.f32 [tilespmem:s28], [sflag:$0x6], $0x80, s22, s26, $0xb8;
	[tilespmem:$0x1F000] =	vst v63  }
0x1c2: {  	_ =	swait.ge [sflag:s7], $0x4000  }
0x1c3: {  	[sflag:s7] =	ssyncset.done $0x0  }
0x1c4: {  	s17 =	rddreg [dreg:$0xb];
	[sflag:s7] =	ssyncadd.s32 $0xFFFFC000  }
0x1c5: {  	[tilespmem:s28], [sflag:$0x1] =	stream.indirect.gather [hbm4b:s6+s26], $0x80, s17, s26, $0xb8;
	[tilespmem:$0x1F000] =	vst v63  }
0x1c6: {  	_ =	swait.ge [sflag:s8], $0x4000  }
0x1c7: {  	[sflag:s8] =	ssyncset.done $0x0  }
0x1c8: {  	s18 =	rddreg [dreg:$0xc];
	[sflag:s8] =	ssyncadd.s32 $0xFFFFC000  }
0x1c9: {  	[spmem:s3] =	stream.indirect.scatter.add.f32 [tilespmem:s1], [sflag:$0x6], $0x80, s18, s26, $0xb8;
	[tilespmem:$0x1F000] =	vst v63  }
0x1ca: {  	_ =	swait.ge [sflag:s7], $0x4000  }
0x1cb: {  	[sflag:s7] =	ssyncset.done $0x0  }
0x1cc: {  	s19 =	rddreg [dreg:$0xd];
	[sflag:s7] =	ssyncadd.s32 $0xFFFFC000  }
0x1cd: {  	[tilespmem:s1], [sflag:$0x2] =	stream.indirect.gather [hbm4b:s6+s26], $0x80, s19, s26, $0xb8;
	[tilespmem:$0x1F000] =	vst v63  }
0x1ce: {  	_ =	swait.ge [sflag:s0], $0x4000  }
0x1cf: {  	[sflag:s0] =	ssyncset.done $0x0  }
0x1d0: {  	s20 =	rddreg [dreg:$0xe];
	[sflag:s0] =	ssyncadd.s32 $0xFFFFC000  }
0x1d1: {  	[spmem:s3] =	stream.indirect.scatter.add.f32 [tilespmem:s28], [sflag:$0x6], $0x80, s20, s26, $0xb8;
	[tilespmem:$0x1F000] =	vst v63  }
0x1d2: {  	_ =	swait.ge [sflag:s7], $0x4000  }
0x1d3: {  	[sflag:s7] =	ssyncset.done $0x0  }
0x1d4: {  	s22 =	rddreg [dreg:$0xf];
	[sflag:s7] =	ssyncadd.s32 $0xFFFFC000  }
0x1d5: {  	[tilespmem:s28], [sflag:$0x1] =	stream.indirect.gather [hbm4b:s6+s26], $0x80, s22, s26, $0xb8;
	[tilespmem:$0x1F000] =	vst v63  }
0x1d6: {  	_ =	swait.ge [sflag:s8], $0x4000  }
0x1d7: {  	[sflag:s8] =	ssyncset.done $0x0  }
0x1d8: {  	s17 =	rddreg [dreg:$0x10];
	[sflag:s8] =	ssyncadd.s32 $0xFFFFC000  }
0x1d9: {  	[spmem:s3] =	stream.indirect.scatter.add.f32 [tilespmem:s1], [sflag:$0x6], $0x80, s17, s26, $0xb8;
	[tilespmem:$0x1F000] =	vst v63  }
0x1da: {  	_ =	swait.ge [sflag:s7], $0x4000  }
0x1db: {  	[sflag:s7] =	ssyncset.done $0x0  }
0x1dc: {  	s18 =	rddreg [dreg:$0x11];
	[sflag:s7] =	ssyncadd.s32 $0xFFFFC000  }
0x1dd: {  	[tilespmem:s1], [sflag:$0x2] =	stream.indirect.gather [hbm4b:s6+s26], $0x80, s18, s26, $0xb8;
	[tilespmem:$0x1F000] =	vst v63  }
0x1de: {  	_ =	swait.ge [sflag:s0], $0x4000  }
0x1df: {  	[sflag:s0] =	ssyncset.done $0x0  }
0x1e0: {  	s19 =	rddreg [dreg:$0x12];
	[sflag:s0] =	ssyncadd.s32 $0xFFFFC000  }
0x1e1: {  	[spmem:s3] =	stream.indirect.scatter.add.f32 [tilespmem:s28], [sflag:$0x6], $0x80, s19, s26, $0xb8;
	[tilespmem:$0x1F000] =	vst v63  }
0x1e2: {  	_ =	swait.ge [sflag:s7], $0x4000  }
0x1e3: {  	[sflag:s7] =	ssyncset.done $0x0  }
0x1e4: {  	[sflag:s7] =	ssyncadd.s32 $0xFFFFC000  }
0x1e5: {  	_ =	swait.ge [sflag:s10], $0x400  }
0x1e6: {  	[sflag:s10] =	ssyncset.done $0x0  }
0x1e7: {  	[sflag:s10] =	ssyncadd.s32 $0xFFFFFC00  }
0x1e8: {  	_ =	swait.ge [sflag:s10], $0x400  }
0x1e9: {  	[sflag:s10] =	ssyncset.done $0x0  }
0x1ea: {  	[sflag:s10] =	ssyncadd.s32 $0xFFFFFC00  }
0x1eb: {  	[tilespmem:s28], [sflag:$0x1] =	stream.indirect.gather [hbm4b:s6+s26], $0x80, s30, s26, $0xb8;
	[tilespmem:$0x1F000] =	vst v63  }
0x1ec: {  	_ =	swait.ge [sflag:s8], $0x4000  }
0x1ed: {  	[sflag:s8] =	ssyncset.done $0x0  }
0x1ee: {  	s20 =	rddreg [dreg:$0x13];
	[sflag:s8] =	ssyncadd.s32 $0xFFFFC000  }
0x1ef: {  	[spmem:s3] =	stream.indirect.scatter.add.f32 [tilespmem:s1], [sflag:$0x6], $0x80, s20, s26, $0xb8;
	[tilespmem:$0x1F000] =	vst v63  }
0x1f0: {  	p0 =	seq.s32 s15, $0x400;
	s16 =	sadd.s32 $0x800, s21;
	_ =	swait.ge [sflag:s7], $0x4000  }
0x1f1: {  	s15 =	simm.s32 @!p0 $0x14000;
	s16 =	sshrl.u32 @!p0 s16, $0x3;
	[sflag:s7] =	ssyncset.done $0x0  }
0x1f2: {  	s17 =	sadd.s32 @!p0 s2, s16;
	s18 =	simm.s32 @!p0 $0x0;
	[sflag:s7] =	ssyncadd.s32 $0xFFFFC000  }
0x1f3: {  	[tilespmem:s15], [sflag:$0x3] =	stream.linear.gather @!p0 [hbm4b:s17+s18], $0x400, $0x38;
	[tilespmem:$0x1F000] =	vst v63  }
0x1f4: {  	s16 =	sadd.s32 @!p0 s5, s16;
	s17 =	simm.s32 @!p0 $0x14800  }
0x1f5: {  	[tilespmem:s17], [sflag:$0x3] =	stream.linear.gather @!p0 [hbm4b:s16+s18], $0x400, $0x38;
	[tilespmem:$0x1F000] =	vst v63  }
0x1f6: {  	s19 =	rddreg [dreg:$0x14]  }
0x1f7: {  	[tilespmem:s1], [sflag:$0x2] =	stream.indirect.gather [hbm4b:s6+s26], $0x80, s19, s26, $0xb8;
	[tilespmem:$0x1F000] =	vst v63  }
0x1f8: {  	_ =	swait.ge [sflag:s0], $0x4000  }
0x1f9: {  	[sflag:s0] =	ssyncset.done $0x0  }
0x1fa: {  	[sflag:s0] =	ssyncadd.s32 $0xFFFFC000  }
0x1fb: {  	[spmem:s3] =	stream.indirect.scatter.add.f32 [tilespmem:s28], [sflag:$0x6], $0x80, s31, s26, $0xb8;
	[tilespmem:$0x1F000] =	vst v63  }
0x1fc: {  	_ =	swait.ge [sflag:s7], $0x4000  }
0x1fd: {  	[sflag:s7] =	ssyncset.done $0x0  }
0x1fe: {  	s21 =	rddreg [dreg:$0x15];
	[sflag:s7] =	ssyncadd.s32 $0xFFFFC000  }
0x1ff: {  	[tilespmem:s28], [sflag:$0x1] =	stream.indirect.gather [hbm4b:s6+s26], $0x80, s21, s26, $0xb8;
	[tilespmem:$0x1F000] =	vst v63  }
0x200: {  	_ =	swait.ge [sflag:s8], $0x4000  }
0x201: {  	[sflag:s8] =	ssyncset.done $0x0  }
0x202: {  	s22 =	rddreg [dreg:$0x16];
	[sflag:s8] =	ssyncadd.s32 $0xFFFFC000  }
0x203: {  	[spmem:s3] =	stream.indirect.scatter.add.f32 [tilespmem:s1], [sflag:$0x6], $0x80, s22, s26, $0xb8;
	[tilespmem:$0x1F000] =	vst v63  }
0x204: {  	_ =	swait.ge [sflag:s7], $0x4000  }
0x205: {  	[sflag:s7] =	ssyncset.done $0x0  }
0x206: {  	s17 =	rddreg [dreg:$0x17];
	[sflag:s7] =	ssyncadd.s32 $0xFFFFC000  }
0x207: {  	[tilespmem:s1], [sflag:$0x2] =	stream.indirect.gather [hbm4b:s6+s26], $0x80, s17, s26, $0xb8;
	[tilespmem:$0x1F000] =	vst v63  }
0x208: {  	_ =	swait.ge [sflag:s0], $0x4000  }
0x209: {  	[sflag:s0] =	ssyncset.done $0x0  }
0x20a: {  	s18 =	rddreg [dreg:$0x18];
	[sflag:s0] =	ssyncadd.s32 $0xFFFFC000  }
0x20b: {  	[spmem:s3] =	stream.indirect.scatter.add.f32 [tilespmem:s28], [sflag:$0x6], $0x80, s18, s26, $0xb8;
	[tilespmem:$0x1F000] =	vst v63  }
0x20c: {  	_ =	swait.ge [sflag:s7], $0x4000  }
0x20d: {  	[sflag:s7] =	ssyncset.done $0x0  }
0x20e: {  	s19 =	rddreg [dreg:$0x19];
	[sflag:s7] =	ssyncadd.s32 $0xFFFFC000  }
0x20f: {  	[tilespmem:s28], [sflag:$0x1] =	stream.indirect.gather [hbm4b:s6+s26], $0x80, s19, s26, $0xb8;
	[tilespmem:$0x1F000] =	vst v63  }
0x210: {  	_ =	swait.ge [sflag:s8], $0x4000  }
0x211: {  	[sflag:s8] =	ssyncset.done $0x0  }
0x212: {  	s20 =	rddreg [dreg:$0x1a];
	[sflag:s8] =	ssyncadd.s32 $0xFFFFC000  }
0x213: {  	[spmem:s3] =	stream.indirect.scatter.add.f32 [tilespmem:s1], [sflag:$0x6], $0x80, s20, s26, $0xb8;
	[tilespmem:$0x1F000] =	vst v63  }
0x214: {  	_ =	swait.ge [sflag:s7], $0x4000  }
0x215: {  	[sflag:s7] =	ssyncset.done $0x0  }
0x216: {  	s21 =	rddreg [dreg:$0x1b];
	[sflag:s7] =	ssyncadd.s32 $0xFFFFC000  }
0x217: {  	[tilespmem:s1], [sflag:$0x2] =	stream.indirect.gather [hbm4b:s6+s26], $0x80, s21, s26, $0xb8;
	[tilespmem:$0x1F000] =	vst v63  }
0x218: {  	_ =	swait.ge [sflag:s0], $0x4000  }
0x219: {  	[sflag:s0] =	ssyncset.done $0x0  }
0x21a: {  	s22 =	rddreg [dreg:$0x1c];
	[sflag:s0] =	ssyncadd.s32 $0xFFFFC000  }
0x21b: {  	[spmem:s3] =	stream.indirect.scatter.add.f32 [tilespmem:s28], [sflag:$0x6], $0x80, s22, s26, $0xb8;
	[tilespmem:$0x1F000] =	vst v63  }
0x21c: {  	_ =	swait.ge [sflag:s7], $0x4000  }
0x21d: {  	[sflag:s7] =	ssyncset.done $0x0  }
0x21e: {  	s17 =	rddreg [dreg:$0x1d];
	[sflag:s7] =	ssyncadd.s32 $0xFFFFC000  }
0x21f: {  	[tilespmem:s28], [sflag:$0x1] =	stream.indirect.gather [hbm4b:s6+s26], $0x80, s17, s26, $0xb8;
	[tilespmem:$0x1F000] =	vst v63  }
0x220: {  	_ =	swait.ge [sflag:s8], $0x4000  }
0x221: {  	[sflag:s8] =	ssyncset.done $0x0  }
0x222: {  	s18 =	rddreg [dreg:$0x1e];
	[sflag:s8] =	ssyncadd.s32 $0xFFFFC000  }
0x223: {  	[spmem:s3] =	stream.indirect.scatter.add.f32 [tilespmem:s1], [sflag:$0x6], $0x80, s18, s26, $0xb8;
	[tilespmem:$0x1F000] =	vst v63  }
0x224: {  	_ =	swait.ge [sflag:s7], $0x4000  }
0x225: {  	[sflag:s7] =	ssyncset.done $0x0  }
0x226: {  	[sflag:s7] =	ssyncadd.s32 $0xFFFFC000  }
0x227: {  	[tilespmem:s1], [sflag:$0x2] =	stream.indirect.gather [hbm4b:s6+s26], $0x80, s11, s26, $0xb8;
	[tilespmem:$0x1F000] =	vst v63  }
0x228: {  	_ =	swait.ge [sflag:s0], $0x4000  }
0x229: {  	[sflag:s0] =	ssyncset.done $0x0  }
0x22a: {  	[sflag:s0] =	ssyncadd.s32 $0xFFFFC000  }
0x22b: {  	[spmem:s3] =	stream.indirect.scatter.add.f32 [tilespmem:s28], [sflag:$0x6], $0x80, s12, s26, $0xb8;
	[tilespmem:$0x1F000] =	vst v63  }
0x22c: {  	_ =	swait.ge [sflag:s7], $0x4000  }
0x22d: {  	[sflag:s7] =	ssyncset.done $0x0  }
0x22e: {  	s16 =	simm.s32 @!p0 $0x3;
	[sflag:s7] =	ssyncadd.s32 $0xFFFFC000  }
0x22f: {  	_ =	swait.ge @!p0 [sflag:s16], $0x400  }
0x230: {  	[sflag:s16] =	ssyncset.done @!p0 $0x0  }
0x231: {  	[sflag:s16] =	ssyncadd.s32 @!p0 $0xFFFFFC00  }
0x232: {  	_ =	swait.ge @!p0 [sflag:s16], $0x400  }
0x233: {  	[sflag:s16] =	ssyncset.done @!p0 $0x0  }
0x234: {  	s17 =	simm.s32 @!p0 $0x15000;
	[sflag:s16] =	ssyncadd.s32 @!p0 $0xFFFFFC00;
	s16 =	simm.s32 @!p0 $0x80  }
0x235: {  	[tilespmem:s17], [sflag:$0x1] =	stream.indirect.gather @!p0 [hbm4b:s6+s16], $0x80, s15, s16, $0xb8;
	[tilespmem:$0x1F000] =	vst v63  }
0x236: {  	_ =	swait.ge [sflag:s8], $0x4000  }
0x237: {  	[sflag:s8] =	ssyncset.done $0x0  }
0x238: {  	[sflag:s8] =	ssyncadd.s32 $0xFFFFC000  }
0x239: {  	[spmem:s3] =	stream.indirect.scatter.add.f32 [tilespmem:s1], [sflag:$0x6], $0x80, s13, s26, $0xb8;
	[tilespmem:$0x1F000] =	vst v63  }
0x23a: {  	_ =	swait.ge [sflag:s7], $0x4000  }
0x23b: {  	[sflag:s7] =	ssyncset.done $0x0  }
0x23c: {  	[sflag:s7] =	ssyncadd.s32 $0xFFFFC000  }
0x23d: {  	[bflag:$0x0] =	sbarrier.arrive $0xFFFF  }
0x23e: {  	s19 =	stileid.u32;
	s21 =	sld [smem:$0x7F2]  }
0x23f: {  	s15 =	sshll.u32 s19, $0x6  }
0x240: {  	s20 =	sshrl.u32 s9, $0x3;
	s15 =	sor.u32 $0x1C06, s15  }
0x241: {  	[hbm:s21], [sflag:s15] =	dma.local [spmem:s20], $0x2800  }
0x242: {  	_ =	swait.ge [sflag:s7], $0x2800  }
0x243: {  	s22 =	sld [smem:$0x7F3];
	_ =	sdelay $0x1  }
0x244: {  	s14 =	sadd.s32 $0x1, s14  }
0x245: {  	p0 =	sne.s32 s14, s22  }
.Ltmp2:
0x246: {  	_ = 	snop;
	(pc) =	sbr.rel @p0 .LBB2_1-.Ltmp2, $3  }
0x247: {  	_ =	sdelay $0x1  }
0x248: {  	[sflag:s7] =	ssyncset.done $0x0  }
0x249: {  	s16 =	simm.s32 $0x14000;
	[sflag:s7] =	ssyncadd.s32 $0xFFFFD800  }
0x24a: {  	_ =	sfence.sel $0x180000  }
0x24b: {  	[bflag:$0x0] =	sbarrier.arrive $0xFFFF  }
0x24c: {  	_ =	strace $0x9000004D  }
0x24d: {  	s0 =	stileid.u32;
	[bflag:$0x2] =	sbarrier.arrive $0xFFFF  }
0x24e: {  	p0 =	sne.s32 s0, $0x0;
	s0 =	rddreg [dreg:$0x3]  }
0x24f: {  	s0 =	sadd.s32 @!p0 $0x100000, s0  }
0x250: {  	[sflag:s0] =	ssyncadd.tile.s32 @!p0 $0x1;
	_ =	shalt  }
.Lfunc_end2:
_tile_overlayer_lowered:
.L_overlay_start_2:
0x251: {  	(tag) =	ssettag $0x2  }
0x252: {  	s0 =	rddreg [dreg:$0x0];
	s2 =	stileid.u32  }
0x253: {  	s1 =	rddreg [dreg:$0x1];
	p0 =	sne.s32 s2, $0x0  }
0x254: {  	s3 =	rddreg [dreg:$0x2];
	[bflag:$0x3] =	sbarrier.arrive $0xFFFF;
	s2 =	simm.s32 @!p0 $0x1C06  }
0x255: {  	[timem:s3], [sflag:s2] =	dma.local @!p0 [hbm:s0], s1  }
0x256: {  	s0 =	simm.s32 @!p0 $0x6  }
0x257: {  	_ =	swait.ge @!p0 [sflag:s0], s1  }
0x258: {  	s1 =	ssub.s32 @!p0 $0x0, s1;
	[sflag:s0] =	ssyncset.done @!p0 $0x0  }
0x259: {  	[sflag:s0] =	ssyncadd.s32 @!p0 s1  }
0x25a: {  	[bflag:$0x3] =	sbarrier.arrive $0xFFFF  }
0x25b: {  	_ =	shalt  }

// kernel: kernel.8.cloned.1.call-start
scs
__scs_entry_jumppad:
0x0: {  	(pc) =	sbr.rel $0x88, $3  }
0x1: {  	(tag) =	ssettag $0x0;
	lr =	simm.s32 $0x1  }
0x2: {  	[smem:$0x3F9B] =	sst lr;
	_ =	strace $0xD0000000  }
0x3: {  	_ = 	snop  }
0x4: {  	_ = 	snop  }
0x5: {  	_ = 	snop  }
0x6: {  	_ = 	snop  }
0x7: {  	_ = 	snop  }
__scs_overlays_trampoline_lowered:
0x8: {  	[smem:$0x3FAA] =	sst s0  }
0x9: {  	[smem:$0x3FAB] =	sst s1  }
0xa: {  	[smem:$0x3FAC] =	sst s2  }
0xb: {  	[smem:$0x3FAD] =	sst s3  }
0xc: {  	[smem:$0x3FAE] =	sst s4  }
0xd: {  	[smem:$0x3FAF] =	sst s5  }
0xe: {  	[smem:$0x3FB0] =	sst s6  }
0xf: {  	[smem:$0x3FB1] =	sst s7  }
0x10: {  	[smem:$0x3FB2] =	sst s8  }
0x11: {  	[smem:$0x3FB3] =	sst s9;
	s0 =	simm.s32 @!p0 $0x0  }
0x12: {  	s1 =	sld [smem:$0x3F99];
	s0 =	simm.s32 @p0 $0x1  }
0x13: {  	[smem:$0x3FB4] =	sst s0;
	s0 =	simm.s32 @!p1 $0x0  }
0x14: {  	s2 =	sld [smem:$0x3F98];
	s0 =	simm.s32 @p1 $0x1  }
0x15: {  	[smem:$0x3FB5] =	sst s0;
	s0 =	simm.s32 @!p2 $0x0  }
0x16: {  	s3 =	sld [smem:$0x3FDB];
	s0 =	simm.s32 @p2 $0x1  }
0x17: {  	s4 =	simm.s32 $0x1BF5;
	[smem:$0x3FB7] =	sst s0  }
0x18: {  	s0 =	sld [smem:$0x3F9A];
	_ =	swait.ge [sflag:s4], $0x0  }
0x19: {  	s7 =	sld [smem:$0x3F9B]  }
0x1a: {  	s8 =	sadd.s32 $0xFFFFE003, lr  }
0x1b: {  	s9 =	sadd.s32 $0xFFFFFEF7, lr;
	s5 =	simm.s32 $0xFFFFFFFF;
	p2 =	slt.u32 s8, $0xFFFFF086  }
0x1c: {  	p1 =	slt.u32 s9, $0xF7A;
	s5 =	simm.s32 @!p2 $0x0  }
0x1d: {  	s5 =	simm.s32 @p1 $0x1;
	p0 =	seq.s32 s7, s2  }
0x1e: {  	s7 =	smul.u32 @!p0 $0xF7A, s2;
	p2 =	seq.s32 @!p0 s5, $0x0  }
0x1f: {  	s9 =	smul.u32 $0xF7A, s1;
	s8 =	simm.s32 @!p0 $0x1BF5;
	p2 =	por !p2, p0  }
0x20: {  	[sflag:s8] =	ssyncset.s32 @!p0 $0xFFFFF086;
	s6 =	sadd.s32 @!p0 s3, s7;
	s7 =	simm.s32 @!p0 $0x108  }
0x21: {  	s3 =	sadd.s32 s3, s9;
	s6 =	sadd.s32 @!p0 $0x88, s6;
	s7 =	simm.s32 @p2 $0x1082  }
0x22: {  	[simem:s7], [sflag:s8] =	dma.local @!p0 [hbm:s6], $0xF7A  }
0x23: {  	s9 =	sor.u32 $0xD0000000, s2;
	s6 =	simm.s32 $0x108;
	_ =	swait.ge @!p0 [sflag:s8], $0x0  }
0x24: {  	s3 =	sadd.s32 $0x88, s3;
	s6 =	simm.s32 @!p1 $0x1082;
	[sflag:s4] =	ssyncset.s32 $0xFFFFF086  }
0x25: {  	[simem:s6], [sflag:s4] =	dma.local [hbm:s3], $0xF7A  }
0x26: {  	[smem:$0x3F9B] =	sst s1;
	(tag) =	ssettag s2;
	_ =	strace s9  }
0x27: {  	s1 =	sld [smem:$0x3FAB]  }
0x28: {  	s2 =	sld [smem:$0x3FAC]  }
0x29: {  	s4 =	sld [smem:$0x3FAE]  }
0x2a: {  	p0 =	seq.s32 s5, $0x0;
	s5 =	sld [smem:$0x3FAF]  }
0x2b: {  	s6 =	sld [smem:$0x3FB0]  }
0x2c: {  	s7 =	sld [smem:$0x3FB1]  }
0x2d: {  	s3 =	simm.s32 $0x108;
	s8 =	sld [smem:$0x3FB2]  }
0x2e: {  	s3 =	simm.s32 @!p0 $0x1082;
	s9 =	sld [smem:$0x3FB3]  }
0x2f: {  	lr =	sadd.s32 s0, s3;
	s0 =	sld [smem:$0x3FAA]  }
0x30: {  	s3 =	sld [smem:$0x3FAD]  }
0x31: {  	[smem:$0x3FB6] =	sst s10  }
0x32: {  	s10 =	sld [smem:$0x3FB4];
	_ =	sdelay $0x3  }
0x33: {  	p0 =	seq.s32 s10, $0x1;
	s10 =	sld [smem:$0x3FB6];
	_ =	sdelay $0x3  }
0x34: {  	[smem:$0x3FB6] =	sst s10  }
0x35: {  	s10 =	sld [smem:$0x3FB5];
	_ =	sdelay $0x3  }
0x36: {  	p1 =	seq.s32 s10, $0x1;
	s10 =	sld [smem:$0x3FB6];
	_ =	sdelay $0x3  }
0x37: {  	[smem:$0x3FB6] =	sst s10  }
0x38: {  	s10 =	sld [smem:$0x3FB7]  }
0x39: {  	_ = 	snop;
	(pc) =	sbr.ind lr, $3  }
0x3a: {  	_ = 	snop  }
0x3b: {  	_ = 	snop  }
0x3c: {  	p2 =	seq.s32 s10, $0x1;
	s10 =	sld [smem:$0x3FB6]  }
0x3d: {  	_ =	shalt  }
0x3e: {  	_ =	shalt  }
0x3f: {  	_ =	shalt  }
0x40: {  	_ =	shalt  }
0x41: {  	_ =	shalt  }
0x42: {  	_ =	shalt  }
0x43: {  	_ =	shalt  }
0x44: {  	_ =	shalt  }
0x45: {  	_ =	shalt  }
0x46: {  	_ =	shalt  }
0x47: {  	_ =	shalt  }
0x48: {  	_ =	shalt  }
0x49: {  	_ =	shalt  }
0x4a: {  	_ =	shalt  }
0x4b: {  	_ =	shalt  }
0x4c: {  	_ =	shalt  }
0x4d: {  	_ =	shalt  }
0x4e: {  	_ =	shalt  }
0x4f: {  	_ =	shalt  }
0x50: {  	_ =	shalt  }
0x51: {  	_ =	shalt  }
0x52: {  	_ =	shalt  }
0x53: {  	_ =	shalt  }
0x54: {  	_ =	shalt  }
0x55: {  	_ =	shalt  }
0x56: {  	_ =	shalt  }
0x57: {  	_ =	shalt  }
0x58: {  	_ =	shalt  }
0x59: {  	_ =	shalt  }
0x5a: {  	_ =	shalt  }
0x5b: {  	_ =	shalt  }
0x5c: {  	_ =	shalt  }
0x5d: {  	_ =	shalt  }
0x5e: {  	_ =	shalt  }
0x5f: {  	_ =	shalt  }
0x60: {  	_ =	shalt  }
0x61: {  	_ =	shalt  }
0x62: {  	_ =	shalt  }
0x63: {  	_ =	shalt  }
0x64: {  	_ =	shalt  }
0x65: {  	_ =	shalt  }
0x66: {  	_ =	shalt  }
0x67: {  	_ =	shalt  }
0x68: {  	_ =	shalt  }
0x69: {  	_ =	shalt  }
0x6a: {  	_ =	shalt  }
0x6b: {  	_ =	shalt  }
0x6c: {  	_ =	shalt  }
0x6d: {  	_ =	shalt  }
0x6e: {  	_ =	shalt  }
0x6f: {  	_ =	shalt  }
0x70: {  	_ =	shalt  }
0x71: {  	_ =	shalt  }
0x72: {  	_ =	shalt  }
0x73: {  	_ =	shalt  }
0x74: {  	_ =	shalt  }
0x75: {  	_ =	shalt  }
0x76: {  	_ =	shalt  }
0x77: {  	_ =	shalt  }
0x78: {  	_ =	shalt  }
0x79: {  	_ =	shalt  }
0x7a: {  	_ =	shalt  }
0x7b: {  	_ =	shalt  }
0x7c: {  	_ =	shalt  }
0x7d: {  	_ =	shalt  }
0x7e: {  	_ =	shalt  }
0x7f: {  	_ =	shalt  }
0x80: {  	_ =	shalt  }
0x81: {  	_ =	shalt  }
0x82: {  	_ =	shalt  }
0x83: {  	_ =	shalt  }
0x84: {  	_ =	shalt  }
0x85: {  	_ =	shalt  }
0x86: {  	_ =	shalt  }
0x87: {  	_ =	shalt  }
.Lfunc_end0:
.L_simem_size_0:
called_computation_lowered:
.L_overlay_start_0:
0x88: {  	s2 =	sld [smem:$0x3FD9]  }
0x89: {  	s3 =	sld [smem:$0x3FFE];
	_ =	sdelay $0x1  }
0x8a: {  	s1 =	srdreg.scid  }
0x8b: {  	s0 =	sand.u32 $0x1, s1  }
0x8c: {  	s16 =	sshll.u32 s0, $0xA;
	s2 =	sadd.s32 s3, s2  }
0x8d: {  	s2 =	sadd.s32 s2, s16  }
0x8e: {  	[smem:$0x3FC2] =	sst s2  }
0x8f: {  	_ = 	snop  }
0x90: {  	(tm) =	ssettm $0x1  }
0x91: {  	s17 =	sld [smem:$0x3FFB];
	_ =	sdelay $0x3  }
0x92: {  	_ =	strace s17  }
0x93: {  	s2 =	sld [smem:$0x3FFC];
	_ =	sdelay $0x3  }
0x94: {  	_ =	strace s2  }
0x95: {  	s2 =	sld [smem:$0x3FFD];
	_ =	sdelay $0x3  }
0x96: {  	_ =	strace s2  }
0x97: {  	_ =	strace $0x8FFFFFFF  }
0x98: {  	s18 =	sld [smem:$0x3FDB];
	_ =	sdelay $0x1  }
0x99: {  	s19 =	simm.s32 $_scs_section_size  }
0x9a: {  	s4 =	simm.s32 $_size__tile_overlayer_lowered;
	s5 =	simm.s32 $_tile_overlayer_lowered  }
0x9b: {  	s22 =	simm.s32 $0x1BFF;
	s21 =	sshll.u32 s5, $0x1;
	s2 =	sadd.s32 s19, s18  }
0x9c: {  	s6 =	simm.s32 $0x0;
	s20 =	sshll.u32 s4, $0x1;
	s4 =	sadd.s32 s21, s2  }
0x9d: {  	[timem:s6], [sflag:s22] =	dma.local [hbm:s4], s20  }
0x9e: {  	_ =	swait.ge [sflag:s22], s20  }
0x9f: {  	s3 =	ssub.s32 $0x0, s20;
	[sflag:s22] =	ssyncset.done $0x0  }
0xa0: {  	[sflag:s22] =	ssyncadd.s32 s3;
	_ =	sdelay $0x1  }
0xa1: {  	s23 =	simm.s32 $0x1B8B  }
0xa2: {  	_ =	swait.ge [sflag:s23], $0x1  }
0xa3: {  	[sflag:s23] =	ssyncset.done $0x0  }
0xa4: {  	s25 =	simm.s32 $0x1B8E;
	s24 =	sld [smem:$0x3FFE];
	[sflag:s23] =	ssyncadd.s32 $0xFFFFFFFF  }
0xa5: {  	s26 =	simm.s32 $execute0_lowered;
	[smem:$0x3FD2] =	sst s25  }
0xa6: {  	s4 =	sshll.u32 s26, $0x1;
	_ =	strace $0x80000046;
	[dreg:$0x1] =	wrdreg $0xFFFFFFFF  }
0xa7: {  	s28 =	simm.s32 $_size_execute0_lowered;
	s2 =	sadd.s32 s2, s4;
	[dreg:$0x0] =	wrdreg $0x0  }
0xa8: {  	s4 =	sshll.u32 s28, $0x1;
	[dreg:$0x2] =	wrdreg s2  }
0xa9: {  	[dreg:$0x3] =	wrdreg s4  }
0xaa: {  	[dreg:$0x4] =	wrdreg $0xC0  }
0xab: {  	_ =	task [dreg:s6], $0x5FFFF  }
0xac: {  	[dreg:$0x1] =	wrdreg $0xFFFFFFFF  }
0xad: {  	[dreg:$0x0] =	wrdreg $0x60  }
0xae: {  	[dreg:$0x2] =	wrdreg s24  }
0xaf: {  	[dreg:$0x3] =	wrdreg $0x0  }
0xb0: {  	[dreg:$0x4] =	wrdreg $0x9  }
0xb1: {  	_ =	task.clear_ibuf [dreg:s6], $0x5FFFF;
	_ =	strace $0x90000046  }
0xb2: {  	s29 =	simm.s32 $0x9;
	_ =	strace $0x80000048  }
0xb3: {  	_ =	swait.ge [sflag:s29], $0x1  }
0xb4: {  	[sflag:s29] =	ssyncadd.s32 $0xFFFFFFFF  }
0xb5: {  	_ =	strace $0x90000048  }
0xb6: {  	_ =	sfence  }
0xb7: {  	s30 =	sld [smem:$0x0];
	_ =	sdelay $0x2  }
0xb8: {  	s31 =	sshll.u32 s1, $0xD;
	s1 =	sshrl.u32 s1, $0x2  }
0xb9: {  	s3 =	sand.u32 $0x4000, s31;
	s1 =	sadd.s32 s1, s30  }
0xba: {  	s0 =	sor.u32 s3, s0;
	s1 =	sshll.u32 s1, $0x11  }
0xbb: {  	s0 =	sor.u32 s1, s0  }
0xbc: {  	s0 =	sadd.s32 $0x8F2B, s0  }
0xbd: {  	[sflag:s0] =	ssyncadd.remote.s32 $0x1  }
0xbe: {  	_ =	sfence.sel $0xFFFF  }
0xbf: {  	[dreg:$0x0] =	wrdreg $0xFFFFFFFF;
	(pc) =	sbr.abs _section_cstart, $3  }
0xc0: {  	[dreg:$0x1] =	wrdreg $0xFFFFFFFF  }
0xc1: {  	_ =	task.clear_ibuf [dreg:s6], $0x2FFFF;
	_ =	strace $0x9FFFFFFF  }
0xc2: {  	(tm) =	ssettm $0x7FFFFFFF  }
0xc3: {  	_ =	shalt  }
tec
execute0_lowered:
.L_overlay_start_1:
0x0: {  	(tag) =	ssettag $0x1  }
0x1: {  	s1 =	srdreg.scid  }
0x2: {  	s0 =	stileid.u32;
	s4 =	rddreg [dreg:$0x0]  }
0x3: {  	s2 =	rddreg [dreg:$0x1];
	s3 =	simm.s32 $0x0;
	s10 =	simm.s32 $0x280  }
0x4: {  	s11 =	simm.s32 $0x80;
	s12 =	simm.s32 $0x2A80;
	s13 =	simm.s32 $0x1  }
0x5: {  	s16 =	simm.s32 $0x20;
	s17 =	simm.s32 $0x10;
	s18 =	simm.s32 $0x0  }
0x6: {  	s5 =	sand.u32 $0x1, s1;
	s1 =	rddreg [dreg:$0x2];
	s7 =	smul.u32 $0x500, s0  }
0x7: {  	s30 =	sshll.u32 s0, $0x1;
	[smem:$0x7FF] =	sst s3;
	s9 =	smul.u32 $0xA00, s0  }
0x8: {  	s14 =	sshll.u32 s0, $0x6;
	s6 =	sor.u32 s5, s30;
	_ =	strace $0x80000047  }
0x9: {  	s8 =	sshll.u32 s5, $0x7;
	s5 =	ssub.s32 $0x2, s5;
	s14 =	sor.u32 $0x1C02, s14  }
0xa: {  	s6 =	smul.u32 $0x500, s6;
	s7 =	sor.u32 s8, s7;
	s31 =	sshrl.u32 s5, $0x1  }
0xb: {  	s9 =	sshrl.u32 s9, $0x2;
	s7 =	sshrl.u32 s7, $0x3;
	s8 =	ssub.s32 s5, s31  }
0xc: {  	s6 =	sadd.s32 s6, s4;
	s7 =	sadd.s32 s7, s4;
	s4 =	sadd.s32 s9, s2  }
0xd: {  	s9 =	simm.s32 $0x2;
	s5 =	sadd.s32 $0x2800, s6;
	s6 =	sadd.s32 $0xC800, s7  }
0xe: {  	v0 =	vimm.f32 $0.0e+00;
	v1 =	vimm.f32 $1.000000000e+00;
	s7 =	smax.u32 s8, $0x1;
	s8 =	simm.s32 $0x2B00;
	s15 =	sshrl.u32 s4, $0x3  }
.LBB2_1:
0xf: {  	[tilespmem:$0x2B00] =	vst v0  }
0x10: {  	[tilespmem:$0x2B10] =	vst v0  }
0x11: {  	[tilespmem:$0x2B20] =	vst v0  }
0x12: {  	[tilespmem:$0x2B30] =	vst v0  }
0x13: {  	[tilespmem:$0x2B40] =	vst v0  }
0x14: {  	[tilespmem:$0x2B50] =	vst v0  }
0x15: {  	[tilespmem:$0x2B60] =	vst v0  }
0x16: {  	[tilespmem:$0x2B70] =	vst v0  }
0x17: {  	[tilespmem:$0x2B80] =	vst v0  }
0x18: {  	[tilespmem:$0x2B90] =	vst v0  }
0x19: {  	[tilespmem:$0x2BA0] =	vst v0  }
0x1a: {  	[tilespmem:$0x2BB0] =	vst v0  }
0x1b: {  	[tilespmem:$0x2BC0] =	vst v0  }
0x1c: {  	[tilespmem:$0x2BD0] =	vst v0  }
0x1d: {  	[tilespmem:$0x2BE0] =	vst v0  }
0x1e: {  	[tilespmem:$0x2BF0] =	vst v0  }
0x1f: {  	[tilespmem:$0x2C00] =	vst v0  }
0x20: {  	[tilespmem:$0x2C10] =	vst v0  }
0x21: {  	[tilespmem:$0x2C20] =	vst v0  }
0x22: {  	[tilespmem:$0x2C30] =	vst v0  }
0x23: {  	[tilespmem:$0x2C40] =	vst v0  }
0x24: {  	[tilespmem:$0x2C50] =	vst v0  }
0x25: {  	[tilespmem:$0x2C60] =	vst v0  }
0x26: {  	[tilespmem:$0x2C70] =	vst v0  }
0x27: {  	[tilespmem:$0x2C80] =	vst v0  }
0x28: {  	[tilespmem:$0x2C90] =	vst v0  }
0x29: {  	[tilespmem:$0x2CA0] =	vst v0  }
0x2a: {  	[tilespmem:$0x2CB0] =	vst v0  }
0x2b: {  	[tilespmem:$0x2CC0] =	vst v0  }
0x2c: {  	[tilespmem:$0x2CD0] =	vst v0  }
0x2d: {  	[tilespmem:$0x2CE0] =	vst v0  }
0x2e: {  	[tilespmem:$0x2CF0] =	vst v0  }
0x2f: {  	[tilespmem:$0x2D00] =	vst v0  }
0x30: {  	[tilespmem:$0x2D10] =	vst v0  }
0x31: {  	[tilespmem:$0x2D20] =	vst v0  }
0x32: {  	[tilespmem:$0x2D30] =	vst v0  }
0x33: {  	[tilespmem:$0x2D40] =	vst v0  }
0x34: {  	[tilespmem:$0x2D50] =	vst v0  }
0x35: {  	[tilespmem:$0x2D60] =	vst v0  }
0x36: {  	[tilespmem:$0x2D70] =	vst v0  }
0x37: {  	[tilespmem:$0x2A80] =	vst v1  }
0x38: {  	[tilespmem:$0x2A90] =	vst v1  }
0x39: {  	[tilespmem:$0x2AA0] =	vst v1  }
0x3a: {  	[tilespmem:$0x2AB0] =	vst v1  }
0x3b: {  	[tilespmem:$0x2AC0] =	vst v1  }
0x3c: {  	[tilespmem:$0x2AD0] =	vst v1  }
0x3d: {  	[tilespmem:$0x2AE0] =	vst v1  }
0x3e: {  	[tilespmem:$0x2AF0] =	vst v1  }
0x3f: {  	[spmem:s4] =	stream.linear.scatter [tilespmem:s8], [sflag:$0x2], $0x280, $0x38;
	[tilespmem:$0x2D80] =	vst v63  }
0x40: {  	_ =	swait.ge [sflag:s9], $0x280  }
0x41: {  	[sflag:s9] =	ssyncset.done $0x0  }
0x42: {  	[sflag:s9] =	ssyncadd.s32 $0xFFFFFD80  }
0x43: {  	[tilespmem:s10], [sflag:$0x2] =	stream.linear.gather [hbm4b:s5+s3], $0x2800, $0x38;
	[tilespmem:$0x2D80] =	vst v63  }
0x44: {  	_ =	swait.ge [sflag:s9], $0x2800  }
0x45: {  	[sflag:s9] =	ssyncset.done $0x0  }
0x46: {  	[sflag:s9] =	ssyncadd.s32 $0xFFFFD800  }
0x47: {  	s19 =	simm.s32 $0x280;
	[bflag:$0x0] =	sbarrier.arrive $0xFFFF  }
0x48: {  	[spmem:s2] =	stream.indirect.scatter.add.f32 [tilespmem:s12], [sflag:$0x1], $0x1, s19, s11, $0xb8;
	[tilespmem:$0x2D80] =	vst v63  }
0x49: {  	s24 =	simm.s32 $0x300  }
0x4a: {  	[spmem:s2] =	stream.indirect.scatter.add.f32 [tilespmem:s12], [sflag:$0x1], $0x1, s24, s11, $0xb8;
	[tilespmem:$0x2D80] =	vst v63  }
0x4b: {  	s25 =	simm.s32 $0x380  }
0x4c: {  	[spmem:s2] =	stream.indirect.scatter.add.f32 [tilespmem:s12], [sflag:$0x1], $0x1, s25, s11, $0xb8;
	[tilespmem:$0x2D80] =	vst v63  }
0x4d: {  	s26 =	simm.s32 $0x400  }
0x4e: {  	[spmem:s2] =	stream.indirect.scatter.add.f32 [tilespmem:s12], [sflag:$0x1], $0x1, s26, s11, $0xb8;
	[tilespmem:$0x2D80] =	vst v63  }
0x4f: {  	s28 =	simm.s32 $0x480  }
0x50: {  	[spmem:s2] =	stream.indirect.scatter.add.f32 [tilespmem:s12], [sflag:$0x1], $0x1, s28, s11, $0xb8;
	[tilespmem:$0x2D80] =	vst v63  }
0x51: {  	s29 =	simm.s32 $0x500  }
0x52: {  	[spmem:s2] =	stream.indirect.scatter.add.f32 [tilespmem:s12], [sflag:$0x1], $0x1, s29, s11, $0xb8;
	[tilespmem:$0x2D80] =	vst v63  }
0x53: {  	s30 =	simm.s32 $0x580  }
0x54: {  	[spmem:s2] =	stream.indirect.scatter.add.f32 [tilespmem:s12], [sflag:$0x1], $0x1, s30, s11, $0xb8;
	[tilespmem:$0x2D80] =	vst v63  }
0x55: {  	s31 =	simm.s32 $0x600  }
0x56: {  	[spmem:s2] =	stream.indirect.scatter.add.f32 [tilespmem:s12], [sflag:$0x1], $0x1, s31, s11, $0xb8;
	[tilespmem:$0x2D80] =	vst v63  }
0x57: {  	_ =	swait.ge [sflag:s13], $0x80  }
0x58: {  	[sflag:s13] =	ssyncset.done $0x0  }
0x59: {  	[sflag:s13] =	ssyncadd.s32 $0xFFFFFF80  }
0x5a: {  	_ =	swait.ge [sflag:s13], $0x80  }
0x5b: {  	[sflag:s13] =	ssyncset.done $0x0  }
0x5c: {  	[sflag:s13] =	ssyncadd.s32 $0xFFFFFF80  }
0x5d: {  	_ =	swait.ge [sflag:s13], $0x80  }
0x5e: {  	[sflag:s13] =	ssyncset.done $0x0  }
0x5f: {  	[sflag:s13] =	ssyncadd.s32 $0xFFFFFF80  }
0x60: {  	_ =	swait.ge [sflag:s13], $0x80  }
0x61: {  	[sflag:s13] =	ssyncset.done $0x0  }
0x62: {  	[sflag:s13] =	ssyncadd.s32 $0xFFFFFF80  }
0x63: {  	_ =	swait.ge [sflag:s13], $0x80  }
0x64: {  	[sflag:s13] =	ssyncset.done $0x0  }
0x65: {  	[sflag:s13] =	ssyncadd.s32 $0xFFFFFF80  }
0x66: {  	_ =	swait.ge [sflag:s13], $0x80  }
0x67: {  	[sflag:s13] =	ssyncset.done $0x0  }
0x68: {  	[sflag:s13] =	ssyncadd.s32 $0xFFFFFF80  }
0x69: {  	_ =	swait.ge [sflag:s13], $0x80  }
0x6a: {  	[sflag:s13] =	ssyncset.done $0x0  }
0x6b: {  	[sflag:s13] =	ssyncadd.s32 $0xFFFFFF80  }
0x6c: {  	_ =	swait.ge [sflag:s13], $0x80  }
0x6d: {  	s22 =	simm.s32 $0x2000;
	s21 =	simm.s32 $0x400;
	[sflag:s13] =	ssyncset.done $0x0  }
.LBB2_2:
0x6e: {  	s23 =	sadd.s32 $0x280, s21  }
0x6f: {  	[sflag:s13] =	ssyncadd.s32 $0xFFFFFF80;
	s20 =	smov.u32 s22;
	s19 =	sadd.s32 $0x1000, s22  }
0x70: {  	[spmem:s2] =	stream.indirect.scatter.add.f32 [tilespmem:s12], [sflag:$0x1], $0x1, s23, s11, $0xb8;
	[tilespmem:$0x2D80] =	vst v63  }
0x71: {  	p0 =	sne.s32 s22, $0x9000;
	s22 =	sadd.s32 $0x300, s21  }
0x72: {  	[spmem:s2] =	stream.indirect.scatter.add.f32 [tilespmem:s12], [sflag:$0x1], $0x1, s22, s11, $0xb8;
	[tilespmem:$0x2D80] =	vst v63  }
0x73: {  	s22 =	sadd.s32 $0x380, s21  }
0x74: {  	[spmem:s2] =	stream.indirect.scatter.add.f32 [tilespmem:s12], [sflag:$0x1], $0x1, s22, s11, $0xb8;
	[tilespmem:$0x2D80] =	vst v63  }
0x75: {  	s22 =	sadd.s32 $0x400, s21  }
0x76: {  	[spmem:s2] =	stream.indirect.scatter.add.f32 [tilespmem:s12], [sflag:$0x1], $0x1, s22, s11, $0xb8;
	[tilespmem:$0x2D80] =	vst v63  }
0x77: {  	s22 =	sadd.s32 $0x480, s21  }
0x78: {  	[spmem:s2] =	stream.indirect.scatter.add.f32 [tilespmem:s12], [sflag:$0x1], $0x1, s22, s11, $0xb8;
	[tilespmem:$0x2D80] =	vst v63  }
0x79: {  	s22 =	sadd.s32 $0x500, s21  }
0x7a: {  	[spmem:s2] =	stream.indirect.scatter.add.f32 [tilespmem:s12], [sflag:$0x1], $0x1, s22, s11, $0xb8;
	[tilespmem:$0x2D80] =	vst v63  }
0x7b: {  	s22 =	sadd.s32 $0x580, s21  }
0x7c: {  	[spmem:s2] =	stream.indirect.scatter.add.f32 [tilespmem:s12], [sflag:$0x1], $0x1, s22, s11, $0xb8;
	[tilespmem:$0x2D80] =	vst v63  }
0x7d: {  	s21 =	sadd.s32 $0x600, s21  }
0x7e: {  	[spmem:s2] =	stream.indirect.scatter.add.f32 [tilespmem:s12], [sflag:$0x1], $0x1, s21, s11, $0xb8;
	[tilespmem:$0x2D80] =	vst v63  }
0x7f: {  	_ =	swait.ge [sflag:s13], $0x80  }
0x80: {  	[sflag:s13] =	ssyncset.done $0x0  }
0x81: {  	[sflag:s13] =	ssyncadd.s32 $0xFFFFFF80  }
0x82: {  	_ =	swait.ge [sflag:s13], $0x80  }
0x83: {  	[sflag:s13] =	ssyncset.done $0x0  }
0x84: {  	[sflag:s13] =	ssyncadd.s32 $0xFFFFFF80  }
0x85: {  	_ =	swait.ge [sflag:s13], $0x80  }
0x86: {  	[sflag:s13] =	ssyncset.done $0x0  }
0x87: {  	[sflag:s13] =	ssyncadd.s32 $0xFFFFFF80  }
0x88: {  	_ =	swait.ge [sflag:s13], $0x80  }
0x89: {  	[sflag:s13] =	ssyncset.done $0x0  }
0x8a: {  	[sflag:s13] =	ssyncadd.s32 $0xFFFFFF80  }
0x8b: {  	_ =	swait.ge [sflag:s13], $0x80  }
0x8c: {  	[sflag:s13] =	ssyncset.done $0x0  }
0x8d: {  	[sflag:s13] =	ssyncadd.s32 $0xFFFFFF80  }
0x8e: {  	_ =	swait.ge [sflag:s13], $0x80  }
0x8f: {  	[sflag:s13] =	ssyncset.done $0x0  }
0x90: {  	[sflag:s13] =	ssyncadd.s32 $0xFFFFFF80  }
.Ltmp0:
0x91: {  	_ =	swait.ge [sflag:s13], $0x80;
	(pc) =	sbr.rel @p0 .LBB2_2-.Ltmp0, $4  }
0x92: {  	[sflag:s13] =	ssyncset.done $0x0  }
0x93: {  	[sflag:s13] =	ssyncadd.s32 $0xFFFFFF80  }
0x94: {  	_ =	swait.ge [sflag:s13], $0x80  }
0x95: {  	s22 =	smov.u32 s19;
	s21 =	sshra.s32 s20, $0x2;
	[sflag:s13] =	ssyncset.done $0x0  }
0x96: {  	s19 =	sadd.s32 $0x280, s21;
	[sflag:s13] =	ssyncadd.s32 $0xFFFFFF80  }
0x97: {  	[spmem:s2] =	stream.indirect.scatter.add.f32 [tilespmem:s12], [sflag:$0x1], $0x1, s19, s11, $0xb8;
	[tilespmem:$0x2D80] =	vst v63  }
0x98: {  	s24 =	sadd.s32 $0x300, s21  }
0x99: {  	[spmem:s2] =	stream.indirect.scatter.add.f32 [tilespmem:s12], [sflag:$0x1], $0x1, s24, s11, $0xb8;
	[tilespmem:$0x2D80] =	vst v63  }
0x9a: {  	s25 =	sadd.s32 $0x380, s21  }
0x9b: {  	[spmem:s2] =	stream.indirect.scatter.add.f32 [tilespmem:s12], [sflag:$0x1], $0x1, s25, s11, $0xb8;
	[tilespmem:$0x2D80] =	vst v63  }
0x9c: {  	s26 =	sadd.s32 $0x400, s21  }
0x9d: {  	[spmem:s2] =	stream.indirect.scatter.add.f32 [tilespmem:s12], [sflag:$0x1], $0x1, s26, s11, $0xb8;
	[tilespmem:$0x2D80] =	vst v63  }
0x9e: {  	s28 =	sadd.s32 $0x480, s21  }
0x9f: {  	[spmem:s2] =	stream.indirect.scatter.add.f32 [tilespmem:s12], [sflag:$0x1], $0x1, s28, s11, $0xb8;
	[tilespmem:$0x2D80] =	vst v63  }
0xa0: {  	s29 =	sadd.s32 $0x500, s21  }
0xa1: {  	[spmem:s2] =	stream.indirect.scatter.add.f32 [tilespmem:s12], [sflag:$0x1], $0x1, s29, s11, $0xb8;
	[tilespmem:$0x2D80] =	vst v63  }
0xa2: {  	s30 =	sadd.s32 $0x580, s21  }
0xa3: {  	[spmem:s2] =	stream.indirect.scatter.add.f32 [tilespmem:s12], [sflag:$0x1], $0x1, s30, s11, $0xb8;
	[tilespmem:$0x2D80] =	vst v63  }
0xa4: {  	s31 =	sadd.s32 $0x600, s21  }
0xa5: {  	[spmem:s2] =	stream.indirect.scatter.add.f32 [tilespmem:s12], [sflag:$0x1], $0x1, s31, s11, $0xb8;
	[tilespmem:$0x2D80] =	vst v63  }
0xa6: {  	_ =	swait.ge [sflag:s13], $0x80  }
0xa7: {  	[sflag:s13] =	ssyncset.done $0x0  }
0xa8: {  	[sflag:s13] =	ssyncadd.s32 $0xFFFFFF80  }
0xa9: {  	_ =	swait.ge [sflag:s13], $0x80  }
0xaa: {  	[sflag:s13] =	ssyncset.done $0x0  }
0xab: {  	[sflag:s13] =	ssyncadd.s32 $0xFFFFFF80  }
0xac: {  	_ =	swait.ge [sflag:s13], $0x80  }
0xad: {  	[sflag:s13] =	ssyncset.done $0x0  }
0xae: {  	[sflag:s13] =	ssyncadd.s32 $0xFFFFFF80  }
0xaf: {  	_ =	swait.ge [sflag:s13], $0x80  }
0xb0: {  	[sflag:s13] =	ssyncset.done $0x0  }
0xb1: {  	[sflag:s13] =	ssyncadd.s32 $0xFFFFFF80  }
0xb2: {  	_ =	swait.ge [sflag:s13], $0x80  }
0xb3: {  	[sflag:s13] =	ssyncset.done $0x0  }
0xb4: {  	[sflag:s13] =	ssyncadd.s32 $0xFFFFFF80  }
0xb5: {  	_ =	swait.ge [sflag:s13], $0x80  }
0xb6: {  	[sflag:s13] =	ssyncset.done $0x0  }
0xb7: {  	[sflag:s13] =	ssyncadd.s32 $0xFFFFFF80  }
0xb8: {  	_ =	swait.ge [sflag:s13], $0x80  }
0xb9: {  	[sflag:s13] =	ssyncset.done $0x0  }
0xba: {  	[sflag:s13] =	ssyncadd.s32 $0xFFFFFF80  }
0xbb: {  	_ =	swait.ge [sflag:s13], $0x80  }
0xbc: {  	s18 =	sadd.s32 $0x1, s18;
	[sflag:s13] =	ssyncset.done $0x0  }
0xbd: {  	p0 =	sne.s32 s18, s7;
	[sflag:s13] =	ssyncadd.s32 $0xFFFFFF80  }
.Ltmp1:
0xbe: {  	[bflag:$0x0] =	sbarrier.arrive $0xFFFF;
	(pc) =	sbr.rel @p0 .LBB2_1-.Ltmp1, $4  }
0xbf: {  	[hbm:s6@s16], [sflag:s14] =	dma.strided [spmem:s15@s17], $0x50, s13, $0x10   }
0xc0: {  	_ =	swait.ge [sflag:s9], $0x50  }
0xc1: {  	[sflag:s9] =	ssyncset.done $0x0  }
0xc2: {  	[sflag:s9] =	ssyncadd.s32 $0xFFFFFFB0  }
0xc3: {  	_ =	sfence.sel $0x180000  }
0xc4: {  	[bflag:$0x0] =	sbarrier.arrive $0xFFFF  }
0xc5: {  	p0 =	sne.s32 s0, $0x0;
	_ =	strace $0x90000047  }
0xc6: {  	s0 =	sadd.s32 @!p0 $0x100000, s1;
	[bflag:$0x2] =	sbarrier.arrive $0xFFFF  }
0xc7: {  	[sflag:s0] =	ssyncadd.tile.s32 @!p0 $0x1;
	_ =	shalt  }
.Lfunc_end2:
_tile_overlayer_lowered:
.L_overlay_start_2:
0xc8: {  	(tag) =	ssettag $0x2  }
0xc9: {  	s0 =	rddreg [dreg:$0x0];
	s2 =	stileid.u32  }
0xca: {  	s1 =	rddreg [dreg:$0x1];
	p0 =	sne.s32 s2, $0x0  }
0xcb: {  	s3 =	rddreg [dreg:$0x2];
	[bflag:$0x3] =	sbarrier.arrive $0xFFFF;
	s2 =	simm.s32 @!p0 $0x1C02  }
0xcc: {  	[timem:s3], [sflag:s2] =	dma.local @!p0 [hbm:s0], s1  }
0xcd: {  	s0 =	simm.s32 @!p0 $0x2  }
0xce: {  	_ =	swait.ge @!p0 [sflag:s0], s1  }
0xcf: {  	s1 =	ssub.s32 @!p0 $0x0, s1;
	[sflag:s0] =	ssyncset.done @!p0 $0x0  }
0xd0: {  	[sflag:s0] =	ssyncadd.s32 @!p0 s1  }
0xd1: {  	[bflag:$0x3] =	sbarrier.arrive $0xFFFF  }
0xd2: {  	_ =	shalt  }

</sc_bundles>
